<compile_context>
chip_gen: v7x
topology: tpu7x:2x2x1
jax: 0.10.2.dev20260603
libtpu: 0.0.44.dev20260713+nightly
codegen_flags: <defaults>
</compile_context>

<pallas_src>
import functools

import jax
import jax.numpy as jnp
from jax import lax
from jax.experimental import pallas as pl
from jax.experimental.pallas import tpu as pltpu
from jax.experimental.pallas import tpu_sc as plsc

_N = 10000
_E = 320000
_D = 128
_F = 128
_R = 16

_EH = _E // 2
_NC = 2
_NS = 16
_NW = _NC * _NS
_EPW = _EH // _NW
_CHUNK = 56
_CPW = _EPW // _CHUNK
_TAIL = _EPW - _CPW * _CHUNK
_NT = (_CPW - 2) // 3
_NP = 10240
_RPT = _NP // _NS

_LOG2 = 0.6931471805599453
_LOG2E = 1.4426950408889634


def _ssp(v):
    return jax.nn.softplus(v) - _LOG2


def _ssp_fast(u):
    t = jnp.log2(1.0 + jnp.exp2(u * _LOG2E)) * _LOG2 - _LOG2
    return jnp.where(u > 60.0, u - _LOG2, t)


def _h_body(x_ref, w_ref, o_ref):
    o_ref[...] = lax.dot_general(
        x_ref[...], w_ref[...], (((1,), (1,)), ((), ())),
        preferred_element_type=jnp.float32)


def _compute_h(x, W_in):
    return pl.pallas_call(
        _h_body,
        out_shape=jax.ShapeDtypeStruct((_N, _D), jnp.float32),
    )(x, W_in)


_BE = 8000


def _wc_body(f_ref, c_ref, w1_ref, b1_ref, w2_ref, b2_ref, o_ref):
    t = lax.dot_general(f_ref[...], w1_ref[...], (((1,), (1,)), ((), ())),
                        preferred_element_type=jnp.float32)
    t = _ssp_fast(t + b1_ref[...])
    w = lax.dot_general(t.astype(jnp.bfloat16),
                        w2_ref[...].astype(jnp.bfloat16),
                        (((1,), (1,)), ((), ())),
                        preferred_element_type=jnp.float32)
    o_ref[...] = (w + b2_ref[...]) * c_ref[...]


def _make_wc(off_blocks):
    return pl.pallas_call(
        _wc_body,
        grid=(_EH // _BE,),
        in_specs=[
            pl.BlockSpec((_BE, _R), lambda i: (i + off_blocks, 0)),
            pl.BlockSpec((_BE, 1), lambda i: (i + off_blocks, 0)),
            pl.BlockSpec((_F, _R), lambda i: (0, 0)),
            pl.BlockSpec((1, _F), lambda i: (0, 0)),
            pl.BlockSpec((_F, _F), lambda i: (0, 0)),
            pl.BlockSpec((1, _F), lambda i: (0, 0)),
        ],
        out_specs=pl.BlockSpec((_BE, _F), lambda i: (i, 0)),
        out_shape=jax.ShapeDtypeStruct((_EH, _F), jnp.float32),
    )


_compute_wc_a = _make_wc(0)
_compute_wc_b = _make_wc(_EH // _BE)


def _make_sc_aggregate(eoff):
    mesh = plsc.VectorSubcoreMesh(core_axis_name="c", subcore_axis_name="s")

    @functools.partial(
        pl.kernel,
        out_type=jax.ShapeDtypeStruct((_NC * _NP, _D), jnp.float32),
        mesh=mesh,
        scratch_types=[
            pltpu.VMEM((3, _CHUNK), jnp.int32),
            pltpu.VMEM((3, _CHUNK), jnp.int32),
            pltpu.VMEM((_TAIL,), jnp.int32),
            pltpu.VMEM((_TAIL,), jnp.int32),
            pltpu.VMEM((_CHUNK, _D), jnp.float32),
            pltpu.VMEM((_CHUNK, _D), jnp.float32),
            pltpu.VMEM((_CHUNK, _D), jnp.float32),
            pltpu.VMEM((_CHUNK, _D), jnp.float32),
            pltpu.VMEM((_CHUNK, _D), jnp.float32),
            pltpu.VMEM((_CHUNK, _D), jnp.float32),
            pltpu.VMEM_SHARED((_NP, _D), jnp.float32),
            pltpu.SemaphoreType.DMA,
            pltpu.SemaphoreType.DMA,
            pltpu.SemaphoreType.DMA,
            pltpu.SemaphoreType.DMA,
            pltpu.SemaphoreType.DMA,
            pltpu.SemaphoreType.DMA,
            pltpu.SemaphoreType.DMA,
            pltpu.SemaphoreType.DMA,
            pltpu.SemaphoreType.DMA,
            pltpu.SemaphoreType.DMA,
        ],
    )
    def k(h_hbm, wc_hbm, ii_hbm, ij_hbm, z_hbm, out_hbm,
          ii_v, ij_v, ii_t, ij_t, r0, r1, r2, w0, w1, w2, acc_sh,
          sem_z, si0, si1, si2, sm0, sm1, sm2, ss0, ss1, ss2):
        cid = lax.axis_index("c")
        sid = lax.axis_index("s")
        wid = sid * _NC + cid
        rbufs = (r0, r1, r2)
        wbufs = (w0, w1, w2)
        isems = (si0, si1, si2)
        msems = (sm0, sm1, sm2)
        ssems = (ss0, ss1, ss2)

        pltpu.async_copy(z_hbm, acc_sh.at[pl.ds(sid * _RPT, _RPT)], sem_z)

        def lbase(c):
            return wid * _EPW + c * _CHUNK

        def issue_idx(c, b):
            pltpu.async_copy(ii_hbm.at[pl.ds(eoff + lbase(c), _CHUNK)],
                             ii_v.at[b], isems[b])
            pltpu.async_copy(ij_hbm.at[pl.ds(eoff + lbase(c), _CHUNK)],
                             ij_v.at[b], isems[b])

        def wait_idx(c, b):
            pltpu.make_async_copy(ii_hbm.at[pl.ds(eoff + lbase(c), _CHUNK)],
                                  ii_v.at[b], isems[b]).wait()
            pltpu.make_async_copy(ij_hbm.at[pl.ds(eoff + lbase(c), _CHUNK)],
                                  ij_v.at[b], isems[b]).wait()

        def issue_main(c, b):
            pltpu.async_copy(h_hbm.at[ij_v.at[b]], rbufs[b], msems[b])
            pltpu.async_copy(wc_hbm.at[pl.ds(lbase(c), _CHUNK)],
                             wbufs[b], msems[b])

        def wait_main(c, b):
            pltpu.make_async_copy(h_hbm.at[ij_v.at[b]], rbufs[b],
                                  msems[b]).wait()
            pltpu.make_async_copy(wc_hbm.at[pl.ds(lbase(c), _CHUNK)],
                                  wbufs[b], msems[b]).wait()

        def issue_scatter(c, b):
            pltpu.async_copy(rbufs[b], acc_sh.at[ii_v.at[b]], ssems[b],
                             add=True)

        def wait_scatter(c, b):
            pltpu.make_async_copy(rbufs[b], acc_sh.at[ii_v.at[b]],
                                  ssems[b]).wait()

        def compute(b, n=_CHUNK):
            rb, wb = rbufs[b], wbufs[b]

            @pl.loop(0, n)
            def _(e):
                for j in range(0, _D, 16):
                    slc = (pl.ds(e, 1), pl.ds(j, 16))
                    rb.at[slc][...] = rb.at[slc][...] * wb.at[slc][...]

        pltpu.make_async_copy(z_hbm, acc_sh.at[pl.ds(sid * _RPT, _RPT)],
                              sem_z).wait()
        plsc.subcore_barrier()

        issue_idx(0, 0)
        issue_idx(1, 1)
        wait_idx(0, 0)
        issue_main(0, 0)

        @pl.loop(0, _NT)
        def _(t):
            for j in range(3):
                c = t * 3 + j
                b = j
                bn = (j + 2) % 3

                wait_idx(c + 1, (b + 1) % 3)
                issue_main(c + 1, (b + 1) % 3)

                wait_main(c, b)
                compute(b)

                if j == 0:
                    @pl.when(t > 0)
                    def _():
                        wait_scatter(c - 1, bn)
                        issue_idx(c + 2, bn)

                    @pl.when(t == 0)
                    def _():
                        issue_idx(c + 2, bn)
                else:
                    wait_scatter(c - 1, bn)
                    if j == 2:
                        @pl.when(t < _NT - 1)
                        def _():
                            issue_idx(c + 2, bn)
                    else:
                        issue_idx(c + 2, bn)

                issue_scatter(c, b)

        ca = 3 * _NT
        cb = ca + 1
        issue_idx(cb, 1)
        wait_idx(cb, 1)
        issue_main(cb, 1)
        wait_main(ca, 0)
        compute(0)
        wait_scatter(ca - 1, 2)
        issue_scatter(ca, 0)

        tbase = eoff + wid * _EPW + _CPW * _CHUNK
        pltpu.async_copy(ii_hbm.at[pl.ds(tbase, _TAIL)], ii_t, si2)
        pltpu.async_copy(ij_hbm.at[pl.ds(tbase, _TAIL)], ij_t, si2)
        wait_main(cb, 1)
        compute(1)
        wait_scatter(ca, 0)
        issue_scatter(cb, 1)

        pltpu.make_async_copy(ii_hbm.at[pl.ds(tbase, _TAIL)], ii_t,
                              si2).wait()
        pltpu.make_async_copy(ij_hbm.at[pl.ds(tbase, _TAIL)], ij_t,
                              si2).wait()
        pltpu.async_copy(h_hbm.at[ij_t], r2.at[pl.ds(0, _TAIL)], sm2)
        pltpu.async_copy(wc_hbm.at[pl.ds(wid * _EPW + _CPW * _CHUNK, _TAIL)],
                         w2.at[pl.ds(0, _TAIL)], sm2)
        pltpu.make_async_copy(h_hbm.at[ij_t], r2.at[pl.ds(0, _TAIL)],
                              sm2).wait()
        pltpu.make_async_copy(
            wc_hbm.at[pl.ds(wid * _EPW + _CPW * _CHUNK, _TAIL)],
            w2.at[pl.ds(0, _TAIL)], sm2).wait()
        compute(2, n=_TAIL)
        wait_scatter(cb, 1)
        pltpu.async_copy(r2.at[pl.ds(0, _TAIL)], acc_sh.at[ii_t], ss2,
                         add=True)
        pltpu.make_async_copy(r2.at[pl.ds(0, _TAIL)], acc_sh.at[ii_t],
                              ss2).wait()

        plsc.subcore_barrier()
        pltpu.sync_copy(acc_sh.at[pl.ds(sid * _RPT, _RPT)],
                        out_hbm.at[pl.ds(cid * _NP + sid * _RPT, _RPT)])

    return k


_sc_aggregate_a = _make_sc_aggregate(0)
_sc_aggregate_b = _make_sc_aggregate(_EH)


def _out_body(pa_ref, pb_ref, w1_ref, b1_ref, w2_ref, b2_ref, o_ref):
    agg = (pa_ref[0, :_N, :] + pa_ref[1, :_N, :]
           + pb_ref[0, :_N, :] + pb_ref[1, :_N, :])
    t = lax.dot_general(agg, w1_ref[...], (((1,), (1,)), ((), ())),
                        preferred_element_type=jnp.float32)
    t = _ssp(t + b1_ref[...])
    o = lax.dot_general(t, w2_ref[...], (((1,), (1,)), ((), ())),
                        preferred_element_type=jnp.float32)
    o_ref[...] = o + b2_ref[...]


def _out_mlp(pa, pb, Wo1, bo1, Wo2, bo2):
    return pl.pallas_call(
        _out_body,
        out_shape=jax.ShapeDtypeStruct((_N, _D), jnp.float32),
    )(pa, pb, Wo1, bo1, Wo2, bo2)


def kernel(x, pairlist, f_ij, f_ij_cutoff,
           W_in, Wf1, bf1, Wf2, bf2, Wo1, bo1, Wo2, bo2):
    h = _compute_h(x, W_in)
    b1 = bf1.reshape(1, _F)
    b2 = bf2.reshape(1, _F)
    f2d = f_ij.reshape(_E, _R)
    wc_a = _compute_wc_a(f2d, f_ij_cutoff, Wf1, b1, Wf2, b2)
    wc_b = _compute_wc_b(f2d, f_ij_cutoff, Wf1, b1, Wf2, b2)
    zeros = jnp.zeros((_RPT, _D), jnp.float32)
    ii = pairlist[0]
    ij = pairlist[1]
    pa = _sc_aggregate_a(h, wc_a, ii, ij, zeros)
    pb = _sc_aggregate_b(h, wc_b, ii, ij, zeros)
    out = _out_mlp(pa.reshape(_NC, _NP, _D), pb.reshape(_NC, _NP, _D),
                   Wo1, bo1.reshape(1, _D), Wo2, bo2.reshape(1, _D))
    return out

# --- scband reference (transcript-rebuilt; emitter-appended) ---
"""Pipeline reference for scband-sch-netinteraction-module-17111149707605 (READ-ONLY COPY).

The authoritative reference and input builder live on the scoring server;
editing this copy changes nothing except your own understanding.
"""

import jax, jax.numpy as jnp
import numpy as np

N = 10000
E = 320000
D = 128
F = 128
R = 16


def _ssp(x):
    return jax.nn.softplus(x) - jnp.log(2.0)


def setup_inputs(seed: int = 0) -> dict:
    key = jax.random.key(seed)
    ks = jax.random.split(key, 16)
    x = jax.random.normal(ks[0], (N, D), dtype=jnp.float32)
    pairlist = jax.random.randint(ks[1], (2, E), 0, N, dtype=jnp.int32)
    f_ij = jax.random.uniform(ks[2], (E, 1, R), dtype=jnp.float32)
    f_ij_cutoff = jax.random.uniform(ks[3], (E, 1), dtype=jnp.float32)
    W_in = jax.random.normal(ks[4], (F, D), dtype=jnp.float32) / np.sqrt(D)
    Wf1 = jax.random.normal(ks[5], (F, R), dtype=jnp.float32) / np.sqrt(R)
    bf1 = jnp.zeros((F,), dtype=jnp.float32)
    Wf2 = jax.random.normal(ks[6], (F, F), dtype=jnp.float32) / np.sqrt(F)
    bf2 = jnp.zeros((F,), dtype=jnp.float32)
    Wo1 = jax.random.normal(ks[7], (D, F), dtype=jnp.float32) / np.sqrt(F)
    bo1 = jnp.zeros((D,), dtype=jnp.float32)
    Wo2 = jax.random.normal(ks[8], (D, D), dtype=jnp.float32) / np.sqrt(D)
    bo2 = jnp.zeros((D,), dtype=jnp.float32)
    return {"x": x, "pairlist": pairlist, "f_ij": f_ij, "f_ij_cutoff": f_ij_cutoff,
            "W_in": W_in, "Wf1": Wf1, "bf1": bf1, "Wf2": Wf2, "bf2": bf2,
            "Wo1": Wo1, "bo1": bo1, "Wo2": Wo2, "bo2": bo2}


def reference(x, pairlist, f_ij, f_ij_cutoff, W_in, Wf1, bf1, Wf2, bf2, Wo1, bo1, Wo2, bo2):
    # input_to_feature: Dense(D -> F, bias=False, no activation)
    h = x @ W_in.T
    # filter_network: Dense(R -> F, ShiftedSoftplus) then Dense(F -> F)
    Wij = _ssp(f_ij[:, 0, :] @ Wf1.T + bf1) @ Wf2.T + bf2
    idx_i = pairlist[0]
    idx_j = pairlist[1]
    x_j = jnp.take(h, idx_j, axis=0)
    x_ij = x_j * Wij * f_ij_cutoff
    # scatter_add over destination atoms
    x_agg = jax.ops.segment_sum(x_ij, idx_i, num_segments=h.shape[0])
    # feature_to_output: Dense(F -> D, ShiftedSoftplus) then Dense(D -> D)
    out = _ssp(x_agg @ Wo1.T + bo1) @ Wo2.T + bo2
    return out

if __name__ == "__main__":
    import jax
    _d = setup_inputs()
    print(jax.jit(kernel)(*tuple(_d.values())))

</pallas_src>

<mosaic_0001>
#map = affine_map<(d0, d1) -> (0, 0)>
#map1 = affine_map<(d0, d1) -> (0)>
module attributes {stable_mosaic.version = 14 : i64} {
  func.func @k(%arg0: i32, %arg1: i32, %arg2: memref<10000x128xf32, #tpu.memory_space<hbm>>, %arg3: memref<160000x128xf32, #tpu.memory_space<hbm>>, %arg4: memref<320000xi32, #tpu.memory_space<hbm>>, %arg5: memref<320000xi32, #tpu.memory_space<hbm>>, %arg6: memref<640x128xf32, #tpu.memory_space<hbm>>, %arg7: memref<20480x128xf32, #tpu.memory_space<hbm>>, %arg8: memref<3x56xi32, #tpu.memory_space<vmem>>, %arg9: memref<3x56xi32, #tpu.memory_space<vmem>>, %arg10: memref<16xi32, #tpu.memory_space<vmem>>, %arg11: memref<16xi32, #tpu.memory_space<vmem>>, %arg12: memref<56x128xf32, #tpu.memory_space<vmem>>, %arg13: memref<56x128xf32, #tpu.memory_space<vmem>>, %arg14: memref<56x128xf32, #tpu.memory_space<vmem>>, %arg15: memref<56x128xf32, #tpu.memory_space<vmem>>, %arg16: memref<56x128xf32, #tpu.memory_space<vmem>>, %arg17: memref<56x128xf32, #tpu.memory_space<vmem>>, %arg18: memref<10240x128xf32, #tpu.memory_space<vmem_shared>>, %arg19: memref<!tpu.dma_semaphore, #tpu.memory_space<semaphore_mem>>, %arg20: memref<!tpu.dma_semaphore, #tpu.memory_space<semaphore_mem>>, %arg21: memref<!tpu.dma_semaphore, #tpu.memory_space<semaphore_mem>>, %arg22: memref<!tpu.dma_semaphore, #tpu.memory_space<semaphore_mem>>, %arg23: memref<!tpu.dma_semaphore, #tpu.memory_space<semaphore_mem>>, %arg24: memref<!tpu.dma_semaphore, #tpu.memory_space<semaphore_mem>>, %arg25: memref<!tpu.dma_semaphore, #tpu.memory_space<semaphore_mem>>, %arg26: memref<!tpu.dma_semaphore, #tpu.memory_space<semaphore_mem>>, %arg27: memref<!tpu.dma_semaphore, #tpu.memory_space<semaphore_mem>>, %arg28: memref<!tpu.dma_semaphore, #tpu.memory_space<semaphore_mem>>) attributes {dimension_semantics = [#tpu.dimension_semantics<core_parallel>, #tpu.dimension_semantics<subcore_parallel>], iteration_bounds = array<i64: 2, 16>, scalar_prefetch = 0 : i64, scratch_operands = 21 : i64, tpu.core_type = #tpu.core_type<sc_vector_subcore>, window_params = [{transform_indices = #map}, {transform_indices = #map}, {transform_indices = #map1}, {transform_indices = #map1}, {transform_indices = #map}, {transform_indices = #map}]} {
    %mul3A = arith.constant 2 : i32
    %mul3A_0 = arith.muli %arg1, %mul3A : i32
    %add3A = arith.addi %mul3A_0, %arg0 : i32
    %mul3A_1 = arith.constant 640 : i32
    %mul3A_2 = arith.muli %arg1, %mul3A_1 : i32
    %dma_start3A = arith.constant 0 : i32
    %dma_start3A_3 = tpu.memref_slice %arg18[%mul3A_2, %dma_start3A] : memref<10240x128xf32, #tpu.memory_space<vmem_shared>> -> memref<640x128xf32, #tpu.memory_space<vmem_shared>>
    tpu.enqueue_dma source(%arg6 : memref<640x128xf32, #tpu.memory_space<hbm>>) target(%dma_start3A_3 : memref<640x128xf32, #tpu.memory_space<vmem_shared>>) target_semaphore(%arg19 : memref<!tpu.dma_semaphore, #tpu.memory_space<semaphore_mem>>)
    %mul3A_4 = arith.constant 640 : i32
    %mul3A_5 = arith.muli %arg1, %mul3A_4 : i32
    %dma_wait3A = arith.constant 0 : i32
    %dma_wait3A_6 = tpu.memref_slice %arg18[%mul3A_5, %dma_wait3A] : memref<10240x128xf32, #tpu.memory_space<vmem_shared>> -> memref<640x128xf32, #tpu.memory_space<vmem_shared>>
    tpu.wait_dma2 semaphore(%arg19 : memref<!tpu.dma_semaphore, #tpu.memory_space<semaphore_mem>>) src(%arg6 : memref<640x128xf32, #tpu.memory_space<hbm>>) dst(%dma_wait3A_6 : memref<640x128xf32, #tpu.memory_space<vmem_shared>>)
    %barrier3A = arith.constant 0 : index
    tpu.barrier barrier_id(%barrier3A)
    %mul3A_7 = arith.constant 5000 : i32
    %mul3A_8 = arith.muli %add3A, %mul3A_7 : i32
    %add3A_9 = arith.constant 0 : i32
    %add3A_10 = arith.addi %mul3A_8, %add3A_9 : i32
    %add3A_11 = arith.constant 0 : i32
    %add3A_12 = arith.addi %add3A_11, %add3A_10 : i32
    %dma_start3A_13 = arith.constant 0 : i32
    %dma_start3A_14 = arith.constant 0 : i32
    %dma_start3A_15 = tpu.memref_slice %arg8[%dma_start3A_13, %dma_start3A_14] : memref<3x56xi32, #tpu.memory_space<vmem>> -> memref<1x56xi32, #tpu.memory_space<vmem>>
    %dma_start3A_16 = tpu.memref_squeeze %dma_start3A_15 : memref<1x56xi32, #tpu.memory_space<vmem>> -> memref<56xi32, #tpu.memory_space<vmem>>
    %dma_start3A_17 = tpu.memref_slice %arg4[%add3A_12] : memref<320000xi32, #tpu.memory_space<hbm>> -> memref<56xi32, #tpu.memory_space<hbm>>
    %dma_start3A_18 = arith.constant 0 : i32
    %dma_start3A_19 = tpu.memref_slice %arg8[%dma_start3A_13, %dma_start3A_18] : memref<3x56xi32, #tpu.memory_space<vmem>> -> memref<1x56xi32, #tpu.memory_space<vmem>>
    %dma_start3A_20 = tpu.memref_squeeze %dma_start3A_19 : memref<1x56xi32, #tpu.memory_space<vmem>> -> memref<56xi32, #tpu.memory_space<vmem>>
    %dma_start3A_21 = tpu.memref_slice %arg4[%add3A_12] : memref<320000xi32, #tpu.memory_space<hbm>> -> memref<56xi32, #tpu.memory_space<hbm>>
    tpu.enqueue_dma source(%dma_start3A_21 : memref<56xi32, #tpu.memory_space<hbm>>) target(%dma_start3A_20 : memref<56xi32, #tpu.memory_space<vmem>>) target_semaphore(%arg20 : memref<!tpu.dma_semaphore, #tpu.memory_space<semaphore_mem>>)
    %mul3A_22 = arith.constant 5000 : i32
    %mul3A_23 = arith.muli %add3A, %mul3A_22 : i32
    %add3A_24 = arith.constant 0 : i32
    %add3A_25 = arith.addi %mul3A_23, %add3A_24 : i32
    %add3A_26 = arith.constant 0 : i32
    %add3A_27 = arith.addi %add3A_26, %add3A_25 : i32
    %dma_start3A_28 = arith.constant 0 : i32
    %dma_start3A_29 = arith.constant 0 : i32
    %dma_start3A_30 = tpu.memref_slice %arg9[%dma_start3A_28, %dma_start3A_29] : memref<3x56xi32, #tpu.memory_space<vmem>> -> memref<1x56xi32, #tpu.memory_space<vmem>>
    %dma_start3A_31 = tpu.memref_squeeze %dma_start3A_30 : memref<1x56xi32, #tpu.memory_space<vmem>> -> memref<56xi32, #tpu.memory_space<vmem>>
    %dma_start3A_32 = tpu.memref_slice %arg5[%add3A_27] : memref<320000xi32, #tpu.memory_space<hbm>> -> memref<56xi32, #tpu.memory_space<hbm>>
    %dma_start3A_33 = arith.constant 0 : i32
    %dma_start3A_34 = tpu.memref_slice %arg9[%dma_start3A_28, %dma_start3A_33] : memref<3x56xi32, #tpu.memory_space<vmem>> -> memref<1x56xi32, #tpu.memory_space<vmem>>
    %dma_start3A_35 = tpu.memref_squeeze %dma_start3A_34 : memref<1x56xi32, #tpu.memory_space<vmem>> -> memref<56xi32, #tpu.memory_space<vmem>>
    %dma_start3A_36 = tpu.memref_slice %arg5[%add3A_27] : memref<320000xi32, #tpu.memory_space<hbm>> -> memref<56xi32, #tpu.memory_space<hbm>>
    tpu.enqueue_dma source(%dma_start3A_36 : memref<56xi32, #tpu.memory_space<hbm>>) target(%dma_start3A_35 : memref<56xi32, #tpu.memory_space<vmem>>) target_semaphore(%arg20 : memref<!tpu.dma_semaphore, #tpu.memory_space<semaphore_mem>>)
    %mul3A_37 = arith.constant 5000 : i32
    %mul3A_38 = arith.muli %add3A, %mul3A_37 : i32
    %add3A_39 = arith.constant 56 : i32
    %add3A_40 = arith.addi %mul3A_38, %add3A_39 : i32
    %add3A_41 = arith.constant 0 : i32
    %add3A_42 = arith.addi %add3A_41, %add3A_40 : i32
    %dma_start3A_43 = arith.constant 1 : i32
    %dma_start3A_44 = arith.constant 0 : i32
    %dma_start3A_45 = tpu.memref_slice %arg8[%dma_start3A_43, %dma_start3A_44] : memref<3x56xi32, #tpu.memory_space<vmem>> -> memref<1x56xi32, #tpu.memory_space<vmem>>
    %dma_start3A_46 = tpu.memref_squeeze %dma_start3A_45 : memref<1x56xi32, #tpu.memory_space<vmem>> -> memref<56xi32, #tpu.memory_space<vmem>>
    %dma_start3A_47 = tpu.memref_slice %arg4[%add3A_42] : memref<320000xi32, #tpu.memory_space<hbm>> -> memref<56xi32, #tpu.memory_space<hbm>>
    %dma_start3A_48 = arith.constant 0 : i32
    %dma_start3A_49 = tpu.memref_slice %arg8[%dma_start3A_43, %dma_start3A_48] : memref<3x56xi32, #tpu.memory_space<vmem>> -> memref<1x56xi32, #tpu.memory_space<vmem>>
    %dma_start3A_50 = tpu.memref_squeeze %dma_start3A_49 : memref<1x56xi32, #tpu.memory_space<vmem>> -> memref<56xi32, #tpu.memory_space<vmem>>
    %dma_start3A_51 = tpu.memref_slice %arg4[%add3A_42] : memref<320000xi32, #tpu.memory_space<hbm>> -> memref<56xi32, #tpu.memory_space<hbm>>
    tpu.enqueue_dma source(%dma_start3A_51 : memref<56xi32, #tpu.memory_space<hbm>>) target(%dma_start3A_50 : memref<56xi32, #tpu.memory_space<vmem>>) target_semaphore(%arg21 : memref<!tpu.dma_semaphore, #tpu.memory_space<semaphore_mem>>)
    %mul3A_52 = arith.constant 5000 : i32
    %mul3A_53 = arith.muli %add3A, %mul3A_52 : i32
    %add3A_54 = arith.constant 56 : i32
    %add3A_55 = arith.addi %mul3A_53, %add3A_54 : i32
    %add3A_56 = arith.constant 0 : i32
    %add3A_57 = arith.addi %add3A_56, %add3A_55 : i32
    %dma_start3A_58 = arith.constant 1 : i32
    %dma_start3A_59 = arith.constant 0 : i32
    %dma_start3A_60 = tpu.memref_slice %arg9[%dma_start3A_58, %dma_start3A_59] : memref<3x56xi32, #tpu.memory_space<vmem>> -> memref<1x56xi32, #tpu.memory_space<vmem>>
    %dma_start3A_61 = tpu.memref_squeeze %dma_start3A_60 : memref<1x56xi32, #tpu.memory_space<vmem>> -> memref<56xi32, #tpu.memory_space<vmem>>
    %dma_start3A_62 = tpu.memref_slice %arg5[%add3A_57] : memref<320000xi32, #tpu.memory_space<hbm>> -> memref<56xi32, #tpu.memory_space<hbm>>
    %dma_start3A_63 = arith.constant 0 : i32
    %dma_start3A_64 = tpu.memref_slice %arg9[%dma_start3A_58, %dma_start3A_63] : memref<3x56xi32, #tpu.memory_space<vmem>> -> memref<1x56xi32, #tpu.memory_space<vmem>>
    %dma_start3A_65 = tpu.memref_squeeze %dma_start3A_64 : memref<1x56xi32, #tpu.memory_space<vmem>> -> memref<56xi32, #tpu.memory_space<vmem>>
    %dma_start3A_66 = tpu.memref_slice %arg5[%add3A_57] : memref<320000xi32, #tpu.memory_space<hbm>> -> memref<56xi32, #tpu.memory_space<hbm>>
    tpu.enqueue_dma source(%dma_start3A_66 : memref<56xi32, #tpu.memory_space<hbm>>) target(%dma_start3A_65 : memref<56xi32, #tpu.memory_space<vmem>>) target_semaphore(%arg21 : memref<!tpu.dma_semaphore, #tpu.memory_space<semaphore_mem>>)
    %mul3A_67 = arith.constant 5000 : i32
    %mul3A_68 = arith.muli %add3A, %mul3A_67 : i32
    %add3A_69 = arith.constant 0 : i32
    %add3A_70 = arith.addi %mul3A_68, %add3A_69 : i32
    %add3A_71 = arith.constant 0 : i32
    %add3A_72 = arith.addi %add3A_71, %add3A_70 : i32
    %dma_wait3A_73 = arith.constant 0 : i32
    %dma_wait3A_74 = arith.constant 0 : i32
    %dma_wait3A_75 = tpu.memref_slice %arg8[%dma_wait3A_73, %dma_wait3A_74] : memref<3x56xi32, #tpu.memory_space<vmem>> -> memref<1x56xi32, #tpu.memory_space<vmem>>
    %dma_wait3A_76 = tpu.memref_squeeze %dma_wait3A_75 : memref<1x56xi32, #tpu.memory_space<vmem>> -> memref<56xi32, #tpu.memory_space<vmem>>
    %dma_wait3A_77 = tpu.memref_slice %arg4[%add3A_72] : memref<320000xi32, #tpu.memory_space<hbm>> -> memref<56xi32, #tpu.memory_space<hbm>>
    %dma_wait3A_78 = arith.constant 0 : i32
    %dma_wait3A_79 = tpu.memref_slice %arg8[%dma_wait3A_73, %dma_wait3A_78] : memref<3x56xi32, #tpu.memory_space<vmem>> -> memref<1x56xi32, #tpu.memory_space<vmem>>
    %dma_wait3A_80 = tpu.memref_squeeze %dma_wait3A_79 : memref<1x56xi32, #tpu.memory_space<vmem>> -> memref<56xi32, #tpu.memory_space<vmem>>
    %dma_wait3A_81 = tpu.memref_slice %arg4[%add3A_72] : memref<320000xi32, #tpu.memory_space<hbm>> -> memref<56xi32, #tpu.memory_space<hbm>>
    tpu.wait_dma2 semaphore(%arg20 : memref<!tpu.dma_semaphore, #tpu.memory_space<semaphore_mem>>) src(%dma_wait3A_81 : memref<56xi32, #tpu.memory_space<hbm>>) dst(%dma_wait3A_80 : memref<56xi32, #tpu.memory_space<vmem>>)
    %mul3A_82 = arith.constant 5000 : i32
    %mul3A_83 = arith.muli %add3A, %mul3A_82 : i32
    %add3A_84 = arith.constant 0 : i32
    %add3A_85 = arith.addi %mul3A_83, %add3A_84 : i32
    %add3A_86 = arith.constant 0 : i32
    %add3A_87 = arith.addi %add3A_86, %add3A_85 : i32
    %dma_wait3A_88 = arith.constant 0 : i32
    %dma_wait3A_89 = arith.constant 0 : i32
    %dma_wait3A_90 = tpu.memref_slice %arg9[%dma_wait3A_88, %dma_wait3A_89] : memref<3x56xi32, #tpu.memory_space<vmem>> -> memref<1x56xi32, #tpu.memory_space<vmem>>
    %dma_wait3A_91 = tpu.memref_squeeze %dma_wait3A_90 : memref<1x56xi32, #tpu.memory_space<vmem>> -> memref<56xi32, #tpu.memory_space<vmem>>
    %dma_wait3A_92 = tpu.memref_slice %arg5[%add3A_87] : memref<320000xi32, #tpu.memory_space<hbm>> -> memref<56xi32, #tpu.memory_space<hbm>>
    %dma_wait3A_93 = arith.constant 0 : i32
    %dma_wait3A_94 = tpu.memref_slice %arg9[%dma_wait3A_88, %dma_wait3A_93] : memref<3x56xi32, #tpu.memory_space<vmem>> -> memref<1x56xi32, #tpu.memory_space<vmem>>
    %dma_wait3A_95 = tpu.memref_squeeze %dma_wait3A_94 : memref<1x56xi32, #tpu.memory_space<vmem>> -> memref<56xi32, #tpu.memory_space<vmem>>
    %dma_wait3A_96 = tpu.memref_slice %arg5[%add3A_87] : memref<320000xi32, #tpu.memory_space<hbm>> -> memref<56xi32, #tpu.memory_space<hbm>>
    tpu.wait_dma2 semaphore(%arg20 : memref<!tpu.dma_semaphore, #tpu.memory_space<semaphore_mem>>) src(%dma_wait3A_96 : memref<56xi32, #tpu.memory_space<hbm>>) dst(%dma_wait3A_95 : memref<56xi32, #tpu.memory_space<vmem>>)
    %dma_start3A_97 = arith.constant 0 : i32
    %dma_start3A_98 = arith.constant 0 : i32
    %dma_start3A_99 = tpu.memref_slice %arg9[%dma_start3A_97, %dma_start3A_98] : memref<3x56xi32, #tpu.memory_space<vmem>> -> memref<1x56xi32, #tpu.memory_space<vmem>>
    %dma_start3A_100 = tpu.memref_squeeze %dma_start3A_99 : memref<1x56xi32, #tpu.memory_space<vmem>> -> memref<56xi32, #tpu.memory_space<vmem>>
    %dma_start3A_101 = arith.constant 0 : i32
    %dma_start3A_102 = arith.constant 0 : i32
    %dma_start3A_103 = tpu.memref_slice %arg2[%dma_start3A_101, %dma_start3A_102] : memref<10000x128xf32, #tpu.memory_space<hbm>> -> memref<10000x128xf32, #tpu.memory_space<hbm>>
    tpu.enqueue_indirect_dma source(%dma_start3A_103 : memref<10000x128xf32, #tpu.memory_space<hbm>>) target(%arg12 : memref<56x128xf32, #tpu.memory_space<vmem>>) offsets(%dma_start3A_100 : memref<56xi32, #tpu.memory_space<vmem>>) semaphore(%arg23 : memref<!tpu.dma_semaphore, #tpu.memory_space<semaphore_mem>>)
    %mul3A_104 = arith.constant 5000 : i32
    %mul3A_105 = arith.muli %add3A, %mul3A_104 : i32
    %add3A_106 = arith.constant 0 : i32
    %add3A_107 = arith.addi %mul3A_105, %add3A_106 : i32
    %dma_start3A_108 = arith.constant 0 : i32
    %dma_start3A_109 = tpu.memref_slice %arg3[%add3A_107, %dma_start3A_108] : memref<160000x128xf32, #tpu.memory_space<hbm>> -> memref<56x128xf32, #tpu.memory_space<hbm>>
    %dma_start3A_110 = arith.constant 0 : i32
    %dma_start3A_111 = tpu.memref_slice %arg3[%add3A_107, %dma_start3A_110] : memref<160000x128xf32, #tpu.memory_space<hbm>> -> memref<56x128xf32, #tpu.memory_space<hbm>>
    tpu.enqueue_dma source(%dma_start3A_111 : memref<56x128xf32, #tpu.memory_space<hbm>>) target(%arg15 : memref<56x128xf32, #tpu.memory_space<vmem>>) target_semaphore(%arg23 : memref<!tpu.dma_semaphore, #tpu.memory_space<semaphore_mem>>)
    %scan3A = arith.constant 0 : i32
    %scan3A_112 = arith.constant 29 : i32
    %scan3A_113 = arith.addi %scan3A, %scan3A_112 : i32
    %scan3A_114 = arith.constant 1 : i32
    scf.for %scan3A_345 = %scan3A to %scan3A_113 step %scan3A_114  : i32 {
      %mul3A_346 = arith.constant 1 : i32
      %mul3A_347 = arith.muli %scan3A_345, %mul3A_346 : i32
      %add3A_348 = arith.constant 0 : i32
      %add3A_349 = arith.addi %add3A_348, %mul3A_347 : i32
      %mul3A_350 = arith.constant 3 : i32
      %mul3A_351 = arith.muli %add3A_349, %mul3A_350 : i32
      %add3A_352 = arith.constant 0 : i32
      %add3A_353 = arith.addi %mul3A_351, %add3A_352 : i32
      %add3A_354 = arith.constant 1 : i32
      %add3A_355 = arith.addi %add3A_353, %add3A_354 : i32
      %mul3A_356 = arith.constant 5000 : i32
      %mul3A_357 = arith.muli %add3A, %mul3A_356 : i32
      %mul3A_358 = arith.constant 56 : i32
      %mul3A_359 = arith.muli %add3A_355, %mul3A_358 : i32
      %add3A_360 = arith.addi %mul3A_357, %mul3A_359 : i32
      %add3A_361 = arith.constant 0 : i32
      %add3A_362 = arith.addi %add3A_361, %add3A_360 : i32
      %dma_wait3A_363 = arith.constant 1 : i32
      %dma_wait3A_364 = arith.constant 0 : i32
      %dma_wait3A_365 = tpu.memref_slice %arg8[%dma_wait3A_363, %dma_wait3A_364] : memref<3x56xi32, #tpu.memory_space<vmem>> -> memref<1x56xi32, #tpu.memory_space<vmem>>
      %dma_wait3A_366 = tpu.memref_squeeze %dma_wait3A_365 : memref<1x56xi32, #tpu.memory_space<vmem>> -> memref<56xi32, #tpu.memory_space<vmem>>
      %dma_wait3A_367 = tpu.memref_slice %arg4[%add3A_362] : memref<320000xi32, #tpu.memory_space<hbm>> -> memref<56xi32, #tpu.memory_space<hbm>>
      %dma_wait3A_368 = arith.constant 0 : i32
      %dma_wait3A_369 = tpu.memref_slice %arg8[%dma_wait3A_363, %dma_wait3A_368] : memref<3x56xi32, #tpu.memory_space<vmem>> -> memref<1x56xi32, #tpu.memory_space<vmem>>
      %dma_wait3A_370 = tpu.memref_squeeze %dma_wait3A_369 : memref<1x56xi32, #tpu.memory_space<vmem>> -> memref<56xi32, #tpu.memory_space<vmem>>
      %dma_wait3A_371 = tpu.memref_slice %arg4[%add3A_362] : memref<320000xi32, #tpu.memory_space<hbm>> -> memref<56xi32, #tpu.memory_space<hbm>>
      tpu.wait_dma2 semaphore(%arg21 : memref<!tpu.dma_semaphore, #tpu.memory_space<semaphore_mem>>) src(%dma_wait3A_371 : memref<56xi32, #tpu.memory_space<hbm>>) dst(%dma_wait3A_370 : memref<56xi32, #tpu.memory_space<vmem>>)
      %mul3A_372 = arith.constant 5000 : i32
      %mul3A_373 = arith.muli %add3A, %mul3A_372 : i32
      %mul3A_374 = arith.constant 56 : i32
      %mul3A_375 = arith.muli %add3A_355, %mul3A_374 : i32
      %add3A_376 = arith.addi %mul3A_373, %mul3A_375 : i32
      %add3A_377 = arith.constant 0 : i32
      %add3A_378 = arith.addi %add3A_377, %add3A_376 : i32
      %dma_wait3A_379 = arith.constant 1 : i32
      %dma_wait3A_380 = arith.constant 0 : i32
      %dma_wait3A_381 = tpu.memref_slice %arg9[%dma_wait3A_379, %dma_wait3A_380] : memref<3x56xi32, #tpu.memory_space<vmem>> -> memref<1x56xi32, #tpu.memory_space<vmem>>
      %dma_wait3A_382 = tpu.memref_squeeze %dma_wait3A_381 : memref<1x56xi32, #tpu.memory_space<vmem>> -> memref<56xi32, #tpu.memory_space<vmem>>
      %dma_wait3A_383 = tpu.memref_slice %arg5[%add3A_378] : memref<320000xi32, #tpu.memory_space<hbm>> -> memref<56xi32, #tpu.memory_space<hbm>>
      %dma_wait3A_384 = arith.constant 0 : i32
      %dma_wait3A_385 = tpu.memref_slice %arg9[%dma_wait3A_379, %dma_wait3A_384] : memref<3x56xi32, #tpu.memory_space<vmem>> -> memref<1x56xi32, #tpu.memory_space<vmem>>
      %dma_wait3A_386 = tpu.memref_squeeze %dma_wait3A_385 : memref<1x56xi32, #tpu.memory_space<vmem>> -> memref<56xi32, #tpu.memory_space<vmem>>
      %dma_wait3A_387 = tpu.memref_slice %arg5[%add3A_378] : memref<320000xi32, #tpu.memory_space<hbm>> -> memref<56xi32, #tpu.memory_space<hbm>>
      tpu.wait_dma2 semaphore(%arg21 : memref<!tpu.dma_semaphore, #tpu.memory_space<semaphore_mem>>) src(%dma_wait3A_387 : memref<56xi32, #tpu.memory_space<hbm>>) dst(%dma_wait3A_386 : memref<56xi32, #tpu.memory_space<vmem>>)
      %add3A_388 = arith.constant 1 : i32
      %add3A_389 = arith.addi %add3A_353, %add3A_388 : i32
      %dma_start3A_390 = arith.constant 1 : i32
      %dma_start3A_391 = arith.constant 0 : i32
      %dma_start3A_392 = tpu.memref_slice %arg9[%dma_start3A_390, %dma_start3A_391] : memref<3x56xi32, #tpu.memory_space<vmem>> -> memref<1x56xi32, #tpu.memory_space<vmem>>
      %dma_start3A_393 = tpu.memref_squeeze %dma_start3A_392 : memref<1x56xi32, #tpu.memory_space<vmem>> -> memref<56xi32, #tpu.memory_space<vmem>>
      %dma_start3A_394 = arith.constant 0 : i32
      %dma_start3A_395 = arith.constant 0 : i32
      %dma_start3A_396 = tpu.memref_slice %arg2[%dma_start3A_394, %dma_start3A_395] : memref<10000x128xf32, #tpu.memory_space<hbm>> -> memref<10000x128xf32, #tpu.memory_space<hbm>>
      tpu.enqueue_indirect_dma source(%dma_start3A_396 : memref<10000x128xf32, #tpu.memory_space<hbm>>) target(%arg13 : memref<56x128xf32, #tpu.memory_space<vmem>>) offsets(%dma_start3A_393 : memref<56xi32, #tpu.memory_space<vmem>>) semaphore(%arg24 : memref<!tpu.dma_semaphore, #tpu.memory_space<semaphore_mem>>)
      %mul3A_397 = arith.constant 5000 : i32
      %mul3A_398 = arith.muli %add3A, %mul3A_397 : i32
      %mul3A_399 = arith.constant 56 : i32
      %mul3A_400 = arith.muli %add3A_389, %mul3A_399 : i32
      %add3A_401 = arith.addi %mul3A_398, %mul3A_400 : i32
      %dma_start3A_402 = arith.constant 0 : i32
      %dma_start3A_403 = tpu.memref_slice %arg3[%add3A_401, %dma_start3A_402] : memref<160000x128xf32, #tpu.memory_space<hbm>> -> memref<56x128xf32, #tpu.memory_space<hbm>>
      %dma_start3A_404 = arith.constant 0 : i32
      %dma_start3A_405 = tpu.memref_slice %arg3[%add3A_401, %dma_start3A_404] : memref<160000x128xf32, #tpu.memory_space<hbm>> -> memref<56x128xf32, #tpu.memory_space<hbm>>
      tpu.enqueue_dma source(%dma_start3A_405 : memref<56x128xf32, #tpu.memory_space<hbm>>) target(%arg16 : memref<56x128xf32, #tpu.memory_space<vmem>>) target_semaphore(%arg24 : memref<!tpu.dma_semaphore, #tpu.memory_space<semaphore_mem>>)
      %dma_wait3A_406 = arith.constant 0 : i32
      %dma_wait3A_407 = arith.constant 0 : i32
      %dma_wait3A_408 = tpu.memref_slice %arg9[%dma_wait3A_406, %dma_wait3A_407] : memref<3x56xi32, #tpu.memory_space<vmem>> -> memref<1x56xi32, #tpu.memory_space<vmem>>
      %dma_wait3A_409 = tpu.memref_squeeze %dma_wait3A_408 : memref<1x56xi32, #tpu.memory_space<vmem>> -> memref<56xi32, #tpu.memory_space<vmem>>
      %dma_wait3A_410 = arith.constant 0 : i32
      %dma_wait3A_411 = arith.constant 0 : i32
      %dma_wait3A_412 = tpu.memref_slice %arg2[%dma_wait3A_410, %dma_wait3A_411] : memref<10000x128xf32, #tpu.memory_space<hbm>> -> memref<10000x128xf32, #tpu.memory_space<hbm>>
      tpu.wait_indirect_dma semaphore(%arg23 : memref<!tpu.dma_semaphore, #tpu.memory_space<semaphore_mem>>) src(%dma_wait3A_412 : memref<10000x128xf32, #tpu.memory_space<hbm>>) dst(%arg12 : memref<56x128xf32, #tpu.memory_space<vmem>>)
      %mul3A_413 = arith.constant 5000 : i32
      %mul3A_414 = arith.muli %add3A, %mul3A_413 : i32
      %mul3A_415 = arith.constant 56 : i32
      %mul3A_416 = arith.muli %add3A_353, %mul3A_415 : i32
      %add3A_417 = arith.addi %mul3A_414, %mul3A_416 : i32
      %dma_wait3A_418 = arith.constant 0 : i32
      %dma_wait3A_419 = tpu.memref_slice %arg3[%add3A_417, %dma_wait3A_418] : memref<160000x128xf32, #tpu.memory_space<hbm>> -> memref<56x128xf32, #tpu.memory_space<hbm>>
      %dma_wait3A_420 = arith.constant 0 : i32
      %dma_wait3A_421 = tpu.memref_slice %arg3[%add3A_417, %dma_wait3A_420] : memref<160000x128xf32, #tpu.memory_space<hbm>> -> memref<56x128xf32, #tpu.memory_space<hbm>>
      tpu.wait_dma2 semaphore(%arg23 : memref<!tpu.dma_semaphore, #tpu.memory_space<semaphore_mem>>) src(%dma_wait3A_421 : memref<56x128xf32, #tpu.memory_space<hbm>>) dst(%arg15 : memref<56x128xf32, #tpu.memory_space<vmem>>)
      %scan3A_422 = arith.constant 0 : i32
      %scan3A_423 = arith.constant 56 : i32
      %scan3A_424 = arith.addi %scan3A_422, %scan3A_423 : i32
      %scan3A_425 = arith.constant 1 : i32
      scf.for %scan3A_663 = %scan3A_422 to %scan3A_424 step %scan3A_425  : i32 {
        %mul3A_664 = arith.constant 1 : i32
        %mul3A_665 = arith.muli %scan3A_663, %mul3A_664 : i32
        %add3A_666 = arith.constant 0 : i32
        %add3A_667 = arith.addi %add3A_666, %mul3A_665 : i32
        %get3A = arith.index_cast %add3A_667 : i32 to index
        %get3A_668 = arith.constant 0 : index
        %get3A_669 = tpu.vector_load %arg12[%get3A, %get3A_668] {strides = array<i32>} : memref<56x128xf32, #tpu.memory_space<vmem>>, vector<1x16xf32>,
        %get3A_670 = vector.shape_cast %get3A_669 : vector<1x16xf32> to vector<1x16xf32>
        %get3A_671 = arith.index_cast %add3A_667 : i32 to index
        %get3A_672 = arith.constant 0 : index
        %get3A_673 = tpu.vector_load %arg15[%get3A_671, %get3A_672] {strides = array<i32>} : memref<56x128xf32, #tpu.memory_space<vmem>>, vector<1x16xf32>,
        %get3A_674 = vector.shape_cast %get3A_673 : vector<1x16xf32> to vector<1x16xf32>
        %mul3A_675 = arith.mulf %get3A_670, %get3A_674 : vector<1x16xf32>
        %swap3A = arith.index_cast %add3A_667 : i32 to index
        %swap3A_676 = arith.constant 0 : index
        %swap3A_677 = tpu.vector_load %arg12[%swap3A, %swap3A_676] {strides = array<i32>} : memref<56x128xf32, #tpu.memory_space<vmem>>, vector<1x16xf32>,
        %swap3A_678 = vector.shape_cast %swap3A_677 : vector<1x16xf32> to vector<1x16xf32>
        %swap3A_679 = vector.shape_cast %mul3A_675 : vector<1x16xf32> to vector<1x16xf32>
        tpu.vector_store %arg12[%swap3A, %swap3A_676], %swap3A_679 {strides = array<i32>} : memref<56x128xf32, #tpu.memory_space<vmem>>, vector<1x16xf32>,
        %get3A_680 = arith.index_cast %add3A_667 : i32 to index
        %get3A_681 = arith.constant 16 : index
        %get3A_682 = tpu.vector_load %arg12[%get3A_680, %get3A_681] {strides = array<i32>} : memref<56x128xf32, #tpu.memory_space<vmem>>, vector<1x16xf32>,
        %get3A_683 = vector.shape_cast %get3A_682 : vector<1x16xf32> to vector<1x16xf32>
        %get3A_684 = arith.index_cast %add3A_667 : i32 to index
        %get3A_685 = arith.constant 16 : index
        %get3A_686 = tpu.vector_load %arg15[%get3A_684, %get3A_685] {strides = array<i32>} : memref<56x128xf32, #tpu.memory_space<vmem>>, vector<1x16xf32>,
        %get3A_687 = vector.shape_cast %get3A_686 : vector<1x16xf32> to vector<1x16xf32>
        %mul3A_688 = arith.mulf %get3A_683, %get3A_687 : vector<1x16xf32>
        %swap3A_689 = arith.index_cast %add3A_667 : i32 to index
        %swap3A_690 = arith.constant 16 : index
        %swap3A_691 = tpu.vector_load %arg12[%swap3A_689, %swap3A_690] {strides = array<i32>} : memref<56x128xf32, #tpu.memory_space<vmem>>, vector<1x16xf32>,
        %swap3A_692 = vector.shape_cast %swap3A_691 : vector<1x16xf32> to vector<1x16xf32>
        %swap3A_693 = vector.shape_cast %mul3A_688 : vector<1x16xf32> to vector<1x16xf32>
        tpu.vector_store %arg12[%swap3A_689, %swap3A_690], %swap3A_693 {strides = array<i32>} : memref<56x128xf32, #tpu.memory_space<vmem>>, vector<1x16xf32>,
        %get3A_694 = arith.index_cast %add3A_667 : i32 to index
        %get3A_695 = arith.constant 32 : index
        %get3A_696 = tpu.vector_load %arg12[%get3A_694, %get3A_695] {strides = array<i32>} : memref<56x128xf32, #tpu.memory_space<vmem>>, vector<1x16xf32>,
        %get3A_697 = vector.shape_cast %get3A_696 : vector<1x16xf32> to vector<1x16xf32>
        %get3A_698 = arith.index_cast %add3A_667 : i32 to index
        %get3A_699 = arith.constant 32 : index
        %get3A_700 = tpu.vector_load %arg15[%get3A_698, %get3A_699] {strides = array<i32>} : memref<56x128xf32, #tpu.memory_space<vmem>>, vector<1x16xf32>,
        %get3A_701 = vector.shape_cast %get3A_700 : vector<1x16xf32> to vector<1x16xf32>
        %mul3A_702 = arith.mulf %get3A_697, %get3A_701 : vector<1x16xf32>
        %swap3A_703 = arith.index_cast %add3A_667 : i32 to index
        %swap3A_704 = arith.constant 32 : index
        %swap3A_705 = tpu.vector_load %arg12[%swap3A_703, %swap3A_704] {strides = array<i32>} : memref<56x128xf32, #tpu.memory_space<vmem>>, vector<1x16xf32>,
        %swap3A_706 = vector.shape_cast %swap3A_705 : vector<1x16xf32> to vector<1x16xf32>
        %swap3A_707 = vector.shape_cast %mul3A_702 : vector<1x16xf32> to vector<1x16xf32>
        tpu.vector_store %arg12[%swap3A_703, %swap3A_704], %swap3A_707 {strides = array<i32>} : memref<56x128xf32, #tpu.memory_space<vmem>>, vector<1x16xf32>,
        %get3A_708 = arith.index_cast %add3A_667 : i32 to index
        %get3A_709 = arith.constant 48 : index
        %get3A_710 = tpu.vector_load %arg12[%get3A_708, %get3A_709] {strides = array<i32>} : memref<56x128xf32, #tpu.memory_space<vmem>>, vector<1x16xf32>,
        %get3A_711 = vector.shape_cast %get3A_710 : vector<1x16xf32> to vector<1x16xf32>
        %get3A_712 = arith.index_cast %add3A_667 : i32 to index
        %get3A_713 = arith.constant 48 : index
        %get3A_714 = tpu.vector_load %arg15[%get3A_712, %get3A_713] {strides = array<i32>} : memref<56x128xf32, #tpu.memory_space<vmem>>, vector<1x16xf32>,
        %get3A_715 = vector.shape_cast %get3A_714 : vector<1x16xf32> to vector<1x16xf32>
        %mul3A_716 = arith.mulf %get3A_711, %get3A_715 : vector<1x16xf32>
        %swap3A_717 = arith.index_cast %add3A_667 : i32 to index
        %swap3A_718 = arith.constant 48 : index
        %swap3A_719 = tpu.vector_load %arg12[%swap3A_717, %swap3A_718] {strides = array<i32>} : memref<56x128xf32, #tpu.memory_space<vmem>>, vector<1x16xf32>,
        %swap3A_720 = vector.shape_cast %swap3A_719 : vector<1x16xf32> to vector<1x16xf32>
        %swap3A_721 = vector.shape_cast %mul3A_716 : vector<1x16xf32> to vector<1x16xf32>
        tpu.vector_store %arg12[%swap3A_717, %swap3A_718], %swap3A_721 {strides = array<i32>} : memref<56x128xf32, #tpu.memory_space<vmem>>, vector<1x16xf32>,
        %get3A_722 = arith.index_cast %add3A_667 : i32 to index
        %get3A_723 = arith.constant 64 : index
        %get3A_724 = tpu.vector_load %arg12[%get3A_722, %get3A_723] {strides = array<i32>} : memref<56x128xf32, #tpu.memory_space<vmem>>, vector<1x16xf32>,
        %get3A_725 = vector.shape_cast %get3A_724 : vector<1x16xf32> to vector<1x16xf32>
        %get3A_726 = arith.index_cast %add3A_667 : i32 to index
        %get3A_727 = arith.constant 64 : index
        %get3A_728 = tpu.vector_load %arg15[%get3A_726, %get3A_727] {strides = array<i32>} : memref<56x128xf32, #tpu.memory_space<vmem>>, vector<1x16xf32>,
        %get3A_729 = vector.shape_cast %get3A_728 : vector<1x16xf32> to vector<1x16xf32>
        %mul3A_730 = arith.mulf %get3A_725, %get3A_729 : vector<1x16xf32>
        %swap3A_731 = arith.index_cast %add3A_667 : i32 to index
        %swap3A_732 = arith.constant 64 : index
        %swap3A_733 = tpu.vector_load %arg12[%swap3A_731, %swap3A_732] {strides = array<i32>} : memref<56x128xf32, #tpu.memory_space<vmem>>, vector<1x16xf32>,
        %swap3A_734 = vector.shape_cast %swap3A_733 : vector<1x16xf32> to vector<1x16xf32>
        %swap3A_735 = vector.shape_cast %mul3A_730 : vector<1x16xf32> to vector<1x16xf32>
        tpu.vector_store %arg12[%swap3A_731, %swap3A_732], %swap3A_735 {strides = array<i32>} : memref<56x128xf32, #tpu.memory_space<vmem>>, vector<1x16xf32>,
        %get3A_736 = arith.index_cast %add3A_667 : i32 to index
        %get3A_737 = arith.constant 80 : index
        %get3A_738 = tpu.vector_load %arg12[%get3A_736, %get3A_737] {strides = array<i32>} : memref<56x128xf32, #tpu.memory_space<vmem>>, vector<1x16xf32>,
        %get3A_739 = vector.shape_cast %get3A_738 : vector<1x16xf32> to vector<1x16xf32>
        %get3A_740 = arith.index_cast %add3A_667 : i32 to index
        %get3A_741 = arith.constant 80 : index
        %get3A_742 = tpu.vector_load %arg15[%get3A_740, %get3A_741] {strides = array<i32>} : memref<56x128xf32, #tpu.memory_space<vmem>>, vector<1x16xf32>,
        %get3A_743 = vector.shape_cast %get3A_742 : vector<1x16xf32> to vector<1x16xf32>
        %mul3A_744 = arith.mulf %get3A_739, %get3A_743 : vector<1x16xf32>
        %swap3A_745 = arith.index_cast %add3A_667 : i32 to index
        %swap3A_746 = arith.constant 80 : index
        %swap3A_747 = tpu.vector_load %arg12[%swap3A_745, %swap3A_746] {strides = array<i32>} : memref<56x128xf32, #tpu.memory_space<vmem>>, vector<1x16xf32>,
        %swap3A_748 = vector.shape_cast %swap3A_747 : vector<1x16xf32> to vector<1x16xf32>
        %swap3A_749 = vector.shape_cast %mul3A_744 : vector<1x16xf32> to vector<1x16xf32>
        tpu.vector_store %arg12[%swap3A_745, %swap3A_746], %swap3A_749 {strides = array<i32>} : memref<56x128xf32, #tpu.memory_space<vmem>>, vector<1x16xf32>,
        %get3A_750 = arith.index_cast %add3A_667 : i32 to index
        %get3A_751 = arith.constant 96 : index
        %get3A_752 = tpu.vector_load %arg12[%get3A_750, %get3A_751] {strides = array<i32>} : memref<56x128xf32, #tpu.memory_space<vmem>>, vector<1x16xf32>,
        %get3A_753 = vector.shape_cast %get3A_752 : vector<1x16xf32> to vector<1x16xf32>
        %get3A_754 = arith.index_cast %add3A_667 : i32 to index
        %get3A_755 = arith.constant 96 : index
        %get3A_756 = tpu.vector_load %arg15[%get3A_754, %get3A_755] {strides = array<i32>} : memref<56x128xf32, #tpu.memory_space<vmem>>, vector<1x16xf32>,
        %get3A_757 = vector.shape_cast %get3A_756 : vector<1x16xf32> to vector<1x16xf32>
        %mul3A_758 = arith.mulf %get3A_753, %get3A_757 : vector<1x16xf32>
        %swap3A_759 = arith.index_cast %add3A_667 : i32 to index
        %swap3A_760 = arith.constant 96 : index
        %swap3A_761 = tpu.vector_load %arg12[%swap3A_759, %swap3A_760] {strides = array<i32>} : memref<56x128xf32, #tpu.memory_space<vmem>>, vector<1x16xf32>,
        %swap3A_762 = vector.shape_cast %swap3A_761 : vector<1x16xf32> to vector<1x16xf32>
        %swap3A_763 = vector.shape_cast %mul3A_758 : vector<1x16xf32> to vector<1x16xf32>
        tpu.vector_store %arg12[%swap3A_759, %swap3A_760], %swap3A_763 {strides = array<i32>} : memref<56x128xf32, #tpu.memory_space<vmem>>, vector<1x16xf32>,
        %get3A_764 = arith.index_cast %add3A_667 : i32 to index
        %get3A_765 = arith.constant 112 : index
        %get3A_766 = tpu.vector_load %arg12[%get3A_764, %get3A_765] {strides = array<i32>} : memref<56x128xf32, #tpu.memory_space<vmem>>, vector<1x16xf32>,
        %get3A_767 = vector.shape_cast %get3A_766 : vector<1x16xf32> to vector<1x16xf32>
        %get3A_768 = arith.index_cast %add3A_667 : i32 to index
        %get3A_769 = arith.constant 112 : index
        %get3A_770 = tpu.vector_load %arg15[%get3A_768, %get3A_769] {strides = array<i32>} : memref<56x128xf32, #tpu.memory_space<vmem>>, vector<1x16xf32>,
        %get3A_771 = vector.shape_cast %get3A_770 : vector<1x16xf32> to vector<1x16xf32>
        %mul3A_772 = arith.mulf %get3A_767, %get3A_771 : vector<1x16xf32>
        %swap3A_773 = arith.index_cast %add3A_667 : i32 to index
        %swap3A_774 = arith.constant 112 : index
        %swap3A_775 = tpu.vector_load %arg12[%swap3A_773, %swap3A_774] {strides = array<i32>} : memref<56x128xf32, #tpu.memory_space<vmem>>, vector<1x16xf32>,
        %swap3A_776 = vector.shape_cast %swap3A_775 : vector<1x16xf32> to vector<1x16xf32>
        %swap3A_777 = vector.shape_cast %mul3A_772 : vector<1x16xf32> to vector<1x16xf32>
        tpu.vector_store %arg12[%swap3A_773, %swap3A_774], %swap3A_777 {strides = array<i32>} : memref<56x128xf32, #tpu.memory_space<vmem>>, vector<1x16xf32>,
      }
      %scan3A_426 = arith.constant 56 : i32
      %gt3A = arith.constant 0 : i32
      %gt3A_427 = arith.cmpi sgt, %add3A_349, %gt3A : i32
      %convert_element_type3A = arith.extui %gt3A_427 : i1 to i32
      %cond3A = arith.constant 0 : i32
      %cond3A_428 = arith.cmpi ne, %convert_element_type3A, %cond3A : i32
      scf.if %cond3A_428 {
        %sub3A_663 = arith.constant 1 : i32
        %sub3A_664 = arith.subi %add3A_353, %sub3A_663 : i32
        %dma_wait3A_665 = arith.constant 2 : i32
        %dma_wait3A_666 = arith.constant 0 : i32
        %dma_wait3A_667 = tpu.memref_slice %arg8[%dma_wait3A_665, %dma_wait3A_666] : memref<3x56xi32, #tpu.memory_space<vmem>> -> memref<1x56xi32, #tpu.memory_space<vmem>>
        %dma_wait3A_668 = tpu.memref_squeeze %dma_wait3A_667 : memref<1x56xi32, #tpu.memory_space<vmem>> -> memref<56xi32, #tpu.memory_space<vmem>>
        %dma_wait3A_669 = arith.constant 0 : i32
        %dma_wait3A_670 = arith.constant 0 : i32
        %dma_wait3A_671 = tpu.memref_slice %arg18[%dma_wait3A_669, %dma_wait3A_670] : memref<10240x128xf32, #tpu.memory_space<vmem_shared>> -> memref<10240x128xf32, #tpu.memory_space<vmem_shared>>
        tpu.wait_indirect_dma semaphore(%arg28 : memref<!tpu.dma_semaphore, #tpu.memory_space<semaphore_mem>>) src(%arg14 : memref<56x128xf32, #tpu.memory_space<vmem>>) dst(%dma_wait3A_671 : memref<10240x128xf32, #tpu.memory_space<vmem_shared>>)
        %add3A_672 = arith.constant 2 : i32
        %add3A_673 = arith.addi %add3A_353, %add3A_672 : i32
        %mul3A_674 = arith.constant 5000 : i32
        %mul3A_675 = arith.muli %add3A, %mul3A_674 : i32
        %mul3A_676 = arith.constant 56 : i32
        %mul3A_677 = arith.muli %add3A_673, %mul3A_676 : i32
        %add3A_678 = arith.addi %mul3A_675, %mul3A_677 : i32
        %add3A_679 = arith.constant 0 : i32
        %add3A_680 = arith.addi %add3A_679, %add3A_678 : i32
        %dma_start3A_681 = arith.constant 2 : i32
        %dma_start3A_682 = arith.constant 0 : i32
        %dma_start3A_683 = tpu.memref_slice %arg8[%dma_start3A_681, %dma_start3A_682] : memref<3x56xi32, #tpu.memory_space<vmem>> -> memref<1x56xi32, #tpu.memory_space<vmem>>
        %dma_start3A_684 = tpu.memref_squeeze %dma_start3A_683 : memref<1x56xi32, #tpu.memory_space<vmem>> -> memref<56xi32, #tpu.memory_space<vmem>>
        %dma_start3A_685 = tpu.memref_slice %arg4[%add3A_680] : memref<320000xi32, #tpu.memory_space<hbm>> -> memref<56xi32, #tpu.memory_space<hbm>>
        %dma_start3A_686 = arith.constant 0 : i32
        %dma_start3A_687 = tpu.memref_slice %arg8[%dma_start3A_681, %dma_start3A_686] : memref<3x56xi32, #tpu.memory_space<vmem>> -> memref<1x56xi32, #tpu.memory_space<vmem>>
        %dma_start3A_688 = tpu.memref_squeeze %dma_start3A_687 : memref<1x56xi32, #tpu.memory_space<vmem>> -> memref<56xi32, #tpu.memory_space<vmem>>
        %dma_start3A_689 = tpu.memref_slice %arg4[%add3A_680] : memref<320000xi32, #tpu.memory_space<hbm>> -> memref<56xi32, #tpu.memory_space<hbm>>
        tpu.enqueue_dma source(%dma_start3A_689 : memref<56xi32, #tpu.memory_space<hbm>>) target(%dma_start3A_688 : memref<56xi32, #tpu.memory_space<vmem>>) target_semaphore(%arg22 : memref<!tpu.dma_semaphore, #tpu.memory_space<semaphore_mem>>)
        %mul3A_690 = arith.constant 5000 : i32
        %mul3A_691 = arith.muli %add3A, %mul3A_690 : i32
        %mul3A_692 = arith.constant 56 : i32
        %mul3A_693 = arith.muli %add3A_673, %mul3A_692 : i32
        %add3A_694 = arith.addi %mul3A_691, %mul3A_693 : i32
        %add3A_695 = arith.constant 0 : i32
        %add3A_696 = arith.addi %add3A_695, %add3A_694 : i32
        %dma_start3A_697 = arith.constant 2 : i32
        %dma_start3A_698 = arith.constant 0 : i32
        %dma_start3A_699 = tpu.memref_slice %arg9[%dma_start3A_697, %dma_start3A_698] : memref<3x56xi32, #tpu.memory_space<vmem>> -> memref<1x56xi32, #tpu.memory_space<vmem>>
        %dma_start3A_700 = tpu.memref_squeeze %dma_start3A_699 : memref<1x56xi32, #tpu.memory_space<vmem>> -> memref<56xi32, #tpu.memory_space<vmem>>
        %dma_start3A_701 = tpu.memref_slice %arg5[%add3A_696] : memref<320000xi32, #tpu.memory_space<hbm>> -> memref<56xi32, #tpu.memory_space<hbm>>
        %dma_start3A_702 = arith.constant 0 : i32
        %dma_start3A_703 = tpu.memref_slice %arg9[%dma_start3A_697, %dma_start3A_702] : memref<3x56xi32, #tpu.memory_space<vmem>> -> memref<1x56xi32, #tpu.memory_space<vmem>>
        %dma_start3A_704 = tpu.memref_squeeze %dma_start3A_703 : memref<1x56xi32, #tpu.memory_space<vmem>> -> memref<56xi32, #tpu.memory_space<vmem>>
        %dma_start3A_705 = tpu.memref_slice %arg5[%add3A_696] : memref<320000xi32, #tpu.memory_space<hbm>> -> memref<56xi32, #tpu.memory_space<hbm>>
        tpu.enqueue_dma source(%dma_start3A_705 : memref<56xi32, #tpu.memory_space<hbm>>) target(%dma_start3A_704 : memref<56xi32, #tpu.memory_space<vmem>>) target_semaphore(%arg22 : memref<!tpu.dma_semaphore, #tpu.memory_space<semaphore_mem>>)
      } else {
      }
      %eq3A = arith.constant 0 : i32
      %eq3A_429 = arith.cmpi eq, %add3A_349, %eq3A : i32
      %convert_element_type3A_430 = arith.extui %eq3A_429 : i1 to i32
      %cond3A_431 = arith.constant 0 : i32
      %cond3A_432 = arith.cmpi ne, %convert_element_type3A_430, %cond3A_431 : i32
      scf.if %cond3A_432 {
        %add3A_663 = arith.constant 2 : i32
        %add3A_664 = arith.addi %add3A_353, %add3A_663 : i32
        %mul3A_665 = arith.constant 5000 : i32
        %mul3A_666 = arith.muli %add3A, %mul3A_665 : i32
        %mul3A_667 = arith.constant 56 : i32
        %mul3A_668 = arith.muli %add3A_664, %mul3A_667 : i32
        %add3A_669 = arith.addi %mul3A_666, %mul3A_668 : i32
        %add3A_670 = arith.constant 0 : i32
        %add3A_671 = arith.addi %add3A_670, %add3A_669 : i32
        %dma_start3A_672 = arith.constant 2 : i32
        %dma_start3A_673 = arith.constant 0 : i32
        %dma_start3A_674 = tpu.memref_slice %arg8[%dma_start3A_672, %dma_start3A_673] : memref<3x56xi32, #tpu.memory_space<vmem>> -> memref<1x56xi32, #tpu.memory_space<vmem>>
        %dma_start3A_675 = tpu.memref_squeeze %dma_start3A_674 : memref<1x56xi32, #tpu.memory_space<vmem>> -> memref<56xi32, #tpu.memory_space<vmem>>
        %dma_start3A_676 = tpu.memref_slice %arg4[%add3A_671] : memref<320000xi32, #tpu.memory_space<hbm>> -> memref<56xi32, #tpu.memory_space<hbm>>
        %dma_start3A_677 = arith.constant 0 : i32
        %dma_start3A_678 = tpu.memref_slice %arg8[%dma_start3A_672, %dma_start3A_677] : memref<3x56xi32, #tpu.memory_space<vmem>> -> memref<1x56xi32, #tpu.memory_space<vmem>>
        %dma_start3A_679 = tpu.memref_squeeze %dma_start3A_678 : memref<1x56xi32, #tpu.memory_space<vmem>> -> memref<56xi32, #tpu.memory_space<vmem>>
        %dma_start3A_680 = tpu.memref_slice %arg4[%add3A_671] : memref<320000xi32, #tpu.memory_space<hbm>> -> memref<56xi32, #tpu.memory_space<hbm>>
        tpu.enqueue_dma source(%dma_start3A_680 : memref<56xi32, #tpu.memory_space<hbm>>) target(%dma_start3A_679 : memref<56xi32, #tpu.memory_space<vmem>>) target_semaphore(%arg22 : memref<!tpu.dma_semaphore, #tpu.memory_space<semaphore_mem>>)
        %mul3A_681 = arith.constant 5000 : i32
        %mul3A_682 = arith.muli %add3A, %mul3A_681 : i32
        %mul3A_683 = arith.constant 56 : i32
        %mul3A_684 = arith.muli %add3A_664, %mul3A_683 : i32
        %add3A_685 = arith.addi %mul3A_682, %mul3A_684 : i32
        %add3A_686 = arith.constant 0 : i32
        %add3A_687 = arith.addi %add3A_686, %add3A_685 : i32
        %dma_start3A_688 = arith.constant 2 : i32
        %dma_start3A_689 = arith.constant 0 : i32
        %dma_start3A_690 = tpu.memref_slice %arg9[%dma_start3A_688, %dma_start3A_689] : memref<3x56xi32, #tpu.memory_space<vmem>> -> memref<1x56xi32, #tpu.memory_space<vmem>>
        %dma_start3A_691 = tpu.memref_squeeze %dma_start3A_690 : memref<1x56xi32, #tpu.memory_space<vmem>> -> memref<56xi32, #tpu.memory_space<vmem>>
        %dma_start3A_692 = tpu.memref_slice %arg5[%add3A_687] : memref<320000xi32, #tpu.memory_space<hbm>> -> memref<56xi32, #tpu.memory_space<hbm>>
        %dma_start3A_693 = arith.constant 0 : i32
        %dma_start3A_694 = tpu.memref_slice %arg9[%dma_start3A_688, %dma_start3A_693] : memref<3x56xi32, #tpu.memory_space<vmem>> -> memref<1x56xi32, #tpu.memory_space<vmem>>
        %dma_start3A_695 = tpu.memref_squeeze %dma_start3A_694 : memref<1x56xi32, #tpu.memory_space<vmem>> -> memref<56xi32, #tpu.memory_space<vmem>>
        %dma_start3A_696 = tpu.memref_slice %arg5[%add3A_687] : memref<320000xi32, #tpu.memory_space<hbm>> -> memref<56xi32, #tpu.memory_space<hbm>>
        tpu.enqueue_dma source(%dma_start3A_696 : memref<56xi32, #tpu.memory_space<hbm>>) target(%dma_start3A_695 : memref<56xi32, #tpu.memory_space<vmem>>) target_semaphore(%arg22 : memref<!tpu.dma_semaphore, #tpu.memory_space<semaphore_mem>>)
      } else {
      }
      %dma_start3A_433 = arith.constant 0 : i32
      %dma_start3A_434 = arith.constant 0 : i32
      %dma_start3A_435 = tpu.memref_slice %arg8[%dma_start3A_433, %dma_start3A_434] : memref<3x56xi32, #tpu.memory_space<vmem>> -> memref<1x56xi32, #tpu.memory_space<vmem>>
      %dma_start3A_436 = tpu.memref_squeeze %dma_start3A_435 : memref<1x56xi32, #tpu.memory_space<vmem>> -> memref<56xi32, #tpu.memory_space<vmem>>
      %dma_start3A_437 = arith.constant 0 : i32
      %dma_start3A_438 = arith.constant 0 : i32
      %dma_start3A_439 = tpu.memref_slice %arg18[%dma_start3A_437, %dma_start3A_438] : memref<10240x128xf32, #tpu.memory_space<vmem_shared>> -> memref<10240x128xf32, #tpu.memory_space<vmem_shared>>
      tpu.enqueue_indirect_dma source(%arg12 : memref<56x128xf32, #tpu.memory_space<vmem>>) target(%dma_start3A_439 : memref<10240x128xf32, #tpu.memory_space<vmem_shared>>) offsets(%dma_start3A_436 : memref<56xi32, #tpu.memory_space<vmem>>) semaphore(%arg26 : memref<!tpu.dma_semaphore, #tpu.memory_space<semaphore_mem>>) {add = true}
      %mul3A_440 = arith.constant 3 : i32
      %mul3A_441 = arith.muli %add3A_349, %mul3A_440 : i32
      %add3A_442 = arith.constant 1 : i32
      %add3A_443 = arith.addi %mul3A_441, %add3A_442 : i32
      %add3A_444 = arith.constant 1 : i32
      %add3A_445 = arith.addi %add3A_443, %add3A_444 : i32
      %mul3A_446 = arith.constant 5000 : i32
      %mul3A_447 = arith.muli %add3A, %mul3A_446 : i32
      %mul3A_448 = arith.constant 56 : i32
      %mul3A_449 = arith.muli %add3A_445, %mul3A_448 : i32
      %add3A_450 = arith.addi %mul3A_447, %mul3A_449 : i32
      %add3A_451 = arith.constant 0 : i32
      %add3A_452 = arith.addi %add3A_451, %add3A_450 : i32
      %dma_wait3A_453 = arith.constant 2 : i32
      %dma_wait3A_454 = arith.constant 0 : i32
      %dma_wait3A_455 = tpu.memref_slice %arg8[%dma_wait3A_453, %dma_wait3A_454] : memref<3x56xi32, #tpu.memory_space<vmem>> -> memref<1x56xi32, #tpu.memory_space<vmem>>
      %dma_wait3A_456 = tpu.memref_squeeze %dma_wait3A_455 : memref<1x56xi32, #tpu.memory_space<vmem>> -> memref<56xi32, #tpu.memory_space<vmem>>
      %dma_wait3A_457 = tpu.memref_slice %arg4[%add3A_452] : memref<320000xi32, #tpu.memory_space<hbm>> -> memref<56xi32, #tpu.memory_space<hbm>>
      %dma_wait3A_458 = arith.constant 0 : i32
      %dma_wait3A_459 = tpu.memref_slice %arg8[%dma_wait3A_453, %dma_wait3A_458] : memref<3x56xi32, #tpu.memory_space<vmem>> -> memref<1x56xi32, #tpu.memory_space<vmem>>
      %dma_wait3A_460 = tpu.memref_squeeze %dma_wait3A_459 : memref<1x56xi32, #tpu.memory_space<vmem>> -> memref<56xi32, #tpu.memory_space<vmem>>
      %dma_wait3A_461 = tpu.memref_slice %arg4[%add3A_452] : memref<320000xi32, #tpu.memory_space<hbm>> -> memref<56xi32, #tpu.memory_space<hbm>>
      tpu.wait_dma2 semaphore(%arg22 : memref<!tpu.dma_semaphore, #tpu.memory_space<semaphore_mem>>) src(%dma_wait3A_461 : memref<56xi32, #tpu.memory_space<hbm>>) dst(%dma_wait3A_460 : memref<56xi32, #tpu.memory_space<vmem>>)
      %mul3A_462 = arith.constant 5000 : i32
      %mul3A_463 = arith.muli %add3A, %mul3A_462 : i32
      %mul3A_464 = arith.constant 56 : i32
      %mul3A_465 = arith.muli %add3A_445, %mul3A_464 : i32
      %add3A_466 = arith.addi %mul3A_463, %mul3A_465 : i32
      %add3A_467 = arith.constant 0 : i32
      %add3A_468 = arith.addi %add3A_467, %add3A_466 : i32
      %dma_wait3A_469 = arith.constant 2 : i32
      %dma_wait3A_470 = arith.constant 0 : i32
      %dma_wait3A_471 = tpu.memref_slice %arg9[%dma_wait3A_469, %dma_wait3A_470] : memref<3x56xi32, #tpu.memory_space<vmem>> -> memref<1x56xi32, #tpu.memory_space<vmem>>
      %dma_wait3A_472 = tpu.memref_squeeze %dma_wait3A_471 : memref<1x56xi32, #tpu.memory_space<vmem>> -> memref<56xi32, #tpu.memory_space<vmem>>
      %dma_wait3A_473 = tpu.memref_slice %arg5[%add3A_468] : memref<320000xi32, #tpu.memory_space<hbm>> -> memref<56xi32, #tpu.memory_space<hbm>>
      %dma_wait3A_474 = arith.constant 0 : i32
      %dma_wait3A_475 = tpu.memref_slice %arg9[%dma_wait3A_469, %dma_wait3A_474] : memref<3x56xi32, #tpu.memory_space<vmem>> -> memref<1x56xi32, #tpu.memory_space<vmem>>
      %dma_wait3A_476 = tpu.memref_squeeze %dma_wait3A_475 : memref<1x56xi32, #tpu.memory_space<vmem>> -> memref<56xi32, #tpu.memory_space<vmem>>
      %dma_wait3A_477 = tpu.memref_slice %arg5[%add3A_468] : memref<320000xi32, #tpu.memory_space<hbm>> -> memref<56xi32, #tpu.memory_space<hbm>>
      tpu.wait_dma2 semaphore(%arg22 : memref<!tpu.dma_semaphore, #tpu.memory_space<semaphore_mem>>) src(%dma_wait3A_477 : memref<56xi32, #tpu.memory_space<hbm>>) dst(%dma_wait3A_476 : memref<56xi32, #tpu.memory_space<vmem>>)
      %add3A_478 = arith.constant 1 : i32
      %add3A_479 = arith.addi %add3A_443, %add3A_478 : i32
      %dma_start3A_480 = arith.constant 2 : i32
      %dma_start3A_481 = arith.constant 0 : i32
      %dma_start3A_482 = tpu.memref_slice %arg9[%dma_start3A_480, %dma_start3A_481] : memref<3x56xi32, #tpu.memory_space<vmem>> -> memref<1x56xi32, #tpu.memory_space<vmem>>
      %dma_start3A_483 = tpu.memref_squeeze %dma_start3A_482 : memref<1x56xi32, #tpu.memory_space<vmem>> -> memref<56xi32, #tpu.memory_space<vmem>>
      %dma_start3A_484 = arith.constant 0 : i32
      %dma_start3A_485 = arith.constant 0 : i32
      %dma_start3A_486 = tpu.memref_slice %arg2[%dma_start3A_484, %dma_start3A_485] : memref<10000x128xf32, #tpu.memory_space<hbm>> -> memref<10000x128xf32, #tpu.memory_space<hbm>>
      tpu.enqueue_indirect_dma source(%dma_start3A_486 : memref<10000x128xf32, #tpu.memory_space<hbm>>) target(%arg14 : memref<56x128xf32, #tpu.memory_space<vmem>>) offsets(%dma_start3A_483 : memref<56xi32, #tpu.memory_space<vmem>>) semaphore(%arg25 : memref<!tpu.dma_semaphore, #tpu.memory_space<semaphore_mem>>)
      %mul3A_487 = arith.constant 5000 : i32
      %mul3A_488 = arith.muli %add3A, %mul3A_487 : i32
      %mul3A_489 = arith.constant 56 : i32
      %mul3A_490 = arith.muli %add3A_479, %mul3A_489 : i32
      %add3A_491 = arith.addi %mul3A_488, %mul3A_490 : i32
      %dma_start3A_492 = arith.constant 0 : i32
      %dma_start3A_493 = tpu.memref_slice %arg3[%add3A_491, %dma_start3A_492] : memref<160000x128xf32, #tpu.memory_space<hbm>> -> memref<56x128xf32, #tpu.memory_space<hbm>>
      %dma_start3A_494 = arith.constant 0 : i32
      %dma_start3A_495 = tpu.memref_slice %arg3[%add3A_491, %dma_start3A_494] : memref<160000x128xf32, #tpu.memory_space<hbm>> -> memref<56x128xf32, #tpu.memory_space<hbm>>
      tpu.enqueue_dma source(%dma_start3A_495 : memref<56x128xf32, #tpu.memory_space<hbm>>) target(%arg17 : memref<56x128xf32, #tpu.memory_space<vmem>>) target_semaphore(%arg25 : memref<!tpu.dma_semaphore, #tpu.memory_space<semaphore_mem>>)
      %dma_wait3A_496 = arith.constant 1 : i32
      %dma_wait3A_497 = arith.constant 0 : i32
      %dma_wait3A_498 = tpu.memref_slice %arg9[%dma_wait3A_496, %dma_wait3A_497] : memref<3x56xi32, #tpu.memory_space<vmem>> -> memref<1x56xi32, #tpu.memory_space<vmem>>
      %dma_wait3A_499 = tpu.memref_squeeze %dma_wait3A_498 : memref<1x56xi32, #tpu.memory_space<vmem>> -> memref<56xi32, #tpu.memory_space<vmem>>
      %dma_wait3A_500 = arith.constant 0 : i32
      %dma_wait3A_501 = arith.constant 0 : i32
      %dma_wait3A_502 = tpu.memref_slice %arg2[%dma_wait3A_500, %dma_wait3A_501] : memref<10000x128xf32, #tpu.memory_space<hbm>> -> memref<10000x128xf32, #tpu.memory_space<hbm>>
      tpu.wait_indirect_dma semaphore(%arg24 : memref<!tpu.dma_semaphore, #tpu.memory_space<semaphore_mem>>) src(%dma_wait3A_502 : memref<10000x128xf32, #tpu.memory_space<hbm>>) dst(%arg13 : memref<56x128xf32, #tpu.memory_space<vmem>>)
      %mul3A_503 = arith.constant 5000 : i32
      %mul3A_504 = arith.muli %add3A, %mul3A_503 : i32
      %mul3A_505 = arith.constant 56 : i32
      %mul3A_506 = arith.muli %add3A_443, %mul3A_505 : i32
      %add3A_507 = arith.addi %mul3A_504, %mul3A_506 : i32
      %dma_wait3A_508 = arith.constant 0 : i32
      %dma_wait3A_509 = tpu.memref_slice %arg3[%add3A_507, %dma_wait3A_508] : memref<160000x128xf32, #tpu.memory_space<hbm>> -> memref<56x128xf32, #tpu.memory_space<hbm>>
      %dma_wait3A_510 = arith.constant 0 : i32
      %dma_wait3A_511 = tpu.memref_slice %arg3[%add3A_507, %dma_wait3A_510] : memref<160000x128xf32, #tpu.memory_space<hbm>> -> memref<56x128xf32, #tpu.memory_space<hbm>>
      tpu.wait_dma2 semaphore(%arg24 : memref<!tpu.dma_semaphore, #tpu.memory_space<semaphore_mem>>) src(%dma_wait3A_511 : memref<56x128xf32, #tpu.memory_space<hbm>>) dst(%arg16 : memref<56x128xf32, #tpu.memory_space<vmem>>)
      %scan3A_512 = arith.constant 0 : i32
      %scan3A_513 = arith.constant 56 : i32
      %scan3A_514 = arith.addi %scan3A_512, %scan3A_513 : i32
      %scan3A_515 = arith.constant 1 : i32
      scf.for %scan3A_663 = %scan3A_512 to %scan3A_514 step %scan3A_515  : i32 {
        %mul3A_664 = arith.constant 1 : i32
        %mul3A_665 = arith.muli %scan3A_663, %mul3A_664 : i32
        %add3A_666 = arith.constant 0 : i32
        %add3A_667 = arith.addi %add3A_666, %mul3A_665 : i32
        %get3A = arith.index_cast %add3A_667 : i32 to index
        %get3A_668 = arith.constant 0 : index
        %get3A_669 = tpu.vector_load %arg13[%get3A, %get3A_668] {strides = array<i32>} : memref<56x128xf32, #tpu.memory_space<vmem>>, vector<1x16xf32>,
        %get3A_670 = vector.shape_cast %get3A_669 : vector<1x16xf32> to vector<1x16xf32>
        %get3A_671 = arith.index_cast %add3A_667 : i32 to index
        %get3A_672 = arith.constant 0 : index
        %get3A_673 = tpu.vector_load %arg16[%get3A_671, %get3A_672] {strides = array<i32>} : memref<56x128xf32, #tpu.memory_space<vmem>>, vector<1x16xf32>,
        %get3A_674 = vector.shape_cast %get3A_673 : vector<1x16xf32> to vector<1x16xf32>
        %mul3A_675 = arith.mulf %get3A_670, %get3A_674 : vector<1x16xf32>
        %swap3A = arith.index_cast %add3A_667 : i32 to index
        %swap3A_676 = arith.constant 0 : index
        %swap3A_677 = tpu.vector_load %arg13[%swap3A, %swap3A_676] {strides = array<i32>} : memref<56x128xf32, #tpu.memory_space<vmem>>, vector<1x16xf32>,
        %swap3A_678 = vector.shape_cast %swap3A_677 : vector<1x16xf32> to vector<1x16xf32>
        %swap3A_679 = vector.shape_cast %mul3A_675 : vector<1x16xf32> to vector<1x16xf32>
        tpu.vector_store %arg13[%swap3A, %swap3A_676], %swap3A_679 {strides = array<i32>} : memref<56x128xf32, #tpu.memory_space<vmem>>, vector<1x16xf32>,
        %get3A_680 = arith.index_cast %add3A_667 : i32 to index
        %get3A_681 = arith.constant 16 : index
        %get3A_682 = tpu.vector_load %arg13[%get3A_680, %get3A_681] {strides = array<i32>} : memref<56x128xf32, #tpu.memory_space<vmem>>, vector<1x16xf32>,
        %get3A_683 = vector.shape_cast %get3A_682 : vector<1x16xf32> to vector<1x16xf32>
        %get3A_684 = arith.index_cast %add3A_667 : i32 to index
        %get3A_685 = arith.constant 16 : index
        %get3A_686 = tpu.vector_load %arg16[%get3A_684, %get3A_685] {strides = array<i32>} : memref<56x128xf32, #tpu.memory_space<vmem>>, vector<1x16xf32>,
        %get3A_687 = vector.shape_cast %get3A_686 : vector<1x16xf32> to vector<1x16xf32>
        %mul3A_688 = arith.mulf %get3A_683, %get3A_687 : vector<1x16xf32>
        %swap3A_689 = arith.index_cast %add3A_667 : i32 to index
        %swap3A_690 = arith.constant 16 : index
        %swap3A_691 = tpu.vector_load %arg13[%swap3A_689, %swap3A_690] {strides = array<i32>} : memref<56x128xf32, #tpu.memory_space<vmem>>, vector<1x16xf32>,
        %swap3A_692 = vector.shape_cast %swap3A_691 : vector<1x16xf32> to vector<1x16xf32>
        %swap3A_693 = vector.shape_cast %mul3A_688 : vector<1x16xf32> to vector<1x16xf32>
        tpu.vector_store %arg13[%swap3A_689, %swap3A_690], %swap3A_693 {strides = array<i32>} : memref<56x128xf32, #tpu.memory_space<vmem>>, vector<1x16xf32>,
        %get3A_694 = arith.index_cast %add3A_667 : i32 to index
        %get3A_695 = arith.constant 32 : index
        %get3A_696 = tpu.vector_load %arg13[%get3A_694, %get3A_695] {strides = array<i32>} : memref<56x128xf32, #tpu.memory_space<vmem>>, vector<1x16xf32>,
        %get3A_697 = vector.shape_cast %get3A_696 : vector<1x16xf32> to vector<1x16xf32>
        %get3A_698 = arith.index_cast %add3A_667 : i32 to index
        %get3A_699 = arith.constant 32 : index
        %get3A_700 = tpu.vector_load %arg16[%get3A_698, %get3A_699] {strides = array<i32>} : memref<56x128xf32, #tpu.memory_space<vmem>>, vector<1x16xf32>,
        %get3A_701 = vector.shape_cast %get3A_700 : vector<1x16xf32> to vector<1x16xf32>
        %mul3A_702 = arith.mulf %get3A_697, %get3A_701 : vector<1x16xf32>
        %swap3A_703 = arith.index_cast %add3A_667 : i32 to index
        %swap3A_704 = arith.constant 32 : index
        %swap3A_705 = tpu.vector_load %arg13[%swap3A_703, %swap3A_704] {strides = array<i32>} : memref<56x128xf32, #tpu.memory_space<vmem>>, vector<1x16xf32>,
        %swap3A_706 = vector.shape_cast %swap3A_705 : vector<1x16xf32> to vector<1x16xf32>
        %swap3A_707 = vector.shape_cast %mul3A_702 : vector<1x16xf32> to vector<1x16xf32>
        tpu.vector_store %arg13[%swap3A_703, %swap3A_704], %swap3A_707 {strides = array<i32>} : memref<56x128xf32, #tpu.memory_space<vmem>>, vector<1x16xf32>,
        %get3A_708 = arith.index_cast %add3A_667 : i32 to index
        %get3A_709 = arith.constant 48 : index
        %get3A_710 = tpu.vector_load %arg13[%get3A_708, %get3A_709] {strides = array<i32>} : memref<56x128xf32, #tpu.memory_space<vmem>>, vector<1x16xf32>,
        %get3A_711 = vector.shape_cast %get3A_710 : vector<1x16xf32> to vector<1x16xf32>
        %get3A_712 = arith.index_cast %add3A_667 : i32 to index
        %get3A_713 = arith.constant 48 : index
        %get3A_714 = tpu.vector_load %arg16[%get3A_712, %get3A_713] {strides = array<i32>} : memref<56x128xf32, #tpu.memory_space<vmem>>, vector<1x16xf32>,
        %get3A_715 = vector.shape_cast %get3A_714 : vector<1x16xf32> to vector<1x16xf32>
        %mul3A_716 = arith.mulf %get3A_711, %get3A_715 : vector<1x16xf32>
        %swap3A_717 = arith.index_cast %add3A_667 : i32 to index
        %swap3A_718 = arith.constant 48 : index
        %swap3A_719 = tpu.vector_load %arg13[%swap3A_717, %swap3A_718] {strides = array<i32>} : memref<56x128xf32, #tpu.memory_space<vmem>>, vector<1x16xf32>,
        %swap3A_720 = vector.shape_cast %swap3A_719 : vector<1x16xf32> to vector<1x16xf32>
        %swap3A_721 = vector.shape_cast %mul3A_716 : vector<1x16xf32> to vector<1x16xf32>
        tpu.vector_store %arg13[%swap3A_717, %swap3A_718], %swap3A_721 {strides = array<i32>} : memref<56x128xf32, #tpu.memory_space<vmem>>, vector<1x16xf32>,
        %get3A_722 = arith.index_cast %add3A_667 : i32 to index
        %get3A_723 = arith.constant 64 : index
        %get3A_724 = tpu.vector_load %arg13[%get3A_722, %get3A_723] {strides = array<i32>} : memref<56x128xf32, #tpu.memory_space<vmem>>, vector<1x16xf32>,
        %get3A_725 = vector.shape_cast %get3A_724 : vector<1x16xf32> to vector<1x16xf32>
        %get3A_726 = arith.index_cast %add3A_667 : i32 to index
        %get3A_727 = arith.constant 64 : index
        %get3A_728 = tpu.vector_load %arg16[%get3A_726, %get3A_727] {strides = array<i32>} : memref<56x128xf32, #tpu.memory_space<vmem>>, vector<1x16xf32>,
        %get3A_729 = vector.shape_cast %get3A_728 : vector<1x16xf32> to vector<1x16xf32>
        %mul3A_730 = arith.mulf %get3A_725, %get3A_729 : vector<1x16xf32>
        %swap3A_731 = arith.index_cast %add3A_667 : i32 to index
        %swap3A_732 = arith.constant 64 : index
        %swap3A_733 = tpu.vector_load %arg13[%swap3A_731, %swap3A_732] {strides = array<i32>} : memref<56x128xf32, #tpu.memory_space<vmem>>, vector<1x16xf32>,
        %swap3A_734 = vector.shape_cast %swap3A_733 : vector<1x16xf32> to vector<1x16xf32>
        %swap3A_735 = vector.shape_cast %mul3A_730 : vector<1x16xf32> to vector<1x16xf32>
        tpu.vector_store %arg13[%swap3A_731, %swap3A_732], %swap3A_735 {strides = array<i32>} : memref<56x128xf32, #tpu.memory_space<vmem>>, vector<1x16xf32>,
        %get3A_736 = arith.index_cast %add3A_667 : i32 to index
        %get3A_737 = arith.constant 80 : index
        %get3A_738 = tpu.vector_load %arg13[%get3A_736, %get3A_737] {strides = array<i32>} : memref<56x128xf32, #tpu.memory_space<vmem>>, vector<1x16xf32>,
        %get3A_739 = vector.shape_cast %get3A_738 : vector<1x16xf32> to vector<1x16xf32>
        %get3A_740 = arith.index_cast %add3A_667 : i32 to index
        %get3A_741 = arith.constant 80 : index
        %get3A_742 = tpu.vector_load %arg16[%get3A_740, %get3A_741] {strides = array<i32>} : memref<56x128xf32, #tpu.memory_space<vmem>>, vector<1x16xf32>,
        %get3A_743 = vector.shape_cast %get3A_742 : vector<1x16xf32> to vector<1x16xf32>
        %mul3A_744 = arith.mulf %get3A_739, %get3A_743 : vector<1x16xf32>
        %swap3A_745 = arith.index_cast %add3A_667 : i32 to index
        %swap3A_746 = arith.constant 80 : index
        %swap3A_747 = tpu.vector_load %arg13[%swap3A_745, %swap3A_746] {strides = array<i32>} : memref<56x128xf32, #tpu.memory_space<vmem>>, vector<1x16xf32>,
        %swap3A_748 = vector.shape_cast %swap3A_747 : vector<1x16xf32> to vector<1x16xf32>
        %swap3A_749 = vector.shape_cast %mul3A_744 : vector<1x16xf32> to vector<1x16xf32>
        tpu.vector_store %arg13[%swap3A_745, %swap3A_746], %swap3A_749 {strides = array<i32>} : memref<56x128xf32, #tpu.memory_space<vmem>>, vector<1x16xf32>,
        %get3A_750 = arith.index_cast %add3A_667 : i32 to index
        %get3A_751 = arith.constant 96 : index
        %get3A_752 = tpu.vector_load %arg13[%get3A_750, %get3A_751] {strides = array<i32>} : memref<56x128xf32, #tpu.memory_space<vmem>>, vector<1x16xf32>,
        %get3A_753 = vector.shape_cast %get3A_752 : vector<1x16xf32> to vector<1x16xf32>
        %get3A_754 = arith.index_cast %add3A_667 : i32 to index
        %get3A_755 = arith.constant 96 : index
        %get3A_756 = tpu.vector_load %arg16[%get3A_754, %get3A_755] {strides = array<i32>} : memref<56x128xf32, #tpu.memory_space<vmem>>, vector<1x16xf32>,
        %get3A_757 = vector.shape_cast %get3A_756 : vector<1x16xf32> to vector<1x16xf32>
        %mul3A_758 = arith.mulf %get3A_753, %get3A_757 : vector<1x16xf32>
        %swap3A_759 = arith.index_cast %add3A_667 : i32 to index
        %swap3A_760 = arith.constant 96 : index
        %swap3A_761 = tpu.vector_load %arg13[%swap3A_759, %swap3A_760] {strides = array<i32>} : memref<56x128xf32, #tpu.memory_space<vmem>>, vector<1x16xf32>,
        %swap3A_762 = vector.shape_cast %swap3A_761 : vector<1x16xf32> to vector<1x16xf32>
        %swap3A_763 = vector.shape_cast %mul3A_758 : vector<1x16xf32> to vector<1x16xf32>
        tpu.vector_store %arg13[%swap3A_759, %swap3A_760], %swap3A_763 {strides = array<i32>} : memref<56x128xf32, #tpu.memory_space<vmem>>, vector<1x16xf32>,
        %get3A_764 = arith.index_cast %add3A_667 : i32 to index
        %get3A_765 = arith.constant 112 : index
        %get3A_766 = tpu.vector_load %arg13[%get3A_764, %get3A_765] {strides = array<i32>} : memref<56x128xf32, #tpu.memory_space<vmem>>, vector<1x16xf32>,
        %get3A_767 = vector.shape_cast %get3A_766 : vector<1x16xf32> to vector<1x16xf32>
        %get3A_768 = arith.index_cast %add3A_667 : i32 to index
        %get3A_769 = arith.constant 112 : index
        %get3A_770 = tpu.vector_load %arg16[%get3A_768, %get3A_769] {strides = array<i32>} : memref<56x128xf32, #tpu.memory_space<vmem>>, vector<1x16xf32>,
        %get3A_771 = vector.shape_cast %get3A_770 : vector<1x16xf32> to vector<1x16xf32>
        %mul3A_772 = arith.mulf %get3A_767, %get3A_771 : vector<1x16xf32>
        %swap3A_773 = arith.index_cast %add3A_667 : i32 to index
        %swap3A_774 = arith.constant 112 : index
        %swap3A_775 = tpu.vector_load %arg13[%swap3A_773, %swap3A_774] {strides = array<i32>} : memref<56x128xf32, #tpu.memory_space<vmem>>, vector<1x16xf32>,
        %swap3A_776 = vector.shape_cast %swap3A_775 : vector<1x16xf32> to vector<1x16xf32>
        %swap3A_777 = vector.shape_cast %mul3A_772 : vector<1x16xf32> to vector<1x16xf32>
        tpu.vector_store %arg13[%swap3A_773, %swap3A_774], %swap3A_777 {strides = array<i32>} : memref<56x128xf32, #tpu.memory_space<vmem>>, vector<1x16xf32>,
      }
      %scan3A_516 = arith.constant 56 : i32
      %sub3A = arith.constant 1 : i32
      %sub3A_517 = arith.subi %add3A_443, %sub3A : i32
      %dma_wait3A_518 = arith.constant 0 : i32
      %dma_wait3A_519 = arith.constant 0 : i32
      %dma_wait3A_520 = tpu.memref_slice %arg8[%dma_wait3A_518, %dma_wait3A_519] : memref<3x56xi32, #tpu.memory_space<vmem>> -> memref<1x56xi32, #tpu.memory_space<vmem>>
      %dma_wait3A_521 = tpu.memref_squeeze %dma_wait3A_520 : memref<1x56xi32, #tpu.memory_space<vmem>> -> memref<56xi32, #tpu.memory_space<vmem>>
      %dma_wait3A_522 = arith.constant 0 : i32
      %dma_wait3A_523 = arith.constant 0 : i32
      %dma_wait3A_524 = tpu.memref_slice %arg18[%dma_wait3A_522, %dma_wait3A_523] : memref<10240x128xf32, #tpu.memory_space<vmem_shared>> -> memref<10240x128xf32, #tpu.memory_space<vmem_shared>>
      tpu.wait_indirect_dma semaphore(%arg26 : memref<!tpu.dma_semaphore, #tpu.memory_space<semaphore_mem>>) src(%arg12 : memref<56x128xf32, #tpu.memory_space<vmem>>) dst(%dma_wait3A_524 : memref<10240x128xf32, #tpu.memory_space<vmem_shared>>)
      %add3A_525 = arith.constant 2 : i32
      %add3A_526 = arith.addi %add3A_443, %add3A_525 : i32
      %mul3A_527 = arith.constant 5000 : i32
      %mul3A_528 = arith.muli %add3A, %mul3A_527 : i32
      %mul3A_529 = arith.constant 56 : i32
      %mul3A_530 = arith.muli %add3A_526, %mul3A_529 : i32
      %add3A_531 = arith.addi %mul3A_528, %mul3A_530 : i32
      %add3A_532 = arith.constant 0 : i32
      %add3A_533 = arith.addi %add3A_532, %add3A_531 : i32
      %dma_start3A_534 = arith.constant 0 : i32
      %dma_start3A_535 = arith.constant 0 : i32
      %dma_start3A_536 = tpu.memref_slice %arg8[%dma_start3A_534, %dma_start3A_535] : memref<3x56xi32, #tpu.memory_space<vmem>> -> memref<1x56xi32, #tpu.memory_space<vmem>>
      %dma_start3A_537 = tpu.memref_squeeze %dma_start3A_536 : memref<1x56xi32, #tpu.memory_space<vmem>> -> memref<56xi32, #tpu.memory_space<vmem>>
      %dma_start3A_538 = tpu.memref_slice %arg4[%add3A_533] : memref<320000xi32, #tpu.memory_space<hbm>> -> memref<56xi32, #tpu.memory_space<hbm>>
      %dma_start3A_539 = arith.constant 0 : i32
      %dma_start3A_540 = tpu.memref_slice %arg8[%dma_start3A_534, %dma_start3A_539] : memref<3x56xi32, #tpu.memory_space<vmem>> -> memref<1x56xi32, #tpu.memory_space<vmem>>
      %dma_start3A_541 = tpu.memref_squeeze %dma_start3A_540 : memref<1x56xi32, #tpu.memory_space<vmem>> -> memref<56xi32, #tpu.memory_space<vmem>>
      %dma_start3A_542 = tpu.memref_slice %arg4[%add3A_533] : memref<320000xi32, #tpu.memory_space<hbm>> -> memref<56xi32, #tpu.memory_space<hbm>>
      tpu.enqueue_dma source(%dma_start3A_542 : memref<56xi32, #tpu.memory_space<hbm>>) target(%dma_start3A_541 : memref<56xi32, #tpu.memory_space<vmem>>) target_semaphore(%arg20 : memref<!tpu.dma_semaphore, #tpu.memory_space<semaphore_mem>>)
      %mul3A_543 = arith.constant 5000 : i32
      %mul3A_544 = arith.muli %add3A, %mul3A_543 : i32
      %mul3A_545 = arith.constant 56 : i32
      %mul3A_546 = arith.muli %add3A_526, %mul3A_545 : i32
      %add3A_547 = arith.addi %mul3A_544, %mul3A_546 : i32
      %add3A_548 = arith.constant 0 : i32
      %add3A_549 = arith.addi %add3A_548, %add3A_547 : i32
      %dma_start3A_550 = arith.constant 0 : i32
      %dma_start3A_551 = arith.constant 0 : i32
      %dma_start3A_552 = tpu.memref_slice %arg9[%dma_start3A_550, %dma_start3A_551] : memref<3x56xi32, #tpu.memory_space<vmem>> -> memref<1x56xi32, #tpu.memory_space<vmem>>
      %dma_start3A_553 = tpu.memref_squeeze %dma_start3A_552 : memref<1x56xi32, #tpu.memory_space<vmem>> -> memref<56xi32, #tpu.memory_space<vmem>>
      %dma_start3A_554 = tpu.memref_slice %arg5[%add3A_549] : memref<320000xi32, #tpu.memory_space<hbm>> -> memref<56xi32, #tpu.memory_space<hbm>>
      %dma_start3A_555 = arith.constant 0 : i32
      %dma_start3A_556 = tpu.memref_slice %arg9[%dma_start3A_550, %dma_start3A_555] : memref<3x56xi32, #tpu.memory_space<vmem>> -> memref<1x56xi32, #tpu.memory_space<vmem>>
      %dma_start3A_557 = tpu.memref_squeeze %dma_start3A_556 : memref<1x56xi32, #tpu.memory_space<vmem>> -> memref<56xi32, #tpu.memory_space<vmem>>
      %dma_start3A_558 = tpu.memref_slice %arg5[%add3A_549] : memref<320000xi32, #tpu.memory_space<hbm>> -> memref<56xi32, #tpu.memory_space<hbm>>
      tpu.enqueue_dma source(%dma_start3A_558 : memref<56xi32, #tpu.memory_space<hbm>>) target(%dma_start3A_557 : memref<56xi32, #tpu.memory_space<vmem>>) target_semaphore(%arg20 : memref<!tpu.dma_semaphore, #tpu.memory_space<semaphore_mem>>)
      %dma_start3A_559 = arith.constant 1 : i32
      %dma_start3A_560 = arith.constant 0 : i32
      %dma_start3A_561 = tpu.memref_slice %arg8[%dma_start3A_559, %dma_start3A_560] : memref<3x56xi32, #tpu.memory_space<vmem>> -> memref<1x56xi32, #tpu.memory_space<vmem>>
      %dma_start3A_562 = tpu.memref_squeeze %dma_start3A_561 : memref<1x56xi32, #tpu.memory_space<vmem>> -> memref<56xi32, #tpu.memory_space<vmem>>
      %dma_start3A_563 = arith.constant 0 : i32
      %dma_start3A_564 = arith.constant 0 : i32
      %dma_start3A_565 = tpu.memref_slice %arg18[%dma_start3A_563, %dma_start3A_564] : memref<10240x128xf32, #tpu.memory_space<vmem_shared>> -> memref<10240x128xf32, #tpu.memory_space<vmem_shared>>
      tpu.enqueue_indirect_dma source(%arg13 : memref<56x128xf32, #tpu.memory_space<vmem>>) target(%dma_start3A_565 : memref<10240x128xf32, #tpu.memory_space<vmem_shared>>) offsets(%dma_start3A_562 : memref<56xi32, #tpu.memory_space<vmem>>) semaphore(%arg27 : memref<!tpu.dma_semaphore, #tpu.memory_space<semaphore_mem>>) {add = true}
      %mul3A_566 = arith.constant 3 : i32
      %mul3A_567 = arith.muli %add3A_349, %mul3A_566 : i32
      %add3A_568 = arith.constant 2 : i32
      %add3A_569 = arith.addi %mul3A_567, %add3A_568 : i32
      %add3A_570 = arith.constant 1 : i32
      %add3A_571 = arith.addi %add3A_569, %add3A_570 : i32
      %mul3A_572 = arith.constant 5000 : i32
      %mul3A_573 = arith.muli %add3A, %mul3A_572 : i32
      %mul3A_574 = arith.constant 56 : i32
      %mul3A_575 = arith.muli %add3A_571, %mul3A_574 : i32
      %add3A_576 = arith.addi %mul3A_573, %mul3A_575 : i32
      %add3A_577 = arith.constant 0 : i32
      %add3A_578 = arith.addi %add3A_577, %add3A_576 : i32
      %dma_wait3A_579 = arith.constant 0 : i32
      %dma_wait3A_580 = arith.constant 0 : i32
      %dma_wait3A_581 = tpu.memref_slice %arg8[%dma_wait3A_579, %dma_wait3A_580] : memref<3x56xi32, #tpu.memory_space<vmem>> -> memref<1x56xi32, #tpu.memory_space<vmem>>
      %dma_wait3A_582 = tpu.memref_squeeze %dma_wait3A_581 : memref<1x56xi32, #tpu.memory_space<vmem>> -> memref<56xi32, #tpu.memory_space<vmem>>
      %dma_wait3A_583 = tpu.memref_slice %arg4[%add3A_578] : memref<320000xi32, #tpu.memory_space<hbm>> -> memref<56xi32, #tpu.memory_space<hbm>>
      %dma_wait3A_584 = arith.constant 0 : i32
      %dma_wait3A_585 = tpu.memref_slice %arg8[%dma_wait3A_579, %dma_wait3A_584] : memref<3x56xi32, #tpu.memory_space<vmem>> -> memref<1x56xi32, #tpu.memory_space<vmem>>
      %dma_wait3A_586 = tpu.memref_squeeze %dma_wait3A_585 : memref<1x56xi32, #tpu.memory_space<vmem>> -> memref<56xi32, #tpu.memory_space<vmem>>
      %dma_wait3A_587 = tpu.memref_slice %arg4[%add3A_578] : memref<320000xi32, #tpu.memory_space<hbm>> -> memref<56xi32, #tpu.memory_space<hbm>>
      tpu.wait_dma2 semaphore(%arg20 : memref<!tpu.dma_semaphore, #tpu.memory_space<semaphore_mem>>) src(%dma_wait3A_587 : memref<56xi32, #tpu.memory_space<hbm>>) dst(%dma_wait3A_586 : memref<56xi32, #tpu.memory_space<vmem>>)
      %mul3A_588 = arith.constant 5000 : i32
      %mul3A_589 = arith.muli %add3A, %mul3A_588 : i32
      %mul3A_590 = arith.constant 56 : i32
      %mul3A_591 = arith.muli %add3A_571, %mul3A_590 : i32
      %add3A_592 = arith.addi %mul3A_589, %mul3A_591 : i32
      %add3A_593 = arith.constant 0 : i32
      %add3A_594 = arith.addi %add3A_593, %add3A_592 : i32
      %dma_wait3A_595 = arith.constant 0 : i32
      %dma_wait3A_596 = arith.constant 0 : i32
      %dma_wait3A_597 = tpu.memref_slice %arg9[%dma_wait3A_595, %dma_wait3A_596] : memref<3x56xi32, #tpu.memory_space<vmem>> -> memref<1x56xi32, #tpu.memory_space<vmem>>
      %dma_wait3A_598 = tpu.memref_squeeze %dma_wait3A_597 : memref<1x56xi32, #tpu.memory_space<vmem>> -> memref<56xi32, #tpu.memory_space<vmem>>
      %dma_wait3A_599 = tpu.memref_slice %arg5[%add3A_594] : memref<320000xi32, #tpu.memory_space<hbm>> -> memref<56xi32, #tpu.memory_space<hbm>>
      %dma_wait3A_600 = arith.constant 0 : i32
      %dma_wait3A_601 = tpu.memref_slice %arg9[%dma_wait3A_595, %dma_wait3A_600] : memref<3x56xi32, #tpu.memory_space<vmem>> -> memref<1x56xi32, #tpu.memory_space<vmem>>
      %dma_wait3A_602 = tpu.memref_squeeze %dma_wait3A_601 : memref<1x56xi32, #tpu.memory_space<vmem>> -> memref<56xi32, #tpu.memory_space<vmem>>
      %dma_wait3A_603 = tpu.memref_slice %arg5[%add3A_594] : memref<320000xi32, #tpu.memory_space<hbm>> -> memref<56xi32, #tpu.memory_space<hbm>>
      tpu.wait_dma2 semaphore(%arg20 : memref<!tpu.dma_semaphore, #tpu.memory_space<semaphore_mem>>) src(%dma_wait3A_603 : memref<56xi32, #tpu.memory_space<hbm>>) dst(%dma_wait3A_602 : memref<56xi32, #tpu.memory_space<vmem>>)
      %add3A_604 = arith.constant 1 : i32
      %add3A_605 = arith.addi %add3A_569, %add3A_604 : i32
      %dma_start3A_606 = arith.constant 0 : i32
      %dma_start3A_607 = arith.constant 0 : i32
      %dma_start3A_608 = tpu.memref_slice %arg9[%dma_start3A_606, %dma_start3A_607] : memref<3x56xi32, #tpu.memory_space<vmem>> -> memref<1x56xi32, #tpu.memory_space<vmem>>
      %dma_start3A_609 = tpu.memref_squeeze %dma_start3A_608 : memref<1x56xi32, #tpu.memory_space<vmem>> -> memref<56xi32, #tpu.memory_space<vmem>>
      %dma_start3A_610 = arith.constant 0 : i32
      %dma_start3A_611 = arith.constant 0 : i32
      %dma_start3A_612 = tpu.memref_slice %arg2[%dma_start3A_610, %dma_start3A_611] : memref<10000x128xf32, #tpu.memory_space<hbm>> -> memref<10000x128xf32, #tpu.memory_space<hbm>>
      tpu.enqueue_indirect_dma source(%dma_start3A_612 : memref<10000x128xf32, #tpu.memory_space<hbm>>) target(%arg12 : memref<56x128xf32, #tpu.memory_space<vmem>>) offsets(%dma_start3A_609 : memref<56xi32, #tpu.memory_space<vmem>>) semaphore(%arg23 : memref<!tpu.dma_semaphore, #tpu.memory_space<semaphore_mem>>)
      %mul3A_613 = arith.constant 5000 : i32
      %mul3A_614 = arith.muli %add3A, %mul3A_613 : i32
      %mul3A_615 = arith.constant 56 : i32
      %mul3A_616 = arith.muli %add3A_605, %mul3A_615 : i32
      %add3A_617 = arith.addi %mul3A_614, %mul3A_616 : i32
      %dma_start3A_618 = arith.constant 0 : i32
      %dma_start3A_619 = tpu.memref_slice %arg3[%add3A_617, %dma_start3A_618] : memref<160000x128xf32, #tpu.memory_space<hbm>> -> memref<56x128xf32, #tpu.memory_space<hbm>>
      %dma_start3A_620 = arith.constant 0 : i32
      %dma_start3A_621 = tpu.memref_slice %arg3[%add3A_617, %dma_start3A_620] : memref<160000x128xf32, #tpu.memory_space<hbm>> -> memref<56x128xf32, #tpu.memory_space<hbm>>
      tpu.enqueue_dma source(%dma_start3A_621 : memref<56x128xf32, #tpu.memory_space<hbm>>) target(%arg15 : memref<56x128xf32, #tpu.memory_space<vmem>>) target_semaphore(%arg23 : memref<!tpu.dma_semaphore, #tpu.memory_space<semaphore_mem>>)
      %dma_wait3A_622 = arith.constant 2 : i32
      %dma_wait3A_623 = arith.constant 0 : i32
      %dma_wait3A_624 = tpu.memref_slice %arg9[%dma_wait3A_622, %dma_wait3A_623] : memref<3x56xi32, #tpu.memory_space<vmem>> -> memref<1x56xi32, #tpu.memory_space<vmem>>
      %dma_wait3A_625 = tpu.memref_squeeze %dma_wait3A_624 : memref<1x56xi32, #tpu.memory_space<vmem>> -> memref<56xi32, #tpu.memory_space<vmem>>
      %dma_wait3A_626 = arith.constant 0 : i32
      %dma_wait3A_627 = arith.constant 0 : i32
      %dma_wait3A_628 = tpu.memref_slice %arg2[%dma_wait3A_626, %dma_wait3A_627] : memref<10000x128xf32, #tpu.memory_space<hbm>> -> memref<10000x128xf32, #tpu.memory_space<hbm>>
      tpu.wait_indirect_dma semaphore(%arg25 : memref<!tpu.dma_semaphore, #tpu.memory_space<semaphore_mem>>) src(%dma_wait3A_628 : memref<10000x128xf32, #tpu.memory_space<hbm>>) dst(%arg14 : memref<56x128xf32, #tpu.memory_space<vmem>>)
      %mul3A_629 = arith.constant 5000 : i32
      %mul3A_630 = arith.muli %add3A, %mul3A_629 : i32
      %mul3A_631 = arith.constant 56 : i32
      %mul3A_632 = arith.muli %add3A_569, %mul3A_631 : i32
      %add3A_633 = arith.addi %mul3A_630, %mul3A_632 : i32
      %dma_wait3A_634 = arith.constant 0 : i32
      %dma_wait3A_635 = tpu.memref_slice %arg3[%add3A_633, %dma_wait3A_634] : memref<160000x128xf32, #tpu.memory_space<hbm>> -> memref<56x128xf32, #tpu.memory_space<hbm>>
      %dma_wait3A_636 = arith.constant 0 : i32
      %dma_wait3A_637 = tpu.memref_slice %arg3[%add3A_633, %dma_wait3A_636] : memref<160000x128xf32, #tpu.memory_space<hbm>> -> memref<56x128xf32, #tpu.memory_space<hbm>>
      tpu.wait_dma2 semaphore(%arg25 : memref<!tpu.dma_semaphore, #tpu.memory_space<semaphore_mem>>) src(%dma_wait3A_637 : memref<56x128xf32, #tpu.memory_space<hbm>>) dst(%arg17 : memref<56x128xf32, #tpu.memory_space<vmem>>)
      %scan3A_638 = arith.constant 0 : i32
      %scan3A_639 = arith.constant 56 : i32
      %scan3A_640 = arith.addi %scan3A_638, %scan3A_639 : i32
      %scan3A_641 = arith.constant 1 : i32
      scf.for %scan3A_663 = %scan3A_638 to %scan3A_640 step %scan3A_641  : i32 {
        %mul3A_664 = arith.constant 1 : i32
        %mul3A_665 = arith.muli %scan3A_663, %mul3A_664 : i32
        %add3A_666 = arith.constant 0 : i32
        %add3A_667 = arith.addi %add3A_666, %mul3A_665 : i32
        %get3A = arith.index_cast %add3A_667 : i32 to index
        %get3A_668 = arith.constant 0 : index
        %get3A_669 = tpu.vector_load %arg14[%get3A, %get3A_668] {strides = array<i32>} : memref<56x128xf32, #tpu.memory_space<vmem>>, vector<1x16xf32>,
        %get3A_670 = vector.shape_cast %get3A_669 : vector<1x16xf32> to vector<1x16xf32>
        %get3A_671 = arith.index_cast %add3A_667 : i32 to index
        %get3A_672 = arith.constant 0 : index
        %get3A_673 = tpu.vector_load %arg17[%get3A_671, %get3A_672] {strides = array<i32>} : memref<56x128xf32, #tpu.memory_space<vmem>>, vector<1x16xf32>,
        %get3A_674 = vector.shape_cast %get3A_673 : vector<1x16xf32> to vector<1x16xf32>
        %mul3A_675 = arith.mulf %get3A_670, %get3A_674 : vector<1x16xf32>
        %swap3A = arith.index_cast %add3A_667 : i32 to index
        %swap3A_676 = arith.constant 0 : index
        %swap3A_677 = tpu.vector_load %arg14[%swap3A, %swap3A_676] {strides = array<i32>} : memref<56x128xf32, #tpu.memory_space<vmem>>, vector<1x16xf32>,
        %swap3A_678 = vector.shape_cast %swap3A_677 : vector<1x16xf32> to vector<1x16xf32>
        %swap3A_679 = vector.shape_cast %mul3A_675 : vector<1x16xf32> to vector<1x16xf32>
        tpu.vector_store %arg14[%swap3A, %swap3A_676], %swap3A_679 {strides = array<i32>} : memref<56x128xf32, #tpu.memory_space<vmem>>, vector<1x16xf32>,
        %get3A_680 = arith.index_cast %add3A_667 : i32 to index
        %get3A_681 = arith.constant 16 : index
        %get3A_682 = tpu.vector_load %arg14[%get3A_680, %get3A_681] {strides = array<i32>} : memref<56x128xf32, #tpu.memory_space<vmem>>, vector<1x16xf32>,
        %get3A_683 = vector.shape_cast %get3A_682 : vector<1x16xf32> to vector<1x16xf32>
        %get3A_684 = arith.index_cast %add3A_667 : i32 to index
        %get3A_685 = arith.constant 16 : index
        %get3A_686 = tpu.vector_load %arg17[%get3A_684, %get3A_685] {strides = array<i32>} : memref<56x128xf32, #tpu.memory_space<vmem>>, vector<1x16xf32>,
        %get3A_687 = vector.shape_cast %get3A_686 : vector<1x16xf32> to vector<1x16xf32>
        %mul3A_688 = arith.mulf %get3A_683, %get3A_687 : vector<1x16xf32>
        %swap3A_689 = arith.index_cast %add3A_667 : i32 to index
        %swap3A_690 = arith.constant 16 : index
        %swap3A_691 = tpu.vector_load %arg14[%swap3A_689, %swap3A_690] {strides = array<i32>} : memref<56x128xf32, #tpu.memory_space<vmem>>, vector<1x16xf32>,
        %swap3A_692 = vector.shape_cast %swap3A_691 : vector<1x16xf32> to vector<1x16xf32>
        %swap3A_693 = vector.shape_cast %mul3A_688 : vector<1x16xf32> to vector<1x16xf32>
        tpu.vector_store %arg14[%swap3A_689, %swap3A_690], %swap3A_693 {strides = array<i32>} : memref<56x128xf32, #tpu.memory_space<vmem>>, vector<1x16xf32>,
        %get3A_694 = arith.index_cast %add3A_667 : i32 to index
        %get3A_695 = arith.constant 32 : index
        %get3A_696 = tpu.vector_load %arg14[%get3A_694, %get3A_695] {strides = array<i32>} : memref<56x128xf32, #tpu.memory_space<vmem>>, vector<1x16xf32>,
        %get3A_697 = vector.shape_cast %get3A_696 : vector<1x16xf32> to vector<1x16xf32>
        %get3A_698 = arith.index_cast %add3A_667 : i32 to index
        %get3A_699 = arith.constant 32 : index
        %get3A_700 = tpu.vector_load %arg17[%get3A_698, %get3A_699] {strides = array<i32>} : memref<56x128xf32, #tpu.memory_space<vmem>>, vector<1x16xf32>,
        %get3A_701 = vector.shape_cast %get3A_700 : vector<1x16xf32> to vector<1x16xf32>
        %mul3A_702 = arith.mulf %get3A_697, %get3A_701 : vector<1x16xf32>
        %swap3A_703 = arith.index_cast %add3A_667 : i32 to index
        %swap3A_704 = arith.constant 32 : index
        %swap3A_705 = tpu.vector_load %arg14[%swap3A_703, %swap3A_704] {strides = array<i32>} : memref<56x128xf32, #tpu.memory_space<vmem>>, vector<1x16xf32>,
        %swap3A_706 = vector.shape_cast %swap3A_705 : vector<1x16xf32> to vector<1x16xf32>
        %swap3A_707 = vector.shape_cast %mul3A_702 : vector<1x16xf32> to vector<1x16xf32>
        tpu.vector_store %arg14[%swap3A_703, %swap3A_704], %swap3A_707 {strides = array<i32>} : memref<56x128xf32, #tpu.memory_space<vmem>>, vector<1x16xf32>,
        %get3A_708 = arith.index_cast %add3A_667 : i32 to index
        %get3A_709 = arith.constant 48 : index
        %get3A_710 = tpu.vector_load %arg14[%get3A_708, %get3A_709] {strides = array<i32>} : memref<56x128xf32, #tpu.memory_space<vmem>>, vector<1x16xf32>,
        %get3A_711 = vector.shape_cast %get3A_710 : vector<1x16xf32> to vector<1x16xf32>
        %get3A_712 = arith.index_cast %add3A_667 : i32 to index
        %get3A_713 = arith.constant 48 : index
        %get3A_714 = tpu.vector_load %arg17[%get3A_712, %get3A_713] {strides = array<i32>} : memref<56x128xf32, #tpu.memory_space<vmem>>, vector<1x16xf32>,
        %get3A_715 = vector.shape_cast %get3A_714 : vector<1x16xf32> to vector<1x16xf32>
        %mul3A_716 = arith.mulf %get3A_711, %get3A_715 : vector<1x16xf32>
        %swap3A_717 = arith.index_cast %add3A_667 : i32 to index
        %swap3A_718 = arith.constant 48 : index
        %swap3A_719 = tpu.vector_load %arg14[%swap3A_717, %swap3A_718] {strides = array<i32>} : memref<56x128xf32, #tpu.memory_space<vmem>>, vector<1x16xf32>,
        %swap3A_720 = vector.shape_cast %swap3A_719 : vector<1x16xf32> to vector<1x16xf32>
        %swap3A_721 = vector.shape_cast %mul3A_716 : vector<1x16xf32> to vector<1x16xf32>
        tpu.vector_store %arg14[%swap3A_717, %swap3A_718], %swap3A_721 {strides = array<i32>} : memref<56x128xf32, #tpu.memory_space<vmem>>, vector<1x16xf32>,
        %get3A_722 = arith.index_cast %add3A_667 : i32 to index
        %get3A_723 = arith.constant 64 : index
        %get3A_724 = tpu.vector_load %arg14[%get3A_722, %get3A_723] {strides = array<i32>} : memref<56x128xf32, #tpu.memory_space<vmem>>, vector<1x16xf32>,
        %get3A_725 = vector.shape_cast %get3A_724 : vector<1x16xf32> to vector<1x16xf32>
        %get3A_726 = arith.index_cast %add3A_667 : i32 to index
        %get3A_727 = arith.constant 64 : index
        %get3A_728 = tpu.vector_load %arg17[%get3A_726, %get3A_727] {strides = array<i32>} : memref<56x128xf32, #tpu.memory_space<vmem>>, vector<1x16xf32>,
        %get3A_729 = vector.shape_cast %get3A_728 : vector<1x16xf32> to vector<1x16xf32>
        %mul3A_730 = arith.mulf %get3A_725, %get3A_729 : vector<1x16xf32>
        %swap3A_731 = arith.index_cast %add3A_667 : i32 to index
        %swap3A_732 = arith.constant 64 : index
        %swap3A_733 = tpu.vector_load %arg14[%swap3A_731, %swap3A_732] {strides = array<i32>} : memref<56x128xf32, #tpu.memory_space<vmem>>, vector<1x16xf32>,
        %swap3A_734 = vector.shape_cast %swap3A_733 : vector<1x16xf32> to vector<1x16xf32>
        %swap3A_735 = vector.shape_cast %mul3A_730 : vector<1x16xf32> to vector<1x16xf32>
        tpu.vector_store %arg14[%swap3A_731, %swap3A_732], %swap3A_735 {strides = array<i32>} : memref<56x128xf32, #tpu.memory_space<vmem>>, vector<1x16xf32>,
        %get3A_736 = arith.index_cast %add3A_667 : i32 to index
        %get3A_737 = arith.constant 80 : index
        %get3A_738 = tpu.vector_load %arg14[%get3A_736, %get3A_737] {strides = array<i32>} : memref<56x128xf32, #tpu.memory_space<vmem>>, vector<1x16xf32>,
        %get3A_739 = vector.shape_cast %get3A_738 : vector<1x16xf32> to vector<1x16xf32>
        %get3A_740 = arith.index_cast %add3A_667 : i32 to index
        %get3A_741 = arith.constant 80 : index
        %get3A_742 = tpu.vector_load %arg17[%get3A_740, %get3A_741] {strides = array<i32>} : memref<56x128xf32, #tpu.memory_space<vmem>>, vector<1x16xf32>,
        %get3A_743 = vector.shape_cast %get3A_742 : vector<1x16xf32> to vector<1x16xf32>
        %mul3A_744 = arith.mulf %get3A_739, %get3A_743 : vector<1x16xf32>
        %swap3A_745 = arith.index_cast %add3A_667 : i32 to index
        %swap3A_746 = arith.constant 80 : index
        %swap3A_747 = tpu.vector_load %arg14[%swap3A_745, %swap3A_746] {strides = array<i32>} : memref<56x128xf32, #tpu.memory_space<vmem>>, vector<1x16xf32>,
        %swap3A_748 = vector.shape_cast %swap3A_747 : vector<1x16xf32> to vector<1x16xf32>
        %swap3A_749 = vector.shape_cast %mul3A_744 : vector<1x16xf32> to vector<1x16xf32>
        tpu.vector_store %arg14[%swap3A_745, %swap3A_746], %swap3A_749 {strides = array<i32>} : memref<56x128xf32, #tpu.memory_space<vmem>>, vector<1x16xf32>,
        %get3A_750 = arith.index_cast %add3A_667 : i32 to index
        %get3A_751 = arith.constant 96 : index
        %get3A_752 = tpu.vector_load %arg14[%get3A_750, %get3A_751] {strides = array<i32>} : memref<56x128xf32, #tpu.memory_space<vmem>>, vector<1x16xf32>,
        %get3A_753 = vector.shape_cast %get3A_752 : vector<1x16xf32> to vector<1x16xf32>
        %get3A_754 = arith.index_cast %add3A_667 : i32 to index
        %get3A_755 = arith.constant 96 : index
        %get3A_756 = tpu.vector_load %arg17[%get3A_754, %get3A_755] {strides = array<i32>} : memref<56x128xf32, #tpu.memory_space<vmem>>, vector<1x16xf32>,
        %get3A_757 = vector.shape_cast %get3A_756 : vector<1x16xf32> to vector<1x16xf32>
        %mul3A_758 = arith.mulf %get3A_753, %get3A_757 : vector<1x16xf32>
        %swap3A_759 = arith.index_cast %add3A_667 : i32 to index
        %swap3A_760 = arith.constant 96 : index
        %swap3A_761 = tpu.vector_load %arg14[%swap3A_759, %swap3A_760] {strides = array<i32>} : memref<56x128xf32, #tpu.memory_space<vmem>>, vector<1x16xf32>,
        %swap3A_762 = vector.shape_cast %swap3A_761 : vector<1x16xf32> to vector<1x16xf32>
        %swap3A_763 = vector.shape_cast %mul3A_758 : vector<1x16xf32> to vector<1x16xf32>
        tpu.vector_store %arg14[%swap3A_759, %swap3A_760], %swap3A_763 {strides = array<i32>} : memref<56x128xf32, #tpu.memory_space<vmem>>, vector<1x16xf32>,
        %get3A_764 = arith.index_cast %add3A_667 : i32 to index
        %get3A_765 = arith.constant 112 : index
        %get3A_766 = tpu.vector_load %arg14[%get3A_764, %get3A_765] {strides = array<i32>} : memref<56x128xf32, #tpu.memory_space<vmem>>, vector<1x16xf32>,
        %get3A_767 = vector.shape_cast %get3A_766 : vector<1x16xf32> to vector<1x16xf32>
        %get3A_768 = arith.index_cast %add3A_667 : i32 to index
        %get3A_769 = arith.constant 112 : index
        %get3A_770 = tpu.vector_load %arg17[%get3A_768, %get3A_769] {strides = array<i32>} : memref<56x128xf32, #tpu.memory_space<vmem>>, vector<1x16xf32>,
        %get3A_771 = vector.shape_cast %get3A_770 : vector<1x16xf32> to vector<1x16xf32>
        %mul3A_772 = arith.mulf %get3A_767, %get3A_771 : vector<1x16xf32>
        %swap3A_773 = arith.index_cast %add3A_667 : i32 to index
        %swap3A_774 = arith.constant 112 : index
        %swap3A_775 = tpu.vector_load %arg14[%swap3A_773, %swap3A_774] {strides = array<i32>} : memref<56x128xf32, #tpu.memory_space<vmem>>, vector<1x16xf32>,
        %swap3A_776 = vector.shape_cast %swap3A_775 : vector<1x16xf32> to vector<1x16xf32>
        %swap3A_777 = vector.shape_cast %mul3A_772 : vector<1x16xf32> to vector<1x16xf32>
        tpu.vector_store %arg14[%swap3A_773, %swap3A_774], %swap3A_777 {strides = array<i32>} : memref<56x128xf32, #tpu.memory_space<vmem>>, vector<1x16xf32>,
      }
      %scan3A_642 = arith.constant 56 : i32
      %sub3A_643 = arith.constant 1 : i32
      %sub3A_644 = arith.subi %add3A_569, %sub3A_643 : i32
      %dma_wait3A_645 = arith.constant 1 : i32
      %dma_wait3A_646 = arith.constant 0 : i32
      %dma_wait3A_647 = tpu.memref_slice %arg8[%dma_wait3A_645, %dma_wait3A_646] : memref<3x56xi32, #tpu.memory_space<vmem>> -> memref<1x56xi32, #tpu.memory_space<vmem>>
      %dma_wait3A_648 = tpu.memref_squeeze %dma_wait3A_647 : memref<1x56xi32, #tpu.memory_space<vmem>> -> memref<56xi32, #tpu.memory_space<vmem>>
      %dma_wait3A_649 = arith.constant 0 : i32
      %dma_wait3A_650 = arith.constant 0 : i32
      %dma_wait3A_651 = tpu.memref_slice %arg18[%dma_wait3A_649, %dma_wait3A_650] : memref<10240x128xf32, #tpu.memory_space<vmem_shared>> -> memref<10240x128xf32, #tpu.memory_space<vmem_shared>>
      tpu.wait_indirect_dma semaphore(%arg27 : memref<!tpu.dma_semaphore, #tpu.memory_space<semaphore_mem>>) src(%arg13 : memref<56x128xf32, #tpu.memory_space<vmem>>) dst(%dma_wait3A_651 : memref<10240x128xf32, #tpu.memory_space<vmem_shared>>)
      %lt3A = arith.constant 28 : i32
      %lt3A_652 = arith.cmpi slt, %add3A_349, %lt3A : i32
      %convert_element_type3A_653 = arith.extui %lt3A_652 : i1 to i32
      %cond3A_654 = arith.constant 0 : i32
      %cond3A_655 = arith.cmpi ne, %convert_element_type3A_653, %cond3A_654 : i32
      scf.if %cond3A_655 {
        %add3A_663 = arith.constant 2 : i32
        %add3A_664 = arith.addi %add3A_569, %add3A_663 : i32
        %mul3A_665 = arith.constant 5000 : i32
        %mul3A_666 = arith.muli %add3A, %mul3A_665 : i32
        %mul3A_667 = arith.constant 56 : i32
        %mul3A_668 = arith.muli %add3A_664, %mul3A_667 : i32
        %add3A_669 = arith.addi %mul3A_666, %mul3A_668 : i32
        %add3A_670 = arith.constant 0 : i32
        %add3A_671 = arith.addi %add3A_670, %add3A_669 : i32
        %dma_start3A_672 = arith.constant 1 : i32
        %dma_start3A_673 = arith.constant 0 : i32
        %dma_start3A_674 = tpu.memref_slice %arg8[%dma_start3A_672, %dma_start3A_673] : memref<3x56xi32, #tpu.memory_space<vmem>> -> memref<1x56xi32, #tpu.memory_space<vmem>>
        %dma_start3A_675 = tpu.memref_squeeze %dma_start3A_674 : memref<1x56xi32, #tpu.memory_space<vmem>> -> memref<56xi32, #tpu.memory_space<vmem>>
        %dma_start3A_676 = tpu.memref_slice %arg4[%add3A_671] : memref<320000xi32, #tpu.memory_space<hbm>> -> memref<56xi32, #tpu.memory_space<hbm>>
        %dma_start3A_677 = arith.constant 0 : i32
        %dma_start3A_678 = tpu.memref_slice %arg8[%dma_start3A_672, %dma_start3A_677] : memref<3x56xi32, #tpu.memory_space<vmem>> -> memref<1x56xi32, #tpu.memory_space<vmem>>
        %dma_start3A_679 = tpu.memref_squeeze %dma_start3A_678 : memref<1x56xi32, #tpu.memory_space<vmem>> -> memref<56xi32, #tpu.memory_space<vmem>>
        %dma_start3A_680 = tpu.memref_slice %arg4[%add3A_671] : memref<320000xi32, #tpu.memory_space<hbm>> -> memref<56xi32, #tpu.memory_space<hbm>>
        tpu.enqueue_dma source(%dma_start3A_680 : memref<56xi32, #tpu.memory_space<hbm>>) target(%dma_start3A_679 : memref<56xi32, #tpu.memory_space<vmem>>) target_semaphore(%arg21 : memref<!tpu.dma_semaphore, #tpu.memory_space<semaphore_mem>>)
        %mul3A_681 = arith.constant 5000 : i32
        %mul3A_682 = arith.muli %add3A, %mul3A_681 : i32
        %mul3A_683 = arith.constant 56 : i32
        %mul3A_684 = arith.muli %add3A_664, %mul3A_683 : i32
        %add3A_685 = arith.addi %mul3A_682, %mul3A_684 : i32
        %add3A_686 = arith.constant 0 : i32
        %add3A_687 = arith.addi %add3A_686, %add3A_685 : i32
        %dma_start3A_688 = arith.constant 1 : i32
        %dma_start3A_689 = arith.constant 0 : i32
        %dma_start3A_690 = tpu.memref_slice %arg9[%dma_start3A_688, %dma_start3A_689] : memref<3x56xi32, #tpu.memory_space<vmem>> -> memref<1x56xi32, #tpu.memory_space<vmem>>
        %dma_start3A_691 = tpu.memref_squeeze %dma_start3A_690 : memref<1x56xi32, #tpu.memory_space<vmem>> -> memref<56xi32, #tpu.memory_space<vmem>>
        %dma_start3A_692 = tpu.memref_slice %arg5[%add3A_687] : memref<320000xi32, #tpu.memory_space<hbm>> -> memref<56xi32, #tpu.memory_space<hbm>>
        %dma_start3A_693 = arith.constant 0 : i32
        %dma_start3A_694 = tpu.memref_slice %arg9[%dma_start3A_688, %dma_start3A_693] : memref<3x56xi32, #tpu.memory_space<vmem>> -> memref<1x56xi32, #tpu.memory_space<vmem>>
        %dma_start3A_695 = tpu.memref_squeeze %dma_start3A_694 : memref<1x56xi32, #tpu.memory_space<vmem>> -> memref<56xi32, #tpu.memory_space<vmem>>
        %dma_start3A_696 = tpu.memref_slice %arg5[%add3A_687] : memref<320000xi32, #tpu.memory_space<hbm>> -> memref<56xi32, #tpu.memory_space<hbm>>
        tpu.enqueue_dma source(%dma_start3A_696 : memref<56xi32, #tpu.memory_space<hbm>>) target(%dma_start3A_695 : memref<56xi32, #tpu.memory_space<vmem>>) target_semaphore(%arg21 : memref<!tpu.dma_semaphore, #tpu.memory_space<semaphore_mem>>)
      } else {
      }
      %dma_start3A_656 = arith.constant 2 : i32
      %dma_start3A_657 = arith.constant 0 : i32
      %dma_start3A_658 = tpu.memref_slice %arg8[%dma_start3A_656, %dma_start3A_657] : memref<3x56xi32, #tpu.memory_space<vmem>> -> memref<1x56xi32, #tpu.memory_space<vmem>>
      %dma_start3A_659 = tpu.memref_squeeze %dma_start3A_658 : memref<1x56xi32, #tpu.memory_space<vmem>> -> memref<56xi32, #tpu.memory_space<vmem>>
      %dma_start3A_660 = arith.constant 0 : i32
      %dma_start3A_661 = arith.constant 0 : i32
      %dma_start3A_662 = tpu.memref_slice %arg18[%dma_start3A_660, %dma_start3A_661] : memref<10240x128xf32, #tpu.memory_space<vmem_shared>> -> memref<10240x128xf32, #tpu.memory_space<vmem_shared>>
      tpu.enqueue_indirect_dma source(%arg14 : memref<56x128xf32, #tpu.memory_space<vmem>>) target(%dma_start3A_662 : memref<10240x128xf32, #tpu.memory_space<vmem_shared>>) offsets(%dma_start3A_659 : memref<56xi32, #tpu.memory_space<vmem>>) semaphore(%arg28 : memref<!tpu.dma_semaphore, #tpu.memory_space<semaphore_mem>>) {add = true}
    }
    %scan3A_115 = arith.constant 29 : i32
    %mul3A_116 = arith.constant 5000 : i32
    %mul3A_117 = arith.muli %add3A, %mul3A_116 : i32
    %add3A_118 = arith.constant 4928 : i32
    %add3A_119 = arith.addi %mul3A_117, %add3A_118 : i32
    %add3A_120 = arith.constant 0 : i32
    %add3A_121 = arith.addi %add3A_120, %add3A_119 : i32
    %dma_start3A_122 = arith.constant 1 : i32
    %dma_start3A_123 = arith.constant 0 : i32
    %dma_start3A_124 = tpu.memref_slice %arg8[%dma_start3A_122, %dma_start3A_123] : memref<3x56xi32, #tpu.memory_space<vmem>> -> memref<1x56xi32, #tpu.memory_space<vmem>>
    %dma_start3A_125 = tpu.memref_squeeze %dma_start3A_124 : memref<1x56xi32, #tpu.memory_space<vmem>> -> memref<56xi32, #tpu.memory_space<vmem>>
    %dma_start3A_126 = tpu.memref_slice %arg4[%add3A_121] : memref<320000xi32, #tpu.memory_space<hbm>> -> memref<56xi32, #tpu.memory_space<hbm>>
    %dma_start3A_127 = arith.constant 0 : i32
    %dma_start3A_128 = tpu.memref_slice %arg8[%dma_start3A_122, %dma_start3A_127] : memref<3x56xi32, #tpu.memory_space<vmem>> -> memref<1x56xi32, #tpu.memory_space<vmem>>
    %dma_start3A_129 = tpu.memref_squeeze %dma_start3A_128 : memref<1x56xi32, #tpu.memory_space<vmem>> -> memref<56xi32, #tpu.memory_space<vmem>>
    %dma_start3A_130 = tpu.memref_slice %arg4[%add3A_121] : memref<320000xi32, #tpu.memory_space<hbm>> -> memref<56xi32, #tpu.memory_space<hbm>>
    tpu.enqueue_dma source(%dma_start3A_130 : memref<56xi32, #tpu.memory_space<hbm>>) target(%dma_start3A_129 : memref<56xi32, #tpu.memory_space<vmem>>) target_semaphore(%arg21 : memref<!tpu.dma_semaphore, #tpu.memory_space<semaphore_mem>>)
    %mul3A_131 = arith.constant 5000 : i32
    %mul3A_132 = arith.muli %add3A, %mul3A_131 : i32
    %add3A_133 = arith.constant 4928 : i32
    %add3A_134 = arith.addi %mul3A_132, %add3A_133 : i32
    %add3A_135 = arith.constant 0 : i32
    %add3A_136 = arith.addi %add3A_135, %add3A_134 : i32
    %dma_start3A_137 = arith.constant 1 : i32
    %dma_start3A_138 = arith.constant 0 : i32
    %dma_start3A_139 = tpu.memref_slice %arg9[%dma_start3A_137, %dma_start3A_138] : memref<3x56xi32, #tpu.memory_space<vmem>> -> memref<1x56xi32, #tpu.memory_space<vmem>>
    %dma_start3A_140 = tpu.memref_squeeze %dma_start3A_139 : memref<1x56xi32, #tpu.memory_space<vmem>> -> memref<56xi32, #tpu.memory_space<vmem>>
    %dma_start3A_141 = tpu.memref_slice %arg5[%add3A_136] : memref<320000xi32, #tpu.memory_space<hbm>> -> memref<56xi32, #tpu.memory_space<hbm>>
    %dma_start3A_142 = arith.constant 0 : i32
    %dma_start3A_143 = tpu.memref_slice %arg9[%dma_start3A_137, %dma_start3A_142] : memref<3x56xi32, #tpu.memory_space<vmem>> -> memref<1x56xi32, #tpu.memory_space<vmem>>
    %dma_start3A_144 = tpu.memref_squeeze %dma_start3A_143 : memref<1x56xi32, #tpu.memory_space<vmem>> -> memref<56xi32, #tpu.memory_space<vmem>>
    %dma_start3A_145 = tpu.memref_slice %arg5[%add3A_136] : memref<320000xi32, #tpu.memory_space<hbm>> -> memref<56xi32, #tpu.memory_space<hbm>>
    tpu.enqueue_dma source(%dma_start3A_145 : memref<56xi32, #tpu.memory_space<hbm>>) target(%dma_start3A_144 : memref<56xi32, #tpu.memory_space<vmem>>) target_semaphore(%arg21 : memref<!tpu.dma_semaphore, #tpu.memory_space<semaphore_mem>>)
    %mul3A_146 = arith.constant 5000 : i32
    %mul3A_147 = arith.muli %add3A, %mul3A_146 : i32
    %add3A_148 = arith.constant 4928 : i32
    %add3A_149 = arith.addi %mul3A_147, %add3A_148 : i32
    %add3A_150 = arith.constant 0 : i32
    %add3A_151 = arith.addi %add3A_150, %add3A_149 : i32
    %dma_wait3A_152 = arith.constant 1 : i32
    %dma_wait3A_153 = arith.constant 0 : i32
    %dma_wait3A_154 = tpu.memref_slice %arg8[%dma_wait3A_152, %dma_wait3A_153] : memref<3x56xi32, #tpu.memory_space<vmem>> -> memref<1x56xi32, #tpu.memory_space<vmem>>
    %dma_wait3A_155 = tpu.memref_squeeze %dma_wait3A_154 : memref<1x56xi32, #tpu.memory_space<vmem>> -> memref<56xi32, #tpu.memory_space<vmem>>
    %dma_wait3A_156 = tpu.memref_slice %arg4[%add3A_151] : memref<320000xi32, #tpu.memory_space<hbm>> -> memref<56xi32, #tpu.memory_space<hbm>>
    %dma_wait3A_157 = arith.constant 0 : i32
    %dma_wait3A_158 = tpu.memref_slice %arg8[%dma_wait3A_152, %dma_wait3A_157] : memref<3x56xi32, #tpu.memory_space<vmem>> -> memref<1x56xi32, #tpu.memory_space<vmem>>
    %dma_wait3A_159 = tpu.memref_squeeze %dma_wait3A_158 : memref<1x56xi32, #tpu.memory_space<vmem>> -> memref<56xi32, #tpu.memory_space<vmem>>
    %dma_wait3A_160 = tpu.memref_slice %arg4[%add3A_151] : memref<320000xi32, #tpu.memory_space<hbm>> -> memref<56xi32, #tpu.memory_space<hbm>>
    tpu.wait_dma2 semaphore(%arg21 : memref<!tpu.dma_semaphore, #tpu.memory_space<semaphore_mem>>) src(%dma_wait3A_160 : memref<56xi32, #tpu.memory_space<hbm>>) dst(%dma_wait3A_159 : memref<56xi32, #tpu.memory_space<vmem>>)
    %mul3A_161 = arith.constant 5000 : i32
    %mul3A_162 = arith.muli %add3A, %mul3A_161 : i32
    %add3A_163 = arith.constant 4928 : i32
    %add3A_164 = arith.addi %mul3A_162, %add3A_163 : i32
    %add3A_165 = arith.constant 0 : i32
    %add3A_166 = arith.addi %add3A_165, %add3A_164 : i32
    %dma_wait3A_167 = arith.constant 1 : i32
    %dma_wait3A_168 = arith.constant 0 : i32
    %dma_wait3A_169 = tpu.memref_slice %arg9[%dma_wait3A_167, %dma_wait3A_168] : memref<3x56xi32, #tpu.memory_space<vmem>> -> memref<1x56xi32, #tpu.memory_space<vmem>>
    %dma_wait3A_170 = tpu.memref_squeeze %dma_wait3A_169 : memref<1x56xi32, #tpu.memory_space<vmem>> -> memref<56xi32, #tpu.memory_space<vmem>>
    %dma_wait3A_171 = tpu.memref_slice %arg5[%add3A_166] : memref<320000xi32, #tpu.memory_space<hbm>> -> memref<56xi32, #tpu.memory_space<hbm>>
    %dma_wait3A_172 = arith.constant 0 : i32
    %dma_wait3A_173 = tpu.memref_slice %arg9[%dma_wait3A_167, %dma_wait3A_172] : memref<3x56xi32, #tpu.memory_space<vmem>> -> memref<1x56xi32, #tpu.memory_space<vmem>>
    %dma_wait3A_174 = tpu.memref_squeeze %dma_wait3A_173 : memref<1x56xi32, #tpu.memory_space<vmem>> -> memref<56xi32, #tpu.memory_space<vmem>>
    %dma_wait3A_175 = tpu.memref_slice %arg5[%add3A_166] : memref<320000xi32, #tpu.memory_space<hbm>> -> memref<56xi32, #tpu.memory_space<hbm>>
    tpu.wait_dma2 semaphore(%arg21 : memref<!tpu.dma_semaphore, #tpu.memory_space<semaphore_mem>>) src(%dma_wait3A_175 : memref<56xi32, #tpu.memory_space<hbm>>) dst(%dma_wait3A_174 : memref<56xi32, #tpu.memory_space<vmem>>)
    %dma_start3A_176 = arith.constant 1 : i32
    %dma_start3A_177 = arith.constant 0 : i32
    %dma_start3A_178 = tpu.memref_slice %arg9[%dma_start3A_176, %dma_start3A_177] : memref<3x56xi32, #tpu.memory_space<vmem>> -> memref<1x56xi32, #tpu.memory_space<vmem>>
    %dma_start3A_179 = tpu.memref_squeeze %dma_start3A_178 : memref<1x56xi32, #tpu.memory_space<vmem>> -> memref<56xi32, #tpu.memory_space<vmem>>
    %dma_start3A_180 = arith.constant 0 : i32
    %dma_start3A_181 = arith.constant 0 : i32
    %dma_start3A_182 = tpu.memref_slice %arg2[%dma_start3A_180, %dma_start3A_181] : memref<10000x128xf32, #tpu.memory_space<hbm>> -> memref<10000x128xf32, #tpu.memory_space<hbm>>
    tpu.enqueue_indirect_dma source(%dma_start3A_182 : memref<10000x128xf32, #tpu.memory_space<hbm>>) target(%arg13 : memref<56x128xf32, #tpu.memory_space<vmem>>) offsets(%dma_start3A_179 : memref<56xi32, #tpu.memory_space<vmem>>) semaphore(%arg24 : memref<!tpu.dma_semaphore, #tpu.memory_space<semaphore_mem>>)
    %mul3A_183 = arith.constant 5000 : i32
    %mul3A_184 = arith.muli %add3A, %mul3A_183 : i32
    %add3A_185 = arith.constant 4928 : i32
    %add3A_186 = arith.addi %mul3A_184, %add3A_185 : i32
    %dma_start3A_187 = arith.constant 0 : i32
    %dma_start3A_188 = tpu.memref_slice %arg3[%add3A_186, %dma_start3A_187] : memref<160000x128xf32, #tpu.memory_space<hbm>> -> memref<56x128xf32, #tpu.memory_space<hbm>>
    %dma_start3A_189 = arith.constant 0 : i32
    %dma_start3A_190 = tpu.memref_slice %arg3[%add3A_186, %dma_start3A_189] : memref<160000x128xf32, #tpu.memory_space<hbm>> -> memref<56x128xf32, #tpu.memory_space<hbm>>
    tpu.enqueue_dma source(%dma_start3A_190 : memref<56x128xf32, #tpu.memory_space<hbm>>) target(%arg16 : memref<56x128xf32, #tpu.memory_space<vmem>>) target_semaphore(%arg24 : memref<!tpu.dma_semaphore, #tpu.memory_space<semaphore_mem>>)
    %dma_wait3A_191 = arith.constant 0 : i32
    %dma_wait3A_192 = arith.constant 0 : i32
    %dma_wait3A_193 = tpu.memref_slice %arg9[%dma_wait3A_191, %dma_wait3A_192] : memref<3x56xi32, #tpu.memory_space<vmem>> -> memref<1x56xi32, #tpu.memory_space<vmem>>
    %dma_wait3A_194 = tpu.memref_squeeze %dma_wait3A_193 : memref<1x56xi32, #tpu.memory_space<vmem>> -> memref<56xi32, #tpu.memory_space<vmem>>
    %dma_wait3A_195 = arith.constant 0 : i32
    %dma_wait3A_196 = arith.constant 0 : i32
    %dma_wait3A_197 = tpu.memref_slice %arg2[%dma_wait3A_195, %dma_wait3A_196] : memref<10000x128xf32, #tpu.memory_space<hbm>> -> memref<10000x128xf32, #tpu.memory_space<hbm>>
    tpu.wait_indirect_dma semaphore(%arg23 : memref<!tpu.dma_semaphore, #tpu.memory_space<semaphore_mem>>) src(%dma_wait3A_197 : memref<10000x128xf32, #tpu.memory_space<hbm>>) dst(%arg12 : memref<56x128xf32, #tpu.memory_space<vmem>>)
    %mul3A_198 = arith.constant 5000 : i32
    %mul3A_199 = arith.muli %add3A, %mul3A_198 : i32
    %add3A_200 = arith.constant 4872 : i32
    %add3A_201 = arith.addi %mul3A_199, %add3A_200 : i32
    %dma_wait3A_202 = arith.constant 0 : i32
    %dma_wait3A_203 = tpu.memref_slice %arg3[%add3A_201, %dma_wait3A_202] : memref<160000x128xf32, #tpu.memory_space<hbm>> -> memref<56x128xf32, #tpu.memory_space<hbm>>
    %dma_wait3A_204 = arith.constant 0 : i32
    %dma_wait3A_205 = tpu.memref_slice %arg3[%add3A_201, %dma_wait3A_204] : memref<160000x128xf32, #tpu.memory_space<hbm>> -> memref<56x128xf32, #tpu.memory_space<hbm>>
    tpu.wait_dma2 semaphore(%arg23 : memref<!tpu.dma_semaphore, #tpu.memory_space<semaphore_mem>>) src(%dma_wait3A_205 : memref<56x128xf32, #tpu.memory_space<hbm>>) dst(%arg15 : memref<56x128xf32, #tpu.memory_space<vmem>>)
    %scan3A_206 = arith.constant 0 : i32
    %scan3A_207 = arith.constant 56 : i32
    %scan3A_208 = arith.addi %scan3A_206, %scan3A_207 : i32
    %scan3A_209 = arith.constant 1 : i32
    scf.for %scan3A_345 = %scan3A_206 to %scan3A_208 step %scan3A_209  : i32 {
      %mul3A_346 = arith.constant 1 : i32
      %mul3A_347 = arith.muli %scan3A_345, %mul3A_346 : i32
      %add3A_348 = arith.constant 0 : i32
      %add3A_349 = arith.addi %add3A_348, %mul3A_347 : i32
      %get3A = arith.index_cast %add3A_349 : i32 to index
      %get3A_350 = arith.constant 0 : index
      %get3A_351 = tpu.vector_load %arg12[%get3A, %get3A_350] {strides = array<i32>} : memref<56x128xf32, #tpu.memory_space<vmem>>, vector<1x16xf32>,
      %get3A_352 = vector.shape_cast %get3A_351 : vector<1x16xf32> to vector<1x16xf32>
      %get3A_353 = arith.index_cast %add3A_349 : i32 to index
      %get3A_354 = arith.constant 0 : index
      %get3A_355 = tpu.vector_load %arg15[%get3A_353, %get3A_354] {strides = array<i32>} : memref<56x128xf32, #tpu.memory_space<vmem>>, vector<1x16xf32>,
      %get3A_356 = vector.shape_cast %get3A_355 : vector<1x16xf32> to vector<1x16xf32>
      %mul3A_357 = arith.mulf %get3A_352, %get3A_356 : vector<1x16xf32>
      %swap3A = arith.index_cast %add3A_349 : i32 to index
      %swap3A_358 = arith.constant 0 : index
      %swap3A_359 = tpu.vector_load %arg12[%swap3A, %swap3A_358] {strides = array<i32>} : memref<56x128xf32, #tpu.memory_space<vmem>>, vector<1x16xf32>,
      %swap3A_360 = vector.shape_cast %swap3A_359 : vector<1x16xf32> to vector<1x16xf32>
      %swap3A_361 = vector.shape_cast %mul3A_357 : vector<1x16xf32> to vector<1x16xf32>
      tpu.vector_store %arg12[%swap3A, %swap3A_358], %swap3A_361 {strides = array<i32>} : memref<56x128xf32, #tpu.memory_space<vmem>>, vector<1x16xf32>,
      %get3A_362 = arith.index_cast %add3A_349 : i32 to index
      %get3A_363 = arith.constant 16 : index
      %get3A_364 = tpu.vector_load %arg12[%get3A_362, %get3A_363] {strides = array<i32>} : memref<56x128xf32, #tpu.memory_space<vmem>>, vector<1x16xf32>,
      %get3A_365 = vector.shape_cast %get3A_364 : vector<1x16xf32> to vector<1x16xf32>
      %get3A_366 = arith.index_cast %add3A_349 : i32 to index
      %get3A_367 = arith.constant 16 : index
      %get3A_368 = tpu.vector_load %arg15[%get3A_366, %get3A_367] {strides = array<i32>} : memref<56x128xf32, #tpu.memory_space<vmem>>, vector<1x16xf32>,
      %get3A_369 = vector.shape_cast %get3A_368 : vector<1x16xf32> to vector<1x16xf32>
      %mul3A_370 = arith.mulf %get3A_365, %get3A_369 : vector<1x16xf32>
      %swap3A_371 = arith.index_cast %add3A_349 : i32 to index
      %swap3A_372 = arith.constant 16 : index
      %swap3A_373 = tpu.vector_load %arg12[%swap3A_371, %swap3A_372] {strides = array<i32>} : memref<56x128xf32, #tpu.memory_space<vmem>>, vector<1x16xf32>,
      %swap3A_374 = vector.shape_cast %swap3A_373 : vector<1x16xf32> to vector<1x16xf32>
      %swap3A_375 = vector.shape_cast %mul3A_370 : vector<1x16xf32> to vector<1x16xf32>
      tpu.vector_store %arg12[%swap3A_371, %swap3A_372], %swap3A_375 {strides = array<i32>} : memref<56x128xf32, #tpu.memory_space<vmem>>, vector<1x16xf32>,
      %get3A_376 = arith.index_cast %add3A_349 : i32 to index
      %get3A_377 = arith.constant 32 : index
      %get3A_378 = tpu.vector_load %arg12[%get3A_376, %get3A_377] {strides = array<i32>} : memref<56x128xf32, #tpu.memory_space<vmem>>, vector<1x16xf32>,
      %get3A_379 = vector.shape_cast %get3A_378 : vector<1x16xf32> to vector<1x16xf32>
      %get3A_380 = arith.index_cast %add3A_349 : i32 to index
      %get3A_381 = arith.constant 32 : index
      %get3A_382 = tpu.vector_load %arg15[%get3A_380, %get3A_381] {strides = array<i32>} : memref<56x128xf32, #tpu.memory_space<vmem>>, vector<1x16xf32>,
      %get3A_383 = vector.shape_cast %get3A_382 : vector<1x16xf32> to vector<1x16xf32>
      %mul3A_384 = arith.mulf %get3A_379, %get3A_383 : vector<1x16xf32>
      %swap3A_385 = arith.index_cast %add3A_349 : i32 to index
      %swap3A_386 = arith.constant 32 : index
      %swap3A_387 = tpu.vector_load %arg12[%swap3A_385, %swap3A_386] {strides = array<i32>} : memref<56x128xf32, #tpu.memory_space<vmem>>, vector<1x16xf32>,
      %swap3A_388 = vector.shape_cast %swap3A_387 : vector<1x16xf32> to vector<1x16xf32>
      %swap3A_389 = vector.shape_cast %mul3A_384 : vector<1x16xf32> to vector<1x16xf32>
      tpu.vector_store %arg12[%swap3A_385, %swap3A_386], %swap3A_389 {strides = array<i32>} : memref<56x128xf32, #tpu.memory_space<vmem>>, vector<1x16xf32>,
      %get3A_390 = arith.index_cast %add3A_349 : i32 to index
      %get3A_391 = arith.constant 48 : index
      %get3A_392 = tpu.vector_load %arg12[%get3A_390, %get3A_391] {strides = array<i32>} : memref<56x128xf32, #tpu.memory_space<vmem>>, vector<1x16xf32>,
      %get3A_393 = vector.shape_cast %get3A_392 : vector<1x16xf32> to vector<1x16xf32>
      %get3A_394 = arith.index_cast %add3A_349 : i32 to index
      %get3A_395 = arith.constant 48 : index
      %get3A_396 = tpu.vector_load %arg15[%get3A_394, %get3A_395] {strides = array<i32>} : memref<56x128xf32, #tpu.memory_space<vmem>>, vector<1x16xf32>,
      %get3A_397 = vector.shape_cast %get3A_396 : vector<1x16xf32> to vector<1x16xf32>
      %mul3A_398 = arith.mulf %get3A_393, %get3A_397 : vector<1x16xf32>
      %swap3A_399 = arith.index_cast %add3A_349 : i32 to index
      %swap3A_400 = arith.constant 48 : index
      %swap3A_401 = tpu.vector_load %arg12[%swap3A_399, %swap3A_400] {strides = array<i32>} : memref<56x128xf32, #tpu.memory_space<vmem>>, vector<1x16xf32>,
      %swap3A_402 = vector.shape_cast %swap3A_401 : vector<1x16xf32> to vector<1x16xf32>
      %swap3A_403 = vector.shape_cast %mul3A_398 : vector<1x16xf32> to vector<1x16xf32>
      tpu.vector_store %arg12[%swap3A_399, %swap3A_400], %swap3A_403 {strides = array<i32>} : memref<56x128xf32, #tpu.memory_space<vmem>>, vector<1x16xf32>,
      %get3A_404 = arith.index_cast %add3A_349 : i32 to index
      %get3A_405 = arith.constant 64 : index
      %get3A_406 = tpu.vector_load %arg12[%get3A_404, %get3A_405] {strides = array<i32>} : memref<56x128xf32, #tpu.memory_space<vmem>>, vector<1x16xf32>,
      %get3A_407 = vector.shape_cast %get3A_406 : vector<1x16xf32> to vector<1x16xf32>
      %get3A_408 = arith.index_cast %add3A_349 : i32 to index
      %get3A_409 = arith.constant 64 : index
      %get3A_410 = tpu.vector_load %arg15[%get3A_408, %get3A_409] {strides = array<i32>} : memref<56x128xf32, #tpu.memory_space<vmem>>, vector<1x16xf32>,
      %get3A_411 = vector.shape_cast %get3A_410 : vector<1x16xf32> to vector<1x16xf32>
      %mul3A_412 = arith.mulf %get3A_407, %get3A_411 : vector<1x16xf32>
      %swap3A_413 = arith.index_cast %add3A_349 : i32 to index
      %swap3A_414 = arith.constant 64 : index
      %swap3A_415 = tpu.vector_load %arg12[%swap3A_413, %swap3A_414] {strides = array<i32>} : memref<56x128xf32, #tpu.memory_space<vmem>>, vector<1x16xf32>,
      %swap3A_416 = vector.shape_cast %swap3A_415 : vector<1x16xf32> to vector<1x16xf32>
      %swap3A_417 = vector.shape_cast %mul3A_412 : vector<1x16xf32> to vector<1x16xf32>
      tpu.vector_store %arg12[%swap3A_413, %swap3A_414], %swap3A_417 {strides = array<i32>} : memref<56x128xf32, #tpu.memory_space<vmem>>, vector<1x16xf32>,
      %get3A_418 = arith.index_cast %add3A_349 : i32 to index
      %get3A_419 = arith.constant 80 : index
      %get3A_420 = tpu.vector_load %arg12[%get3A_418, %get3A_419] {strides = array<i32>} : memref<56x128xf32, #tpu.memory_space<vmem>>, vector<1x16xf32>,
      %get3A_421 = vector.shape_cast %get3A_420 : vector<1x16xf32> to vector<1x16xf32>
      %get3A_422 = arith.index_cast %add3A_349 : i32 to index
      %get3A_423 = arith.constant 80 : index
      %get3A_424 = tpu.vector_load %arg15[%get3A_422, %get3A_423] {strides = array<i32>} : memref<56x128xf32, #tpu.memory_space<vmem>>, vector<1x16xf32>,
      %get3A_425 = vector.shape_cast %get3A_424 : vector<1x16xf32> to vector<1x16xf32>
      %mul3A_426 = arith.mulf %get3A_421, %get3A_425 : vector<1x16xf32>
      %swap3A_427 = arith.index_cast %add3A_349 : i32 to index
      %swap3A_428 = arith.constant 80 : index
      %swap3A_429 = tpu.vector_load %arg12[%swap3A_427, %swap3A_428] {strides = array<i32>} : memref<56x128xf32, #tpu.memory_space<vmem>>, vector<1x16xf32>,
      %swap3A_430 = vector.shape_cast %swap3A_429 : vector<1x16xf32> to vector<1x16xf32>
      %swap3A_431 = vector.shape_cast %mul3A_426 : vector<1x16xf32> to vector<1x16xf32>
      tpu.vector_store %arg12[%swap3A_427, %swap3A_428], %swap3A_431 {strides = array<i32>} : memref<56x128xf32, #tpu.memory_space<vmem>>, vector<1x16xf32>,
      %get3A_432 = arith.index_cast %add3A_349 : i32 to index
      %get3A_433 = arith.constant 96 : index
      %get3A_434 = tpu.vector_load %arg12[%get3A_432, %get3A_433] {strides = array<i32>} : memref<56x128xf32, #tpu.memory_space<vmem>>, vector<1x16xf32>,
      %get3A_435 = vector.shape_cast %get3A_434 : vector<1x16xf32> to vector<1x16xf32>
      %get3A_436 = arith.index_cast %add3A_349 : i32 to index
      %get3A_437 = arith.constant 96 : index
      %get3A_438 = tpu.vector_load %arg15[%get3A_436, %get3A_437] {strides = array<i32>} : memref<56x128xf32, #tpu.memory_space<vmem>>, vector<1x16xf32>,
      %get3A_439 = vector.shape_cast %get3A_438 : vector<1x16xf32> to vector<1x16xf32>
      %mul3A_440 = arith.mulf %get3A_435, %get3A_439 : vector<1x16xf32>
      %swap3A_441 = arith.index_cast %add3A_349 : i32 to index
      %swap3A_442 = arith.constant 96 : index
      %swap3A_443 = tpu.vector_load %arg12[%swap3A_441, %swap3A_442] {strides = array<i32>} : memref<56x128xf32, #tpu.memory_space<vmem>>, vector<1x16xf32>,
      %swap3A_444 = vector.shape_cast %swap3A_443 : vector<1x16xf32> to vector<1x16xf32>
      %swap3A_445 = vector.shape_cast %mul3A_440 : vector<1x16xf32> to vector<1x16xf32>
      tpu.vector_store %arg12[%swap3A_441, %swap3A_442], %swap3A_445 {strides = array<i32>} : memref<56x128xf32, #tpu.memory_space<vmem>>, vector<1x16xf32>,
      %get3A_446 = arith.index_cast %add3A_349 : i32 to index
      %get3A_447 = arith.constant 112 : index
      %get3A_448 = tpu.vector_load %arg12[%get3A_446, %get3A_447] {strides = array<i32>} : memref<56x128xf32, #tpu.memory_space<vmem>>, vector<1x16xf32>,
      %get3A_449 = vector.shape_cast %get3A_448 : vector<1x16xf32> to vector<1x16xf32>
      %get3A_450 = arith.index_cast %add3A_349 : i32 to index
      %get3A_451 = arith.constant 112 : index
      %get3A_452 = tpu.vector_load %arg15[%get3A_450, %get3A_451] {strides = array<i32>} : memref<56x128xf32, #tpu.memory_space<vmem>>, vector<1x16xf32>,
      %get3A_453 = vector.shape_cast %get3A_452 : vector<1x16xf32> to vector<1x16xf32>
      %mul3A_454 = arith.mulf %get3A_449, %get3A_453 : vector<1x16xf32>
      %swap3A_455 = arith.index_cast %add3A_349 : i32 to index
      %swap3A_456 = arith.constant 112 : index
      %swap3A_457 = tpu.vector_load %arg12[%swap3A_455, %swap3A_456] {strides = array<i32>} : memref<56x128xf32, #tpu.memory_space<vmem>>, vector<1x16xf32>,
      %swap3A_458 = vector.shape_cast %swap3A_457 : vector<1x16xf32> to vector<1x16xf32>
      %swap3A_459 = vector.shape_cast %mul3A_454 : vector<1x16xf32> to vector<1x16xf32>
      tpu.vector_store %arg12[%swap3A_455, %swap3A_456], %swap3A_459 {strides = array<i32>} : memref<56x128xf32, #tpu.memory_space<vmem>>, vector<1x16xf32>,
    }
    %scan3A_210 = arith.constant 56 : i32
    %dma_wait3A_211 = arith.constant 2 : i32
    %dma_wait3A_212 = arith.constant 0 : i32
    %dma_wait3A_213 = tpu.memref_slice %arg8[%dma_wait3A_211, %dma_wait3A_212] : memref<3x56xi32, #tpu.memory_space<vmem>> -> memref<1x56xi32, #tpu.memory_space<vmem>>
    %dma_wait3A_214 = tpu.memref_squeeze %dma_wait3A_213 : memref<1x56xi32, #tpu.memory_space<vmem>> -> memref<56xi32, #tpu.memory_space<vmem>>
    %dma_wait3A_215 = arith.constant 0 : i32
    %dma_wait3A_216 = arith.constant 0 : i32
    %dma_wait3A_217 = tpu.memref_slice %arg18[%dma_wait3A_215, %dma_wait3A_216] : memref<10240x128xf32, #tpu.memory_space<vmem_shared>> -> memref<10240x128xf32, #tpu.memory_space<vmem_shared>>
    tpu.wait_indirect_dma semaphore(%arg28 : memref<!tpu.dma_semaphore, #tpu.memory_space<semaphore_mem>>) src(%arg14 : memref<56x128xf32, #tpu.memory_space<vmem>>) dst(%dma_wait3A_217 : memref<10240x128xf32, #tpu.memory_space<vmem_shared>>)
    %dma_start3A_218 = arith.constant 0 : i32
    %dma_start3A_219 = arith.constant 0 : i32
    %dma_start3A_220 = tpu.memref_slice %arg8[%dma_start3A_218, %dma_start3A_219] : memref<3x56xi32, #tpu.memory_space<vmem>> -> memref<1x56xi32, #tpu.memory_space<vmem>>
    %dma_start3A_221 = tpu.memref_squeeze %dma_start3A_220 : memref<1x56xi32, #tpu.memory_space<vmem>> -> memref<56xi32, #tpu.memory_space<vmem>>
    %dma_start3A_222 = arith.constant 0 : i32
    %dma_start3A_223 = arith.constant 0 : i32
    %dma_start3A_224 = tpu.memref_slice %arg18[%dma_start3A_222, %dma_start3A_223] : memref<10240x128xf32, #tpu.memory_space<vmem_shared>> -> memref<10240x128xf32, #tpu.memory_space<vmem_shared>>
    tpu.enqueue_indirect_dma source(%arg12 : memref<56x128xf32, #tpu.memory_space<vmem>>) target(%dma_start3A_224 : memref<10240x128xf32, #tpu.memory_space<vmem_shared>>) offsets(%dma_start3A_221 : memref<56xi32, #tpu.memory_space<vmem>>) semaphore(%arg26 : memref<!tpu.dma_semaphore, #tpu.memory_space<semaphore_mem>>) {add = true}
    %mul3A_225 = arith.constant 5000 : i32
    %mul3A_226 = arith.muli %add3A, %mul3A_225 : i32
    %add3A_227 = arith.constant 0 : i32
    %add3A_228 = arith.addi %add3A_227, %mul3A_226 : i32
    %add3A_229 = arith.constant 4984 : i32
    %add3A_230 = arith.addi %add3A_228, %add3A_229 : i32
    %dma_start3A_231 = tpu.memref_slice %arg4[%add3A_230] : memref<320000xi32, #tpu.memory_space<hbm>> -> memref<16xi32, #tpu.memory_space<hbm>>
    %dma_start3A_232 = tpu.memref_slice %arg4[%add3A_230] : memref<320000xi32, #tpu.memory_space<hbm>> -> memref<16xi32, #tpu.memory_space<hbm>>
    tpu.enqueue_dma source(%dma_start3A_232 : memref<16xi32, #tpu.memory_space<hbm>>) target(%arg10 : memref<16xi32, #tpu.memory_space<vmem>>) target_semaphore(%arg22 : memref<!tpu.dma_semaphore, #tpu.memory_space<semaphore_mem>>)
    %dma_start3A_233 = tpu.memref_slice %arg5[%add3A_230] : memref<320000xi32, #tpu.memory_space<hbm>> -> memref<16xi32, #tpu.memory_space<hbm>>
    %dma_start3A_234 = tpu.memref_slice %arg5[%add3A_230] : memref<320000xi32, #tpu.memory_space<hbm>> -> memref<16xi32, #tpu.memory_space<hbm>>
    tpu.enqueue_dma source(%dma_start3A_234 : memref<16xi32, #tpu.memory_space<hbm>>) target(%arg11 : memref<16xi32, #tpu.memory_space<vmem>>) target_semaphore(%arg22 : memref<!tpu.dma_semaphore, #tpu.memory_space<semaphore_mem>>)
    %dma_wait3A_235 = arith.constant 1 : i32
    %dma_wait3A_236 = arith.constant 0 : i32
    %dma_wait3A_237 = tpu.memref_slice %arg9[%dma_wait3A_235, %dma_wait3A_236] : memref<3x56xi32, #tpu.memory_space<vmem>> -> memref<1x56xi32, #tpu.memory_space<vmem>>
    %dma_wait3A_238 = tpu.memref_squeeze %dma_wait3A_237 : memref<1x56xi32, #tpu.memory_space<vmem>> -> memref<56xi32, #tpu.memory_space<vmem>>
    %dma_wait3A_239 = arith.constant 0 : i32
    %dma_wait3A_240 = arith.constant 0 : i32
    %dma_wait3A_241 = tpu.memref_slice %arg2[%dma_wait3A_239, %dma_wait3A_240] : memref<10000x128xf32, #tpu.memory_space<hbm>> -> memref<10000x128xf32, #tpu.memory_space<hbm>>
    tpu.wait_indirect_dma semaphore(%arg24 : memref<!tpu.dma_semaphore, #tpu.memory_space<semaphore_mem>>) src(%dma_wait3A_241 : memref<10000x128xf32, #tpu.memory_space<hbm>>) dst(%arg13 : memref<56x128xf32, #tpu.memory_space<vmem>>)
    %mul3A_242 = arith.constant 5000 : i32
    %mul3A_243 = arith.muli %add3A, %mul3A_242 : i32
    %add3A_244 = arith.constant 4928 : i32
    %add3A_245 = arith.addi %mul3A_243, %add3A_244 : i32
    %dma_wait3A_246 = arith.constant 0 : i32
    %dma_wait3A_247 = tpu.memref_slice %arg3[%add3A_245, %dma_wait3A_246] : memref<160000x128xf32, #tpu.memory_space<hbm>> -> memref<56x128xf32, #tpu.memory_space<hbm>>
    %dma_wait3A_248 = arith.constant 0 : i32
    %dma_wait3A_249 = tpu.memref_slice %arg3[%add3A_245, %dma_wait3A_248] : memref<160000x128xf32, #tpu.memory_space<hbm>> -> memref<56x128xf32, #tpu.memory_space<hbm>>
    tpu.wait_dma2 semaphore(%arg24 : memref<!tpu.dma_semaphore, #tpu.memory_space<semaphore_mem>>) src(%dma_wait3A_249 : memref<56x128xf32, #tpu.memory_space<hbm>>) dst(%arg16 : memref<56x128xf32, #tpu.memory_space<vmem>>)
    %scan3A_250 = arith.constant 0 : i32
    %scan3A_251 = arith.constant 56 : i32
    %scan3A_252 = arith.addi %scan3A_250, %scan3A_251 : i32
    %scan3A_253 = arith.constant 1 : i32
    scf.for %scan3A_345 = %scan3A_250 to %scan3A_252 step %scan3A_253  : i32 {
      %mul3A_346 = arith.constant 1 : i32
      %mul3A_347 = arith.muli %scan3A_345, %mul3A_346 : i32
      %add3A_348 = arith.constant 0 : i32
      %add3A_349 = arith.addi %add3A_348, %mul3A_347 : i32
      %get3A = arith.index_cast %add3A_349 : i32 to index
      %get3A_350 = arith.constant 0 : index
      %get3A_351 = tpu.vector_load %arg13[%get3A, %get3A_350] {strides = array<i32>} : memref<56x128xf32, #tpu.memory_space<vmem>>, vector<1x16xf32>,
      %get3A_352 = vector.shape_cast %get3A_351 : vector<1x16xf32> to vector<1x16xf32>
      %get3A_353 = arith.index_cast %add3A_349 : i32 to index
      %get3A_354 = arith.constant 0 : index
      %get3A_355 = tpu.vector_load %arg16[%get3A_353, %get3A_354] {strides = array<i32>} : memref<56x128xf32, #tpu.memory_space<vmem>>, vector<1x16xf32>,
      %get3A_356 = vector.shape_cast %get3A_355 : vector<1x16xf32> to vector<1x16xf32>
      %mul3A_357 = arith.mulf %get3A_352, %get3A_356 : vector<1x16xf32>
      %swap3A = arith.index_cast %add3A_349 : i32 to index
      %swap3A_358 = arith.constant 0 : index
      %swap3A_359 = tpu.vector_load %arg13[%swap3A, %swap3A_358] {strides = array<i32>} : memref<56x128xf32, #tpu.memory_space<vmem>>, vector<1x16xf32>,
      %swap3A_360 = vector.shape_cast %swap3A_359 : vector<1x16xf32> to vector<1x16xf32>
      %swap3A_361 = vector.shape_cast %mul3A_357 : vector<1x16xf32> to vector<1x16xf32>
      tpu.vector_store %arg13[%swap3A, %swap3A_358], %swap3A_361 {strides = array<i32>} : memref<56x128xf32, #tpu.memory_space<vmem>>, vector<1x16xf32>,
      %get3A_362 = arith.index_cast %add3A_349 : i32 to index
      %get3A_363 = arith.constant 16 : index
      %get3A_364 = tpu.vector_load %arg13[%get3A_362, %get3A_363] {strides = array<i32>} : memref<56x128xf32, #tpu.memory_space<vmem>>, vector<1x16xf32>,
      %get3A_365 = vector.shape_cast %get3A_364 : vector<1x16xf32> to vector<1x16xf32>
      %get3A_366 = arith.index_cast %add3A_349 : i32 to index
      %get3A_367 = arith.constant 16 : index
      %get3A_368 = tpu.vector_load %arg16[%get3A_366, %get3A_367] {strides = array<i32>} : memref<56x128xf32, #tpu.memory_space<vmem>>, vector<1x16xf32>,
      %get3A_369 = vector.shape_cast %get3A_368 : vector<1x16xf32> to vector<1x16xf32>
      %mul3A_370 = arith.mulf %get3A_365, %get3A_369 : vector<1x16xf32>
      %swap3A_371 = arith.index_cast %add3A_349 : i32 to index
      %swap3A_372 = arith.constant 16 : index
      %swap3A_373 = tpu.vector_load %arg13[%swap3A_371, %swap3A_372] {strides = array<i32>} : memref<56x128xf32, #tpu.memory_space<vmem>>, vector<1x16xf32>,
      %swap3A_374 = vector.shape_cast %swap3A_373 : vector<1x16xf32> to vector<1x16xf32>
      %swap3A_375 = vector.shape_cast %mul3A_370 : vector<1x16xf32> to vector<1x16xf32>
      tpu.vector_store %arg13[%swap3A_371, %swap3A_372], %swap3A_375 {strides = array<i32>} : memref<56x128xf32, #tpu.memory_space<vmem>>, vector<1x16xf32>,
      %get3A_376 = arith.index_cast %add3A_349 : i32 to index
      %get3A_377 = arith.constant 32 : index
      %get3A_378 = tpu.vector_load %arg13[%get3A_376, %get3A_377] {strides = array<i32>} : memref<56x128xf32, #tpu.memory_space<vmem>>, vector<1x16xf32>,
      %get3A_379 = vector.shape_cast %get3A_378 : vector<1x16xf32> to vector<1x16xf32>
      %get3A_380 = arith.index_cast %add3A_349 : i32 to index
      %get3A_381 = arith.constant 32 : index
      %get3A_382 = tpu.vector_load %arg16[%get3A_380, %get3A_381] {strides = array<i32>} : memref<56x128xf32, #tpu.memory_space<vmem>>, vector<1x16xf32>,
      %get3A_383 = vector.shape_cast %get3A_382 : vector<1x16xf32> to vector<1x16xf32>
      %mul3A_384 = arith.mulf %get3A_379, %get3A_383 : vector<1x16xf32>
      %swap3A_385 = arith.index_cast %add3A_349 : i32 to index
      %swap3A_386 = arith.constant 32 : index
      %swap3A_387 = tpu.vector_load %arg13[%swap3A_385, %swap3A_386] {strides = array<i32>} : memref<56x128xf32, #tpu.memory_space<vmem>>, vector<1x16xf32>,
      %swap3A_388 = vector.shape_cast %swap3A_387 : vector<1x16xf32> to vector<1x16xf32>
      %swap3A_389 = vector.shape_cast %mul3A_384 : vector<1x16xf32> to vector<1x16xf32>
      tpu.vector_store %arg13[%swap3A_385, %swap3A_386], %swap3A_389 {strides = array<i32>} : memref<56x128xf32, #tpu.memory_space<vmem>>, vector<1x16xf32>,
      %get3A_390 = arith.index_cast %add3A_349 : i32 to index
      %get3A_391 = arith.constant 48 : index
      %get3A_392 = tpu.vector_load %arg13[%get3A_390, %get3A_391] {strides = array<i32>} : memref<56x128xf32, #tpu.memory_space<vmem>>, vector<1x16xf32>,
      %get3A_393 = vector.shape_cast %get3A_392 : vector<1x16xf32> to vector<1x16xf32>
      %get3A_394 = arith.index_cast %add3A_349 : i32 to index
      %get3A_395 = arith.constant 48 : index
      %get3A_396 = tpu.vector_load %arg16[%get3A_394, %get3A_395] {strides = array<i32>} : memref<56x128xf32, #tpu.memory_space<vmem>>, vector<1x16xf32>,
      %get3A_397 = vector.shape_cast %get3A_396 : vector<1x16xf32> to vector<1x16xf32>
      %mul3A_398 = arith.mulf %get3A_393, %get3A_397 : vector<1x16xf32>
      %swap3A_399 = arith.index_cast %add3A_349 : i32 to index
      %swap3A_400 = arith.constant 48 : index
      %swap3A_401 = tpu.vector_load %arg13[%swap3A_399, %swap3A_400] {strides = array<i32>} : memref<56x128xf32, #tpu.memory_space<vmem>>, vector<1x16xf32>,
      %swap3A_402 = vector.shape_cast %swap3A_401 : vector<1x16xf32> to vector<1x16xf32>
      %swap3A_403 = vector.shape_cast %mul3A_398 : vector<1x16xf32> to vector<1x16xf32>
      tpu.vector_store %arg13[%swap3A_399, %swap3A_400], %swap3A_403 {strides = array<i32>} : memref<56x128xf32, #tpu.memory_space<vmem>>, vector<1x16xf32>,
      %get3A_404 = arith.index_cast %add3A_349 : i32 to index
      %get3A_405 = arith.constant 64 : index
      %get3A_406 = tpu.vector_load %arg13[%get3A_404, %get3A_405] {strides = array<i32>} : memref<56x128xf32, #tpu.memory_space<vmem>>, vector<1x16xf32>,
      %get3A_407 = vector.shape_cast %get3A_406 : vector<1x16xf32> to vector<1x16xf32>
      %get3A_408 = arith.index_cast %add3A_349 : i32 to index
      %get3A_409 = arith.constant 64 : index
      %get3A_410 = tpu.vector_load %arg16[%get3A_408, %get3A_409] {strides = array<i32>} : memref<56x128xf32, #tpu.memory_space<vmem>>, vector<1x16xf32>,
      %get3A_411 = vector.shape_cast %get3A_410 : vector<1x16xf32> to vector<1x16xf32>
      %mul3A_412 = arith.mulf %get3A_407, %get3A_411 : vector<1x16xf32>
      %swap3A_413 = arith.index_cast %add3A_349 : i32 to index
      %swap3A_414 = arith.constant 64 : index
      %swap3A_415 = tpu.vector_load %arg13[%swap3A_413, %swap3A_414] {strides = array<i32>} : memref<56x128xf32, #tpu.memory_space<vmem>>, vector<1x16xf32>,
      %swap3A_416 = vector.shape_cast %swap3A_415 : vector<1x16xf32> to vector<1x16xf32>
      %swap3A_417 = vector.shape_cast %mul3A_412 : vector<1x16xf32> to vector<1x16xf32>
      tpu.vector_store %arg13[%swap3A_413, %swap3A_414], %swap3A_417 {strides = array<i32>} : memref<56x128xf32, #tpu.memory_space<vmem>>, vector<1x16xf32>,
      %get3A_418 = arith.index_cast %add3A_349 : i32 to index
      %get3A_419 = arith.constant 80 : index
      %get3A_420 = tpu.vector_load %arg13[%get3A_418, %get3A_419] {strides = array<i32>} : memref<56x128xf32, #tpu.memory_space<vmem>>, vector<1x16xf32>,
      %get3A_421 = vector.shape_cast %get3A_420 : vector<1x16xf32> to vector<1x16xf32>
      %get3A_422 = arith.index_cast %add3A_349 : i32 to index
      %get3A_423 = arith.constant 80 : index
      %get3A_424 = tpu.vector_load %arg16[%get3A_422, %get3A_423] {strides = array<i32>} : memref<56x128xf32, #tpu.memory_space<vmem>>, vector<1x16xf32>,
      %get3A_425 = vector.shape_cast %get3A_424 : vector<1x16xf32> to vector<1x16xf32>
      %mul3A_426 = arith.mulf %get3A_421, %get3A_425 : vector<1x16xf32>
      %swap3A_427 = arith.index_cast %add3A_349 : i32 to index
      %swap3A_428 = arith.constant 80 : index
      %swap3A_429 = tpu.vector_load %arg13[%swap3A_427, %swap3A_428] {strides = array<i32>} : memref<56x128xf32, #tpu.memory_space<vmem>>, vector<1x16xf32>,
      %swap3A_430 = vector.shape_cast %swap3A_429 : vector<1x16xf32> to vector<1x16xf32>
      %swap3A_431 = vector.shape_cast %mul3A_426 : vector<1x16xf32> to vector<1x16xf32>
      tpu.vector_store %arg13[%swap3A_427, %swap3A_428], %swap3A_431 {strides = array<i32>} : memref<56x128xf32, #tpu.memory_space<vmem>>, vector<1x16xf32>,
      %get3A_432 = arith.index_cast %add3A_349 : i32 to index
      %get3A_433 = arith.constant 96 : index
      %get3A_434 = tpu.vector_load %arg13[%get3A_432, %get3A_433] {strides = array<i32>} : memref<56x128xf32, #tpu.memory_space<vmem>>, vector<1x16xf32>,
      %get3A_435 = vector.shape_cast %get3A_434 : vector<1x16xf32> to vector<1x16xf32>
      %get3A_436 = arith.index_cast %add3A_349 : i32 to index
      %get3A_437 = arith.constant 96 : index
      %get3A_438 = tpu.vector_load %arg16[%get3A_436, %get3A_437] {strides = array<i32>} : memref<56x128xf32, #tpu.memory_space<vmem>>, vector<1x16xf32>,
      %get3A_439 = vector.shape_cast %get3A_438 : vector<1x16xf32> to vector<1x16xf32>
      %mul3A_440 = arith.mulf %get3A_435, %get3A_439 : vector<1x16xf32>
      %swap3A_441 = arith.index_cast %add3A_349 : i32 to index
      %swap3A_442 = arith.constant 96 : index
      %swap3A_443 = tpu.vector_load %arg13[%swap3A_441, %swap3A_442] {strides = array<i32>} : memref<56x128xf32, #tpu.memory_space<vmem>>, vector<1x16xf32>,
      %swap3A_444 = vector.shape_cast %swap3A_443 : vector<1x16xf32> to vector<1x16xf32>
      %swap3A_445 = vector.shape_cast %mul3A_440 : vector<1x16xf32> to vector<1x16xf32>
      tpu.vector_store %arg13[%swap3A_441, %swap3A_442], %swap3A_445 {strides = array<i32>} : memref<56x128xf32, #tpu.memory_space<vmem>>, vector<1x16xf32>,
      %get3A_446 = arith.index_cast %add3A_349 : i32 to index
      %get3A_447 = arith.constant 112 : index
      %get3A_448 = tpu.vector_load %arg13[%get3A_446, %get3A_447] {strides = array<i32>} : memref<56x128xf32, #tpu.memory_space<vmem>>, vector<1x16xf32>,
      %get3A_449 = vector.shape_cast %get3A_448 : vector<1x16xf32> to vector<1x16xf32>
      %get3A_450 = arith.index_cast %add3A_349 : i32 to index
      %get3A_451 = arith.constant 112 : index
      %get3A_452 = tpu.vector_load %arg16[%get3A_450, %get3A_451] {strides = array<i32>} : memref<56x128xf32, #tpu.memory_space<vmem>>, vector<1x16xf32>,
      %get3A_453 = vector.shape_cast %get3A_452 : vector<1x16xf32> to vector<1x16xf32>
      %mul3A_454 = arith.mulf %get3A_449, %get3A_453 : vector<1x16xf32>
      %swap3A_455 = arith.index_cast %add3A_349 : i32 to index
      %swap3A_456 = arith.constant 112 : index
      %swap3A_457 = tpu.vector_load %arg13[%swap3A_455, %swap3A_456] {strides = array<i32>} : memref<56x128xf32, #tpu.memory_space<vmem>>, vector<1x16xf32>,
      %swap3A_458 = vector.shape_cast %swap3A_457 : vector<1x16xf32> to vector<1x16xf32>
      %swap3A_459 = vector.shape_cast %mul3A_454 : vector<1x16xf32> to vector<1x16xf32>
      tpu.vector_store %arg13[%swap3A_455, %swap3A_456], %swap3A_459 {strides = array<i32>} : memref<56x128xf32, #tpu.memory_space<vmem>>, vector<1x16xf32>,
    }
    %scan3A_254 = arith.constant 56 : i32
    %dma_wait3A_255 = arith.constant 0 : i32
    %dma_wait3A_256 = arith.constant 0 : i32
    %dma_wait3A_257 = tpu.memref_slice %arg8[%dma_wait3A_255, %dma_wait3A_256] : memref<3x56xi32, #tpu.memory_space<vmem>> -> memref<1x56xi32, #tpu.memory_space<vmem>>
    %dma_wait3A_258 = tpu.memref_squeeze %dma_wait3A_257 : memref<1x56xi32, #tpu.memory_space<vmem>> -> memref<56xi32, #tpu.memory_space<vmem>>
    %dma_wait3A_259 = arith.constant 0 : i32
    %dma_wait3A_260 = arith.constant 0 : i32
    %dma_wait3A_261 = tpu.memref_slice %arg18[%dma_wait3A_259, %dma_wait3A_260] : memref<10240x128xf32, #tpu.memory_space<vmem_shared>> -> memref<10240x128xf32, #tpu.memory_space<vmem_shared>>
    tpu.wait_indirect_dma semaphore(%arg26 : memref<!tpu.dma_semaphore, #tpu.memory_space<semaphore_mem>>) src(%arg12 : memref<56x128xf32, #tpu.memory_space<vmem>>) dst(%dma_wait3A_261 : memref<10240x128xf32, #tpu.memory_space<vmem_shared>>)
    %dma_start3A_262 = arith.constant 1 : i32
    %dma_start3A_263 = arith.constant 0 : i32
    %dma_start3A_264 = tpu.memref_slice %arg8[%dma_start3A_262, %dma_start3A_263] : memref<3x56xi32, #tpu.memory_space<vmem>> -> memref<1x56xi32, #tpu.memory_space<vmem>>
    %dma_start3A_265 = tpu.memref_squeeze %dma_start3A_264 : memref<1x56xi32, #tpu.memory_space<vmem>> -> memref<56xi32, #tpu.memory_space<vmem>>
    %dma_start3A_266 = arith.constant 0 : i32
    %dma_start3A_267 = arith.constant 0 : i32
    %dma_start3A_268 = tpu.memref_slice %arg18[%dma_start3A_266, %dma_start3A_267] : memref<10240x128xf32, #tpu.memory_space<vmem_shared>> -> memref<10240x128xf32, #tpu.memory_space<vmem_shared>>
    tpu.enqueue_indirect_dma source(%arg13 : memref<56x128xf32, #tpu.memory_space<vmem>>) target(%dma_start3A_268 : memref<10240x128xf32, #tpu.memory_space<vmem_shared>>) offsets(%dma_start3A_265 : memref<56xi32, #tpu.memory_space<vmem>>) semaphore(%arg27 : memref<!tpu.dma_semaphore, #tpu.memory_space<semaphore_mem>>) {add = true}
    %dma_wait3A_269 = tpu.memref_slice %arg4[%add3A_230] : memref<320000xi32, #tpu.memory_space<hbm>> -> memref<16xi32, #tpu.memory_space<hbm>>
    %dma_wait3A_270 = tpu.memref_slice %arg4[%add3A_230] : memref<320000xi32, #tpu.memory_space<hbm>> -> memref<16xi32, #tpu.memory_space<hbm>>
    tpu.wait_dma2 semaphore(%arg22 : memref<!tpu.dma_semaphore, #tpu.memory_space<semaphore_mem>>) src(%dma_wait3A_270 : memref<16xi32, #tpu.memory_space<hbm>>) dst(%arg10 : memref<16xi32, #tpu.memory_space<vmem>>)
    %dma_wait3A_271 = tpu.memref_slice %arg5[%add3A_230] : memref<320000xi32, #tpu.memory_space<hbm>> -> memref<16xi32, #tpu.memory_space<hbm>>
    %dma_wait3A_272 = tpu.memref_slice %arg5[%add3A_230] : memref<320000xi32, #tpu.memory_space<hbm>> -> memref<16xi32, #tpu.memory_space<hbm>>
    tpu.wait_dma2 semaphore(%arg22 : memref<!tpu.dma_semaphore, #tpu.memory_space<semaphore_mem>>) src(%dma_wait3A_272 : memref<16xi32, #tpu.memory_space<hbm>>) dst(%arg11 : memref<16xi32, #tpu.memory_space<vmem>>)
    %dma_start3A_273 = arith.constant 0 : i32
    %dma_start3A_274 = arith.constant 0 : i32
    %dma_start3A_275 = tpu.memref_slice %arg14[%dma_start3A_273, %dma_start3A_274] : memref<56x128xf32, #tpu.memory_space<vmem>> -> memref<16x128xf32, #tpu.memory_space<vmem>>
    %dma_start3A_276 = arith.constant 0 : i32
    %dma_start3A_277 = arith.constant 0 : i32
    %dma_start3A_278 = tpu.memref_slice %arg2[%dma_start3A_276, %dma_start3A_277] : memref<10000x128xf32, #tpu.memory_space<hbm>> -> memref<10000x128xf32, #tpu.memory_space<hbm>>
    tpu.enqueue_indirect_dma source(%dma_start3A_278 : memref<10000x128xf32, #tpu.memory_space<hbm>>) target(%dma_start3A_275 : memref<16x128xf32, #tpu.memory_space<vmem>>) offsets(%arg11 : memref<16xi32, #tpu.memory_space<vmem>>) semaphore(%arg25 : memref<!tpu.dma_semaphore, #tpu.memory_space<semaphore_mem>>)
    %mul3A_279 = arith.constant 5000 : i32
    %mul3A_280 = arith.muli %add3A, %mul3A_279 : i32
    %add3A_281 = arith.constant 4984 : i32
    %add3A_282 = arith.addi %mul3A_280, %add3A_281 : i32
    %dma_start3A_283 = arith.constant 0 : i32
    %dma_start3A_284 = arith.constant 0 : i32
    %dma_start3A_285 = tpu.memref_slice %arg17[%dma_start3A_283, %dma_start3A_284] : memref<56x128xf32, #tpu.memory_space<vmem>> -> memref<16x128xf32, #tpu.memory_space<vmem>>
    %dma_start3A_286 = arith.constant 0 : i32
    %dma_start3A_287 = tpu.memref_slice %arg3[%add3A_282, %dma_start3A_286] : memref<160000x128xf32, #tpu.memory_space<hbm>> -> memref<16x128xf32, #tpu.memory_space<hbm>>
    %dma_start3A_288 = arith.constant 0 : i32
    %dma_start3A_289 = arith.constant 0 : i32
    %dma_start3A_290 = tpu.memref_slice %arg17[%dma_start3A_288, %dma_start3A_289] : memref<56x128xf32, #tpu.memory_space<vmem>> -> memref<16x128xf32, #tpu.memory_space<vmem>>
    %dma_start3A_291 = arith.constant 0 : i32
    %dma_start3A_292 = tpu.memref_slice %arg3[%add3A_282, %dma_start3A_291] : memref<160000x128xf32, #tpu.memory_space<hbm>> -> memref<16x128xf32, #tpu.memory_space<hbm>>
    tpu.enqueue_dma source(%dma_start3A_292 : memref<16x128xf32, #tpu.memory_space<hbm>>) target(%dma_start3A_290 : memref<16x128xf32, #tpu.memory_space<vmem>>) target_semaphore(%arg25 : memref<!tpu.dma_semaphore, #tpu.memory_space<semaphore_mem>>)
    %dma_wait3A_293 = arith.constant 0 : i32
    %dma_wait3A_294 = arith.constant 0 : i32
    %dma_wait3A_295 = tpu.memref_slice %arg14[%dma_wait3A_293, %dma_wait3A_294] : memref<56x128xf32, #tpu.memory_space<vmem>> -> memref<16x128xf32, #tpu.memory_space<vmem>>
    %dma_wait3A_296 = arith.constant 0 : i32
    %dma_wait3A_297 = arith.constant 0 : i32
    %dma_wait3A_298 = tpu.memref_slice %arg2[%dma_wait3A_296, %dma_wait3A_297] : memref<10000x128xf32, #tpu.memory_space<hbm>> -> memref<10000x128xf32, #tpu.memory_space<hbm>>
    tpu.wait_indirect_dma semaphore(%arg25 : memref<!tpu.dma_semaphore, #tpu.memory_space<semaphore_mem>>) src(%dma_wait3A_298 : memref<10000x128xf32, #tpu.memory_space<hbm>>) dst(%dma_wait3A_295 : memref<16x128xf32, #tpu.memory_space<vmem>>)
    %mul3A_299 = arith.constant 5000 : i32
    %mul3A_300 = arith.muli %add3A, %mul3A_299 : i32
    %add3A_301 = arith.constant 4984 : i32
    %add3A_302 = arith.addi %mul3A_300, %add3A_301 : i32
    %dma_wait3A_303 = arith.constant 0 : i32
    %dma_wait3A_304 = arith.constant 0 : i32
    %dma_wait3A_305 = tpu.memref_slice %arg17[%dma_wait3A_303, %dma_wait3A_304] : memref<56x128xf32, #tpu.memory_space<vmem>> -> memref<16x128xf32, #tpu.memory_space<vmem>>
    %dma_wait3A_306 = arith.constant 0 : i32
    %dma_wait3A_307 = tpu.memref_slice %arg3[%add3A_302, %dma_wait3A_306] : memref<160000x128xf32, #tpu.memory_space<hbm>> -> memref<16x128xf32, #tpu.memory_space<hbm>>
    %dma_wait3A_308 = arith.constant 0 : i32
    %dma_wait3A_309 = arith.constant 0 : i32
    %dma_wait3A_310 = tpu.memref_slice %arg17[%dma_wait3A_308, %dma_wait3A_309] : memref<56x128xf32, #tpu.memory_space<vmem>> -> memref<16x128xf32, #tpu.memory_space<vmem>>
    %dma_wait3A_311 = arith.constant 0 : i32
    %dma_wait3A_312 = tpu.memref_slice %arg3[%add3A_302, %dma_wait3A_311] : memref<160000x128xf32, #tpu.memory_space<hbm>> -> memref<16x128xf32, #tpu.memory_space<hbm>>
    tpu.wait_dma2 semaphore(%arg25 : memref<!tpu.dma_semaphore, #tpu.memory_space<semaphore_mem>>) src(%dma_wait3A_312 : memref<16x128xf32, #tpu.memory_space<hbm>>) dst(%dma_wait3A_310 : memref<16x128xf32, #tpu.memory_space<vmem>>)
    %scan3A_313 = arith.constant 0 : i32
    %scan3A_314 = arith.constant 16 : i32
    %scan3A_315 = arith.addi %scan3A_313, %scan3A_314 : i32
    %scan3A_316 = arith.constant 1 : i32
    scf.for %scan3A_345 = %scan3A_313 to %scan3A_315 step %scan3A_316  : i32 {
      %mul3A_346 = arith.constant 1 : i32
      %mul3A_347 = arith.muli %scan3A_345, %mul3A_346 : i32
      %add3A_348 = arith.constant 0 : i32
      %add3A_349 = arith.addi %add3A_348, %mul3A_347 : i32
      %get3A = arith.index_cast %add3A_349 : i32 to index
      %get3A_350 = arith.constant 0 : index
      %get3A_351 = tpu.vector_load %arg14[%get3A, %get3A_350] {strides = array<i32>} : memref<56x128xf32, #tpu.memory_space<vmem>>, vector<1x16xf32>,
      %get3A_352 = vector.shape_cast %get3A_351 : vector<1x16xf32> to vector<1x16xf32>
      %get3A_353 = arith.index_cast %add3A_349 : i32 to index
      %get3A_354 = arith.constant 0 : index
      %get3A_355 = tpu.vector_load %arg17[%get3A_353, %get3A_354] {strides = array<i32>} : memref<56x128xf32, #tpu.memory_space<vmem>>, vector<1x16xf32>,
      %get3A_356 = vector.shape_cast %get3A_355 : vector<1x16xf32> to vector<1x16xf32>
      %mul3A_357 = arith.mulf %get3A_352, %get3A_356 : vector<1x16xf32>
      %swap3A = arith.index_cast %add3A_349 : i32 to index
      %swap3A_358 = arith.constant 0 : index
      %swap3A_359 = tpu.vector_load %arg14[%swap3A, %swap3A_358] {strides = array<i32>} : memref<56x128xf32, #tpu.memory_space<vmem>>, vector<1x16xf32>,
      %swap3A_360 = vector.shape_cast %swap3A_359 : vector<1x16xf32> to vector<1x16xf32>
      %swap3A_361 = vector.shape_cast %mul3A_357 : vector<1x16xf32> to vector<1x16xf32>
      tpu.vector_store %arg14[%swap3A, %swap3A_358], %swap3A_361 {strides = array<i32>} : memref<56x128xf32, #tpu.memory_space<vmem>>, vector<1x16xf32>,
      %get3A_362 = arith.index_cast %add3A_349 : i32 to index
      %get3A_363 = arith.constant 16 : index
      %get3A_364 = tpu.vector_load %arg14[%get3A_362, %get3A_363] {strides = array<i32>} : memref<56x128xf32, #tpu.memory_space<vmem>>, vector<1x16xf32>,
      %get3A_365 = vector.shape_cast %get3A_364 : vector<1x16xf32> to vector<1x16xf32>
      %get3A_366 = arith.index_cast %add3A_349 : i32 to index
      %get3A_367 = arith.constant 16 : index
      %get3A_368 = tpu.vector_load %arg17[%get3A_366, %get3A_367] {strides = array<i32>} : memref<56x128xf32, #tpu.memory_space<vmem>>, vector<1x16xf32>,
      %get3A_369 = vector.shape_cast %get3A_368 : vector<1x16xf32> to vector<1x16xf32>
      %mul3A_370 = arith.mulf %get3A_365, %get3A_369 : vector<1x16xf32>
      %swap3A_371 = arith.index_cast %add3A_349 : i32 to index
      %swap3A_372 = arith.constant 16 : index
      %swap3A_373 = tpu.vector_load %arg14[%swap3A_371, %swap3A_372] {strides = array<i32>} : memref<56x128xf32, #tpu.memory_space<vmem>>, vector<1x16xf32>,
      %swap3A_374 = vector.shape_cast %swap3A_373 : vector<1x16xf32> to vector<1x16xf32>
      %swap3A_375 = vector.shape_cast %mul3A_370 : vector<1x16xf32> to vector<1x16xf32>
      tpu.vector_store %arg14[%swap3A_371, %swap3A_372], %swap3A_375 {strides = array<i32>} : memref<56x128xf32, #tpu.memory_space<vmem>>, vector<1x16xf32>,
      %get3A_376 = arith.index_cast %add3A_349 : i32 to index
      %get3A_377 = arith.constant 32 : index
      %get3A_378 = tpu.vector_load %arg14[%get3A_376, %get3A_377] {strides = array<i32>} : memref<56x128xf32, #tpu.memory_space<vmem>>, vector<1x16xf32>,
      %get3A_379 = vector.shape_cast %get3A_378 : vector<1x16xf32> to vector<1x16xf32>
      %get3A_380 = arith.index_cast %add3A_349 : i32 to index
      %get3A_381 = arith.constant 32 : index
      %get3A_382 = tpu.vector_load %arg17[%get3A_380, %get3A_381] {strides = array<i32>} : memref<56x128xf32, #tpu.memory_space<vmem>>, vector<1x16xf32>,
      %get3A_383 = vector.shape_cast %get3A_382 : vector<1x16xf32> to vector<1x16xf32>
      %mul3A_384 = arith.mulf %get3A_379, %get3A_383 : vector<1x16xf32>
      %swap3A_385 = arith.index_cast %add3A_349 : i32 to index
      %swap3A_386 = arith.constant 32 : index
      %swap3A_387 = tpu.vector_load %arg14[%swap3A_385, %swap3A_386] {strides = array<i32>} : memref<56x128xf32, #tpu.memory_space<vmem>>, vector<1x16xf32>,
      %swap3A_388 = vector.shape_cast %swap3A_387 : vector<1x16xf32> to vector<1x16xf32>
      %swap3A_389 = vector.shape_cast %mul3A_384 : vector<1x16xf32> to vector<1x16xf32>
      tpu.vector_store %arg14[%swap3A_385, %swap3A_386], %swap3A_389 {strides = array<i32>} : memref<56x128xf32, #tpu.memory_space<vmem>>, vector<1x16xf32>,
      %get3A_390 = arith.index_cast %add3A_349 : i32 to index
      %get3A_391 = arith.constant 48 : index
      %get3A_392 = tpu.vector_load %arg14[%get3A_390, %get3A_391] {strides = array<i32>} : memref<56x128xf32, #tpu.memory_space<vmem>>, vector<1x16xf32>,
      %get3A_393 = vector.shape_cast %get3A_392 : vector<1x16xf32> to vector<1x16xf32>
      %get3A_394 = arith.index_cast %add3A_349 : i32 to index
      %get3A_395 = arith.constant 48 : index
      %get3A_396 = tpu.vector_load %arg17[%get3A_394, %get3A_395] {strides = array<i32>} : memref<56x128xf32, #tpu.memory_space<vmem>>, vector<1x16xf32>,
      %get3A_397 = vector.shape_cast %get3A_396 : vector<1x16xf32> to vector<1x16xf32>
      %mul3A_398 = arith.mulf %get3A_393, %get3A_397 : vector<1x16xf32>
      %swap3A_399 = arith.index_cast %add3A_349 : i32 to index
      %swap3A_400 = arith.constant 48 : index
      %swap3A_401 = tpu.vector_load %arg14[%swap3A_399, %swap3A_400] {strides = array<i32>} : memref<56x128xf32, #tpu.memory_space<vmem>>, vector<1x16xf32>,
      %swap3A_402 = vector.shape_cast %swap3A_401 : vector<1x16xf32> to vector<1x16xf32>
      %swap3A_403 = vector.shape_cast %mul3A_398 : vector<1x16xf32> to vector<1x16xf32>
      tpu.vector_store %arg14[%swap3A_399, %swap3A_400], %swap3A_403 {strides = array<i32>} : memref<56x128xf32, #tpu.memory_space<vmem>>, vector<1x16xf32>,
      %get3A_404 = arith.index_cast %add3A_349 : i32 to index
      %get3A_405 = arith.constant 64 : index
      %get3A_406 = tpu.vector_load %arg14[%get3A_404, %get3A_405] {strides = array<i32>} : memref<56x128xf32, #tpu.memory_space<vmem>>, vector<1x16xf32>,
      %get3A_407 = vector.shape_cast %get3A_406 : vector<1x16xf32> to vector<1x16xf32>
      %get3A_408 = arith.index_cast %add3A_349 : i32 to index
      %get3A_409 = arith.constant 64 : index
      %get3A_410 = tpu.vector_load %arg17[%get3A_408, %get3A_409] {strides = array<i32>} : memref<56x128xf32, #tpu.memory_space<vmem>>, vector<1x16xf32>,
      %get3A_411 = vector.shape_cast %get3A_410 : vector<1x16xf32> to vector<1x16xf32>
      %mul3A_412 = arith.mulf %get3A_407, %get3A_411 : vector<1x16xf32>
      %swap3A_413 = arith.index_cast %add3A_349 : i32 to index
      %swap3A_414 = arith.constant 64 : index
      %swap3A_415 = tpu.vector_load %arg14[%swap3A_413, %swap3A_414] {strides = array<i32>} : memref<56x128xf32, #tpu.memory_space<vmem>>, vector<1x16xf32>,
      %swap3A_416 = vector.shape_cast %swap3A_415 : vector<1x16xf32> to vector<1x16xf32>
      %swap3A_417 = vector.shape_cast %mul3A_412 : vector<1x16xf32> to vector<1x16xf32>
      tpu.vector_store %arg14[%swap3A_413, %swap3A_414], %swap3A_417 {strides = array<i32>} : memref<56x128xf32, #tpu.memory_space<vmem>>, vector<1x16xf32>,
      %get3A_418 = arith.index_cast %add3A_349 : i32 to index
      %get3A_419 = arith.constant 80 : index
      %get3A_420 = tpu.vector_load %arg14[%get3A_418, %get3A_419] {strides = array<i32>} : memref<56x128xf32, #tpu.memory_space<vmem>>, vector<1x16xf32>,
      %get3A_421 = vector.shape_cast %get3A_420 : vector<1x16xf32> to vector<1x16xf32>
      %get3A_422 = arith.index_cast %add3A_349 : i32 to index
      %get3A_423 = arith.constant 80 : index
      %get3A_424 = tpu.vector_load %arg17[%get3A_422, %get3A_423] {strides = array<i32>} : memref<56x128xf32, #tpu.memory_space<vmem>>, vector<1x16xf32>,
      %get3A_425 = vector.shape_cast %get3A_424 : vector<1x16xf32> to vector<1x16xf32>
      %mul3A_426 = arith.mulf %get3A_421, %get3A_425 : vector<1x16xf32>
      %swap3A_427 = arith.index_cast %add3A_349 : i32 to index
      %swap3A_428 = arith.constant 80 : index
      %swap3A_429 = tpu.vector_load %arg14[%swap3A_427, %swap3A_428] {strides = array<i32>} : memref<56x128xf32, #tpu.memory_space<vmem>>, vector<1x16xf32>,
      %swap3A_430 = vector.shape_cast %swap3A_429 : vector<1x16xf32> to vector<1x16xf32>
      %swap3A_431 = vector.shape_cast %mul3A_426 : vector<1x16xf32> to vector<1x16xf32>
      tpu.vector_store %arg14[%swap3A_427, %swap3A_428], %swap3A_431 {strides = array<i32>} : memref<56x128xf32, #tpu.memory_space<vmem>>, vector<1x16xf32>,
      %get3A_432 = arith.index_cast %add3A_349 : i32 to index
      %get3A_433 = arith.constant 96 : index
      %get3A_434 = tpu.vector_load %arg14[%get3A_432, %get3A_433] {strides = array<i32>} : memref<56x128xf32, #tpu.memory_space<vmem>>, vector<1x16xf32>,
      %get3A_435 = vector.shape_cast %get3A_434 : vector<1x16xf32> to vector<1x16xf32>
      %get3A_436 = arith.index_cast %add3A_349 : i32 to index
      %get3A_437 = arith.constant 96 : index
      %get3A_438 = tpu.vector_load %arg17[%get3A_436, %get3A_437] {strides = array<i32>} : memref<56x128xf32, #tpu.memory_space<vmem>>, vector<1x16xf32>,
      %get3A_439 = vector.shape_cast %get3A_438 : vector<1x16xf32> to vector<1x16xf32>
      %mul3A_440 = arith.mulf %get3A_435, %get3A_439 : vector<1x16xf32>
      %swap3A_441 = arith.index_cast %add3A_349 : i32 to index
      %swap3A_442 = arith.constant 96 : index
      %swap3A_443 = tpu.vector_load %arg14[%swap3A_441, %swap3A_442] {strides = array<i32>} : memref<56x128xf32, #tpu.memory_space<vmem>>, vector<1x16xf32>,
      %swap3A_444 = vector.shape_cast %swap3A_443 : vector<1x16xf32> to vector<1x16xf32>
      %swap3A_445 = vector.shape_cast %mul3A_440 : vector<1x16xf32> to vector<1x16xf32>
      tpu.vector_store %arg14[%swap3A_441, %swap3A_442], %swap3A_445 {strides = array<i32>} : memref<56x128xf32, #tpu.memory_space<vmem>>, vector<1x16xf32>,
      %get3A_446 = arith.index_cast %add3A_349 : i32 to index
      %get3A_447 = arith.constant 112 : index
      %get3A_448 = tpu.vector_load %arg14[%get3A_446, %get3A_447] {strides = array<i32>} : memref<56x128xf32, #tpu.memory_space<vmem>>, vector<1x16xf32>,
      %get3A_449 = vector.shape_cast %get3A_448 : vector<1x16xf32> to vector<1x16xf32>
      %get3A_450 = arith.index_cast %add3A_349 : i32 to index
      %get3A_451 = arith.constant 112 : index
      %get3A_452 = tpu.vector_load %arg17[%get3A_450, %get3A_451] {strides = array<i32>} : memref<56x128xf32, #tpu.memory_space<vmem>>, vector<1x16xf32>,
      %get3A_453 = vector.shape_cast %get3A_452 : vector<1x16xf32> to vector<1x16xf32>
      %mul3A_454 = arith.mulf %get3A_449, %get3A_453 : vector<1x16xf32>
      %swap3A_455 = arith.index_cast %add3A_349 : i32 to index
      %swap3A_456 = arith.constant 112 : index
      %swap3A_457 = tpu.vector_load %arg14[%swap3A_455, %swap3A_456] {strides = array<i32>} : memref<56x128xf32, #tpu.memory_space<vmem>>, vector<1x16xf32>,
      %swap3A_458 = vector.shape_cast %swap3A_457 : vector<1x16xf32> to vector<1x16xf32>
      %swap3A_459 = vector.shape_cast %mul3A_454 : vector<1x16xf32> to vector<1x16xf32>
      tpu.vector_store %arg14[%swap3A_455, %swap3A_456], %swap3A_459 {strides = array<i32>} : memref<56x128xf32, #tpu.memory_space<vmem>>, vector<1x16xf32>,
    }
    %scan3A_317 = arith.constant 16 : i32
    %dma_wait3A_318 = arith.constant 1 : i32
    %dma_wait3A_319 = arith.constant 0 : i32
    %dma_wait3A_320 = tpu.memref_slice %arg8[%dma_wait3A_318, %dma_wait3A_319] : memref<3x56xi32, #tpu.memory_space<vmem>> -> memref<1x56xi32, #tpu.memory_space<vmem>>
    %dma_wait3A_321 = tpu.memref_squeeze %dma_wait3A_320 : memref<1x56xi32, #tpu.memory_space<vmem>> -> memref<56xi32, #tpu.memory_space<vmem>>
    %dma_wait3A_322 = arith.constant 0 : i32
    %dma_wait3A_323 = arith.constant 0 : i32
    %dma_wait3A_324 = tpu.memref_slice %arg18[%dma_wait3A_322, %dma_wait3A_323] : memref<10240x128xf32, #tpu.memory_space<vmem_shared>> -> memref<10240x128xf32, #tpu.memory_space<vmem_shared>>
    tpu.wait_indirect_dma semaphore(%arg27 : memref<!tpu.dma_semaphore, #tpu.memory_space<semaphore_mem>>) src(%arg13 : memref<56x128xf32, #tpu.memory_space<vmem>>) dst(%dma_wait3A_324 : memref<10240x128xf32, #tpu.memory_space<vmem_shared>>)
    %dma_start3A_325 = arith.constant 0 : i32
    %dma_start3A_326 = arith.constant 0 : i32
    %dma_start3A_327 = tpu.memref_slice %arg14[%dma_start3A_325, %dma_start3A_326] : memref<56x128xf32, #tpu.memory_space<vmem>> -> memref<16x128xf32, #tpu.memory_space<vmem>>
    %dma_start3A_328 = arith.constant 0 : i32
    %dma_start3A_329 = arith.constant 0 : i32
    %dma_start3A_330 = tpu.memref_slice %arg18[%dma_start3A_328, %dma_start3A_329] : memref<10240x128xf32, #tpu.memory_space<vmem_shared>> -> memref<10240x128xf32, #tpu.memory_space<vmem_shared>>
    tpu.enqueue_indirect_dma source(%dma_start3A_327 : memref<16x128xf32, #tpu.memory_space<vmem>>) target(%dma_start3A_330 : memref<10240x128xf32, #tpu.memory_space<vmem_shared>>) offsets(%arg10 : memref<16xi32, #tpu.memory_space<vmem>>) semaphore(%arg28 : memref<!tpu.dma_semaphore, #tpu.memory_space<semaphore_mem>>) {add = true}
    %dma_wait3A_331 = arith.constant 0 : i32
    %dma_wait3A_332 = arith.constant 0 : i32
    %dma_wait3A_333 = tpu.memref_slice %arg14[%dma_wait3A_331, %dma_wait3A_332] : memref<56x128xf32, #tpu.memory_space<vmem>> -> memref<16x128xf32, #tpu.memory_space<vmem>>
    %dma_wait3A_334 = arith.constant 0 : i32
    %dma_wait3A_335 = arith.constant 0 : i32
    %dma_wait3A_336 = tpu.memref_slice %arg18[%dma_wait3A_334, %dma_wait3A_335] : memref<10240x128xf32, #tpu.memory_space<vmem_shared>> -> memref<10240x128xf32, #tpu.memory_space<vmem_shared>>
    tpu.wait_indirect_dma semaphore(%arg28 : memref<!tpu.dma_semaphore, #tpu.memory_space<semaphore_mem>>) src(%dma_wait3A_333 : memref<16x128xf32, #tpu.memory_space<vmem>>) dst(%dma_wait3A_336 : memref<10240x128xf32, #tpu.memory_space<vmem_shared>>)
    %barrier3A_337 = arith.constant 0 : index
    tpu.barrier barrier_id(%barrier3A_337)
    %mul3A_338 = arith.constant 640 : i32
    %mul3A_339 = arith.muli %arg1, %mul3A_338 : i32
    %mul3A_340 = arith.constant 10240 : i32
    %mul3A_341 = arith.muli %arg0, %mul3A_340 : i32
    %mul3A_342 = arith.constant 640 : i32
    %mul3A_343 = arith.muli %arg1, %mul3A_342 : i32
    %add3A_344 = arith.addi %mul3A_341, %mul3A_343 : i32
    "tpu.region"() ({
      %run_scoped3A = tpu.sem_alloc : memref<!tpu.dma_semaphore, #tpu.memory_space<semaphore_mem>>
      %dma_start3A_345 = arith.constant 0 : i32
      %dma_start3A_346 = tpu.memref_slice %arg7[%add3A_344, %dma_start3A_345] : memref<20480x128xf32, #tpu.memory_space<hbm>> -> memref<640x128xf32, #tpu.memory_space<hbm>>
      %dma_start3A_347 = arith.constant 0 : i32
      %dma_start3A_348 = tpu.memref_slice %arg18[%mul3A_339, %dma_start3A_347] : memref<10240x128xf32, #tpu.memory_space<vmem_shared>> -> memref<640x128xf32, #tpu.memory_space<vmem_shared>>
      tpu.enqueue_dma source(%dma_start3A_348 : memref<640x128xf32, #tpu.memory_space<vmem_shared>>) target(%dma_start3A_346 : memref<640x128xf32, #tpu.memory_space<hbm>>) target_semaphore(%run_scoped3A : memref<!tpu.dma_semaphore, #tpu.memory_space<semaphore_mem>>)
      %dma_wait3A_349 = arith.constant 0 : i32
      %dma_wait3A_350 = tpu.memref_slice %arg7[%add3A_344, %dma_wait3A_349] : memref<20480x128xf32, #tpu.memory_space<hbm>> -> memref<640x128xf32, #tpu.memory_space<hbm>>
      %dma_wait3A_351 = arith.constant 0 : i32
      %dma_wait3A_352 = tpu.memref_slice %arg18[%mul3A_339, %dma_wait3A_351] : memref<10240x128xf32, #tpu.memory_space<vmem_shared>> -> memref<640x128xf32, #tpu.memory_space<vmem_shared>>
      tpu.wait_dma2 semaphore(%run_scoped3A : memref<!tpu.dma_semaphore, #tpu.memory_space<semaphore_mem>>) src(%dma_wait3A_352 : memref<640x128xf32, #tpu.memory_space<vmem_shared>>) dst(%dma_wait3A_350 : memref<640x128xf32, #tpu.memory_space<hbm>>)
      tpu.yield
    }) : () -> ()
    return
  }
}

#map = affine_map<(d0, d1) -> (0, 0)>
#map1 = affine_map<(d0, d1) -> (0)>
module attributes {stable_mosaic.version = 14 : i64} {
  func.func @k(%arg0: i32, %arg1: i32, %arg2: memref<10000x128xf32, #tpu.memory_space<hbm>>, %arg3: memref<160000x128xf32, #tpu.memory_space<hbm>>, %arg4: memref<320000xi32, #tpu.memory_space<hbm>>, %arg5: memref<320000xi32, #tpu.memory_space<hbm>>, %arg6: memref<640x128xf32, #tpu.memory_space<hbm>>, %arg7: memref<20480x128xf32, #tpu.memory_space<hbm>>, %arg8: memref<3x56xi32, #tpu.memory_space<vmem>>, %arg9: memref<3x56xi32, #tpu.memory_space<vmem>>, %arg10: memref<16xi32, #tpu.memory_space<vmem>>, %arg11: memref<16xi32, #tpu.memory_space<vmem>>, %arg12: memref<56x128xf32, #tpu.memory_space<vmem>>, %arg13: memref<56x128xf32, #tpu.memory_space<vmem>>, %arg14: memref<56x128xf32, #tpu.memory_space<vmem>>, %arg15: memref<56x128xf32, #tpu.memory_space<vmem>>, %arg16: memref<56x128xf32, #tpu.memory_space<vmem>>, %arg17: memref<56x128xf32, #tpu.memory_space<vmem>>, %arg18: memref<10240x128xf32, #tpu.memory_space<vmem_shared>>, %arg19: memref<!tpu.dma_semaphore, #tpu.memory_space<semaphore_mem>>, %arg20: memref<!tpu.dma_semaphore, #tpu.memory_space<semaphore_mem>>, %arg21: memref<!tpu.dma_semaphore, #tpu.memory_space<semaphore_mem>>, %arg22: memref<!tpu.dma_semaphore, #tpu.memory_space<semaphore_mem>>, %arg23: memref<!tpu.dma_semaphore, #tpu.memory_space<semaphore_mem>>, %arg24: memref<!tpu.dma_semaphore, #tpu.memory_space<semaphore_mem>>, %arg25: memref<!tpu.dma_semaphore, #tpu.memory_space<semaphore_mem>>, %arg26: memref<!tpu.dma_semaphore, #tpu.memory_space<semaphore_mem>>, %arg27: memref<!tpu.dma_semaphore, #tpu.memory_space<semaphore_mem>>, %arg28: memref<!tpu.dma_semaphore, #tpu.memory_space<semaphore_mem>>) attributes {dimension_semantics = [#tpu.dimension_semantics<core_parallel>, #tpu.dimension_semantics<subcore_parallel>], iteration_bounds = array<i64: 2, 16>, scalar_prefetch = 0 : i64, scratch_operands = 21 : i64, tpu.core_type = #tpu.core_type<sc_vector_subcore>, window_params = [{transform_indices = #map}, {transform_indices = #map}, {transform_indices = #map1}, {transform_indices = #map1}, {transform_indices = #map}, {transform_indices = #map}]} {
    %mul3A = arith.constant 2 : i32
    %mul3A_0 = arith.muli %arg1, %mul3A : i32
    %add3A = arith.addi %mul3A_0, %arg0 : i32
    %mul3A_1 = arith.constant 640 : i32
    %mul3A_2 = arith.muli %arg1, %mul3A_1 : i32
    %dma_start3A = arith.constant 0 : i32
    %dma_start3A_3 = tpu.memref_slice %arg18[%mul3A_2, %dma_start3A] : memref<10240x128xf32, #tpu.memory_space<vmem_shared>> -> memref<640x128xf32, #tpu.memory_space<vmem_shared>>
    tpu.enqueue_dma source(%arg6 : memref<640x128xf32, #tpu.memory_space<hbm>>) target(%dma_start3A_3 : memref<640x128xf32, #tpu.memory_space<vmem_shared>>) target_semaphore(%arg19 : memref<!tpu.dma_semaphore, #tpu.memory_space<semaphore_mem>>)
    %mul3A_4 = arith.constant 640 : i32
    %mul3A_5 = arith.muli %arg1, %mul3A_4 : i32
    %dma_wait3A = arith.constant 0 : i32
    %dma_wait3A_6 = tpu.memref_slice %arg18[%mul3A_5, %dma_wait3A] : memref<10240x128xf32, #tpu.memory_space<vmem_shared>> -> memref<640x128xf32, #tpu.memory_space<vmem_shared>>
    tpu.wait_dma2 semaphore(%arg19 : memref<!tpu.dma_semaphore, #tpu.memory_space<semaphore_mem>>) src(%arg6 : memref<640x128xf32, #tpu.memory_space<hbm>>) dst(%dma_wait3A_6 : memref<640x128xf32, #tpu.memory_space<vmem_shared>>)
    %barrier3A = arith.constant 0 : index
    tpu.barrier barrier_id(%barrier3A)
    %mul3A_7 = arith.constant 5000 : i32
    %mul3A_8 = arith.muli %add3A, %mul3A_7 : i32
    %add3A_9 = arith.constant 0 : i32
    %add3A_10 = arith.addi %mul3A_8, %add3A_9 : i32
    %add3A_11 = arith.constant 160000 : i32
    %add3A_12 = arith.addi %add3A_11, %add3A_10 : i32
    %dma_start3A_13 = arith.constant 0 : i32
    %dma_start3A_14 = arith.constant 0 : i32
    %dma_start3A_15 = tpu.memref_slice %arg8[%dma_start3A_13, %dma_start3A_14] : memref<3x56xi32, #tpu.memory_space<vmem>> -> memref<1x56xi32, #tpu.memory_space<vmem>>
    %dma_start3A_16 = tpu.memref_squeeze %dma_start3A_15 : memref<1x56xi32, #tpu.memory_space<vmem>> -> memref<56xi32, #tpu.memory_space<vmem>>
    %dma_start3A_17 = tpu.memref_slice %arg4[%add3A_12] : memref<320000xi32, #tpu.memory_space<hbm>> -> memref<56xi32, #tpu.memory_space<hbm>>
    %dma_start3A_18 = arith.constant 0 : i32
    %dma_start3A_19 = tpu.memref_slice %arg8[%dma_start3A_13, %dma_start3A_18] : memref<3x56xi32, #tpu.memory_space<vmem>> -> memref<1x56xi32, #tpu.memory_space<vmem>>
    %dma_start3A_20 = tpu.memref_squeeze %dma_start3A_19 : memref<1x56xi32, #tpu.memory_space<vmem>> -> memref<56xi32, #tpu.memory_space<vmem>>
    %dma_start3A_21 = tpu.memref_slice %arg4[%add3A_12] : memref<320000xi32, #tpu.memory_space<hbm>> -> memref<56xi32, #tpu.memory_space<hbm>>
    tpu.enqueue_dma source(%dma_start3A_21 : memref<56xi32, #tpu.memory_space<hbm>>) target(%dma_start3A_20 : memref<56xi32, #tpu.memory_space<vmem>>) target_semaphore(%arg20 : memref<!tpu.dma_semaphore, #tpu.memory_space<semaphore_mem>>)
    %mul3A_22 = arith.constant 5000 : i32
    %mul3A_23 = arith.muli %add3A, %mul3A_22 : i32
    %add3A_24 = arith.constant 0 : i32
    %add3A_25 = arith.addi %mul3A_23, %add3A_24 : i32
    %add3A_26 = arith.constant 160000 : i32
    %add3A_27 = arith.addi %add3A_26, %add3A_25 : i32
    %dma_start3A_28 = arith.constant 0 : i32
    %dma_start3A_29 = arith.constant 0 : i32
    %dma_start3A_30 = tpu.memref_slice %arg9[%dma_start3A_28, %dma_start3A_29] : memref<3x56xi32, #tpu.memory_space<vmem>> -> memref<1x56xi32, #tpu.memory_space<vmem>>
    %dma_start3A_31 = tpu.memref_squeeze %dma_start3A_30 : memref<1x56xi32, #tpu.memory_space<vmem>> -> memref<56xi32, #tpu.memory_space<vmem>>
    %dma_start3A_32 = tpu.memref_slice %arg5[%add3A_27] : memref<320000xi32, #tpu.memory_space<hbm>> -> memref<56xi32, #tpu.memory_space<hbm>>
    %dma_start3A_33 = arith.constant 0 : i32
    %dma_start3A_34 = tpu.memref_slice %arg9[%dma_start3A_28, %dma_start3A_33] : memref<3x56xi32, #tpu.memory_space<vmem>> -> memref<1x56xi32, #tpu.memory_space<vmem>>
    %dma_start3A_35 = tpu.memref_squeeze %dma_start3A_34 : memref<1x56xi32, #tpu.memory_space<vmem>> -> memref<56xi32, #tpu.memory_space<vmem>>
    %dma_start3A_36 = tpu.memref_slice %arg5[%add3A_27] : memref<320000xi32, #tpu.memory_space<hbm>> -> memref<56xi32, #tpu.memory_space<hbm>>
    tpu.enqueue_dma source(%dma_start3A_36 : memref<56xi32, #tpu.memory_space<hbm>>) target(%dma_start3A_35 : memref<56xi32, #tpu.memory_space<vmem>>) target_semaphore(%arg20 : memref<!tpu.dma_semaphore, #tpu.memory_space<semaphore_mem>>)
    %mul3A_37 = arith.constant 5000 : i32
    %mul3A_38 = arith.muli %add3A, %mul3A_37 : i32
    %add3A_39 = arith.constant 56 : i32
    %add3A_40 = arith.addi %mul3A_38, %add3A_39 : i32
    %add3A_41 = arith.constant 160000 : i32
    %add3A_42 = arith.addi %add3A_41, %add3A_40 : i32
    %dma_start3A_43 = arith.constant 1 : i32
    %dma_start3A_44 = arith.constant 0 : i32
    %dma_start3A_45 = tpu.memref_slice %arg8[%dma_start3A_43, %dma_start3A_44] : memref<3x56xi32, #tpu.memory_space<vmem>> -> memref<1x56xi32, #tpu.memory_space<vmem>>
    %dma_start3A_46 = tpu.memref_squeeze %dma_start3A_45 : memref<1x56xi32, #tpu.memory_space<vmem>> -> memref<56xi32, #tpu.memory_space<vmem>>
    %dma_start3A_47 = tpu.memref_slice %arg4[%add3A_42] : memref<320000xi32, #tpu.memory_space<hbm>> -> memref<56xi32, #tpu.memory_space<hbm>>
    %dma_start3A_48 = arith.constant 0 : i32
    %dma_start3A_49 = tpu.memref_slice %arg8[%dma_start3A_43, %dma_start3A_48] : memref<3x56xi32, #tpu.memory_space<vmem>> -> memref<1x56xi32, #tpu.memory_space<vmem>>
    %dma_start3A_50 = tpu.memref_squeeze %dma_start3A_49 : memref<1x56xi32, #tpu.memory_space<vmem>> -> memref<56xi32, #tpu.memory_space<vmem>>
    %dma_start3A_51 = tpu.memref_slice %arg4[%add3A_42] : memref<320000xi32, #tpu.memory_space<hbm>> -> memref<56xi32, #tpu.memory_space<hbm>>
    tpu.enqueue_dma source(%dma_start3A_51 : memref<56xi32, #tpu.memory_space<hbm>>) target(%dma_start3A_50 : memref<56xi32, #tpu.memory_space<vmem>>) target_semaphore(%arg21 : memref<!tpu.dma_semaphore, #tpu.memory_space<semaphore_mem>>)
    %mul3A_52 = arith.constant 5000 : i32
    %mul3A_53 = arith.muli %add3A, %mul3A_52 : i32
    %add3A_54 = arith.constant 56 : i32
    %add3A_55 = arith.addi %mul3A_53, %add3A_54 : i32
    %add3A_56 = arith.constant 160000 : i32
    %add3A_57 = arith.addi %add3A_56, %add3A_55 : i32
    %dma_start3A_58 = arith.constant 1 : i32
    %dma_start3A_59 = arith.constant 0 : i32
    %dma_start3A_60 = tpu.memref_slice %arg9[%dma_start3A_58, %dma_start3A_59] : memref<3x56xi32, #tpu.memory_space<vmem>> -> memref<1x56xi32, #tpu.memory_space<vmem>>
    %dma_start3A_61 = tpu.memref_squeeze %dma_start3A_60 : memref<1x56xi32, #tpu.memory_space<vmem>> -> memref<56xi32, #tpu.memory_space<vmem>>
    %dma_start3A_62 = tpu.memref_slice %arg5[%add3A_57] : memref<320000xi32, #tpu.memory_space<hbm>> -> memref<56xi32, #tpu.memory_space<hbm>>
    %dma_start3A_63 = arith.constant 0 : i32
    %dma_start3A_64 = tpu.memref_slice %arg9[%dma_start3A_58, %dma_start3A_63] : memref<3x56xi32, #tpu.memory_space<vmem>> -> memref<1x56xi32, #tpu.memory_space<vmem>>
    %dma_start3A_65 = tpu.memref_squeeze %dma_start3A_64 : memref<1x56xi32, #tpu.memory_space<vmem>> -> memref<56xi32, #tpu.memory_space<vmem>>
    %dma_start3A_66 = tpu.memref_slice %arg5[%add3A_57] : memref<320000xi32, #tpu.memory_space<hbm>> -> memref<56xi32, #tpu.memory_space<hbm>>
    tpu.enqueue_dma source(%dma_start3A_66 : memref<56xi32, #tpu.memory_space<hbm>>) target(%dma_start3A_65 : memref<56xi32, #tpu.memory_space<vmem>>) target_semaphore(%arg21 : memref<!tpu.dma_semaphore, #tpu.memory_space<semaphore_mem>>)
    %mul3A_67 = arith.constant 5000 : i32
    %mul3A_68 = arith.muli %add3A, %mul3A_67 : i32
    %add3A_69 = arith.constant 0 : i32
    %add3A_70 = arith.addi %mul3A_68, %add3A_69 : i32
    %add3A_71 = arith.constant 160000 : i32
    %add3A_72 = arith.addi %add3A_71, %add3A_70 : i32
    %dma_wait3A_73 = arith.constant 0 : i32
    %dma_wait3A_74 = arith.constant 0 : i32
    %dma_wait3A_75 = tpu.memref_slice %arg8[%dma_wait3A_73, %dma_wait3A_74] : memref<3x56xi32, #tpu.memory_space<vmem>> -> memref<1x56xi32, #tpu.memory_space<vmem>>
    %dma_wait3A_76 = tpu.memref_squeeze %dma_wait3A_75 : memref<1x56xi32, #tpu.memory_space<vmem>> -> memref<56xi32, #tpu.memory_space<vmem>>
    %dma_wait3A_77 = tpu.memref_slice %arg4[%add3A_72] : memref<320000xi32, #tpu.memory_space<hbm>> -> memref<56xi32, #tpu.memory_space<hbm>>
    %dma_wait3A_78 = arith.constant 0 : i32
    %dma_wait3A_79 = tpu.memref_slice %arg8[%dma_wait3A_73, %dma_wait3A_78] : memref<3x56xi32, #tpu.memory_space<vmem>> -> memref<1x56xi32, #tpu.memory_space<vmem>>
    %dma_wait3A_80 = tpu.memref_squeeze %dma_wait3A_79 : memref<1x56xi32, #tpu.memory_space<vmem>> -> memref<56xi32, #tpu.memory_space<vmem>>
    %dma_wait3A_81 = tpu.memref_slice %arg4[%add3A_72] : memref<320000xi32, #tpu.memory_space<hbm>> -> memref<56xi32, #tpu.memory_space<hbm>>
    tpu.wait_dma2 semaphore(%arg20 : memref<!tpu.dma_semaphore, #tpu.memory_space<semaphore_mem>>) src(%dma_wait3A_81 : memref<56xi32, #tpu.memory_space<hbm>>) dst(%dma_wait3A_80 : memref<56xi32, #tpu.memory_space<vmem>>)
    %mul3A_82 = arith.constant 5000 : i32
    %mul3A_83 = arith.muli %add3A, %mul3A_82 : i32
    %add3A_84 = arith.constant 0 : i32
    %add3A_85 = arith.addi %mul3A_83, %add3A_84 : i32
    %add3A_86 = arith.constant 160000 : i32
    %add3A_87 = arith.addi %add3A_86, %add3A_85 : i32
    %dma_wait3A_88 = arith.constant 0 : i32
    %dma_wait3A_89 = arith.constant 0 : i32
    %dma_wait3A_90 = tpu.memref_slice %arg9[%dma_wait3A_88, %dma_wait3A_89] : memref<3x56xi32, #tpu.memory_space<vmem>> -> memref<1x56xi32, #tpu.memory_space<vmem>>
    %dma_wait3A_91 = tpu.memref_squeeze %dma_wait3A_90 : memref<1x56xi32, #tpu.memory_space<vmem>> -> memref<56xi32, #tpu.memory_space<vmem>>
    %dma_wait3A_92 = tpu.memref_slice %arg5[%add3A_87] : memref<320000xi32, #tpu.memory_space<hbm>> -> memref<56xi32, #tpu.memory_space<hbm>>
    %dma_wait3A_93 = arith.constant 0 : i32
    %dma_wait3A_94 = tpu.memref_slice %arg9[%dma_wait3A_88, %dma_wait3A_93] : memref<3x56xi32, #tpu.memory_space<vmem>> -> memref<1x56xi32, #tpu.memory_space<vmem>>
    %dma_wait3A_95 = tpu.memref_squeeze %dma_wait3A_94 : memref<1x56xi32, #tpu.memory_space<vmem>> -> memref<56xi32, #tpu.memory_space<vmem>>
    %dma_wait3A_96 = tpu.memref_slice %arg5[%add3A_87] : memref<320000xi32, #tpu.memory_space<hbm>> -> memref<56xi32, #tpu.memory_space<hbm>>
    tpu.wait_dma2 semaphore(%arg20 : memref<!tpu.dma_semaphore, #tpu.memory_space<semaphore_mem>>) src(%dma_wait3A_96 : memref<56xi32, #tpu.memory_space<hbm>>) dst(%dma_wait3A_95 : memref<56xi32, #tpu.memory_space<vmem>>)
    %dma_start3A_97 = arith.constant 0 : i32
    %dma_start3A_98 = arith.constant 0 : i32
    %dma_start3A_99 = tpu.memref_slice %arg9[%dma_start3A_97, %dma_start3A_98] : memref<3x56xi32, #tpu.memory_space<vmem>> -> memref<1x56xi32, #tpu.memory_space<vmem>>
    %dma_start3A_100 = tpu.memref_squeeze %dma_start3A_99 : memref<1x56xi32, #tpu.memory_space<vmem>> -> memref<56xi32, #tpu.memory_space<vmem>>
    %dma_start3A_101 = arith.constant 0 : i32
    %dma_start3A_102 = arith.constant 0 : i32
    %dma_start3A_103 = tpu.memref_slice %arg2[%dma_start3A_101, %dma_start3A_102] : memref<10000x128xf32, #tpu.memory_space<hbm>> -> memref<10000x128xf32, #tpu.memory_space<hbm>>
    tpu.enqueue_indirect_dma source(%dma_start3A_103 : memref<10000x128xf32, #tpu.memory_space<hbm>>) target(%arg12 : memref<56x128xf32, #tpu.memory_space<vmem>>) offsets(%dma_start3A_100 : memref<56xi32, #tpu.memory_space<vmem>>) semaphore(%arg23 : memref<!tpu.dma_semaphore, #tpu.memory_space<semaphore_mem>>)
    %mul3A_104 = arith.constant 5000 : i32
    %mul3A_105 = arith.muli %add3A, %mul3A_104 : i32
    %add3A_106 = arith.constant 0 : i32
    %add3A_107 = arith.addi %mul3A_105, %add3A_106 : i32
    %dma_start3A_108 = arith.constant 0 : i32
    %dma_start3A_109 = tpu.memref_slice %arg3[%add3A_107, %dma_start3A_108] : memref<160000x128xf32, #tpu.memory_space<hbm>> -> memref<56x128xf32, #tpu.memory_space<hbm>>
    %dma_start3A_110 = arith.constant 0 : i32
    %dma_start3A_111 = tpu.memref_slice %arg3[%add3A_107, %dma_start3A_110] : memref<160000x128xf32, #tpu.memory_space<hbm>> -> memref<56x128xf32, #tpu.memory_space<hbm>>
    tpu.enqueue_dma source(%dma_start3A_111 : memref<56x128xf32, #tpu.memory_space<hbm>>) target(%arg15 : memref<56x128xf32, #tpu.memory_space<vmem>>) target_semaphore(%arg23 : memref<!tpu.dma_semaphore, #tpu.memory_space<semaphore_mem>>)
    %scan3A = arith.constant 0 : i32
    %scan3A_112 = arith.constant 29 : i32
    %scan3A_113 = arith.addi %scan3A, %scan3A_112 : i32
    %scan3A_114 = arith.constant 1 : i32
    scf.for %scan3A_345 = %scan3A to %scan3A_113 step %scan3A_114  : i32 {
      %mul3A_346 = arith.constant 1 : i32
      %mul3A_347 = arith.muli %scan3A_345, %mul3A_346 : i32
      %add3A_348 = arith.constant 0 : i32
      %add3A_349 = arith.addi %add3A_348, %mul3A_347 : i32
      %mul3A_350 = arith.constant 3 : i32
      %mul3A_351 = arith.muli %add3A_349, %mul3A_350 : i32
      %add3A_352 = arith.constant 0 : i32
      %add3A_353 = arith.addi %mul3A_351, %add3A_352 : i32
      %add3A_354 = arith.constant 1 : i32
      %add3A_355 = arith.addi %add3A_353, %add3A_354 : i32
      %mul3A_356 = arith.constant 5000 : i32
      %mul3A_357 = arith.muli %add3A, %mul3A_356 : i32
      %mul3A_358 = arith.constant 56 : i32
      %mul3A_359 = arith.muli %add3A_355, %mul3A_358 : i32
      %add3A_360 = arith.addi %mul3A_357, %mul3A_359 : i32
      %add3A_361 = arith.constant 160000 : i32
      %add3A_362 = arith.addi %add3A_361, %add3A_360 : i32
      %dma_wait3A_363 = arith.constant 1 : i32
      %dma_wait3A_364 = arith.constant 0 : i32
      %dma_wait3A_365 = tpu.memref_slice %arg8[%dma_wait3A_363, %dma_wait3A_364] : memref<3x56xi32, #tpu.memory_space<vmem>> -> memref<1x56xi32, #tpu.memory_space<vmem>>
      %dma_wait3A_366 = tpu.memref_squeeze %dma_wait3A_365 : memref<1x56xi32, #tpu.memory_space<vmem>> -> memref<56xi32, #tpu.memory_space<vmem>>
      %dma_wait3A_367 = tpu.memref_slice %arg4[%add3A_362] : memref<320000xi32, #tpu.memory_space<hbm>> -> memref<56xi32, #tpu.memory_space<hbm>>
      %dma_wait3A_368 = arith.constant 0 : i32
      %dma_wait3A_369 = tpu.memref_slice %arg8[%dma_wait3A_363, %dma_wait3A_368] : memref<3x56xi32, #tpu.memory_space<vmem>> -> memref<1x56xi32, #tpu.memory_space<vmem>>
      %dma_wait3A_370 = tpu.memref_squeeze %dma_wait3A_369 : memref<1x56xi32, #tpu.memory_space<vmem>> -> memref<56xi32, #tpu.memory_space<vmem>>
      %dma_wait3A_371 = tpu.memref_slice %arg4[%add3A_362] : memref<320000xi32, #tpu.memory_space<hbm>> -> memref<56xi32, #tpu.memory_space<hbm>>
      tpu.wait_dma2 semaphore(%arg21 : memref<!tpu.dma_semaphore, #tpu.memory_space<semaphore_mem>>) src(%dma_wait3A_371 : memref<56xi32, #tpu.memory_space<hbm>>) dst(%dma_wait3A_370 : memref<56xi32, #tpu.memory_space<vmem>>)
      %mul3A_372 = arith.constant 5000 : i32
      %mul3A_373 = arith.muli %add3A, %mul3A_372 : i32
      %mul3A_374 = arith.constant 56 : i32
      %mul3A_375 = arith.muli %add3A_355, %mul3A_374 : i32
      %add3A_376 = arith.addi %mul3A_373, %mul3A_375 : i32
      %add3A_377 = arith.constant 160000 : i32
      %add3A_378 = arith.addi %add3A_377, %add3A_376 : i32
      %dma_wait3A_379 = arith.constant 1 : i32
      %dma_wait3A_380 = arith.constant 0 : i32
      %dma_wait3A_381 = tpu.memref_slice %arg9[%dma_wait3A_379, %dma_wait3A_380] : memref<3x56xi32, #tpu.memory_space<vmem>> -> memref<1x56xi32, #tpu.memory_space<vmem>>
      %dma_wait3A_382 = tpu.memref_squeeze %dma_wait3A_381 : memref<1x56xi32, #tpu.memory_space<vmem>> -> memref<56xi32, #tpu.memory_space<vmem>>
      %dma_wait3A_383 = tpu.memref_slice %arg5[%add3A_378] : memref<320000xi32, #tpu.memory_space<hbm>> -> memref<56xi32, #tpu.memory_space<hbm>>
      %dma_wait3A_384 = arith.constant 0 : i32
      %dma_wait3A_385 = tpu.memref_slice %arg9[%dma_wait3A_379, %dma_wait3A_384] : memref<3x56xi32, #tpu.memory_space<vmem>> -> memref<1x56xi32, #tpu.memory_space<vmem>>
      %dma_wait3A_386 = tpu.memref_squeeze %dma_wait3A_385 : memref<1x56xi32, #tpu.memory_space<vmem>> -> memref<56xi32, #tpu.memory_space<vmem>>
      %dma_wait3A_387 = tpu.memref_slice %arg5[%add3A_378] : memref<320000xi32, #tpu.memory_space<hbm>> -> memref<56xi32, #tpu.memory_space<hbm>>
      tpu.wait_dma2 semaphore(%arg21 : memref<!tpu.dma_semaphore, #tpu.memory_space<semaphore_mem>>) src(%dma_wait3A_387 : memref<56xi32, #tpu.memory_space<hbm>>) dst(%dma_wait3A_386 : memref<56xi32, #tpu.memory_space<vmem>>)
      %add3A_388 = arith.constant 1 : i32
      %add3A_389 = arith.addi %add3A_353, %add3A_388 : i32
      %dma_start3A_390 = arith.constant 1 : i32
      %dma_start3A_391 = arith.constant 0 : i32
      %dma_start3A_392 = tpu.memref_slice %arg9[%dma_start3A_390, %dma_start3A_391] : memref<3x56xi32, #tpu.memory_space<vmem>> -> memref<1x56xi32, #tpu.memory_space<vmem>>
      %dma_start3A_393 = tpu.memref_squeeze %dma_start3A_392 : memref<1x56xi32, #tpu.memory_space<vmem>> -> memref<56xi32, #tpu.memory_space<vmem>>
      %dma_start3A_394 = arith.constant 0 : i32
      %dma_start3A_395 = arith.constant 0 : i32
      %dma_start3A_396 = tpu.memref_slice %arg2[%dma_start3A_394, %dma_start3A_395] : memref<10000x128xf32, #tpu.memory_space<hbm>> -> memref<10000x128xf32, #tpu.memory_space<hbm>>
      tpu.enqueue_indirect_dma source(%dma_start3A_396 : memref<10000x128xf32, #tpu.memory_space<hbm>>) target(%arg13 : memref<56x128xf32, #tpu.memory_space<vmem>>) offsets(%dma_start3A_393 : memref<56xi32, #tpu.memory_space<vmem>>) semaphore(%arg24 : memref<!tpu.dma_semaphore, #tpu.memory_space<semaphore_mem>>)
      %mul3A_397 = arith.constant 5000 : i32
      %mul3A_398 = arith.muli %add3A, %mul3A_397 : i32
      %mul3A_399 = arith.constant 56 : i32
      %mul3A_400 = arith.muli %add3A_389, %mul3A_399 : i32
      %add3A_401 = arith.addi %mul3A_398, %mul3A_400 : i32
      %dma_start3A_402 = arith.constant 0 : i32
      %dma_start3A_403 = tpu.memref_slice %arg3[%add3A_401, %dma_start3A_402] : memref<160000x128xf32, #tpu.memory_space<hbm>> -> memref<56x128xf32, #tpu.memory_space<hbm>>
      %dma_start3A_404 = arith.constant 0 : i32
      %dma_start3A_405 = tpu.memref_slice %arg3[%add3A_401, %dma_start3A_404] : memref<160000x128xf32, #tpu.memory_space<hbm>> -> memref<56x128xf32, #tpu.memory_space<hbm>>
      tpu.enqueue_dma source(%dma_start3A_405 : memref<56x128xf32, #tpu.memory_space<hbm>>) target(%arg16 : memref<56x128xf32, #tpu.memory_space<vmem>>) target_semaphore(%arg24 : memref<!tpu.dma_semaphore, #tpu.memory_space<semaphore_mem>>)
      %dma_wait3A_406 = arith.constant 0 : i32
      %dma_wait3A_407 = arith.constant 0 : i32
      %dma_wait3A_408 = tpu.memref_slice %arg9[%dma_wait3A_406, %dma_wait3A_407] : memref<3x56xi32, #tpu.memory_space<vmem>> -> memref<1x56xi32, #tpu.memory_space<vmem>>
      %dma_wait3A_409 = tpu.memref_squeeze %dma_wait3A_408 : memref<1x56xi32, #tpu.memory_space<vmem>> -> memref<56xi32, #tpu.memory_space<vmem>>
      %dma_wait3A_410 = arith.constant 0 : i32
      %dma_wait3A_411 = arith.constant 0 : i32
      %dma_wait3A_412 = tpu.memref_slice %arg2[%dma_wait3A_410, %dma_wait3A_411] : memref<10000x128xf32, #tpu.memory_space<hbm>> -> memref<10000x128xf32, #tpu.memory_space<hbm>>
      tpu.wait_indirect_dma semaphore(%arg23 : memref<!tpu.dma_semaphore, #tpu.memory_space<semaphore_mem>>) src(%dma_wait3A_412 : memref<10000x128xf32, #tpu.memory_space<hbm>>) dst(%arg12 : memref<56x128xf32, #tpu.memory_space<vmem>>)
      %mul3A_413 = arith.constant 5000 : i32
      %mul3A_414 = arith.muli %add3A, %mul3A_413 : i32
      %mul3A_415 = arith.constant 56 : i32
      %mul3A_416 = arith.muli %add3A_353, %mul3A_415 : i32
      %add3A_417 = arith.addi %mul3A_414, %mul3A_416 : i32
      %dma_wait3A_418 = arith.constant 0 : i32
      %dma_wait3A_419 = tpu.memref_slice %arg3[%add3A_417, %dma_wait3A_418] : memref<160000x128xf32, #tpu.memory_space<hbm>> -> memref<56x128xf32, #tpu.memory_space<hbm>>
      %dma_wait3A_420 = arith.constant 0 : i32
      %dma_wait3A_421 = tpu.memref_slice %arg3[%add3A_417, %dma_wait3A_420] : memref<160000x128xf32, #tpu.memory_space<hbm>> -> memref<56x128xf32, #tpu.memory_space<hbm>>
      tpu.wait_dma2 semaphore(%arg23 : memref<!tpu.dma_semaphore, #tpu.memory_space<semaphore_mem>>) src(%dma_wait3A_421 : memref<56x128xf32, #tpu.memory_space<hbm>>) dst(%arg15 : memref<56x128xf32, #tpu.memory_space<vmem>>)
      %scan3A_422 = arith.constant 0 : i32
      %scan3A_423 = arith.constant 56 : i32
      %scan3A_424 = arith.addi %scan3A_422, %scan3A_423 : i32
      %scan3A_425 = arith.constant 1 : i32
      scf.for %scan3A_663 = %scan3A_422 to %scan3A_424 step %scan3A_425  : i32 {
        %mul3A_664 = arith.constant 1 : i32
        %mul3A_665 = arith.muli %scan3A_663, %mul3A_664 : i32
        %add3A_666 = arith.constant 0 : i32
        %add3A_667 = arith.addi %add3A_666, %mul3A_665 : i32
        %get3A = arith.index_cast %add3A_667 : i32 to index
        %get3A_668 = arith.constant 0 : index
        %get3A_669 = tpu.vector_load %arg12[%get3A, %get3A_668] {strides = array<i32>} : memref<56x128xf32, #tpu.memory_space<vmem>>, vector<1x16xf32>,
        %get3A_670 = vector.shape_cast %get3A_669 : vector<1x16xf32> to vector<1x16xf32>
        %get3A_671 = arith.index_cast %add3A_667 : i32 to index
        %get3A_672 = arith.constant 0 : index
        %get3A_673 = tpu.vector_load %arg15[%get3A_671, %get3A_672] {strides = array<i32>} : memref<56x128xf32, #tpu.memory_space<vmem>>, vector<1x16xf32>,
        %get3A_674 = vector.shape_cast %get3A_673 : vector<1x16xf32> to vector<1x16xf32>
        %mul3A_675 = arith.mulf %get3A_670, %get3A_674 : vector<1x16xf32>
        %swap3A = arith.index_cast %add3A_667 : i32 to index
        %swap3A_676 = arith.constant 0 : index
        %swap3A_677 = tpu.vector_load %arg12[%swap3A, %swap3A_676] {strides = array<i32>} : memref<56x128xf32, #tpu.memory_space<vmem>>, vector<1x16xf32>,
        %swap3A_678 = vector.shape_cast %swap3A_677 : vector<1x16xf32> to vector<1x16xf32>
        %swap3A_679 = vector.shape_cast %mul3A_675 : vector<1x16xf32> to vector<1x16xf32>
        tpu.vector_store %arg12[%swap3A, %swap3A_676], %swap3A_679 {strides = array<i32>} : memref<56x128xf32, #tpu.memory_space<vmem>>, vector<1x16xf32>,
        %get3A_680 = arith.index_cast %add3A_667 : i32 to index
        %get3A_681 = arith.constant 16 : index
        %get3A_682 = tpu.vector_load %arg12[%get3A_680, %get3A_681] {strides = array<i32>} : memref<56x128xf32, #tpu.memory_space<vmem>>, vector<1x16xf32>,
        %get3A_683 = vector.shape_cast %get3A_682 : vector<1x16xf32> to vector<1x16xf32>
        %get3A_684 = arith.index_cast %add3A_667 : i32 to index
        %get3A_685 = arith.constant 16 : index
        %get3A_686 = tpu.vector_load %arg15[%get3A_684, %get3A_685] {strides = array<i32>} : memref<56x128xf32, #tpu.memory_space<vmem>>, vector<1x16xf32>,
        %get3A_687 = vector.shape_cast %get3A_686 : vector<1x16xf32> to vector<1x16xf32>
        %mul3A_688 = arith.mulf %get3A_683, %get3A_687 : vector<1x16xf32>
        %swap3A_689 = arith.index_cast %add3A_667 : i32 to index
        %swap3A_690 = arith.constant 16 : index
        %swap3A_691 = tpu.vector_load %arg12[%swap3A_689, %swap3A_690] {strides = array<i32>} : memref<56x128xf32, #tpu.memory_space<vmem>>, vector<1x16xf32>,
        %swap3A_692 = vector.shape_cast %swap3A_691 : vector<1x16xf32> to vector<1x16xf32>
        %swap3A_693 = vector.shape_cast %mul3A_688 : vector<1x16xf32> to vector<1x16xf32>
        tpu.vector_store %arg12[%swap3A_689, %swap3A_690], %swap3A_693 {strides = array<i32>} : memref<56x128xf32, #tpu.memory_space<vmem>>, vector<1x16xf32>,
        %get3A_694 = arith.index_cast %add3A_667 : i32 to index
        %get3A_695 = arith.constant 32 : index
        %get3A_696 = tpu.vector_load %arg12[%get3A_694, %get3A_695] {strides = array<i32>} : memref<56x128xf32, #tpu.memory_space<vmem>>, vector<1x16xf32>,
        %get3A_697 = vector.shape_cast %get3A_696 : vector<1x16xf32> to vector<1x16xf32>
        %get3A_698 = arith.index_cast %add3A_667 : i32 to index
        %get3A_699 = arith.constant 32 : index
        %get3A_700 = tpu.vector_load %arg15[%get3A_698, %get3A_699] {strides = array<i32>} : memref<56x128xf32, #tpu.memory_space<vmem>>, vector<1x16xf32>,
        %get3A_701 = vector.shape_cast %get3A_700 : vector<1x16xf32> to vector<1x16xf32>
        %mul3A_702 = arith.mulf %get3A_697, %get3A_701 : vector<1x16xf32>
        %swap3A_703 = arith.index_cast %add3A_667 : i32 to index
        %swap3A_704 = arith.constant 32 : index
        %swap3A_705 = tpu.vector_load %arg12[%swap3A_703, %swap3A_704] {strides = array<i32>} : memref<56x128xf32, #tpu.memory_space<vmem>>, vector<1x16xf32>,
        %swap3A_706 = vector.shape_cast %swap3A_705 : vector<1x16xf32> to vector<1x16xf32>
        %swap3A_707 = vector.shape_cast %mul3A_702 : vector<1x16xf32> to vector<1x16xf32>
        tpu.vector_store %arg12[%swap3A_703, %swap3A_704], %swap3A_707 {strides = array<i32>} : memref<56x128xf32, #tpu.memory_space<vmem>>, vector<1x16xf32>,
        %get3A_708 = arith.index_cast %add3A_667 : i32 to index
        %get3A_709 = arith.constant 48 : index
        %get3A_710 = tpu.vector_load %arg12[%get3A_708, %get3A_709] {strides = array<i32>} : memref<56x128xf32, #tpu.memory_space<vmem>>, vector<1x16xf32>,
        %get3A_711 = vector.shape_cast %get3A_710 : vector<1x16xf32> to vector<1x16xf32>
        %get3A_712 = arith.index_cast %add3A_667 : i32 to index
        %get3A_713 = arith.constant 48 : index
        %get3A_714 = tpu.vector_load %arg15[%get3A_712, %get3A_713] {strides = array<i32>} : memref<56x128xf32, #tpu.memory_space<vmem>>, vector<1x16xf32>,
        %get3A_715 = vector.shape_cast %get3A_714 : vector<1x16xf32> to vector<1x16xf32>
        %mul3A_716 = arith.mulf %get3A_711, %get3A_715 : vector<1x16xf32>
        %swap3A_717 = arith.index_cast %add3A_667 : i32 to index
        %swap3A_718 = arith.constant 48 : index
        %swap3A_719 = tpu.vector_load %arg12[%swap3A_717, %swap3A_718] {strides = array<i32>} : memref<56x128xf32, #tpu.memory_space<vmem>>, vector<1x16xf32>,
        %swap3A_720 = vector.shape_cast %swap3A_719 : vector<1x16xf32> to vector<1x16xf32>
        %swap3A_721 = vector.shape_cast %mul3A_716 : vector<1x16xf32> to vector<1x16xf32>
        tpu.vector_store %arg12[%swap3A_717, %swap3A_718], %swap3A_721 {strides = array<i32>} : memref<56x128xf32, #tpu.memory_space<vmem>>, vector<1x16xf32>,
        %get3A_722 = arith.index_cast %add3A_667 : i32 to index
        %get3A_723 = arith.constant 64 : index
        %get3A_724 = tpu.vector_load %arg12[%get3A_722, %get3A_723] {strides = array<i32>} : memref<56x128xf32, #tpu.memory_space<vmem>>, vector<1x16xf32>,
        %get3A_725 = vector.shape_cast %get3A_724 : vector<1x16xf32> to vector<1x16xf32>
        %get3A_726 = arith.index_cast %add3A_667 : i32 to index
        %get3A_727 = arith.constant 64 : index
        %get3A_728 = tpu.vector_load %arg15[%get3A_726, %get3A_727] {strides = array<i32>} : memref<56x128xf32, #tpu.memory_space<vmem>>, vector<1x16xf32>,
        %get3A_729 = vector.shape_cast %get3A_728 : vector<1x16xf32> to vector<1x16xf32>
        %mul3A_730 = arith.mulf %get3A_725, %get3A_729 : vector<1x16xf32>
        %swap3A_731 = arith.index_cast %add3A_667 : i32 to index
        %swap3A_732 = arith.constant 64 : index
        %swap3A_733 = tpu.vector_load %arg12[%swap3A_731, %swap3A_732] {strides = array<i32>} : memref<56x128xf32, #tpu.memory_space<vmem>>, vector<1x16xf32>,
        %swap3A_734 = vector.shape_cast %swap3A_733 : vector<1x16xf32> to vector<1x16xf32>
        %swap3A_735 = vector.shape_cast %mul3A_730 : vector<1x16xf32> to vector<1x16xf32>
        tpu.vector_store %arg12[%swap3A_731, %swap3A_732], %swap3A_735 {strides = array<i32>} : memref<56x128xf32, #tpu.memory_space<vmem>>, vector<1x16xf32>,
        %get3A_736 = arith.index_cast %add3A_667 : i32 to index
        %get3A_737 = arith.constant 80 : index
        %get3A_738 = tpu.vector_load %arg12[%get3A_736, %get3A_737] {strides = array<i32>} : memref<56x128xf32, #tpu.memory_space<vmem>>, vector<1x16xf32>,
        %get3A_739 = vector.shape_cast %get3A_738 : vector<1x16xf32> to vector<1x16xf32>
        %get3A_740 = arith.index_cast %add3A_667 : i32 to index
        %get3A_741 = arith.constant 80 : index
        %get3A_742 = tpu.vector_load %arg15[%get3A_740, %get3A_741] {strides = array<i32>} : memref<56x128xf32, #tpu.memory_space<vmem>>, vector<1x16xf32>,
        %get3A_743 = vector.shape_cast %get3A_742 : vector<1x16xf32> to vector<1x16xf32>
        %mul3A_744 = arith.mulf %get3A_739, %get3A_743 : vector<1x16xf32>
        %swap3A_745 = arith.index_cast %add3A_667 : i32 to index
        %swap3A_746 = arith.constant 80 : index
        %swap3A_747 = tpu.vector_load %arg12[%swap3A_745, %swap3A_746] {strides = array<i32>} : memref<56x128xf32, #tpu.memory_space<vmem>>, vector<1x16xf32>,
        %swap3A_748 = vector.shape_cast %swap3A_747 : vector<1x16xf32> to vector<1x16xf32>
        %swap3A_749 = vector.shape_cast %mul3A_744 : vector<1x16xf32> to vector<1x16xf32>
        tpu.vector_store %arg12[%swap3A_745, %swap3A_746], %swap3A_749 {strides = array<i32>} : memref<56x128xf32, #tpu.memory_space<vmem>>, vector<1x16xf32>,
        %get3A_750 = arith.index_cast %add3A_667 : i32 to index
        %get3A_751 = arith.constant 96 : index
        %get3A_752 = tpu.vector_load %arg12[%get3A_750, %get3A_751] {strides = array<i32>} : memref<56x128xf32, #tpu.memory_space<vmem>>, vector<1x16xf32>,
        %get3A_753 = vector.shape_cast %get3A_752 : vector<1x16xf32> to vector<1x16xf32>
        %get3A_754 = arith.index_cast %add3A_667 : i32 to index
        %get3A_755 = arith.constant 96 : index
        %get3A_756 = tpu.vector_load %arg15[%get3A_754, %get3A_755] {strides = array<i32>} : memref<56x128xf32, #tpu.memory_space<vmem>>, vector<1x16xf32>,
        %get3A_757 = vector.shape_cast %get3A_756 : vector<1x16xf32> to vector<1x16xf32>
        %mul3A_758 = arith.mulf %get3A_753, %get3A_757 : vector<1x16xf32>
        %swap3A_759 = arith.index_cast %add3A_667 : i32 to index
        %swap3A_760 = arith.constant 96 : index
        %swap3A_761 = tpu.vector_load %arg12[%swap3A_759, %swap3A_760] {strides = array<i32>} : memref<56x128xf32, #tpu.memory_space<vmem>>, vector<1x16xf32>,
        %swap3A_762 = vector.shape_cast %swap3A_761 : vector<1x16xf32> to vector<1x16xf32>
        %swap3A_763 = vector.shape_cast %mul3A_758 : vector<1x16xf32> to vector<1x16xf32>
        tpu.vector_store %arg12[%swap3A_759, %swap3A_760], %swap3A_763 {strides = array<i32>} : memref<56x128xf32, #tpu.memory_space<vmem>>, vector<1x16xf32>,
        %get3A_764 = arith.index_cast %add3A_667 : i32 to index
        %get3A_765 = arith.constant 112 : index
        %get3A_766 = tpu.vector_load %arg12[%get3A_764, %get3A_765] {strides = array<i32>} : memref<56x128xf32, #tpu.memory_space<vmem>>, vector<1x16xf32>,
        %get3A_767 = vector.shape_cast %get3A_766 : vector<1x16xf32> to vector<1x16xf32>
        %get3A_768 = arith.index_cast %add3A_667 : i32 to index
        %get3A_769 = arith.constant 112 : index
        %get3A_770 = tpu.vector_load %arg15[%get3A_768, %get3A_769] {strides = array<i32>} : memref<56x128xf32, #tpu.memory_space<vmem>>, vector<1x16xf32>,
        %get3A_771 = vector.shape_cast %get3A_770 : vector<1x16xf32> to vector<1x16xf32>
        %mul3A_772 = arith.mulf %get3A_767, %get3A_771 : vector<1x16xf32>
        %swap3A_773 = arith.index_cast %add3A_667 : i32 to index
        %swap3A_774 = arith.constant 112 : index
        %swap3A_775 = tpu.vector_load %arg12[%swap3A_773, %swap3A_774] {strides = array<i32>} : memref<56x128xf32, #tpu.memory_space<vmem>>, vector<1x16xf32>,
        %swap3A_776 = vector.shape_cast %swap3A_775 : vector<1x16xf32> to vector<1x16xf32>
        %swap3A_777 = vector.shape_cast %mul3A_772 : vector<1x16xf32> to vector<1x16xf32>
        tpu.vector_store %arg12[%swap3A_773, %swap3A_774], %swap3A_777 {strides = array<i32>} : memref<56x128xf32, #tpu.memory_space<vmem>>, vector<1x16xf32>,
      }
      %scan3A_426 = arith.constant 56 : i32
      %gt3A = arith.constant 0 : i32
      %gt3A_427 = arith.cmpi sgt, %add3A_349, %gt3A : i32
      %convert_element_type3A = arith.extui %gt3A_427 : i1 to i32
      %cond3A = arith.constant 0 : i32
      %cond3A_428 = arith.cmpi ne, %convert_element_type3A, %cond3A : i32
      scf.if %cond3A_428 {
        %sub3A_663 = arith.constant 1 : i32
        %sub3A_664 = arith.subi %add3A_353, %sub3A_663 : i32
        %dma_wait3A_665 = arith.constant 2 : i32
        %dma_wait3A_666 = arith.constant 0 : i32
        %dma_wait3A_667 = tpu.memref_slice %arg8[%dma_wait3A_665, %dma_wait3A_666] : memref<3x56xi32, #tpu.memory_space<vmem>> -> memref<1x56xi32, #tpu.memory_space<vmem>>
        %dma_wait3A_668 = tpu.memref_squeeze %dma_wait3A_667 : memref<1x56xi32, #tpu.memory_space<vmem>> -> memref<56xi32, #tpu.memory_space<vmem>>
        %dma_wait3A_669 = arith.constant 0 : i32
        %dma_wait3A_670 = arith.constant 0 : i32
        %dma_wait3A_671 = tpu.memref_slice %arg18[%dma_wait3A_669, %dma_wait3A_670] : memref<10240x128xf32, #tpu.memory_space<vmem_shared>> -> memref<10240x128xf32, #tpu.memory_space<vmem_shared>>
        tpu.wait_indirect_dma semaphore(%arg28 : memref<!tpu.dma_semaphore, #tpu.memory_space<semaphore_mem>>) src(%arg14 : memref<56x128xf32, #tpu.memory_space<vmem>>) dst(%dma_wait3A_671 : memref<10240x128xf32, #tpu.memory_space<vmem_shared>>)
        %add3A_672 = arith.constant 2 : i32
        %add3A_673 = arith.addi %add3A_353, %add3A_672 : i32
        %mul3A_674 = arith.constant 5000 : i32
        %mul3A_675 = arith.muli %add3A, %mul3A_674 : i32
        %mul3A_676 = arith.constant 56 : i32
        %mul3A_677 = arith.muli %add3A_673, %mul3A_676 : i32
        %add3A_678 = arith.addi %mul3A_675, %mul3A_677 : i32
        %add3A_679 = arith.constant 160000 : i32
        %add3A_680 = arith.addi %add3A_679, %add3A_678 : i32
        %dma_start3A_681 = arith.constant 2 : i32
        %dma_start3A_682 = arith.constant 0 : i32
        %dma_start3A_683 = tpu.memref_slice %arg8[%dma_start3A_681, %dma_start3A_682] : memref<3x56xi32, #tpu.memory_space<vmem>> -> memref<1x56xi32, #tpu.memory_space<vmem>>
        %dma_start3A_684 = tpu.memref_squeeze %dma_start3A_683 : memref<1x56xi32, #tpu.memory_space<vmem>> -> memref<56xi32, #tpu.memory_space<vmem>>
        %dma_start3A_685 = tpu.memref_slice %arg4[%add3A_680] : memref<320000xi32, #tpu.memory_space<hbm>> -> memref<56xi32, #tpu.memory_space<hbm>>
        %dma_start3A_686 = arith.constant 0 : i32
        %dma_start3A_687 = tpu.memref_slice %arg8[%dma_start3A_681, %dma_start3A_686] : memref<3x56xi32, #tpu.memory_space<vmem>> -> memref<1x56xi32, #tpu.memory_space<vmem>>
        %dma_start3A_688 = tpu.memref_squeeze %dma_start3A_687 : memref<1x56xi32, #tpu.memory_space<vmem>> -> memref<56xi32, #tpu.memory_space<vmem>>
        %dma_start3A_689 = tpu.memref_slice %arg4[%add3A_680] : memref<320000xi32, #tpu.memory_space<hbm>> -> memref<56xi32, #tpu.memory_space<hbm>>
        tpu.enqueue_dma source(%dma_start3A_689 : memref<56xi32, #tpu.memory_space<hbm>>) target(%dma_start3A_688 : memref<56xi32, #tpu.memory_space<vmem>>) target_semaphore(%arg22 : memref<!tpu.dma_semaphore, #tpu.memory_space<semaphore_mem>>)
        %mul3A_690 = arith.constant 5000 : i32
        %mul3A_691 = arith.muli %add3A, %mul3A_690 : i32
        %mul3A_692 = arith.constant 56 : i32
        %mul3A_693 = arith.muli %add3A_673, %mul3A_692 : i32
        %add3A_694 = arith.addi %mul3A_691, %mul3A_693 : i32
        %add3A_695 = arith.constant 160000 : i32
        %add3A_696 = arith.addi %add3A_695, %add3A_694 : i32
        %dma_start3A_697 = arith.constant 2 : i32
        %dma_start3A_698 = arith.constant 0 : i32
        %dma_start3A_699 = tpu.memref_slice %arg9[%dma_start3A_697, %dma_start3A_698] : memref<3x56xi32, #tpu.memory_space<vmem>> -> memref<1x56xi32, #tpu.memory_space<vmem>>
        %dma_start3A_700 = tpu.memref_squeeze %dma_start3A_699 : memref<1x56xi32, #tpu.memory_space<vmem>> -> memref<56xi32, #tpu.memory_space<vmem>>
        %dma_start3A_701 = tpu.memref_slice %arg5[%add3A_696] : memref<320000xi32, #tpu.memory_space<hbm>> -> memref<56xi32, #tpu.memory_space<hbm>>
        %dma_start3A_702 = arith.constant 0 : i32
        %dma_start3A_703 = tpu.memref_slice %arg9[%dma_start3A_697, %dma_start3A_702] : memref<3x56xi32, #tpu.memory_space<vmem>> -> memref<1x56xi32, #tpu.memory_space<vmem>>
        %dma_start3A_704 = tpu.memref_squeeze %dma_start3A_703 : memref<1x56xi32, #tpu.memory_space<vmem>> -> memref<56xi32, #tpu.memory_space<vmem>>
        %dma_start3A_705 = tpu.memref_slice %arg5[%add3A_696] : memref<320000xi32, #tpu.memory_space<hbm>> -> memref<56xi32, #tpu.memory_space<hbm>>
        tpu.enqueue_dma source(%dma_start3A_705 : memref<56xi32, #tpu.memory_space<hbm>>) target(%dma_start3A_704 : memref<56xi32, #tpu.memory_space<vmem>>) target_semaphore(%arg22 : memref<!tpu.dma_semaphore, #tpu.memory_space<semaphore_mem>>)
      } else {
      }
      %eq3A = arith.constant 0 : i32
      %eq3A_429 = arith.cmpi eq, %add3A_349, %eq3A : i32
      %convert_element_type3A_430 = arith.extui %eq3A_429 : i1 to i32
      %cond3A_431 = arith.constant 0 : i32
      %cond3A_432 = arith.cmpi ne, %convert_element_type3A_430, %cond3A_431 : i32
      scf.if %cond3A_432 {
        %add3A_663 = arith.constant 2 : i32
        %add3A_664 = arith.addi %add3A_353, %add3A_663 : i32
        %mul3A_665 = arith.constant 5000 : i32
        %mul3A_666 = arith.muli %add3A, %mul3A_665 : i32
        %mul3A_667 = arith.constant 56 : i32
        %mul3A_668 = arith.muli %add3A_664, %mul3A_667 : i32
        %add3A_669 = arith.addi %mul3A_666, %mul3A_668 : i32
        %add3A_670 = arith.constant 160000 : i32
        %add3A_671 = arith.addi %add3A_670, %add3A_669 : i32
        %dma_start3A_672 = arith.constant 2 : i32
        %dma_start3A_673 = arith.constant 0 : i32
        %dma_start3A_674 = tpu.memref_slice %arg8[%dma_start3A_672, %dma_start3A_673] : memref<3x56xi32, #tpu.memory_space<vmem>> -> memref<1x56xi32, #tpu.memory_space<vmem>>
        %dma_start3A_675 = tpu.memref_squeeze %dma_start3A_674 : memref<1x56xi32, #tpu.memory_space<vmem>> -> memref<56xi32, #tpu.memory_space<vmem>>
        %dma_start3A_676 = tpu.memref_slice %arg4[%add3A_671] : memref<320000xi32, #tpu.memory_space<hbm>> -> memref<56xi32, #tpu.memory_space<hbm>>
        %dma_start3A_677 = arith.constant 0 : i32
        %dma_start3A_678 = tpu.memref_slice %arg8[%dma_start3A_672, %dma_start3A_677] : memref<3x56xi32, #tpu.memory_space<vmem>> -> memref<1x56xi32, #tpu.memory_space<vmem>>
        %dma_start3A_679 = tpu.memref_squeeze %dma_start3A_678 : memref<1x56xi32, #tpu.memory_space<vmem>> -> memref<56xi32, #tpu.memory_space<vmem>>
        %dma_start3A_680 = tpu.memref_slice %arg4[%add3A_671] : memref<320000xi32, #tpu.memory_space<hbm>> -> memref<56xi32, #tpu.memory_space<hbm>>
        tpu.enqueue_dma source(%dma_start3A_680 : memref<56xi32, #tpu.memory_space<hbm>>) target(%dma_start3A_679 : memref<56xi32, #tpu.memory_space<vmem>>) target_semaphore(%arg22 : memref<!tpu.dma_semaphore, #tpu.memory_space<semaphore_mem>>)
        %mul3A_681 = arith.constant 5000 : i32
        %mul3A_682 = arith.muli %add3A, %mul3A_681 : i32
        %mul3A_683 = arith.constant 56 : i32
        %mul3A_684 = arith.muli %add3A_664, %mul3A_683 : i32
        %add3A_685 = arith.addi %mul3A_682, %mul3A_684 : i32
        %add3A_686 = arith.constant 160000 : i32
        %add3A_687 = arith.addi %add3A_686, %add3A_685 : i32
        %dma_start3A_688 = arith.constant 2 : i32
        %dma_start3A_689 = arith.constant 0 : i32
        %dma_start3A_690 = tpu.memref_slice %arg9[%dma_start3A_688, %dma_start3A_689] : memref<3x56xi32, #tpu.memory_space<vmem>> -> memref<1x56xi32, #tpu.memory_space<vmem>>
        %dma_start3A_691 = tpu.memref_squeeze %dma_start3A_690 : memref<1x56xi32, #tpu.memory_space<vmem>> -> memref<56xi32, #tpu.memory_space<vmem>>
        %dma_start3A_692 = tpu.memref_slice %arg5[%add3A_687] : memref<320000xi32, #tpu.memory_space<hbm>> -> memref<56xi32, #tpu.memory_space<hbm>>
        %dma_start3A_693 = arith.constant 0 : i32
        %dma_start3A_694 = tpu.memref_slice %arg9[%dma_start3A_688, %dma_start3A_693] : memref<3x56xi32, #tpu.memory_space<vmem>> -> memref<1x56xi32, #tpu.memory_space<vmem>>
        %dma_start3A_695 = tpu.memref_squeeze %dma_start3A_694 : memref<1x56xi32, #tpu.memory_space<vmem>> -> memref<56xi32, #tpu.memory_space<vmem>>
        %dma_start3A_696 = tpu.memref_slice %arg5[%add3A_687] : memref<320000xi32, #tpu.memory_space<hbm>> -> memref<56xi32, #tpu.memory_space<hbm>>
        tpu.enqueue_dma source(%dma_start3A_696 : memref<56xi32, #tpu.memory_space<hbm>>) target(%dma_start3A_695 : memref<56xi32, #tpu.memory_space<vmem>>) target_semaphore(%arg22 : memref<!tpu.dma_semaphore, #tpu.memory_space<semaphore_mem>>)
      } else {
      }
      %dma_start3A_433 = arith.constant 0 : i32
      %dma_start3A_434 = arith.constant 0 : i32
      %dma_start3A_435 = tpu.memref_slice %arg8[%dma_start3A_433, %dma_start3A_434] : memref<3x56xi32, #tpu.memory_space<vmem>> -> memref<1x56xi32, #tpu.memory_space<vmem>>
      %dma_start3A_436 = tpu.memref_squeeze %dma_start3A_435 : memref<1x56xi32, #tpu.memory_space<vmem>> -> memref<56xi32, #tpu.memory_space<vmem>>
      %dma_start3A_437 = arith.constant 0 : i32
      %dma_start3A_438 = arith.constant 0 : i32
      %dma_start3A_439 = tpu.memref_slice %arg18[%dma_start3A_437, %dma_start3A_438] : memref<10240x128xf32, #tpu.memory_space<vmem_shared>> -> memref<10240x128xf32, #tpu.memory_space<vmem_shared>>
      tpu.enqueue_indirect_dma source(%arg12 : memref<56x128xf32, #tpu.memory_space<vmem>>) target(%dma_start3A_439 : memref<10240x128xf32, #tpu.memory_space<vmem_shared>>) offsets(%dma_start3A_436 : memref<56xi32, #tpu.memory_space<vmem>>) semaphore(%arg26 : memref<!tpu.dma_semaphore, #tpu.memory_space<semaphore_mem>>) {add = true}
      %mul3A_440 = arith.constant 3 : i32
      %mul3A_441 = arith.muli %add3A_349, %mul3A_440 : i32
      %add3A_442 = arith.constant 1 : i32
      %add3A_443 = arith.addi %mul3A_441, %add3A_442 : i32
      %add3A_444 = arith.constant 1 : i32
      %add3A_445 = arith.addi %add3A_443, %add3A_444 : i32
      %mul3A_446 = arith.constant 5000 : i32
      %mul3A_447 = arith.muli %add3A, %mul3A_446 : i32
      %mul3A_448 = arith.constant 56 : i32
      %mul3A_449 = arith.muli %add3A_445, %mul3A_448 : i32
      %add3A_450 = arith.addi %mul3A_447, %mul3A_449 : i32
      %add3A_451 = arith.constant 160000 : i32
      %add3A_452 = arith.addi %add3A_451, %add3A_450 : i32
      %dma_wait3A_453 = arith.constant 2 : i32
      %dma_wait3A_454 = arith.constant 0 : i32
      %dma_wait3A_455 = tpu.memref_slice %arg8[%dma_wait3A_453, %dma_wait3A_454] : memref<3x56xi32, #tpu.memory_space<vmem>> -> memref<1x56xi32, #tpu.memory_space<vmem>>
      %dma_wait3A_456 = tpu.memref_squeeze %dma_wait3A_455 : memref<1x56xi32, #tpu.memory_space<vmem>> -> memref<56xi32, #tpu.memory_space<vmem>>
      %dma_wait3A_457 = tpu.memref_slice %arg4[%add3A_452] : memref<320000xi32, #tpu.memory_space<hbm>> -> memref<56xi32, #tpu.memory_space<hbm>>
      %dma_wait3A_458 = arith.constant 0 : i32
      %dma_wait3A_459 = tpu.memref_slice %arg8[%dma_wait3A_453, %dma_wait3A_458] : memref<3x56xi32, #tpu.memory_space<vmem>> -> memref<1x56xi32, #tpu.memory_space<vmem>>
      %dma_wait3A_460 = tpu.memref_squeeze %dma_wait3A_459 : memref<1x56xi32, #tpu.memory_space<vmem>> -> memref<56xi32, #tpu.memory_space<vmem>>
      %dma_wait3A_461 = tpu.memref_slice %arg4[%add3A_452] : memref<320000xi32, #tpu.memory_space<hbm>> -> memref<56xi32, #tpu.memory_space<hbm>>
      tpu.wait_dma2 semaphore(%arg22 : memref<!tpu.dma_semaphore, #tpu.memory_space<semaphore_mem>>) src(%dma_wait3A_461 : memref<56xi32, #tpu.memory_space<hbm>>) dst(%dma_wait3A_460 : memref<56xi32, #tpu.memory_space<vmem>>)
      %mul3A_462 = arith.constant 5000 : i32
      %mul3A_463 = arith.muli %add3A, %mul3A_462 : i32
      %mul3A_464 = arith.constant 56 : i32
      %mul3A_465 = arith.muli %add3A_445, %mul3A_464 : i32
      %add3A_466 = arith.addi %mul3A_463, %mul3A_465 : i32
      %add3A_467 = arith.constant 160000 : i32
      %add3A_468 = arith.addi %add3A_467, %add3A_466 : i32
      %dma_wait3A_469 = arith.constant 2 : i32
      %dma_wait3A_470 = arith.constant 0 : i32
      %dma_wait3A_471 = tpu.memref_slice %arg9[%dma_wait3A_469, %dma_wait3A_470] : memref<3x56xi32, #tpu.memory_space<vmem>> -> memref<1x56xi32, #tpu.memory_space<vmem>>
      %dma_wait3A_472 = tpu.memref_squeeze %dma_wait3A_471 : memref<1x56xi32, #tpu.memory_space<vmem>> -> memref<56xi32, #tpu.memory_space<vmem>>
      %dma_wait3A_473 = tpu.memref_slice %arg5[%add3A_468] : memref<320000xi32, #tpu.memory_space<hbm>> -> memref<56xi32, #tpu.memory_space<hbm>>
      %dma_wait3A_474 = arith.constant 0 : i32
      %dma_wait3A_475 = tpu.memref_slice %arg9[%dma_wait3A_469, %dma_wait3A_474] : memref<3x56xi32, #tpu.memory_space<vmem>> -> memref<1x56xi32, #tpu.memory_space<vmem>>
      %dma_wait3A_476 = tpu.memref_squeeze %dma_wait3A_475 : memref<1x56xi32, #tpu.memory_space<vmem>> -> memref<56xi32, #tpu.memory_space<vmem>>
      %dma_wait3A_477 = tpu.memref_slice %arg5[%add3A_468] : memref<320000xi32, #tpu.memory_space<hbm>> -> memref<56xi32, #tpu.memory_space<hbm>>
      tpu.wait_dma2 semaphore(%arg22 : memref<!tpu.dma_semaphore, #tpu.memory_space<semaphore_mem>>) src(%dma_wait3A_477 : memref<56xi32, #tpu.memory_space<hbm>>) dst(%dma_wait3A_476 : memref<56xi32, #tpu.memory_space<vmem>>)
      %add3A_478 = arith.constant 1 : i32
      %add3A_479 = arith.addi %add3A_443, %add3A_478 : i32
      %dma_start3A_480 = arith.constant 2 : i32
      %dma_start3A_481 = arith.constant 0 : i32
      %dma_start3A_482 = tpu.memref_slice %arg9[%dma_start3A_480, %dma_start3A_481] : memref<3x56xi32, #tpu.memory_space<vmem>> -> memref<1x56xi32, #tpu.memory_space<vmem>>
      %dma_start3A_483 = tpu.memref_squeeze %dma_start3A_482 : memref<1x56xi32, #tpu.memory_space<vmem>> -> memref<56xi32, #tpu.memory_space<vmem>>
      %dma_start3A_484 = arith.constant 0 : i32
      %dma_start3A_485 = arith.constant 0 : i32
      %dma_start3A_486 = tpu.memref_slice %arg2[%dma_start3A_484, %dma_start3A_485] : memref<10000x128xf32, #tpu.memory_space<hbm>> -> memref<10000x128xf32, #tpu.memory_space<hbm>>
      tpu.enqueue_indirect_dma source(%dma_start3A_486 : memref<10000x128xf32, #tpu.memory_space<hbm>>) target(%arg14 : memref<56x128xf32, #tpu.memory_space<vmem>>) offsets(%dma_start3A_483 : memref<56xi32, #tpu.memory_space<vmem>>) semaphore(%arg25 : memref<!tpu.dma_semaphore, #tpu.memory_space<semaphore_mem>>)
      %mul3A_487 = arith.constant 5000 : i32
      %mul3A_488 = arith.muli %add3A, %mul3A_487 : i32
      %mul3A_489 = arith.constant 56 : i32
      %mul3A_490 = arith.muli %add3A_479, %mul3A_489 : i32
      %add3A_491 = arith.addi %mul3A_488, %mul3A_490 : i32
      %dma_start3A_492 = arith.constant 0 : i32
      %dma_start3A_493 = tpu.memref_slice %arg3[%add3A_491, %dma_start3A_492] : memref<160000x128xf32, #tpu.memory_space<hbm>> -> memref<56x128xf32, #tpu.memory_space<hbm>>
      %dma_start3A_494 = arith.constant 0 : i32
      %dma_start3A_495 = tpu.memref_slice %arg3[%add3A_491, %dma_start3A_494] : memref<160000x128xf32, #tpu.memory_space<hbm>> -> memref<56x128xf32, #tpu.memory_space<hbm>>
      tpu.enqueue_dma source(%dma_start3A_495 : memref<56x128xf32, #tpu.memory_space<hbm>>) target(%arg17 : memref<56x128xf32, #tpu.memory_space<vmem>>) target_semaphore(%arg25 : memref<!tpu.dma_semaphore, #tpu.memory_space<semaphore_mem>>)
      %dma_wait3A_496 = arith.constant 1 : i32
      %dma_wait3A_497 = arith.constant 0 : i32
      %dma_wait3A_498 = tpu.memref_slice %arg9[%dma_wait3A_496, %dma_wait3A_497] : memref<3x56xi32, #tpu.memory_space<vmem>> -> memref<1x56xi32, #tpu.memory_space<vmem>>
      %dma_wait3A_499 = tpu.memref_squeeze %dma_wait3A_498 : memref<1x56xi32, #tpu.memory_space<vmem>> -> memref<56xi32, #tpu.memory_space<vmem>>
      %dma_wait3A_500 = arith.constant 0 : i32
      %dma_wait3A_501 = arith.constant 0 : i32
      %dma_wait3A_502 = tpu.memref_slice %arg2[%dma_wait3A_500, %dma_wait3A_501] : memref<10000x128xf32, #tpu.memory_space<hbm>> -> memref<10000x128xf32, #tpu.memory_space<hbm>>
      tpu.wait_indirect_dma semaphore(%arg24 : memref<!tpu.dma_semaphore, #tpu.memory_space<semaphore_mem>>) src(%dma_wait3A_502 : memref<10000x128xf32, #tpu.memory_space<hbm>>) dst(%arg13 : memref<56x128xf32, #tpu.memory_space<vmem>>)
      %mul3A_503 = arith.constant 5000 : i32
      %mul3A_504 = arith.muli %add3A, %mul3A_503 : i32
      %mul3A_505 = arith.constant 56 : i32
      %mul3A_506 = arith.muli %add3A_443, %mul3A_505 : i32
      %add3A_507 = arith.addi %mul3A_504, %mul3A_506 : i32
      %dma_wait3A_508 = arith.constant 0 : i32
      %dma_wait3A_509 = tpu.memref_slice %arg3[%add3A_507, %dma_wait3A_508] : memref<160000x128xf32, #tpu.memory_space<hbm>> -> memref<56x128xf32, #tpu.memory_space<hbm>>
      %dma_wait3A_510 = arith.constant 0 : i32
      %dma_wait3A_511 = tpu.memref_slice %arg3[%add3A_507, %dma_wait3A_510] : memref<160000x128xf32, #tpu.memory_space<hbm>> -> memref<56x128xf32, #tpu.memory_space<hbm>>
      tpu.wait_dma2 semaphore(%arg24 : memref<!tpu.dma_semaphore, #tpu.memory_space<semaphore_mem>>) src(%dma_wait3A_511 : memref<56x128xf32, #tpu.memory_space<hbm>>) dst(%arg16 : memref<56x128xf32, #tpu.memory_space<vmem>>)
      %scan3A_512 = arith.constant 0 : i32
      %scan3A_513 = arith.constant 56 : i32
      %scan3A_514 = arith.addi %scan3A_512, %scan3A_513 : i32
      %scan3A_515 = arith.constant 1 : i32
      scf.for %scan3A_663 = %scan3A_512 to %scan3A_514 step %scan3A_515  : i32 {
        %mul3A_664 = arith.constant 1 : i32
        %mul3A_665 = arith.muli %scan3A_663, %mul3A_664 : i32
        %add3A_666 = arith.constant 0 : i32
        %add3A_667 = arith.addi %add3A_666, %mul3A_665 : i32
        %get3A = arith.index_cast %add3A_667 : i32 to index
        %get3A_668 = arith.constant 0 : index
        %get3A_669 = tpu.vector_load %arg13[%get3A, %get3A_668] {strides = array<i32>} : memref<56x128xf32, #tpu.memory_space<vmem>>, vector<1x16xf32>,
        %get3A_670 = vector.shape_cast %get3A_669 : vector<1x16xf32> to vector<1x16xf32>
        %get3A_671 = arith.index_cast %add3A_667 : i32 to index
        %get3A_672 = arith.constant 0 : index
        %get3A_673 = tpu.vector_load %arg16[%get3A_671, %get3A_672] {strides = array<i32>} : memref<56x128xf32, #tpu.memory_space<vmem>>, vector<1x16xf32>,
        %get3A_674 = vector.shape_cast %get3A_673 : vector<1x16xf32> to vector<1x16xf32>
        %mul3A_675 = arith.mulf %get3A_670, %get3A_674 : vector<1x16xf32>
        %swap3A = arith.index_cast %add3A_667 : i32 to index
        %swap3A_676 = arith.constant 0 : index
        %swap3A_677 = tpu.vector_load %arg13[%swap3A, %swap3A_676] {strides = array<i32>} : memref<56x128xf32, #tpu.memory_space<vmem>>, vector<1x16xf32>,
        %swap3A_678 = vector.shape_cast %swap3A_677 : vector<1x16xf32> to vector<1x16xf32>
        %swap3A_679 = vector.shape_cast %mul3A_675 : vector<1x16xf32> to vector<1x16xf32>
        tpu.vector_store %arg13[%swap3A, %swap3A_676], %swap3A_679 {strides = array<i32>} : memref<56x128xf32, #tpu.memory_space<vmem>>, vector<1x16xf32>,
        %get3A_680 = arith.index_cast %add3A_667 : i32 to index
        %get3A_681 = arith.constant 16 : index
        %get3A_682 = tpu.vector_load %arg13[%get3A_680, %get3A_681] {strides = array<i32>} : memref<56x128xf32, #tpu.memory_space<vmem>>, vector<1x16xf32>,
        %get3A_683 = vector.shape_cast %get3A_682 : vector<1x16xf32> to vector<1x16xf32>
        %get3A_684 = arith.index_cast %add3A_667 : i32 to index
        %get3A_685 = arith.constant 16 : index
        %get3A_686 = tpu.vector_load %arg16[%get3A_684, %get3A_685] {strides = array<i32>} : memref<56x128xf32, #tpu.memory_space<vmem>>, vector<1x16xf32>,
        %get3A_687 = vector.shape_cast %get3A_686 : vector<1x16xf32> to vector<1x16xf32>
        %mul3A_688 = arith.mulf %get3A_683, %get3A_687 : vector<1x16xf32>
        %swap3A_689 = arith.index_cast %add3A_667 : i32 to index
        %swap3A_690 = arith.constant 16 : index
        %swap3A_691 = tpu.vector_load %arg13[%swap3A_689, %swap3A_690] {strides = array<i32>} : memref<56x128xf32, #tpu.memory_space<vmem>>, vector<1x16xf32>,
        %swap3A_692 = vector.shape_cast %swap3A_691 : vector<1x16xf32> to vector<1x16xf32>
        %swap3A_693 = vector.shape_cast %mul3A_688 : vector<1x16xf32> to vector<1x16xf32>
        tpu.vector_store %arg13[%swap3A_689, %swap3A_690], %swap3A_693 {strides = array<i32>} : memref<56x128xf32, #tpu.memory_space<vmem>>, vector<1x16xf32>,
        %get3A_694 = arith.index_cast %add3A_667 : i32 to index
        %get3A_695 = arith.constant 32 : index
        %get3A_696 = tpu.vector_load %arg13[%get3A_694, %get3A_695] {strides = array<i32>} : memref<56x128xf32, #tpu.memory_space<vmem>>, vector<1x16xf32>,
        %get3A_697 = vector.shape_cast %get3A_696 : vector<1x16xf32> to vector<1x16xf32>
        %get3A_698 = arith.index_cast %add3A_667 : i32 to index
        %get3A_699 = arith.constant 32 : index
        %get3A_700 = tpu.vector_load %arg16[%get3A_698, %get3A_699] {strides = array<i32>} : memref<56x128xf32, #tpu.memory_space<vmem>>, vector<1x16xf32>,
        %get3A_701 = vector.shape_cast %get3A_700 : vector<1x16xf32> to vector<1x16xf32>
        %mul3A_702 = arith.mulf %get3A_697, %get3A_701 : vector<1x16xf32>
        %swap3A_703 = arith.index_cast %add3A_667 : i32 to index
        %swap3A_704 = arith.constant 32 : index
        %swap3A_705 = tpu.vector_load %arg13[%swap3A_703, %swap3A_704] {strides = array<i32>} : memref<56x128xf32, #tpu.memory_space<vmem>>, vector<1x16xf32>,
        %swap3A_706 = vector.shape_cast %swap3A_705 : vector<1x16xf32> to vector<1x16xf32>
        %swap3A_707 = vector.shape_cast %mul3A_702 : vector<1x16xf32> to vector<1x16xf32>
        tpu.vector_store %arg13[%swap3A_703, %swap3A_704], %swap3A_707 {strides = array<i32>} : memref<56x128xf32, #tpu.memory_space<vmem>>, vector<1x16xf32>,
        %get3A_708 = arith.index_cast %add3A_667 : i32 to index
        %get3A_709 = arith.constant 48 : index
        %get3A_710 = tpu.vector_load %arg13[%get3A_708, %get3A_709] {strides = array<i32>} : memref<56x128xf32, #tpu.memory_space<vmem>>, vector<1x16xf32>,
        %get3A_711 = vector.shape_cast %get3A_710 : vector<1x16xf32> to vector<1x16xf32>
        %get3A_712 = arith.index_cast %add3A_667 : i32 to index
        %get3A_713 = arith.constant 48 : index
        %get3A_714 = tpu.vector_load %arg16[%get3A_712, %get3A_713] {strides = array<i32>} : memref<56x128xf32, #tpu.memory_space<vmem>>, vector<1x16xf32>,
        %get3A_715 = vector.shape_cast %get3A_714 : vector<1x16xf32> to vector<1x16xf32>
        %mul3A_716 = arith.mulf %get3A_711, %get3A_715 : vector<1x16xf32>
        %swap3A_717 = arith.index_cast %add3A_667 : i32 to index
        %swap3A_718 = arith.constant 48 : index
        %swap3A_719 = tpu.vector_load %arg13[%swap3A_717, %swap3A_718] {strides = array<i32>} : memref<56x128xf32, #tpu.memory_space<vmem>>, vector<1x16xf32>,
        %swap3A_720 = vector.shape_cast %swap3A_719 : vector<1x16xf32> to vector<1x16xf32>
        %swap3A_721 = vector.shape_cast %mul3A_716 : vector<1x16xf32> to vector<1x16xf32>
        tpu.vector_store %arg13[%swap3A_717, %swap3A_718], %swap3A_721 {strides = array<i32>} : memref<56x128xf32, #tpu.memory_space<vmem>>, vector<1x16xf32>,
        %get3A_722 = arith.index_cast %add3A_667 : i32 to index
        %get3A_723 = arith.constant 64 : index
        %get3A_724 = tpu.vector_load %arg13[%get3A_722, %get3A_723] {strides = array<i32>} : memref<56x128xf32, #tpu.memory_space<vmem>>, vector<1x16xf32>,
        %get3A_725 = vector.shape_cast %get3A_724 : vector<1x16xf32> to vector<1x16xf32>
        %get3A_726 = arith.index_cast %add3A_667 : i32 to index
        %get3A_727 = arith.constant 64 : index
        %get3A_728 = tpu.vector_load %arg16[%get3A_726, %get3A_727] {strides = array<i32>} : memref<56x128xf32, #tpu.memory_space<vmem>>, vector<1x16xf32>,
        %get3A_729 = vector.shape_cast %get3A_728 : vector<1x16xf32> to vector<1x16xf32>
        %mul3A_730 = arith.mulf %get3A_725, %get3A_729 : vector<1x16xf32>
        %swap3A_731 = arith.index_cast %add3A_667 : i32 to index
        %swap3A_732 = arith.constant 64 : index
        %swap3A_733 = tpu.vector_load %arg13[%swap3A_731, %swap3A_732] {strides = array<i32>} : memref<56x128xf32, #tpu.memory_space<vmem>>, vector<1x16xf32>,
        %swap3A_734 = vector.shape_cast %swap3A_733 : vector<1x16xf32> to vector<1x16xf32>
        %swap3A_735 = vector.shape_cast %mul3A_730 : vector<1x16xf32> to vector<1x16xf32>
        tpu.vector_store %arg13[%swap3A_731, %swap3A_732], %swap3A_735 {strides = array<i32>} : memref<56x128xf32, #tpu.memory_space<vmem>>, vector<1x16xf32>,
        %get3A_736 = arith.index_cast %add3A_667 : i32 to index
        %get3A_737 = arith.constant 80 : index
        %get3A_738 = tpu.vector_load %arg13[%get3A_736, %get3A_737] {strides = array<i32>} : memref<56x128xf32, #tpu.memory_space<vmem>>, vector<1x16xf32>,
        %get3A_739 = vector.shape_cast %get3A_738 : vector<1x16xf32> to vector<1x16xf32>
        %get3A_740 = arith.index_cast %add3A_667 : i32 to index
        %get3A_741 = arith.constant 80 : index
        %get3A_742 = tpu.vector_load %arg16[%get3A_740, %get3A_741] {strides = array<i32>} : memref<56x128xf32, #tpu.memory_space<vmem>>, vector<1x16xf32>,
        %get3A_743 = vector.shape_cast %get3A_742 : vector<1x16xf32> to vector<1x16xf32>
        %mul3A_744 = arith.mulf %get3A_739, %get3A_743 : vector<1x16xf32>
        %swap3A_745 = arith.index_cast %add3A_667 : i32 to index
        %swap3A_746 = arith.constant 80 : index
        %swap3A_747 = tpu.vector_load %arg13[%swap3A_745, %swap3A_746] {strides = array<i32>} : memref<56x128xf32, #tpu.memory_space<vmem>>, vector<1x16xf32>,
        %swap3A_748 = vector.shape_cast %swap3A_747 : vector<1x16xf32> to vector<1x16xf32>
        %swap3A_749 = vector.shape_cast %mul3A_744 : vector<1x16xf32> to vector<1x16xf32>
        tpu.vector_store %arg13[%swap3A_745, %swap3A_746], %swap3A_749 {strides = array<i32>} : memref<56x128xf32, #tpu.memory_space<vmem>>, vector<1x16xf32>,
        %get3A_750 = arith.index_cast %add3A_667 : i32 to index
        %get3A_751 = arith.constant 96 : index
        %get3A_752 = tpu.vector_load %arg13[%get3A_750, %get3A_751] {strides = array<i32>} : memref<56x128xf32, #tpu.memory_space<vmem>>, vector<1x16xf32>,
        %get3A_753 = vector.shape_cast %get3A_752 : vector<1x16xf32> to vector<1x16xf32>
        %get3A_754 = arith.index_cast %add3A_667 : i32 to index
        %get3A_755 = arith.constant 96 : index
        %get3A_756 = tpu.vector_load %arg16[%get3A_754, %get3A_755] {strides = array<i32>} : memref<56x128xf32, #tpu.memory_space<vmem>>, vector<1x16xf32>,
        %get3A_757 = vector.shape_cast %get3A_756 : vector<1x16xf32> to vector<1x16xf32>
        %mul3A_758 = arith.mulf %get3A_753, %get3A_757 : vector<1x16xf32>
        %swap3A_759 = arith.index_cast %add3A_667 : i32 to index
        %swap3A_760 = arith.constant 96 : index
        %swap3A_761 = tpu.vector_load %arg13[%swap3A_759, %swap3A_760] {strides = array<i32>} : memref<56x128xf32, #tpu.memory_space<vmem>>, vector<1x16xf32>,
        %swap3A_762 = vector.shape_cast %swap3A_761 : vector<1x16xf32> to vector<1x16xf32>
        %swap3A_763 = vector.shape_cast %mul3A_758 : vector<1x16xf32> to vector<1x16xf32>
        tpu.vector_store %arg13[%swap3A_759, %swap3A_760], %swap3A_763 {strides = array<i32>} : memref<56x128xf32, #tpu.memory_space<vmem>>, vector<1x16xf32>,
        %get3A_764 = arith.index_cast %add3A_667 : i32 to index
        %get3A_765 = arith.constant 112 : index
        %get3A_766 = tpu.vector_load %arg13[%get3A_764, %get3A_765] {strides = array<i32>} : memref<56x128xf32, #tpu.memory_space<vmem>>, vector<1x16xf32>,
        %get3A_767 = vector.shape_cast %get3A_766 : vector<1x16xf32> to vector<1x16xf32>
        %get3A_768 = arith.index_cast %add3A_667 : i32 to index
        %get3A_769 = arith.constant 112 : index
        %get3A_770 = tpu.vector_load %arg16[%get3A_768, %get3A_769] {strides = array<i32>} : memref<56x128xf32, #tpu.memory_space<vmem>>, vector<1x16xf32>,
        %get3A_771 = vector.shape_cast %get3A_770 : vector<1x16xf32> to vector<1x16xf32>
        %mul3A_772 = arith.mulf %get3A_767, %get3A_771 : vector<1x16xf32>
        %swap3A_773 = arith.index_cast %add3A_667 : i32 to index
        %swap3A_774 = arith.constant 112 : index
        %swap3A_775 = tpu.vector_load %arg13[%swap3A_773, %swap3A_774] {strides = array<i32>} : memref<56x128xf32, #tpu.memory_space<vmem>>, vector<1x16xf32>,
        %swap3A_776 = vector.shape_cast %swap3A_775 : vector<1x16xf32> to vector<1x16xf32>
        %swap3A_777 = vector.shape_cast %mul3A_772 : vector<1x16xf32> to vector<1x16xf32>
        tpu.vector_store %arg13[%swap3A_773, %swap3A_774], %swap3A_777 {strides = array<i32>} : memref<56x128xf32, #tpu.memory_space<vmem>>, vector<1x16xf32>,
      }
      %scan3A_516 = arith.constant 56 : i32
      %sub3A = arith.constant 1 : i32
      %sub3A_517 = arith.subi %add3A_443, %sub3A : i32
      %dma_wait3A_518 = arith.constant 0 : i32
      %dma_wait3A_519 = arith.constant 0 : i32
      %dma_wait3A_520 = tpu.memref_slice %arg8[%dma_wait3A_518, %dma_wait3A_519] : memref<3x56xi32, #tpu.memory_space<vmem>> -> memref<1x56xi32, #tpu.memory_space<vmem>>
      %dma_wait3A_521 = tpu.memref_squeeze %dma_wait3A_520 : memref<1x56xi32, #tpu.memory_space<vmem>> -> memref<56xi32, #tpu.memory_space<vmem>>
      %dma_wait3A_522 = arith.constant 0 : i32
      %dma_wait3A_523 = arith.constant 0 : i32
      %dma_wait3A_524 = tpu.memref_slice %arg18[%dma_wait3A_522, %dma_wait3A_523] : memref<10240x128xf32, #tpu.memory_space<vmem_shared>> -> memref<10240x128xf32, #tpu.memory_space<vmem_shared>>
      tpu.wait_indirect_dma semaphore(%arg26 : memref<!tpu.dma_semaphore, #tpu.memory_space<semaphore_mem>>) src(%arg12 : memref<56x128xf32, #tpu.memory_space<vmem>>) dst(%dma_wait3A_524 : memref<10240x128xf32, #tpu.memory_space<vmem_shared>>)
      %add3A_525 = arith.constant 2 : i32
      %add3A_526 = arith.addi %add3A_443, %add3A_525 : i32
      %mul3A_527 = arith.constant 5000 : i32
      %mul3A_528 = arith.muli %add3A, %mul3A_527 : i32
      %mul3A_529 = arith.constant 56 : i32
      %mul3A_530 = arith.muli %add3A_526, %mul3A_529 : i32
      %add3A_531 = arith.addi %mul3A_528, %mul3A_530 : i32
      %add3A_532 = arith.constant 160000 : i32
      %add3A_533 = arith.addi %add3A_532, %add3A_531 : i32
      %dma_start3A_534 = arith.constant 0 : i32
      %dma_start3A_535 = arith.constant 0 : i32
      %dma_start3A_536 = tpu.memref_slice %arg8[%dma_start3A_534, %dma_start3A_535] : memref<3x56xi32, #tpu.memory_space<vmem>> -> memref<1x56xi32, #tpu.memory_space<vmem>>
      %dma_start3A_537 = tpu.memref_squeeze %dma_start3A_536 : memref<1x56xi32, #tpu.memory_space<vmem>> -> memref<56xi32, #tpu.memory_space<vmem>>
      %dma_start3A_538 = tpu.memref_slice %arg4[%add3A_533] : memref<320000xi32, #tpu.memory_space<hbm>> -> memref<56xi32, #tpu.memory_space<hbm>>
      %dma_start3A_539 = arith.constant 0 : i32
      %dma_start3A_540 = tpu.memref_slice %arg8[%dma_start3A_534, %dma_start3A_539] : memref<3x56xi32, #tpu.memory_space<vmem>> -> memref<1x56xi32, #tpu.memory_space<vmem>>
      %dma_start3A_541 = tpu.memref_squeeze %dma_start3A_540 : memref<1x56xi32, #tpu.memory_space<vmem>> -> memref<56xi32, #tpu.memory_space<vmem>>
      %dma_start3A_542 = tpu.memref_slice %arg4[%add3A_533] : memref<320000xi32, #tpu.memory_space<hbm>> -> memref<56xi32, #tpu.memory_space<hbm>>
      tpu.enqueue_dma source(%dma_start3A_542 : memref<56xi32, #tpu.memory_space<hbm>>) target(%dma_start3A_541 : memref<56xi32, #tpu.memory_space<vmem>>) target_semaphore(%arg20 : memref<!tpu.dma_semaphore, #tpu.memory_space<semaphore_mem>>)
      %mul3A_543 = arith.constant 5000 : i32
      %mul3A_544 = arith.muli %add3A, %mul3A_543 : i32
      %mul3A_545 = arith.constant 56 : i32
      %mul3A_546 = arith.muli %add3A_526, %mul3A_545 : i32
      %add3A_547 = arith.addi %mul3A_544, %mul3A_546 : i32
      %add3A_548 = arith.constant 160000 : i32
      %add3A_549 = arith.addi %add3A_548, %add3A_547 : i32
      %dma_start3A_550 = arith.constant 0 : i32
      %dma_start3A_551 = arith.constant 0 : i32
      %dma_start3A_552 = tpu.memref_slice %arg9[%dma_start3A_550, %dma_start3A_551] : memref<3x56xi32, #tpu.memory_space<vmem>> -> memref<1x56xi32, #tpu.memory_space<vmem>>
      %dma_start3A_553 = tpu.memref_squeeze %dma_start3A_552 : memref<1x56xi32, #tpu.memory_space<vmem>> -> memref<56xi32, #tpu.memory_space<vmem>>
      %dma_start3A_554 = tpu.memref_slice %arg5[%add3A_549] : memref<320000xi32, #tpu.memory_space<hbm>> -> memref<56xi32, #tpu.memory_space<hbm>>
      %dma_start3A_555 = arith.constant 0 : i32
      %dma_start3A_556 = tpu.memref_slice %arg9[%dma_start3A_550, %dma_start3A_555] : memref<3x56xi32, #tpu.memory_space<vmem>> -> memref<1x56xi32, #tpu.memory_space<vmem>>
      %dma_start3A_557 = tpu.memref_squeeze %dma_start3A_556 : memref<1x56xi32, #tpu.memory_space<vmem>> -> memref<56xi32, #tpu.memory_space<vmem>>
      %dma_start3A_558 = tpu.memref_slice %arg5[%add3A_549] : memref<320000xi32, #tpu.memory_space<hbm>> -> memref<56xi32, #tpu.memory_space<hbm>>
      tpu.enqueue_dma source(%dma_start3A_558 : memref<56xi32, #tpu.memory_space<hbm>>) target(%dma_start3A_557 : memref<56xi32, #tpu.memory_space<vmem>>) target_semaphore(%arg20 : memref<!tpu.dma_semaphore, #tpu.memory_space<semaphore_mem>>)
      %dma_start3A_559 = arith.constant 1 : i32
      %dma_start3A_560 = arith.constant 0 : i32
      %dma_start3A_561 = tpu.memref_slice %arg8[%dma_start3A_559, %dma_start3A_560] : memref<3x56xi32, #tpu.memory_space<vmem>> -> memref<1x56xi32, #tpu.memory_space<vmem>>
      %dma_start3A_562 = tpu.memref_squeeze %dma_start3A_561 : memref<1x56xi32, #tpu.memory_space<vmem>> -> memref<56xi32, #tpu.memory_space<vmem>>
      %dma_start3A_563 = arith.constant 0 : i32
      %dma_start3A_564 = arith.constant 0 : i32
      %dma_start3A_565 = tpu.memref_slice %arg18[%dma_start3A_563, %dma_start3A_564] : memref<10240x128xf32, #tpu.memory_space<vmem_shared>> -> memref<10240x128xf32, #tpu.memory_space<vmem_shared>>
      tpu.enqueue_indirect_dma source(%arg13 : memref<56x128xf32, #tpu.memory_space<vmem>>) target(%dma_start3A_565 : memref<10240x128xf32, #tpu.memory_space<vmem_shared>>) offsets(%dma_start3A_562 : memref<56xi32, #tpu.memory_space<vmem>>) semaphore(%arg27 : memref<!tpu.dma_semaphore, #tpu.memory_space<semaphore_mem>>) {add = true}
      %mul3A_566 = arith.constant 3 : i32
      %mul3A_567 = arith.muli %add3A_349, %mul3A_566 : i32
      %add3A_568 = arith.constant 2 : i32
      %add3A_569 = arith.addi %mul3A_567, %add3A_568 : i32
      %add3A_570 = arith.constant 1 : i32
      %add3A_571 = arith.addi %add3A_569, %add3A_570 : i32
      %mul3A_572 = arith.constant 5000 : i32
      %mul3A_573 = arith.muli %add3A, %mul3A_572 : i32
      %mul3A_574 = arith.constant 56 : i32
      %mul3A_575 = arith.muli %add3A_571, %mul3A_574 : i32
      %add3A_576 = arith.addi %mul3A_573, %mul3A_575 : i32
      %add3A_577 = arith.constant 160000 : i32
      %add3A_578 = arith.addi %add3A_577, %add3A_576 : i32
      %dma_wait3A_579 = arith.constant 0 : i32
      %dma_wait3A_580 = arith.constant 0 : i32
      %dma_wait3A_581 = tpu.memref_slice %arg8[%dma_wait3A_579, %dma_wait3A_580] : memref<3x56xi32, #tpu.memory_space<vmem>> -> memref<1x56xi32, #tpu.memory_space<vmem>>
      %dma_wait3A_582 = tpu.memref_squeeze %dma_wait3A_581 : memref<1x56xi32, #tpu.memory_space<vmem>> -> memref<56xi32, #tpu.memory_space<vmem>>
      %dma_wait3A_583 = tpu.memref_slice %arg4[%add3A_578] : memref<320000xi32, #tpu.memory_space<hbm>> -> memref<56xi32, #tpu.memory_space<hbm>>
      %dma_wait3A_584 = arith.constant 0 : i32
      %dma_wait3A_585 = tpu.memref_slice %arg8[%dma_wait3A_579, %dma_wait3A_584] : memref<3x56xi32, #tpu.memory_space<vmem>> -> memref<1x56xi32, #tpu.memory_space<vmem>>
      %dma_wait3A_586 = tpu.memref_squeeze %dma_wait3A_585 : memref<1x56xi32, #tpu.memory_space<vmem>> -> memref<56xi32, #tpu.memory_space<vmem>>
      %dma_wait3A_587 = tpu.memref_slice %arg4[%add3A_578] : memref<320000xi32, #tpu.memory_space<hbm>> -> memref<56xi32, #tpu.memory_space<hbm>>
      tpu.wait_dma2 semaphore(%arg20 : memref<!tpu.dma_semaphore, #tpu.memory_space<semaphore_mem>>) src(%dma_wait3A_587 : memref<56xi32, #tpu.memory_space<hbm>>) dst(%dma_wait3A_586 : memref<56xi32, #tpu.memory_space<vmem>>)
      %mul3A_588 = arith.constant 5000 : i32
      %mul3A_589 = arith.muli %add3A, %mul3A_588 : i32
      %mul3A_590 = arith.constant 56 : i32
      %mul3A_591 = arith.muli %add3A_571, %mul3A_590 : i32
      %add3A_592 = arith.addi %mul3A_589, %mul3A_591 : i32
      %add3A_593 = arith.constant 160000 : i32
      %add3A_594 = arith.addi %add3A_593, %add3A_592 : i32
      %dma_wait3A_595 = arith.constant 0 : i32
      %dma_wait3A_596 = arith.constant 0 : i32
      %dma_wait3A_597 = tpu.memref_slice %arg9[%dma_wait3A_595, %dma_wait3A_596] : memref<3x56xi32, #tpu.memory_space<vmem>> -> memref<1x56xi32, #tpu.memory_space<vmem>>
      %dma_wait3A_598 = tpu.memref_squeeze %dma_wait3A_597 : memref<1x56xi32, #tpu.memory_space<vmem>> -> memref<56xi32, #tpu.memory_space<vmem>>
      %dma_wait3A_599 = tpu.memref_slice %arg5[%add3A_594] : memref<320000xi32, #tpu.memory_space<hbm>> -> memref<56xi32, #tpu.memory_space<hbm>>
      %dma_wait3A_600 = arith.constant 0 : i32
      %dma_wait3A_601 = tpu.memref_slice %arg9[%dma_wait3A_595, %dma_wait3A_600] : memref<3x56xi32, #tpu.memory_space<vmem>> -> memref<1x56xi32, #tpu.memory_space<vmem>>
      %dma_wait3A_602 = tpu.memref_squeeze %dma_wait3A_601 : memref<1x56xi32, #tpu.memory_space<vmem>> -> memref<56xi32, #tpu.memory_space<vmem>>
      %dma_wait3A_603 = tpu.memref_slice %arg5[%add3A_594] : memref<320000xi32, #tpu.memory_space<hbm>> -> memref<56xi32, #tpu.memory_space<hbm>>
      tpu.wait_dma2 semaphore(%arg20 : memref<!tpu.dma_semaphore, #tpu.memory_space<semaphore_mem>>) src(%dma_wait3A_603 : memref<56xi32, #tpu.memory_space<hbm>>) dst(%dma_wait3A_602 : memref<56xi32, #tpu.memory_space<vmem>>)
      %add3A_604 = arith.constant 1 : i32
      %add3A_605 = arith.addi %add3A_569, %add3A_604 : i32
      %dma_start3A_606 = arith.constant 0 : i32
      %dma_start3A_607 = arith.constant 0 : i32
      %dma_start3A_608 = tpu.memref_slice %arg9[%dma_start3A_606, %dma_start3A_607] : memref<3x56xi32, #tpu.memory_space<vmem>> -> memref<1x56xi32, #tpu.memory_space<vmem>>
      %dma_start3A_609 = tpu.memref_squeeze %dma_start3A_608 : memref<1x56xi32, #tpu.memory_space<vmem>> -> memref<56xi32, #tpu.memory_space<vmem>>
      %dma_start3A_610 = arith.constant 0 : i32
      %dma_start3A_611 = arith.constant 0 : i32
      %dma_start3A_612 = tpu.memref_slice %arg2[%dma_start3A_610, %dma_start3A_611] : memref<10000x128xf32, #tpu.memory_space<hbm>> -> memref<10000x128xf32, #tpu.memory_space<hbm>>
      tpu.enqueue_indirect_dma source(%dma_start3A_612 : memref<10000x128xf32, #tpu.memory_space<hbm>>) target(%arg12 : memref<56x128xf32, #tpu.memory_space<vmem>>) offsets(%dma_start3A_609 : memref<56xi32, #tpu.memory_space<vmem>>) semaphore(%arg23 : memref<!tpu.dma_semaphore, #tpu.memory_space<semaphore_mem>>)
      %mul3A_613 = arith.constant 5000 : i32
      %mul3A_614 = arith.muli %add3A, %mul3A_613 : i32
      %mul3A_615 = arith.constant 56 : i32
      %mul3A_616 = arith.muli %add3A_605, %mul3A_615 : i32
      %add3A_617 = arith.addi %mul3A_614, %mul3A_616 : i32
      %dma_start3A_618 = arith.constant 0 : i32
      %dma_start3A_619 = tpu.memref_slice %arg3[%add3A_617, %dma_start3A_618] : memref<160000x128xf32, #tpu.memory_space<hbm>> -> memref<56x128xf32, #tpu.memory_space<hbm>>
      %dma_start3A_620 = arith.constant 0 : i32
      %dma_start3A_621 = tpu.memref_slice %arg3[%add3A_617, %dma_start3A_620] : memref<160000x128xf32, #tpu.memory_space<hbm>> -> memref<56x128xf32, #tpu.memory_space<hbm>>
      tpu.enqueue_dma source(%dma_start3A_621 : memref<56x128xf32, #tpu.memory_space<hbm>>) target(%arg15 : memref<56x128xf32, #tpu.memory_space<vmem>>) target_semaphore(%arg23 : memref<!tpu.dma_semaphore, #tpu.memory_space<semaphore_mem>>)
      %dma_wait3A_622 = arith.constant 2 : i32
      %dma_wait3A_623 = arith.constant 0 : i32
      %dma_wait3A_624 = tpu.memref_slice %arg9[%dma_wait3A_622, %dma_wait3A_623] : memref<3x56xi32, #tpu.memory_space<vmem>> -> memref<1x56xi32, #tpu.memory_space<vmem>>
      %dma_wait3A_625 = tpu.memref_squeeze %dma_wait3A_624 : memref<1x56xi32, #tpu.memory_space<vmem>> -> memref<56xi32, #tpu.memory_space<vmem>>
      %dma_wait3A_626 = arith.constant 0 : i32
      %dma_wait3A_627 = arith.constant 0 : i32
      %dma_wait3A_628 = tpu.memref_slice %arg2[%dma_wait3A_626, %dma_wait3A_627] : memref<10000x128xf32, #tpu.memory_space<hbm>> -> memref<10000x128xf32, #tpu.memory_space<hbm>>
      tpu.wait_indirect_dma semaphore(%arg25 : memref<!tpu.dma_semaphore, #tpu.memory_space<semaphore_mem>>) src(%dma_wait3A_628 : memref<10000x128xf32, #tpu.memory_space<hbm>>) dst(%arg14 : memref<56x128xf32, #tpu.memory_space<vmem>>)
      %mul3A_629 = arith.constant 5000 : i32
      %mul3A_630 = arith.muli %add3A, %mul3A_629 : i32
      %mul3A_631 = arith.constant 56 : i32
      %mul3A_632 = arith.muli %add3A_569, %mul3A_631 : i32
      %add3A_633 = arith.addi %mul3A_630, %mul3A_632 : i32
      %dma_wait3A_634 = arith.constant 0 : i32
      %dma_wait3A_635 = tpu.memref_slice %arg3[%add3A_633, %dma_wait3A_634] : memref<160000x128xf32, #tpu.memory_space<hbm>> -> memref<56x128xf32, #tpu.memory_space<hbm>>
      %dma_wait3A_636 = arith.constant 0 : i32
      %dma_wait3A_637 = tpu.memref_slice %arg3[%add3A_633, %dma_wait3A_636] : memref<160000x128xf32, #tpu.memory_space<hbm>> -> memref<56x128xf32, #tpu.memory_space<hbm>>
      tpu.wait_dma2 semaphore(%arg25 : memref<!tpu.dma_semaphore, #tpu.memory_space<semaphore_mem>>) src(%dma_wait3A_637 : memref<56x128xf32, #tpu.memory_space<hbm>>) dst(%arg17 : memref<56x128xf32, #tpu.memory_space<vmem>>)
      %scan3A_638 = arith.constant 0 : i32
      %scan3A_639 = arith.constant 56 : i32
      %scan3A_640 = arith.addi %scan3A_638, %scan3A_639 : i32
      %scan3A_641 = arith.constant 1 : i32
      scf.for %scan3A_663 = %scan3A_638 to %scan3A_640 step %scan3A_641  : i32 {
        %mul3A_664 = arith.constant 1 : i32
        %mul3A_665 = arith.muli %scan3A_663, %mul3A_664 : i32
        %add3A_666 = arith.constant 0 : i32
        %add3A_667 = arith.addi %add3A_666, %mul3A_665 : i32
        %get3A = arith.index_cast %add3A_667 : i32 to index
        %get3A_668 = arith.constant 0 : index
        %get3A_669 = tpu.vector_load %arg14[%get3A, %get3A_668] {strides = array<i32>} : memref<56x128xf32, #tpu.memory_space<vmem>>, vector<1x16xf32>,
        %get3A_670 = vector.shape_cast %get3A_669 : vector<1x16xf32> to vector<1x16xf32>
        %get3A_671 = arith.index_cast %add3A_667 : i32 to index
        %get3A_672 = arith.constant 0 : index
        %get3A_673 = tpu.vector_load %arg17[%get3A_671, %get3A_672] {strides = array<i32>} : memref<56x128xf32, #tpu.memory_space<vmem>>, vector<1x16xf32>,
        %get3A_674 = vector.shape_cast %get3A_673 : vector<1x16xf32> to vector<1x16xf32>
        %mul3A_675 = arith.mulf %get3A_670, %get3A_674 : vector<1x16xf32>
        %swap3A = arith.index_cast %add3A_667 : i32 to index
        %swap3A_676 = arith.constant 0 : index
        %swap3A_677 = tpu.vector_load %arg14[%swap3A, %swap3A_676] {strides = array<i32>} : memref<56x128xf32, #tpu.memory_space<vmem>>, vector<1x16xf32>,
        %swap3A_678 = vector.shape_cast %swap3A_677 : vector<1x16xf32> to vector<1x16xf32>
        %swap3A_679 = vector.shape_cast %mul3A_675 : vector<1x16xf32> to vector<1x16xf32>
        tpu.vector_store %arg14[%swap3A, %swap3A_676], %swap3A_679 {strides = array<i32>} : memref<56x128xf32, #tpu.memory_space<vmem>>, vector<1x16xf32>,
        %get3A_680 = arith.index_cast %add3A_667 : i32 to index
        %get3A_681 = arith.constant 16 : index
        %get3A_682 = tpu.vector_load %arg14[%get3A_680, %get3A_681] {strides = array<i32>} : memref<56x128xf32, #tpu.memory_space<vmem>>, vector<1x16xf32>,
        %get3A_683 = vector.shape_cast %get3A_682 : vector<1x16xf32> to vector<1x16xf32>
        %get3A_684 = arith.index_cast %add3A_667 : i32 to index
        %get3A_685 = arith.constant 16 : index
        %get3A_686 = tpu.vector_load %arg17[%get3A_684, %get3A_685] {strides = array<i32>} : memref<56x128xf32, #tpu.memory_space<vmem>>, vector<1x16xf32>,
        %get3A_687 = vector.shape_cast %get3A_686 : vector<1x16xf32> to vector<1x16xf32>
        %mul3A_688 = arith.mulf %get3A_683, %get3A_687 : vector<1x16xf32>
        %swap3A_689 = arith.index_cast %add3A_667 : i32 to index
        %swap3A_690 = arith.constant 16 : index
        %swap3A_691 = tpu.vector_load %arg14[%swap3A_689, %swap3A_690] {strides = array<i32>} : memref<56x128xf32, #tpu.memory_space<vmem>>, vector<1x16xf32>,
        %swap3A_692 = vector.shape_cast %swap3A_691 : vector<1x16xf32> to vector<1x16xf32>
        %swap3A_693 = vector.shape_cast %mul3A_688 : vector<1x16xf32> to vector<1x16xf32>
        tpu.vector_store %arg14[%swap3A_689, %swap3A_690], %swap3A_693 {strides = array<i32>} : memref<56x128xf32, #tpu.memory_space<vmem>>, vector<1x16xf32>,
        %get3A_694 = arith.index_cast %add3A_667 : i32 to index
        %get3A_695 = arith.constant 32 : index
        %get3A_696 = tpu.vector_load %arg14[%get3A_694, %get3A_695] {strides = array<i32>} : memref<56x128xf32, #tpu.memory_space<vmem>>, vector<1x16xf32>,
        %get3A_697 = vector.shape_cast %get3A_696 : vector<1x16xf32> to vector<1x16xf32>
        %get3A_698 = arith.index_cast %add3A_667 : i32 to index
        %get3A_699 = arith.constant 32 : index
        %get3A_700 = tpu.vector_load %arg17[%get3A_698, %get3A_699] {strides = array<i32>} : memref<56x128xf32, #tpu.memory_space<vmem>>, vector<1x16xf32>,
        %get3A_701 = vector.shape_cast %get3A_700 : vector<1x16xf32> to vector<1x16xf32>
        %mul3A_702 = arith.mulf %get3A_697, %get3A_701 : vector<1x16xf32>
        %swap3A_703 = arith.index_cast %add3A_667 : i32 to index
        %swap3A_704 = arith.constant 32 : index
        %swap3A_705 = tpu.vector_load %arg14[%swap3A_703, %swap3A_704] {strides = array<i32>} : memref<56x128xf32, #tpu.memory_space<vmem>>, vector<1x16xf32>,
        %swap3A_706 = vector.shape_cast %swap3A_705 : vector<1x16xf32> to vector<1x16xf32>
        %swap3A_707 = vector.shape_cast %mul3A_702 : vector<1x16xf32> to vector<1x16xf32>
        tpu.vector_store %arg14[%swap3A_703, %swap3A_704], %swap3A_707 {strides = array<i32>} : memref<56x128xf32, #tpu.memory_space<vmem>>, vector<1x16xf32>,
        %get3A_708 = arith.index_cast %add3A_667 : i32 to index
        %get3A_709 = arith.constant 48 : index
        %get3A_710 = tpu.vector_load %arg14[%get3A_708, %get3A_709] {strides = array<i32>} : memref<56x128xf32, #tpu.memory_space<vmem>>, vector<1x16xf32>,
        %get3A_711 = vector.shape_cast %get3A_710 : vector<1x16xf32> to vector<1x16xf32>
        %get3A_712 = arith.index_cast %add3A_667 : i32 to index
        %get3A_713 = arith.constant 48 : index
        %get3A_714 = tpu.vector_load %arg17[%get3A_712, %get3A_713] {strides = array<i32>} : memref<56x128xf32, #tpu.memory_space<vmem>>, vector<1x16xf32>,
        %get3A_715 = vector.shape_cast %get3A_714 : vector<1x16xf32> to vector<1x16xf32>
        %mul3A_716 = arith.mulf %get3A_711, %get3A_715 : vector<1x16xf32>
        %swap3A_717 = arith.index_cast %add3A_667 : i32 to index
        %swap3A_718 = arith.constant 48 : index
        %swap3A_719 = tpu.vector_load %arg14[%swap3A_717, %swap3A_718] {strides = array<i32>} : memref<56x128xf32, #tpu.memory_space<vmem>>, vector<1x16xf32>,
        %swap3A_720 = vector.shape_cast %swap3A_719 : vector<1x16xf32> to vector<1x16xf32>
        %swap3A_721 = vector.shape_cast %mul3A_716 : vector<1x16xf32> to vector<1x16xf32>
        tpu.vector_store %arg14[%swap3A_717, %swap3A_718], %swap3A_721 {strides = array<i32>} : memref<56x128xf32, #tpu.memory_space<vmem>>, vector<1x16xf32>,
        %get3A_722 = arith.index_cast %add3A_667 : i32 to index
        %get3A_723 = arith.constant 64 : index
        %get3A_724 = tpu.vector_load %arg14[%get3A_722, %get3A_723] {strides = array<i32>} : memref<56x128xf32, #tpu.memory_space<vmem>>, vector<1x16xf32>,
        %get3A_725 = vector.shape_cast %get3A_724 : vector<1x16xf32> to vector<1x16xf32>
        %get3A_726 = arith.index_cast %add3A_667 : i32 to index
        %get3A_727 = arith.constant 64 : index
        %get3A_728 = tpu.vector_load %arg17[%get3A_726, %get3A_727] {strides = array<i32>} : memref<56x128xf32, #tpu.memory_space<vmem>>, vector<1x16xf32>,
        %get3A_729 = vector.shape_cast %get3A_728 : vector<1x16xf32> to vector<1x16xf32>
        %mul3A_730 = arith.mulf %get3A_725, %get3A_729 : vector<1x16xf32>
        %swap3A_731 = arith.index_cast %add3A_667 : i32 to index
        %swap3A_732 = arith.constant 64 : index
        %swap3A_733 = tpu.vector_load %arg14[%swap3A_731, %swap3A_732] {strides = array<i32>} : memref<56x128xf32, #tpu.memory_space<vmem>>, vector<1x16xf32>,
        %swap3A_734 = vector.shape_cast %swap3A_733 : vector<1x16xf32> to vector<1x16xf32>
        %swap3A_735 = vector.shape_cast %mul3A_730 : vector<1x16xf32> to vector<1x16xf32>
        tpu.vector_store %arg14[%swap3A_731, %swap3A_732], %swap3A_735 {strides = array<i32>} : memref<56x128xf32, #tpu.memory_space<vmem>>, vector<1x16xf32>,
        %get3A_736 = arith.index_cast %add3A_667 : i32 to index
        %get3A_737 = arith.constant 80 : index
        %get3A_738 = tpu.vector_load %arg14[%get3A_736, %get3A_737] {strides = array<i32>} : memref<56x128xf32, #tpu.memory_space<vmem>>, vector<1x16xf32>,
        %get3A_739 = vector.shape_cast %get3A_738 : vector<1x16xf32> to vector<1x16xf32>
        %get3A_740 = arith.index_cast %add3A_667 : i32 to index
        %get3A_741 = arith.constant 80 : index
        %get3A_742 = tpu.vector_load %arg17[%get3A_740, %get3A_741] {strides = array<i32>} : memref<56x128xf32, #tpu.memory_space<vmem>>, vector<1x16xf32>,
        %get3A_743 = vector.shape_cast %get3A_742 : vector<1x16xf32> to vector<1x16xf32>
        %mul3A_744 = arith.mulf %get3A_739, %get3A_743 : vector<1x16xf32>
        %swap3A_745 = arith.index_cast %add3A_667 : i32 to index
        %swap3A_746 = arith.constant 80 : index
        %swap3A_747 = tpu.vector_load %arg14[%swap3A_745, %swap3A_746] {strides = array<i32>} : memref<56x128xf32, #tpu.memory_space<vmem>>, vector<1x16xf32>,
        %swap3A_748 = vector.shape_cast %swap3A_747 : vector<1x16xf32> to vector<1x16xf32>
        %swap3A_749 = vector.shape_cast %mul3A_744 : vector<1x16xf32> to vector<1x16xf32>
        tpu.vector_store %arg14[%swap3A_745, %swap3A_746], %swap3A_749 {strides = array<i32>} : memref<56x128xf32, #tpu.memory_space<vmem>>, vector<1x16xf32>,
        %get3A_750 = arith.index_cast %add3A_667 : i32 to index
        %get3A_751 = arith.constant 96 : index
        %get3A_752 = tpu.vector_load %arg14[%get3A_750, %get3A_751] {strides = array<i32>} : memref<56x128xf32, #tpu.memory_space<vmem>>, vector<1x16xf32>,
        %get3A_753 = vector.shape_cast %get3A_752 : vector<1x16xf32> to vector<1x16xf32>
        %get3A_754 = arith.index_cast %add3A_667 : i32 to index
        %get3A_755 = arith.constant 96 : index
        %get3A_756 = tpu.vector_load %arg17[%get3A_754, %get3A_755] {strides = array<i32>} : memref<56x128xf32, #tpu.memory_space<vmem>>, vector<1x16xf32>,
        %get3A_757 = vector.shape_cast %get3A_756 : vector<1x16xf32> to vector<1x16xf32>
        %mul3A_758 = arith.mulf %get3A_753, %get3A_757 : vector<1x16xf32>
        %swap3A_759 = arith.index_cast %add3A_667 : i32 to index
        %swap3A_760 = arith.constant 96 : index
        %swap3A_761 = tpu.vector_load %arg14[%swap3A_759, %swap3A_760] {strides = array<i32>} : memref<56x128xf32, #tpu.memory_space<vmem>>, vector<1x16xf32>,
        %swap3A_762 = vector.shape_cast %swap3A_761 : vector<1x16xf32> to vector<1x16xf32>
        %swap3A_763 = vector.shape_cast %mul3A_758 : vector<1x16xf32> to vector<1x16xf32>
        tpu.vector_store %arg14[%swap3A_759, %swap3A_760], %swap3A_763 {strides = array<i32>} : memref<56x128xf32, #tpu.memory_space<vmem>>, vector<1x16xf32>,
        %get3A_764 = arith.index_cast %add3A_667 : i32 to index
        %get3A_765 = arith.constant 112 : index
        %get3A_766 = tpu.vector_load %arg14[%get3A_764, %get3A_765] {strides = array<i32>} : memref<56x128xf32, #tpu.memory_space<vmem>>, vector<1x16xf32>,
        %get3A_767 = vector.shape_cast %get3A_766 : vector<1x16xf32> to vector<1x16xf32>
        %get3A_768 = arith.index_cast %add3A_667 : i32 to index
        %get3A_769 = arith.constant 112 : index
        %get3A_770 = tpu.vector_load %arg17[%get3A_768, %get3A_769] {strides = array<i32>} : memref<56x128xf32, #tpu.memory_space<vmem>>, vector<1x16xf32>,
        %get3A_771 = vector.shape_cast %get3A_770 : vector<1x16xf32> to vector<1x16xf32>
        %mul3A_772 = arith.mulf %get3A_767, %get3A_771 : vector<1x16xf32>
        %swap3A_773 = arith.index_cast %add3A_667 : i32 to index
        %swap3A_774 = arith.constant 112 : index
        %swap3A_775 = tpu.vector_load %arg14[%swap3A_773, %swap3A_774] {strides = array<i32>} : memref<56x128xf32, #tpu.memory_space<vmem>>, vector<1x16xf32>,
        %swap3A_776 = vector.shape_cast %swap3A_775 : vector<1x16xf32> to vector<1x16xf32>
        %swap3A_777 = vector.shape_cast %mul3A_772 : vector<1x16xf32> to vector<1x16xf32>
        tpu.vector_store %arg14[%swap3A_773, %swap3A_774], %swap3A_777 {strides = array<i32>} : memref<56x128xf32, #tpu.memory_space<vmem>>, vector<1x16xf32>,
      }
      %scan3A_642 = arith.constant 56 : i32
      %sub3A_643 = arith.constant 1 : i32
      %sub3A_644 = arith.subi %add3A_569, %sub3A_643 : i32
      %dma_wait3A_645 = arith.constant 1 : i32
      %dma_wait3A_646 = arith.constant 0 : i32
      %dma_wait3A_647 = tpu.memref_slice %arg8[%dma_wait3A_645, %dma_wait3A_646] : memref<3x56xi32, #tpu.memory_space<vmem>> -> memref<1x56xi32, #tpu.memory_space<vmem>>
      %dma_wait3A_648 = tpu.memref_squeeze %dma_wait3A_647 : memref<1x56xi32, #tpu.memory_space<vmem>> -> memref<56xi32, #tpu.memory_space<vmem>>
      %dma_wait3A_649 = arith.constant 0 : i32
      %dma_wait3A_650 = arith.constant 0 : i32
      %dma_wait3A_651 = tpu.memref_slice %arg18[%dma_wait3A_649, %dma_wait3A_650] : memref<10240x128xf32, #tpu.memory_space<vmem_shared>> -> memref<10240x128xf32, #tpu.memory_space<vmem_shared>>
      tpu.wait_indirect_dma semaphore(%arg27 : memref<!tpu.dma_semaphore, #tpu.memory_space<semaphore_mem>>) src(%arg13 : memref<56x128xf32, #tpu.memory_space<vmem>>) dst(%dma_wait3A_651 : memref<10240x128xf32, #tpu.memory_space<vmem_shared>>)
      %lt3A = arith.constant 28 : i32
      %lt3A_652 = arith.cmpi slt, %add3A_349, %lt3A : i32
      %convert_element_type3A_653 = arith.extui %lt3A_652 : i1 to i32
      %cond3A_654 = arith.constant 0 : i32
      %cond3A_655 = arith.cmpi ne, %convert_element_type3A_653, %cond3A_654 : i32
      scf.if %cond3A_655 {
        %add3A_663 = arith.constant 2 : i32
        %add3A_664 = arith.addi %add3A_569, %add3A_663 : i32
        %mul3A_665 = arith.constant 5000 : i32
        %mul3A_666 = arith.muli %add3A, %mul3A_665 : i32
        %mul3A_667 = arith.constant 56 : i32
        %mul3A_668 = arith.muli %add3A_664, %mul3A_667 : i32
        %add3A_669 = arith.addi %mul3A_666, %mul3A_668 : i32
        %add3A_670 = arith.constant 160000 : i32
        %add3A_671 = arith.addi %add3A_670, %add3A_669 : i32
        %dma_start3A_672 = arith.constant 1 : i32
        %dma_start3A_673 = arith.constant 0 : i32
        %dma_start3A_674 = tpu.memref_slice %arg8[%dma_start3A_672, %dma_start3A_673] : memref<3x56xi32, #tpu.memory_space<vmem>> -> memref<1x56xi32, #tpu.memory_space<vmem>>
        %dma_start3A_675 = tpu.memref_squeeze %dma_start3A_674 : memref<1x56xi32, #tpu.memory_space<vmem>> -> memref<56xi32, #tpu.memory_space<vmem>>
        %dma_start3A_676 = tpu.memref_slice %arg4[%add3A_671] : memref<320000xi32, #tpu.memory_space<hbm>> -> memref<56xi32, #tpu.memory_space<hbm>>
        %dma_start3A_677 = arith.constant 0 : i32
        %dma_start3A_678 = tpu.memref_slice %arg8[%dma_start3A_672, %dma_start3A_677] : memref<3x56xi32, #tpu.memory_space<vmem>> -> memref<1x56xi32, #tpu.memory_space<vmem>>
        %dma_start3A_679 = tpu.memref_squeeze %dma_start3A_678 : memref<1x56xi32, #tpu.memory_space<vmem>> -> memref<56xi32, #tpu.memory_space<vmem>>
        %dma_start3A_680 = tpu.memref_slice %arg4[%add3A_671] : memref<320000xi32, #tpu.memory_space<hbm>> -> memref<56xi32, #tpu.memory_space<hbm>>
        tpu.enqueue_dma source(%dma_start3A_680 : memref<56xi32, #tpu.memory_space<hbm>>) target(%dma_start3A_679 : memref<56xi32, #tpu.memory_space<vmem>>) target_semaphore(%arg21 : memref<!tpu.dma_semaphore, #tpu.memory_space<semaphore_mem>>)
        %mul3A_681 = arith.constant 5000 : i32
        %mul3A_682 = arith.muli %add3A, %mul3A_681 : i32
        %mul3A_683 = arith.constant 56 : i32
        %mul3A_684 = arith.muli %add3A_664, %mul3A_683 : i32
        %add3A_685 = arith.addi %mul3A_682, %mul3A_684 : i32
        %add3A_686 = arith.constant 160000 : i32
        %add3A_687 = arith.addi %add3A_686, %add3A_685 : i32
        %dma_start3A_688 = arith.constant 1 : i32
        %dma_start3A_689 = arith.constant 0 : i32
        %dma_start3A_690 = tpu.memref_slice %arg9[%dma_start3A_688, %dma_start3A_689] : memref<3x56xi32, #tpu.memory_space<vmem>> -> memref<1x56xi32, #tpu.memory_space<vmem>>
        %dma_start3A_691 = tpu.memref_squeeze %dma_start3A_690 : memref<1x56xi32, #tpu.memory_space<vmem>> -> memref<56xi32, #tpu.memory_space<vmem>>
        %dma_start3A_692 = tpu.memref_slice %arg5[%add3A_687] : memref<320000xi32, #tpu.memory_space<hbm>> -> memref<56xi32, #tpu.memory_space<hbm>>
        %dma_start3A_693 = arith.constant 0 : i32
        %dma_start3A_694 = tpu.memref_slice %arg9[%dma_start3A_688, %dma_start3A_693] : memref<3x56xi32, #tpu.memory_space<vmem>> -> memref<1x56xi32, #tpu.memory_space<vmem>>
        %dma_start3A_695 = tpu.memref_squeeze %dma_start3A_694 : memref<1x56xi32, #tpu.memory_space<vmem>> -> memref<56xi32, #tpu.memory_space<vmem>>
        %dma_start3A_696 = tpu.memref_slice %arg5[%add3A_687] : memref<320000xi32, #tpu.memory_space<hbm>> -> memref<56xi32, #tpu.memory_space<hbm>>
        tpu.enqueue_dma source(%dma_start3A_696 : memref<56xi32, #tpu.memory_space<hbm>>) target(%dma_start3A_695 : memref<56xi32, #tpu.memory_space<vmem>>) target_semaphore(%arg21 : memref<!tpu.dma_semaphore, #tpu.memory_space<semaphore_mem>>)
      } else {
      }
      %dma_start3A_656 = arith.constant 2 : i32
      %dma_start3A_657 = arith.constant 0 : i32
      %dma_start3A_658 = tpu.memref_slice %arg8[%dma_start3A_656, %dma_start3A_657] : memref<3x56xi32, #tpu.memory_space<vmem>> -> memref<1x56xi32, #tpu.memory_space<vmem>>
      %dma_start3A_659 = tpu.memref_squeeze %dma_start3A_658 : memref<1x56xi32, #tpu.memory_space<vmem>> -> memref<56xi32, #tpu.memory_space<vmem>>
      %dma_start3A_660 = arith.constant 0 : i32
      %dma_start3A_661 = arith.constant 0 : i32
      %dma_start3A_662 = tpu.memref_slice %arg18[%dma_start3A_660, %dma_start3A_661] : memref<10240x128xf32, #tpu.memory_space<vmem_shared>> -> memref<10240x128xf32, #tpu.memory_space<vmem_shared>>
      tpu.enqueue_indirect_dma source(%arg14 : memref<56x128xf32, #tpu.memory_space<vmem>>) target(%dma_start3A_662 : memref<10240x128xf32, #tpu.memory_space<vmem_shared>>) offsets(%dma_start3A_659 : memref<56xi32, #tpu.memory_space<vmem>>) semaphore(%arg28 : memref<!tpu.dma_semaphore, #tpu.memory_space<semaphore_mem>>) {add = true}
    }
    %scan3A_115 = arith.constant 29 : i32
    %mul3A_116 = arith.constant 5000 : i32
    %mul3A_117 = arith.muli %add3A, %mul3A_116 : i32
    %add3A_118 = arith.constant 4928 : i32
    %add3A_119 = arith.addi %mul3A_117, %add3A_118 : i32
    %add3A_120 = arith.constant 160000 : i32
    %add3A_121 = arith.addi %add3A_120, %add3A_119 : i32
    %dma_start3A_122 = arith.constant 1 : i32
    %dma_start3A_123 = arith.constant 0 : i32
    %dma_start3A_124 = tpu.memref_slice %arg8[%dma_start3A_122, %dma_start3A_123] : memref<3x56xi32, #tpu.memory_space<vmem>> -> memref<1x56xi32, #tpu.memory_space<vmem>>
    %dma_start3A_125 = tpu.memref_squeeze %dma_start3A_124 : memref<1x56xi32, #tpu.memory_space<vmem>> -> memref<56xi32, #tpu.memory_space<vmem>>
    %dma_start3A_126 = tpu.memref_slice %arg4[%add3A_121] : memref<320000xi32, #tpu.memory_space<hbm>> -> memref<56xi32, #tpu.memory_space<hbm>>
    %dma_start3A_127 = arith.constant 0 : i32
    %dma_start3A_128 = tpu.memref_slice %arg8[%dma_start3A_122, %dma_start3A_127] : memref<3x56xi32, #tpu.memory_space<vmem>> -> memref<1x56xi32, #tpu.memory_space<vmem>>
    %dma_start3A_129 = tpu.memref_squeeze %dma_start3A_128 : memref<1x56xi32, #tpu.memory_space<vmem>> -> memref<56xi32, #tpu.memory_space<vmem>>
    %dma_start3A_130 = tpu.memref_slice %arg4[%add3A_121] : memref<320000xi32, #tpu.memory_space<hbm>> -> memref<56xi32, #tpu.memory_space<hbm>>
    tpu.enqueue_dma source(%dma_start3A_130 : memref<56xi32, #tpu.memory_space<hbm>>) target(%dma_start3A_129 : memref<56xi32, #tpu.memory_space<vmem>>) target_semaphore(%arg21 : memref<!tpu.dma_semaphore, #tpu.memory_space<semaphore_mem>>)
    %mul3A_131 = arith.constant 5000 : i32
    %mul3A_132 = arith.muli %add3A, %mul3A_131 : i32
    %add3A_133 = arith.constant 4928 : i32
    %add3A_134 = arith.addi %mul3A_132, %add3A_133 : i32
    %add3A_135 = arith.constant 160000 : i32
    %add3A_136 = arith.addi %add3A_135, %add3A_134 : i32
    %dma_start3A_137 = arith.constant 1 : i32
    %dma_start3A_138 = arith.constant 0 : i32
    %dma_start3A_139 = tpu.memref_slice %arg9[%dma_start3A_137, %dma_start3A_138] : memref<3x56xi32, #tpu.memory_space<vmem>> -> memref<1x56xi32, #tpu.memory_space<vmem>>
    %dma_start3A_140 = tpu.memref_squeeze %dma_start3A_139 : memref<1x56xi32, #tpu.memory_space<vmem>> -> memref<56xi32, #tpu.memory_space<vmem>>
    %dma_start3A_141 = tpu.memref_slice %arg5[%add3A_136] : memref<320000xi32, #tpu.memory_space<hbm>> -> memref<56xi32, #tpu.memory_space<hbm>>
    %dma_start3A_142 = arith.constant 0 : i32
    %dma_start3A_143 = tpu.memref_slice %arg9[%dma_start3A_137, %dma_start3A_142] : memref<3x56xi32, #tpu.memory_space<vmem>> -> memref<1x56xi32, #tpu.memory_space<vmem>>
    %dma_start3A_144 = tpu.memref_squeeze %dma_start3A_143 : memref<1x56xi32, #tpu.memory_space<vmem>> -> memref<56xi32, #tpu.memory_space<vmem>>
    %dma_start3A_145 = tpu.memref_slice %arg5[%add3A_136] : memref<320000xi32, #tpu.memory_space<hbm>> -> memref<56xi32, #tpu.memory_space<hbm>>
    tpu.enqueue_dma source(%dma_start3A_145 : memref<56xi32, #tpu.memory_space<hbm>>) target(%dma_start3A_144 : memref<56xi32, #tpu.memory_space<vmem>>) target_semaphore(%arg21 : memref<!tpu.dma_semaphore, #tpu.memory_space<semaphore_mem>>)
    %mul3A_146 = arith.constant 5000 : i32
    %mul3A_147 = arith.muli %add3A, %mul3A_146 : i32
    %add3A_148 = arith.constant 4928 : i32
    %add3A_149 = arith.addi %mul3A_147, %add3A_148 : i32
    %add3A_150 = arith.constant 160000 : i32
    %add3A_151 = arith.addi %add3A_150, %add3A_149 : i32
    %dma_wait3A_152 = arith.constant 1 : i32
    %dma_wait3A_153 = arith.constant 0 : i32
    %dma_wait3A_154 = tpu.memref_slice %arg8[%dma_wait3A_152, %dma_wait3A_153] : memref<3x56xi32, #tpu.memory_space<vmem>> -> memref<1x56xi32, #tpu.memory_space<vmem>>
    %dma_wait3A_155 = tpu.memref_squeeze %dma_wait3A_154 : memref<1x56xi32, #tpu.memory_space<vmem>> -> memref<56xi32, #tpu.memory_space<vmem>>
    %dma_wait3A_156 = tpu.memref_slice %arg4[%add3A_151] : memref<320000xi32, #tpu.memory_space<hbm>> -> memref<56xi32, #tpu.memory_space<hbm>>
    %dma_wait3A_157 = arith.constant 0 : i32
    %dma_wait3A_158 = tpu.memref_slice %arg8[%dma_wait3A_152, %dma_wait3A_157] : memref<3x56xi32, #tpu.memory_space<vmem>> -> memref<1x56xi32, #tpu.memory_space<vmem>>
    %dma_wait3A_159 = tpu.memref_squeeze %dma_wait3A_158 : memref<1x56xi32, #tpu.memory_space<vmem>> -> memref<56xi32, #tpu.memory_space<vmem>>
    %dma_wait3A_160 = tpu.memref_slice %arg4[%add3A_151] : memref<320000xi32, #tpu.memory_space<hbm>> -> memref<56xi32, #tpu.memory_space<hbm>>
    tpu.wait_dma2 semaphore(%arg21 : memref<!tpu.dma_semaphore, #tpu.memory_space<semaphore_mem>>) src(%dma_wait3A_160 : memref<56xi32, #tpu.memory_space<hbm>>) dst(%dma_wait3A_159 : memref<56xi32, #tpu.memory_space<vmem>>)
    %mul3A_161 = arith.constant 5000 : i32
    %mul3A_162 = arith.muli %add3A, %mul3A_161 : i32
    %add3A_163 = arith.constant 4928 : i32
    %add3A_164 = arith.addi %mul3A_162, %add3A_163 : i32
    %add3A_165 = arith.constant 160000 : i32
    %add3A_166 = arith.addi %add3A_165, %add3A_164 : i32
    %dma_wait3A_167 = arith.constant 1 : i32
    %dma_wait3A_168 = arith.constant 0 : i32
    %dma_wait3A_169 = tpu.memref_slice %arg9[%dma_wait3A_167, %dma_wait3A_168] : memref<3x56xi32, #tpu.memory_space<vmem>> -> memref<1x56xi32, #tpu.memory_space<vmem>>
    %dma_wait3A_170 = tpu.memref_squeeze %dma_wait3A_169 : memref<1x56xi32, #tpu.memory_space<vmem>> -> memref<56xi32, #tpu.memory_space<vmem>>
    %dma_wait3A_171 = tpu.memref_slice %arg5[%add3A_166] : memref<320000xi32, #tpu.memory_space<hbm>> -> memref<56xi32, #tpu.memory_space<hbm>>
    %dma_wait3A_172 = arith.constant 0 : i32
    %dma_wait3A_173 = tpu.memref_slice %arg9[%dma_wait3A_167, %dma_wait3A_172] : memref<3x56xi32, #tpu.memory_space<vmem>> -> memref<1x56xi32, #tpu.memory_space<vmem>>
    %dma_wait3A_174 = tpu.memref_squeeze %dma_wait3A_173 : memref<1x56xi32, #tpu.memory_space<vmem>> -> memref<56xi32, #tpu.memory_space<vmem>>
    %dma_wait3A_175 = tpu.memref_slice %arg5[%add3A_166] : memref<320000xi32, #tpu.memory_space<hbm>> -> memref<56xi32, #tpu.memory_space<hbm>>
    tpu.wait_dma2 semaphore(%arg21 : memref<!tpu.dma_semaphore, #tpu.memory_space<semaphore_mem>>) src(%dma_wait3A_175 : memref<56xi32, #tpu.memory_space<hbm>>) dst(%dma_wait3A_174 : memref<56xi32, #tpu.memory_space<vmem>>)
    %dma_start3A_176 = arith.constant 1 : i32
    %dma_start3A_177 = arith.constant 0 : i32
    %dma_start3A_178 = tpu.memref_slice %arg9[%dma_start3A_176, %dma_start3A_177] : memref<3x56xi32, #tpu.memory_space<vmem>> -> memref<1x56xi32, #tpu.memory_space<vmem>>
    %dma_start3A_179 = tpu.memref_squeeze %dma_start3A_178 : memref<1x56xi32, #tpu.memory_space<vmem>> -> memref<56xi32, #tpu.memory_space<vmem>>
    %dma_start3A_180 = arith.constant 0 : i32
    %dma_start3A_181 = arith.constant 0 : i32
    %dma_start3A_182 = tpu.memref_slice %arg2[%dma_start3A_180, %dma_start3A_181] : memref<10000x128xf32, #tpu.memory_space<hbm>> -> memref<10000x128xf32, #tpu.memory_space<hbm>>
    tpu.enqueue_indirect_dma source(%dma_start3A_182 : memref<10000x128xf32, #tpu.memory_space<hbm>>) target(%arg13 : memref<56x128xf32, #tpu.memory_space<vmem>>) offsets(%dma_start3A_179 : memref<56xi32, #tpu.memory_space<vmem>>) semaphore(%arg24 : memref<!tpu.dma_semaphore, #tpu.memory_space<semaphore_mem>>)
    %mul3A_183 = arith.constant 5000 : i32
    %mul3A_184 = arith.muli %add3A, %mul3A_183 : i32
    %add3A_185 = arith.constant 4928 : i32
    %add3A_186 = arith.addi %mul3A_184, %add3A_185 : i32
    %dma_start3A_187 = arith.constant 0 : i32
    %dma_start3A_188 = tpu.memref_slice %arg3[%add3A_186, %dma_start3A_187] : memref<160000x128xf32, #tpu.memory_space<hbm>> -> memref<56x128xf32, #tpu.memory_space<hbm>>
    %dma_start3A_189 = arith.constant 0 : i32
    %dma_start3A_190 = tpu.memref_slice %arg3[%add3A_186, %dma_start3A_189] : memref<160000x128xf32, #tpu.memory_space<hbm>> -> memref<56x128xf32, #tpu.memory_space<hbm>>
    tpu.enqueue_dma source(%dma_start3A_190 : memref<56x128xf32, #tpu.memory_space<hbm>>) target(%arg16 : memref<56x128xf32, #tpu.memory_space<vmem>>) target_semaphore(%arg24 : memref<!tpu.dma_semaphore, #tpu.memory_space<semaphore_mem>>)
    %dma_wait3A_191 = arith.constant 0 : i32
    %dma_wait3A_192 = arith.constant 0 : i32
    %dma_wait3A_193 = tpu.memref_slice %arg9[%dma_wait3A_191, %dma_wait3A_192] : memref<3x56xi32, #tpu.memory_space<vmem>> -> memref<1x56xi32, #tpu.memory_space<vmem>>
    %dma_wait3A_194 = tpu.memref_squeeze %dma_wait3A_193 : memref<1x56xi32, #tpu.memory_space<vmem>> -> memref<56xi32, #tpu.memory_space<vmem>>
    %dma_wait3A_195 = arith.constant 0 : i32
    %dma_wait3A_196 = arith.constant 0 : i32
    %dma_wait3A_197 = tpu.memref_slice %arg2[%dma_wait3A_195, %dma_wait3A_196] : memref<10000x128xf32, #tpu.memory_space<hbm>> -> memref<10000x128xf32, #tpu.memory_space<hbm>>
    tpu.wait_indirect_dma semaphore(%arg23 : memref<!tpu.dma_semaphore, #tpu.memory_space<semaphore_mem>>) src(%dma_wait3A_197 : memref<10000x128xf32, #tpu.memory_space<hbm>>) dst(%arg12 : memref<56x128xf32, #tpu.memory_space<vmem>>)
    %mul3A_198 = arith.constant 5000 : i32
    %mul3A_199 = arith.muli %add3A, %mul3A_198 : i32
    %add3A_200 = arith.constant 4872 : i32
    %add3A_201 = arith.addi %mul3A_199, %add3A_200 : i32
    %dma_wait3A_202 = arith.constant 0 : i32
    %dma_wait3A_203 = tpu.memref_slice %arg3[%add3A_201, %dma_wait3A_202] : memref<160000x128xf32, #tpu.memory_space<hbm>> -> memref<56x128xf32, #tpu.memory_space<hbm>>
    %dma_wait3A_204 = arith.constant 0 : i32
    %dma_wait3A_205 = tpu.memref_slice %arg3[%add3A_201, %dma_wait3A_204] : memref<160000x128xf32, #tpu.memory_space<hbm>> -> memref<56x128xf32, #tpu.memory_space<hbm>>
    tpu.wait_dma2 semaphore(%arg23 : memref<!tpu.dma_semaphore, #tpu.memory_space<semaphore_mem>>) src(%dma_wait3A_205 : memref<56x128xf32, #tpu.memory_space<hbm>>) dst(%arg15 : memref<56x128xf32, #tpu.memory_space<vmem>>)
    %scan3A_206 = arith.constant 0 : i32
    %scan3A_207 = arith.constant 56 : i32
    %scan3A_208 = arith.addi %scan3A_206, %scan3A_207 : i32
    %scan3A_209 = arith.constant 1 : i32
    scf.for %scan3A_345 = %scan3A_206 to %scan3A_208 step %scan3A_209  : i32 {
      %mul3A_346 = arith.constant 1 : i32
      %mul3A_347 = arith.muli %scan3A_345, %mul3A_346 : i32
      %add3A_348 = arith.constant 0 : i32
      %add3A_349 = arith.addi %add3A_348, %mul3A_347 : i32
      %get3A = arith.index_cast %add3A_349 : i32 to index
      %get3A_350 = arith.constant 0 : index
      %get3A_351 = tpu.vector_load %arg12[%get3A, %get3A_350] {strides = array<i32>} : memref<56x128xf32, #tpu.memory_space<vmem>>, vector<1x16xf32>,
      %get3A_352 = vector.shape_cast %get3A_351 : vector<1x16xf32> to vector<1x16xf32>
      %get3A_353 = arith.index_cast %add3A_349 : i32 to index
      %get3A_354 = arith.constant 0 : index
      %get3A_355 = tpu.vector_load %arg15[%get3A_353, %get3A_354] {strides = array<i32>} : memref<56x128xf32, #tpu.memory_space<vmem>>, vector<1x16xf32>,
      %get3A_356 = vector.shape_cast %get3A_355 : vector<1x16xf32> to vector<1x16xf32>
      %mul3A_357 = arith.mulf %get3A_352, %get3A_356 : vector<1x16xf32>
      %swap3A = arith.index_cast %add3A_349 : i32 to index
      %swap3A_358 = arith.constant 0 : index
      %swap3A_359 = tpu.vector_load %arg12[%swap3A, %swap3A_358] {strides = array<i32>} : memref<56x128xf32, #tpu.memory_space<vmem>>, vector<1x16xf32>,
      %swap3A_360 = vector.shape_cast %swap3A_359 : vector<1x16xf32> to vector<1x16xf32>
      %swap3A_361 = vector.shape_cast %mul3A_357 : vector<1x16xf32> to vector<1x16xf32>
      tpu.vector_store %arg12[%swap3A, %swap3A_358], %swap3A_361 {strides = array<i32>} : memref<56x128xf32, #tpu.memory_space<vmem>>, vector<1x16xf32>,
      %get3A_362 = arith.index_cast %add3A_349 : i32 to index
      %get3A_363 = arith.constant 16 : index
      %get3A_364 = tpu.vector_load %arg12[%get3A_362, %get3A_363] {strides = array<i32>} : memref<56x128xf32, #tpu.memory_space<vmem>>, vector<1x16xf32>,
      %get3A_365 = vector.shape_cast %get3A_364 : vector<1x16xf32> to vector<1x16xf32>
      %get3A_366 = arith.index_cast %add3A_349 : i32 to index
      %get3A_367 = arith.constant 16 : index
      %get3A_368 = tpu.vector_load %arg15[%get3A_366, %get3A_367] {strides = array<i32>} : memref<56x128xf32, #tpu.memory_space<vmem>>, vector<1x16xf32>,
      %get3A_369 = vector.shape_cast %get3A_368 : vector<1x16xf32> to vector<1x16xf32>
      %mul3A_370 = arith.mulf %get3A_365, %get3A_369 : vector<1x16xf32>
      %swap3A_371 = arith.index_cast %add3A_349 : i32 to index
      %swap3A_372 = arith.constant 16 : index
      %swap3A_373 = tpu.vector_load %arg12[%swap3A_371, %swap3A_372] {strides = array<i32>} : memref<56x128xf32, #tpu.memory_space<vmem>>, vector<1x16xf32>,
      %swap3A_374 = vector.shape_cast %swap3A_373 : vector<1x16xf32> to vector<1x16xf32>
      %swap3A_375 = vector.shape_cast %mul3A_370 : vector<1x16xf32> to vector<1x16xf32>
      tpu.vector_store %arg12[%swap3A_371, %swap3A_372], %swap3A_375 {strides = array<i32>} : memref<56x128xf32, #tpu.memory_space<vmem>>, vector<1x16xf32>,
      %get3A_376 = arith.index_cast %add3A_349 : i32 to index
      %get3A_377 = arith.constant 32 : index
      %get3A_378 = tpu.vector_load %arg12[%get3A_376, %get3A_377] {strides = array<i32>} : memref<56x128xf32, #tpu.memory_space<vmem>>, vector<1x16xf32>,
      %get3A_379 = vector.shape_cast %get3A_378 : vector<1x16xf32> to vector<1x16xf32>
      %get3A_380 = arith.index_cast %add3A_349 : i32 to index
      %get3A_381 = arith.constant 32 : index
      %get3A_382 = tpu.vector_load %arg15[%get3A_380, %get3A_381] {strides = array<i32>} : memref<56x128xf32, #tpu.memory_space<vmem>>, vector<1x16xf32>,
      %get3A_383 = vector.shape_cast %get3A_382 : vector<1x16xf32> to vector<1x16xf32>
      %mul3A_384 = arith.mulf %get3A_379, %get3A_383 : vector<1x16xf32>
      %swap3A_385 = arith.index_cast %add3A_349 : i32 to index
      %swap3A_386 = arith.constant 32 : index
      %swap3A_387 = tpu.vector_load %arg12[%swap3A_385, %swap3A_386] {strides = array<i32>} : memref<56x128xf32, #tpu.memory_space<vmem>>, vector<1x16xf32>,
      %swap3A_388 = vector.shape_cast %swap3A_387 : vector<1x16xf32> to vector<1x16xf32>
      %swap3A_389 = vector.shape_cast %mul3A_384 : vector<1x16xf32> to vector<1x16xf32>
      tpu.vector_store %arg12[%swap3A_385, %swap3A_386], %swap3A_389 {strides = array<i32>} : memref<56x128xf32, #tpu.memory_space<vmem>>, vector<1x16xf32>,
      %get3A_390 = arith.index_cast %add3A_349 : i32 to index
      %get3A_391 = arith.constant 48 : index
      %get3A_392 = tpu.vector_load %arg12[%get3A_390, %get3A_391] {strides = array<i32>} : memref<56x128xf32, #tpu.memory_space<vmem>>, vector<1x16xf32>,
      %get3A_393 = vector.shape_cast %get3A_392 : vector<1x16xf32> to vector<1x16xf32>
      %get3A_394 = arith.index_cast %add3A_349 : i32 to index
      %get3A_395 = arith.constant 48 : index
      %get3A_396 = tpu.vector_load %arg15[%get3A_394, %get3A_395] {strides = array<i32>} : memref<56x128xf32, #tpu.memory_space<vmem>>, vector<1x16xf32>,
      %get3A_397 = vector.shape_cast %get3A_396 : vector<1x16xf32> to vector<1x16xf32>
      %mul3A_398 = arith.mulf %get3A_393, %get3A_397 : vector<1x16xf32>
      %swap3A_399 = arith.index_cast %add3A_349 : i32 to index
      %swap3A_400 = arith.constant 48 : index
      %swap3A_401 = tpu.vector_load %arg12[%swap3A_399, %swap3A_400] {strides = array<i32>} : memref<56x128xf32, #tpu.memory_space<vmem>>, vector<1x16xf32>,
      %swap3A_402 = vector.shape_cast %swap3A_401 : vector<1x16xf32> to vector<1x16xf32>
      %swap3A_403 = vector.shape_cast %mul3A_398 : vector<1x16xf32> to vector<1x16xf32>
      tpu.vector_store %arg12[%swap3A_399, %swap3A_400], %swap3A_403 {strides = array<i32>} : memref<56x128xf32, #tpu.memory_space<vmem>>, vector<1x16xf32>,
      %get3A_404 = arith.index_cast %add3A_349 : i32 to index
      %get3A_405 = arith.constant 64 : index
      %get3A_406 = tpu.vector_load %arg12[%get3A_404, %get3A_405] {strides = array<i32>} : memref<56x128xf32, #tpu.memory_space<vmem>>, vector<1x16xf32>,
      %get3A_407 = vector.shape_cast %get3A_406 : vector<1x16xf32> to vector<1x16xf32>
      %get3A_408 = arith.index_cast %add3A_349 : i32 to index
      %get3A_409 = arith.constant 64 : index
      %get3A_410 = tpu.vector_load %arg15[%get3A_408, %get3A_409] {strides = array<i32>} : memref<56x128xf32, #tpu.memory_space<vmem>>, vector<1x16xf32>,
      %get3A_411 = vector.shape_cast %get3A_410 : vector<1x16xf32> to vector<1x16xf32>
      %mul3A_412 = arith.mulf %get3A_407, %get3A_411 : vector<1x16xf32>
      %swap3A_413 = arith.index_cast %add3A_349 : i32 to index
      %swap3A_414 = arith.constant 64 : index
      %swap3A_415 = tpu.vector_load %arg12[%swap3A_413, %swap3A_414] {strides = array<i32>} : memref<56x128xf32, #tpu.memory_space<vmem>>, vector<1x16xf32>,
      %swap3A_416 = vector.shape_cast %swap3A_415 : vector<1x16xf32> to vector<1x16xf32>
      %swap3A_417 = vector.shape_cast %mul3A_412 : vector<1x16xf32> to vector<1x16xf32>
      tpu.vector_store %arg12[%swap3A_413, %swap3A_414], %swap3A_417 {strides = array<i32>} : memref<56x128xf32, #tpu.memory_space<vmem>>, vector<1x16xf32>,
      %get3A_418 = arith.index_cast %add3A_349 : i32 to index
      %get3A_419 = arith.constant 80 : index
      %get3A_420 = tpu.vector_load %arg12[%get3A_418, %get3A_419] {strides = array<i32>} : memref<56x128xf32, #tpu.memory_space<vmem>>, vector<1x16xf32>,
      %get3A_421 = vector.shape_cast %get3A_420 : vector<1x16xf32> to vector<1x16xf32>
      %get3A_422 = arith.index_cast %add3A_349 : i32 to index
      %get3A_423 = arith.constant 80 : index
      %get3A_424 = tpu.vector_load %arg15[%get3A_422, %get3A_423] {strides = array<i32>} : memref<56x128xf32, #tpu.memory_space<vmem>>, vector<1x16xf32>,
      %get3A_425 = vector.shape_cast %get3A_424 : vector<1x16xf32> to vector<1x16xf32>
      %mul3A_426 = arith.mulf %get3A_421, %get3A_425 : vector<1x16xf32>
      %swap3A_427 = arith.index_cast %add3A_349 : i32 to index
      %swap3A_428 = arith.constant 80 : index
      %swap3A_429 = tpu.vector_load %arg12[%swap3A_427, %swap3A_428] {strides = array<i32>} : memref<56x128xf32, #tpu.memory_space<vmem>>, vector<1x16xf32>,
      %swap3A_430 = vector.shape_cast %swap3A_429 : vector<1x16xf32> to vector<1x16xf32>
      %swap3A_431 = vector.shape_cast %mul3A_426 : vector<1x16xf32> to vector<1x16xf32>
      tpu.vector_store %arg12[%swap3A_427, %swap3A_428], %swap3A_431 {strides = array<i32>} : memref<56x128xf32, #tpu.memory_space<vmem>>, vector<1x16xf32>,
      %get3A_432 = arith.index_cast %add3A_349 : i32 to index
      %get3A_433 = arith.constant 96 : index
      %get3A_434 = tpu.vector_load %arg12[%get3A_432, %get3A_433] {strides = array<i32>} : memref<56x128xf32, #tpu.memory_space<vmem>>, vector<1x16xf32>,
      %get3A_435 = vector.shape_cast %get3A_434 : vector<1x16xf32> to vector<1x16xf32>
      %get3A_436 = arith.index_cast %add3A_349 : i32 to index
      %get3A_437 = arith.constant 96 : index
      %get3A_438 = tpu.vector_load %arg15[%get3A_436, %get3A_437] {strides = array<i32>} : memref<56x128xf32, #tpu.memory_space<vmem>>, vector<1x16xf32>,
      %get3A_439 = vector.shape_cast %get3A_438 : vector<1x16xf32> to vector<1x16xf32>
      %mul3A_440 = arith.mulf %get3A_435, %get3A_439 : vector<1x16xf32>
      %swap3A_441 = arith.index_cast %add3A_349 : i32 to index
      %swap3A_442 = arith.constant 96 : index
      %swap3A_443 = tpu.vector_load %arg12[%swap3A_441, %swap3A_442] {strides = array<i32>} : memref<56x128xf32, #tpu.memory_space<vmem>>, vector<1x16xf32>,
      %swap3A_444 = vector.shape_cast %swap3A_443 : vector<1x16xf32> to vector<1x16xf32>
      %swap3A_445 = vector.shape_cast %mul3A_440 : vector<1x16xf32> to vector<1x16xf32>
      tpu.vector_store %arg12[%swap3A_441, %swap3A_442], %swap3A_445 {strides = array<i32>} : memref<56x128xf32, #tpu.memory_space<vmem>>, vector<1x16xf32>,
      %get3A_446 = arith.index_cast %add3A_349 : i32 to index
      %get3A_447 = arith.constant 112 : index
      %get3A_448 = tpu.vector_load %arg12[%get3A_446, %get3A_447] {strides = array<i32>} : memref<56x128xf32, #tpu.memory_space<vmem>>, vector<1x16xf32>,
      %get3A_449 = vector.shape_cast %get3A_448 : vector<1x16xf32> to vector<1x16xf32>
      %get3A_450 = arith.index_cast %add3A_349 : i32 to index
      %get3A_451 = arith.constant 112 : index
      %get3A_452 = tpu.vector_load %arg15[%get3A_450, %get3A_451] {strides = array<i32>} : memref<56x128xf32, #tpu.memory_space<vmem>>, vector<1x16xf32>,
      %get3A_453 = vector.shape_cast %get3A_452 : vector<1x16xf32> to vector<1x16xf32>
      %mul3A_454 = arith.mulf %get3A_449, %get3A_453 : vector<1x16xf32>
      %swap3A_455 = arith.index_cast %add3A_349 : i32 to index
      %swap3A_456 = arith.constant 112 : index
      %swap3A_457 = tpu.vector_load %arg12[%swap3A_455, %swap3A_456] {strides = array<i32>} : memref<56x128xf32, #tpu.memory_space<vmem>>, vector<1x16xf32>,
      %swap3A_458 = vector.shape_cast %swap3A_457 : vector<1x16xf32> to vector<1x16xf32>
      %swap3A_459 = vector.shape_cast %mul3A_454 : vector<1x16xf32> to vector<1x16xf32>
      tpu.vector_store %arg12[%swap3A_455, %swap3A_456], %swap3A_459 {strides = array<i32>} : memref<56x128xf32, #tpu.memory_space<vmem>>, vector<1x16xf32>,
    }
    %scan3A_210 = arith.constant 56 : i32
    %dma_wait3A_211 = arith.constant 2 : i32
    %dma_wait3A_212 = arith.constant 0 : i32
    %dma_wait3A_213 = tpu.memref_slice %arg8[%dma_wait3A_211, %dma_wait3A_212] : memref<3x56xi32, #tpu.memory_space<vmem>> -> memref<1x56xi32, #tpu.memory_space<vmem>>
    %dma_wait3A_214 = tpu.memref_squeeze %dma_wait3A_213 : memref<1x56xi32, #tpu.memory_space<vmem>> -> memref<56xi32, #tpu.memory_space<vmem>>
    %dma_wait3A_215 = arith.constant 0 : i32
    %dma_wait3A_216 = arith.constant 0 : i32
    %dma_wait3A_217 = tpu.memref_slice %arg18[%dma_wait3A_215, %dma_wait3A_216] : memref<10240x128xf32, #tpu.memory_space<vmem_shared>> -> memref<10240x128xf32, #tpu.memory_space<vmem_shared>>
    tpu.wait_indirect_dma semaphore(%arg28 : memref<!tpu.dma_semaphore, #tpu.memory_space<semaphore_mem>>) src(%arg14 : memref<56x128xf32, #tpu.memory_space<vmem>>) dst(%dma_wait3A_217 : memref<10240x128xf32, #tpu.memory_space<vmem_shared>>)
    %dma_start3A_218 = arith.constant 0 : i32
    %dma_start3A_219 = arith.constant 0 : i32
    %dma_start3A_220 = tpu.memref_slice %arg8[%dma_start3A_218, %dma_start3A_219] : memref<3x56xi32, #tpu.memory_space<vmem>> -> memref<1x56xi32, #tpu.memory_space<vmem>>
    %dma_start3A_221 = tpu.memref_squeeze %dma_start3A_220 : memref<1x56xi32, #tpu.memory_space<vmem>> -> memref<56xi32, #tpu.memory_space<vmem>>
    %dma_start3A_222 = arith.constant 0 : i32
    %dma_start3A_223 = arith.constant 0 : i32
    %dma_start3A_224 = tpu.memref_slice %arg18[%dma_start3A_222, %dma_start3A_223] : memref<10240x128xf32, #tpu.memory_space<vmem_shared>> -> memref<10240x128xf32, #tpu.memory_space<vmem_shared>>
    tpu.enqueue_indirect_dma source(%arg12 : memref<56x128xf32, #tpu.memory_space<vmem>>) target(%dma_start3A_224 : memref<10240x128xf32, #tpu.memory_space<vmem_shared>>) offsets(%dma_start3A_221 : memref<56xi32, #tpu.memory_space<vmem>>) semaphore(%arg26 : memref<!tpu.dma_semaphore, #tpu.memory_space<semaphore_mem>>) {add = true}
    %mul3A_225 = arith.constant 5000 : i32
    %mul3A_226 = arith.muli %add3A, %mul3A_225 : i32
    %add3A_227 = arith.constant 160000 : i32
    %add3A_228 = arith.addi %add3A_227, %mul3A_226 : i32
    %add3A_229 = arith.constant 4984 : i32
    %add3A_230 = arith.addi %add3A_228, %add3A_229 : i32
    %dma_start3A_231 = tpu.memref_slice %arg4[%add3A_230] : memref<320000xi32, #tpu.memory_space<hbm>> -> memref<16xi32, #tpu.memory_space<hbm>>
    %dma_start3A_232 = tpu.memref_slice %arg4[%add3A_230] : memref<320000xi32, #tpu.memory_space<hbm>> -> memref<16xi32, #tpu.memory_space<hbm>>
    tpu.enqueue_dma source(%dma_start3A_232 : memref<16xi32, #tpu.memory_space<hbm>>) target(%arg10 : memref<16xi32, #tpu.memory_space<vmem>>) target_semaphore(%arg22 : memref<!tpu.dma_semaphore, #tpu.memory_space<semaphore_mem>>)
    %dma_start3A_233 = tpu.memref_slice %arg5[%add3A_230] : memref<320000xi32, #tpu.memory_space<hbm>> -> memref<16xi32, #tpu.memory_space<hbm>>
    %dma_start3A_234 = tpu.memref_slice %arg5[%add3A_230] : memref<320000xi32, #tpu.memory_space<hbm>> -> memref<16xi32, #tpu.memory_space<hbm>>
    tpu.enqueue_dma source(%dma_start3A_234 : memref<16xi32, #tpu.memory_space<hbm>>) target(%arg11 : memref<16xi32, #tpu.memory_space<vmem>>) target_semaphore(%arg22 : memref<!tpu.dma_semaphore, #tpu.memory_space<semaphore_mem>>)
    %dma_wait3A_235 = arith.constant 1 : i32
    %dma_wait3A_236 = arith.constant 0 : i32
    %dma_wait3A_237 = tpu.memref_slice %arg9[%dma_wait3A_235, %dma_wait3A_236] : memref<3x56xi32, #tpu.memory_space<vmem>> -> memref<1x56xi32, #tpu.memory_space<vmem>>
    %dma_wait3A_238 = tpu.memref_squeeze %dma_wait3A_237 : memref<1x56xi32, #tpu.memory_space<vmem>> -> memref<56xi32, #tpu.memory_space<vmem>>
    %dma_wait3A_239 = arith.constant 0 : i32
    %dma_wait3A_240 = arith.constant 0 : i32
    %dma_wait3A_241 = tpu.memref_slice %arg2[%dma_wait3A_239, %dma_wait3A_240] : memref<10000x128xf32, #tpu.memory_space<hbm>> -> memref<10000x128xf32, #tpu.memory_space<hbm>>
    tpu.wait_indirect_dma semaphore(%arg24 : memref<!tpu.dma_semaphore, #tpu.memory_space<semaphore_mem>>) src(%dma_wait3A_241 : memref<10000x128xf32, #tpu.memory_space<hbm>>) dst(%arg13 : memref<56x128xf32, #tpu.memory_space<vmem>>)
    %mul3A_242 = arith.constant 5000 : i32
    %mul3A_243 = arith.muli %add3A, %mul3A_242 : i32
    %add3A_244 = arith.constant 4928 : i32
    %add3A_245 = arith.addi %mul3A_243, %add3A_244 : i32
    %dma_wait3A_246 = arith.constant 0 : i32
    %dma_wait3A_247 = tpu.memref_slice %arg3[%add3A_245, %dma_wait3A_246] : memref<160000x128xf32, #tpu.memory_space<hbm>> -> memref<56x128xf32, #tpu.memory_space<hbm>>
    %dma_wait3A_248 = arith.constant 0 : i32
    %dma_wait3A_249 = tpu.memref_slice %arg3[%add3A_245, %dma_wait3A_248] : memref<160000x128xf32, #tpu.memory_space<hbm>> -> memref<56x128xf32, #tpu.memory_space<hbm>>
    tpu.wait_dma2 semaphore(%arg24 : memref<!tpu.dma_semaphore, #tpu.memory_space<semaphore_mem>>) src(%dma_wait3A_249 : memref<56x128xf32, #tpu.memory_space<hbm>>) dst(%arg16 : memref<56x128xf32, #tpu.memory_space<vmem>>)
    %scan3A_250 = arith.constant 0 : i32
    %scan3A_251 = arith.constant 56 : i32
    %scan3A_252 = arith.addi %scan3A_250, %scan3A_251 : i32
    %scan3A_253 = arith.constant 1 : i32
    scf.for %scan3A_345 = %scan3A_250 to %scan3A_252 step %scan3A_253  : i32 {
      %mul3A_346 = arith.constant 1 : i32
      %mul3A_347 = arith.muli %scan3A_345, %mul3A_346 : i32
      %add3A_348 = arith.constant 0 : i32
      %add3A_349 = arith.addi %add3A_348, %mul3A_347 : i32
      %get3A = arith.index_cast %add3A_349 : i32 to index
      %get3A_350 = arith.constant 0 : index
      %get3A_351 = tpu.vector_load %arg13[%get3A, %get3A_350] {strides = array<i32>} : memref<56x128xf32, #tpu.memory_space<vmem>>, vector<1x16xf32>,
      %get3A_352 = vector.shape_cast %get3A_351 : vector<1x16xf32> to vector<1x16xf32>
      %get3A_353 = arith.index_cast %add3A_349 : i32 to index
      %get3A_354 = arith.constant 0 : index
      %get3A_355 = tpu.vector_load %arg16[%get3A_353, %get3A_354] {strides = array<i32>} : memref<56x128xf32, #tpu.memory_space<vmem>>, vector<1x16xf32>,
      %get3A_356 = vector.shape_cast %get3A_355 : vector<1x16xf32> to vector<1x16xf32>
      %mul3A_357 = arith.mulf %get3A_352, %get3A_356 : vector<1x16xf32>
      %swap3A = arith.index_cast %add3A_349 : i32 to index
      %swap3A_358 = arith.constant 0 : index
      %swap3A_359 = tpu.vector_load %arg13[%swap3A, %swap3A_358] {strides = array<i32>} : memref<56x128xf32, #tpu.memory_space<vmem>>, vector<1x16xf32>,
      %swap3A_360 = vector.shape_cast %swap3A_359 : vector<1x16xf32> to vector<1x16xf32>
      %swap3A_361 = vector.shape_cast %mul3A_357 : vector<1x16xf32> to vector<1x16xf32>
      tpu.vector_store %arg13[%swap3A, %swap3A_358], %swap3A_361 {strides = array<i32>} : memref<56x128xf32, #tpu.memory_space<vmem>>, vector<1x16xf32>,
      %get3A_362 = arith.index_cast %add3A_349 : i32 to index
      %get3A_363 = arith.constant 16 : index
      %get3A_364 = tpu.vector_load %arg13[%get3A_362, %get3A_363] {strides = array<i32>} : memref<56x128xf32, #tpu.memory_space<vmem>>, vector<1x16xf32>,
      %get3A_365 = vector.shape_cast %get3A_364 : vector<1x16xf32> to vector<1x16xf32>
      %get3A_366 = arith.index_cast %add3A_349 : i32 to index
      %get3A_367 = arith.constant 16 : index
      %get3A_368 = tpu.vector_load %arg16[%get3A_366, %get3A_367] {strides = array<i32>} : memref<56x128xf32, #tpu.memory_space<vmem>>, vector<1x16xf32>,
      %get3A_369 = vector.shape_cast %get3A_368 : vector<1x16xf32> to vector<1x16xf32>
      %mul3A_370 = arith.mulf %get3A_365, %get3A_369 : vector<1x16xf32>
      %swap3A_371 = arith.index_cast %add3A_349 : i32 to index
      %swap3A_372 = arith.constant 16 : index
      %swap3A_373 = tpu.vector_load %arg13[%swap3A_371, %swap3A_372] {strides = array<i32>} : memref<56x128xf32, #tpu.memory_space<vmem>>, vector<1x16xf32>,
      %swap3A_374 = vector.shape_cast %swap3A_373 : vector<1x16xf32> to vector<1x16xf32>
      %swap3A_375 = vector.shape_cast %mul3A_370 : vector<1x16xf32> to vector<1x16xf32>
      tpu.vector_store %arg13[%swap3A_371, %swap3A_372], %swap3A_375 {strides = array<i32>} : memref<56x128xf32, #tpu.memory_space<vmem>>, vector<1x16xf32>,
      %get3A_376 = arith.index_cast %add3A_349 : i32 to index
      %get3A_377 = arith.constant 32 : index
      %get3A_378 = tpu.vector_load %arg13[%get3A_376, %get3A_377] {strides = array<i32>} : memref<56x128xf32, #tpu.memory_space<vmem>>, vector<1x16xf32>,
      %get3A_379 = vector.shape_cast %get3A_378 : vector<1x16xf32> to vector<1x16xf32>
      %get3A_380 = arith.index_cast %add3A_349 : i32 to index
      %get3A_381 = arith.constant 32 : index
      %get3A_382 = tpu.vector_load %arg16[%get3A_380, %get3A_381] {strides = array<i32>} : memref<56x128xf32, #tpu.memory_space<vmem>>, vector<1x16xf32>,
      %get3A_383 = vector.shape_cast %get3A_382 : vector<1x16xf32> to vector<1x16xf32>
      %mul3A_384 = arith.mulf %get3A_379, %get3A_383 : vector<1x16xf32>
      %swap3A_385 = arith.index_cast %add3A_349 : i32 to index
      %swap3A_386 = arith.constant 32 : index
      %swap3A_387 = tpu.vector_load %arg13[%swap3A_385, %swap3A_386] {strides = array<i32>} : memref<56x128xf32, #tpu.memory_space<vmem>>, vector<1x16xf32>,
      %swap3A_388 = vector.shape_cast %swap3A_387 : vector<1x16xf32> to vector<1x16xf32>
      %swap3A_389 = vector.shape_cast %mul3A_384 : vector<1x16xf32> to vector<1x16xf32>
      tpu.vector_store %arg13[%swap3A_385, %swap3A_386], %swap3A_389 {strides = array<i32>} : memref<56x128xf32, #tpu.memory_space<vmem>>, vector<1x16xf32>,
      %get3A_390 = arith.index_cast %add3A_349 : i32 to index
      %get3A_391 = arith.constant 48 : index
      %get3A_392 = tpu.vector_load %arg13[%get3A_390, %get3A_391] {strides = array<i32>} : memref<56x128xf32, #tpu.memory_space<vmem>>, vector<1x16xf32>,
      %get3A_393 = vector.shape_cast %get3A_392 : vector<1x16xf32> to vector<1x16xf32>
      %get3A_394 = arith.index_cast %add3A_349 : i32 to index
      %get3A_395 = arith.constant 48 : index
      %get3A_396 = tpu.vector_load %arg16[%get3A_394, %get3A_395] {strides = array<i32>} : memref<56x128xf32, #tpu.memory_space<vmem>>, vector<1x16xf32>,
      %get3A_397 = vector.shape_cast %get3A_396 : vector<1x16xf32> to vector<1x16xf32>
      %mul3A_398 = arith.mulf %get3A_393, %get3A_397 : vector<1x16xf32>
      %swap3A_399 = arith.index_cast %add3A_349 : i32 to index
      %swap3A_400 = arith.constant 48 : index
      %swap3A_401 = tpu.vector_load %arg13[%swap3A_399, %swap3A_400] {strides = array<i32>} : memref<56x128xf32, #tpu.memory_space<vmem>>, vector<1x16xf32>,
      %swap3A_402 = vector.shape_cast %swap3A_401 : vector<1x16xf32> to vector<1x16xf32>
      %swap3A_403 = vector.shape_cast %mul3A_398 : vector<1x16xf32> to vector<1x16xf32>
      tpu.vector_store %arg13[%swap3A_399, %swap3A_400], %swap3A_403 {strides = array<i32>} : memref<56x128xf32, #tpu.memory_space<vmem>>, vector<1x16xf32>,
      %get3A_404 = arith.index_cast %add3A_349 : i32 to index
      %get3A_405 = arith.constant 64 : index
      %get3A_406 = tpu.vector_load %arg13[%get3A_404, %get3A_405] {strides = array<i32>} : memref<56x128xf32, #tpu.memory_space<vmem>>, vector<1x16xf32>,
      %get3A_407 = vector.shape_cast %get3A_406 : vector<1x16xf32> to vector<1x16xf32>
      %get3A_408 = arith.index_cast %add3A_349 : i32 to index
      %get3A_409 = arith.constant 64 : index
      %get3A_410 = tpu.vector_load %arg16[%get3A_408, %get3A_409] {strides = array<i32>} : memref<56x128xf32, #tpu.memory_space<vmem>>, vector<1x16xf32>,
      %get3A_411 = vector.shape_cast %get3A_410 : vector<1x16xf32> to vector<1x16xf32>
      %mul3A_412 = arith.mulf %get3A_407, %get3A_411 : vector<1x16xf32>
      %swap3A_413 = arith.index_cast %add3A_349 : i32 to index
      %swap3A_414 = arith.constant 64 : index
      %swap3A_415 = tpu.vector_load %arg13[%swap3A_413, %swap3A_414] {strides = array<i32>} : memref<56x128xf32, #tpu.memory_space<vmem>>, vector<1x16xf32>,
      %swap3A_416 = vector.shape_cast %swap3A_415 : vector<1x16xf32> to vector<1x16xf32>
      %swap3A_417 = vector.shape_cast %mul3A_412 : vector<1x16xf32> to vector<1x16xf32>
      tpu.vector_store %arg13[%swap3A_413, %swap3A_414], %swap3A_417 {strides = array<i32>} : memref<56x128xf32, #tpu.memory_space<vmem>>, vector<1x16xf32>,
      %get3A_418 = arith.index_cast %add3A_349 : i32 to index
      %get3A_419 = arith.constant 80 : index
      %get3A_420 = tpu.vector_load %arg13[%get3A_418, %get3A_419] {strides = array<i32>} : memref<56x128xf32, #tpu.memory_space<vmem>>, vector<1x16xf32>,
      %get3A_421 = vector.shape_cast %get3A_420 : vector<1x16xf32> to vector<1x16xf32>
      %get3A_422 = arith.index_cast %add3A_349 : i32 to index
      %get3A_423 = arith.constant 80 : index
      %get3A_424 = tpu.vector_load %arg16[%get3A_422, %get3A_423] {strides = array<i32>} : memref<56x128xf32, #tpu.memory_space<vmem>>, vector<1x16xf32>,
      %get3A_425 = vector.shape_cast %get3A_424 : vector<1x16xf32> to vector<1x16xf32>
      %mul3A_426 = arith.mulf %get3A_421, %get3A_425 : vector<1x16xf32>
      %swap3A_427 = arith.index_cast %add3A_349 : i32 to index
      %swap3A_428 = arith.constant 80 : index
      %swap3A_429 = tpu.vector_load %arg13[%swap3A_427, %swap3A_428] {strides = array<i32>} : memref<56x128xf32, #tpu.memory_space<vmem>>, vector<1x16xf32>,
      %swap3A_430 = vector.shape_cast %swap3A_429 : vector<1x16xf32> to vector<1x16xf32>
      %swap3A_431 = vector.shape_cast %mul3A_426 : vector<1x16xf32> to vector<1x16xf32>
      tpu.vector_store %arg13[%swap3A_427, %swap3A_428], %swap3A_431 {strides = array<i32>} : memref<56x128xf32, #tpu.memory_space<vmem>>, vector<1x16xf32>,
      %get3A_432 = arith.index_cast %add3A_349 : i32 to index
      %get3A_433 = arith.constant 96 : index
      %get3A_434 = tpu.vector_load %arg13[%get3A_432, %get3A_433] {strides = array<i32>} : memref<56x128xf32, #tpu.memory_space<vmem>>, vector<1x16xf32>,
      %get3A_435 = vector.shape_cast %get3A_434 : vector<1x16xf32> to vector<1x16xf32>
      %get3A_436 = arith.index_cast %add3A_349 : i32 to index
      %get3A_437 = arith.constant 96 : index
      %get3A_438 = tpu.vector_load %arg16[%get3A_436, %get3A_437] {strides = array<i32>} : memref<56x128xf32, #tpu.memory_space<vmem>>, vector<1x16xf32>,
      %get3A_439 = vector.shape_cast %get3A_438 : vector<1x16xf32> to vector<1x16xf32>
      %mul3A_440 = arith.mulf %get3A_435, %get3A_439 : vector<1x16xf32>
      %swap3A_441 = arith.index_cast %add3A_349 : i32 to index
      %swap3A_442 = arith.constant 96 : index
      %swap3A_443 = tpu.vector_load %arg13[%swap3A_441, %swap3A_442] {strides = array<i32>} : memref<56x128xf32, #tpu.memory_space<vmem>>, vector<1x16xf32>,
      %swap3A_444 = vector.shape_cast %swap3A_443 : vector<1x16xf32> to vector<1x16xf32>
      %swap3A_445 = vector.shape_cast %mul3A_440 : vector<1x16xf32> to vector<1x16xf32>
      tpu.vector_store %arg13[%swap3A_441, %swap3A_442], %swap3A_445 {strides = array<i32>} : memref<56x128xf32, #tpu.memory_space<vmem>>, vector<1x16xf32>,
      %get3A_446 = arith.index_cast %add3A_349 : i32 to index
      %get3A_447 = arith.constant 112 : index
      %get3A_448 = tpu.vector_load %arg13[%get3A_446, %get3A_447] {strides = array<i32>} : memref<56x128xf32, #tpu.memory_space<vmem>>, vector<1x16xf32>,
      %get3A_449 = vector.shape_cast %get3A_448 : vector<1x16xf32> to vector<1x16xf32>
      %get3A_450 = arith.index_cast %add3A_349 : i32 to index
      %get3A_451 = arith.constant 112 : index
      %get3A_452 = tpu.vector_load %arg16[%get3A_450, %get3A_451] {strides = array<i32>} : memref<56x128xf32, #tpu.memory_space<vmem>>, vector<1x16xf32>,
      %get3A_453 = vector.shape_cast %get3A_452 : vector<1x16xf32> to vector<1x16xf32>
      %mul3A_454 = arith.mulf %get3A_449, %get3A_453 : vector<1x16xf32>
      %swap3A_455 = arith.index_cast %add3A_349 : i32 to index
      %swap3A_456 = arith.constant 112 : index
      %swap3A_457 = tpu.vector_load %arg13[%swap3A_455, %swap3A_456] {strides = array<i32>} : memref<56x128xf32, #tpu.memory_space<vmem>>, vector<1x16xf32>,
      %swap3A_458 = vector.shape_cast %swap3A_457 : vector<1x16xf32> to vector<1x16xf32>
      %swap3A_459 = vector.shape_cast %mul3A_454 : vector<1x16xf32> to vector<1x16xf32>
      tpu.vector_store %arg13[%swap3A_455, %swap3A_456], %swap3A_459 {strides = array<i32>} : memref<56x128xf32, #tpu.memory_space<vmem>>, vector<1x16xf32>,
    }
    %scan3A_254 = arith.constant 56 : i32
    %dma_wait3A_255 = arith.constant 0 : i32
    %dma_wait3A_256 = arith.constant 0 : i32
    %dma_wait3A_257 = tpu.memref_slice %arg8[%dma_wait3A_255, %dma_wait3A_256] : memref<3x56xi32, #tpu.memory_space<vmem>> -> memref<1x56xi32, #tpu.memory_space<vmem>>
    %dma_wait3A_258 = tpu.memref_squeeze %dma_wait3A_257 : memref<1x56xi32, #tpu.memory_space<vmem>> -> memref<56xi32, #tpu.memory_space<vmem>>
    %dma_wait3A_259 = arith.constant 0 : i32
    %dma_wait3A_260 = arith.constant 0 : i32
    %dma_wait3A_261 = tpu.memref_slice %arg18[%dma_wait3A_259, %dma_wait3A_260] : memref<10240x128xf32, #tpu.memory_space<vmem_shared>> -> memref<10240x128xf32, #tpu.memory_space<vmem_shared>>
    tpu.wait_indirect_dma semaphore(%arg26 : memref<!tpu.dma_semaphore, #tpu.memory_space<semaphore_mem>>) src(%arg12 : memref<56x128xf32, #tpu.memory_space<vmem>>) dst(%dma_wait3A_261 : memref<10240x128xf32, #tpu.memory_space<vmem_shared>>)
    %dma_start3A_262 = arith.constant 1 : i32
    %dma_start3A_263 = arith.constant 0 : i32
    %dma_start3A_264 = tpu.memref_slice %arg8[%dma_start3A_262, %dma_start3A_263] : memref<3x56xi32, #tpu.memory_space<vmem>> -> memref<1x56xi32, #tpu.memory_space<vmem>>
    %dma_start3A_265 = tpu.memref_squeeze %dma_start3A_264 : memref<1x56xi32, #tpu.memory_space<vmem>> -> memref<56xi32, #tpu.memory_space<vmem>>
    %dma_start3A_266 = arith.constant 0 : i32
    %dma_start3A_267 = arith.constant 0 : i32
    %dma_start3A_268 = tpu.memref_slice %arg18[%dma_start3A_266, %dma_start3A_267] : memref<10240x128xf32, #tpu.memory_space<vmem_shared>> -> memref<10240x128xf32, #tpu.memory_space<vmem_shared>>
    tpu.enqueue_indirect_dma source(%arg13 : memref<56x128xf32, #tpu.memory_space<vmem>>) target(%dma_start3A_268 : memref<10240x128xf32, #tpu.memory_space<vmem_shared>>) offsets(%dma_start3A_265 : memref<56xi32, #tpu.memory_space<vmem>>) semaphore(%arg27 : memref<!tpu.dma_semaphore, #tpu.memory_space<semaphore_mem>>) {add = true}
    %dma_wait3A_269 = tpu.memref_slice %arg4[%add3A_230] : memref<320000xi32, #tpu.memory_space<hbm>> -> memref<16xi32, #tpu.memory_space<hbm>>
    %dma_wait3A_270 = tpu.memref_slice %arg4[%add3A_230] : memref<320000xi32, #tpu.memory_space<hbm>> -> memref<16xi32, #tpu.memory_space<hbm>>
    tpu.wait_dma2 semaphore(%arg22 : memref<!tpu.dma_semaphore, #tpu.memory_space<semaphore_mem>>) src(%dma_wait3A_270 : memref<16xi32, #tpu.memory_space<hbm>>) dst(%arg10 : memref<16xi32, #tpu.memory_space<vmem>>)
    %dma_wait3A_271 = tpu.memref_slice %arg5[%add3A_230] : memref<320000xi32, #tpu.memory_space<hbm>> -> memref<16xi32, #tpu.memory_space<hbm>>
    %dma_wait3A_272 = tpu.memref_slice %arg5[%add3A_230] : memref<320000xi32, #tpu.memory_space<hbm>> -> memref<16xi32, #tpu.memory_space<hbm>>
    tpu.wait_dma2 semaphore(%arg22 : memref<!tpu.dma_semaphore, #tpu.memory_space<semaphore_mem>>) src(%dma_wait3A_272 : memref<16xi32, #tpu.memory_space<hbm>>) dst(%arg11 : memref<16xi32, #tpu.memory_space<vmem>>)
    %dma_start3A_273 = arith.constant 0 : i32
    %dma_start3A_274 = arith.constant 0 : i32
    %dma_start3A_275 = tpu.memref_slice %arg14[%dma_start3A_273, %dma_start3A_274] : memref<56x128xf32, #tpu.memory_space<vmem>> -> memref<16x128xf32, #tpu.memory_space<vmem>>
    %dma_start3A_276 = arith.constant 0 : i32
    %dma_start3A_277 = arith.constant 0 : i32
    %dma_start3A_278 = tpu.memref_slice %arg2[%dma_start3A_276, %dma_start3A_277] : memref<10000x128xf32, #tpu.memory_space<hbm>> -> memref<10000x128xf32, #tpu.memory_space<hbm>>
    tpu.enqueue_indirect_dma source(%dma_start3A_278 : memref<10000x128xf32, #tpu.memory_space<hbm>>) target(%dma_start3A_275 : memref<16x128xf32, #tpu.memory_space<vmem>>) offsets(%arg11 : memref<16xi32, #tpu.memory_space<vmem>>) semaphore(%arg25 : memref<!tpu.dma_semaphore, #tpu.memory_space<semaphore_mem>>)
    %mul3A_279 = arith.constant 5000 : i32
    %mul3A_280 = arith.muli %add3A, %mul3A_279 : i32
    %add3A_281 = arith.constant 4984 : i32
    %add3A_282 = arith.addi %mul3A_280, %add3A_281 : i32
    %dma_start3A_283 = arith.constant 0 : i32
    %dma_start3A_284 = arith.constant 0 : i32
    %dma_start3A_285 = tpu.memref_slice %arg17[%dma_start3A_283, %dma_start3A_284] : memref<56x128xf32, #tpu.memory_space<vmem>> -> memref<16x128xf32, #tpu.memory_space<vmem>>
    %dma_start3A_286 = arith.constant 0 : i32
    %dma_start3A_287 = tpu.memref_slice %arg3[%add3A_282, %dma_start3A_286] : memref<160000x128xf32, #tpu.memory_space<hbm>> -> memref<16x128xf32, #tpu.memory_space<hbm>>
    %dma_start3A_288 = arith.constant 0 : i32
    %dma_start3A_289 = arith.constant 0 : i32
    %dma_start3A_290 = tpu.memref_slice %arg17[%dma_start3A_288, %dma_start3A_289] : memref<56x128xf32, #tpu.memory_space<vmem>> -> memref<16x128xf32, #tpu.memory_space<vmem>>
    %dma_start3A_291 = arith.constant 0 : i32
    %dma_start3A_292 = tpu.memref_slice %arg3[%add3A_282, %dma_start3A_291] : memref<160000x128xf32, #tpu.memory_space<hbm>> -> memref<16x128xf32, #tpu.memory_space<hbm>>
    tpu.enqueue_dma source(%dma_start3A_292 : memref<16x128xf32, #tpu.memory_space<hbm>>) target(%dma_start3A_290 : memref<16x128xf32, #tpu.memory_space<vmem>>) target_semaphore(%arg25 : memref<!tpu.dma_semaphore, #tpu.memory_space<semaphore_mem>>)
    %dma_wait3A_293 = arith.constant 0 : i32
    %dma_wait3A_294 = arith.constant 0 : i32
    %dma_wait3A_295 = tpu.memref_slice %arg14[%dma_wait3A_293, %dma_wait3A_294] : memref<56x128xf32, #tpu.memory_space<vmem>> -> memref<16x128xf32, #tpu.memory_space<vmem>>
    %dma_wait3A_296 = arith.constant 0 : i32
    %dma_wait3A_297 = arith.constant 0 : i32
    %dma_wait3A_298 = tpu.memref_slice %arg2[%dma_wait3A_296, %dma_wait3A_297] : memref<10000x128xf32, #tpu.memory_space<hbm>> -> memref<10000x128xf32, #tpu.memory_space<hbm>>
    tpu.wait_indirect_dma semaphore(%arg25 : memref<!tpu.dma_semaphore, #tpu.memory_space<semaphore_mem>>) src(%dma_wait3A_298 : memref<10000x128xf32, #tpu.memory_space<hbm>>) dst(%dma_wait3A_295 : memref<16x128xf32, #tpu.memory_space<vmem>>)
    %mul3A_299 = arith.constant 5000 : i32
    %mul3A_300 = arith.muli %add3A, %mul3A_299 : i32
    %add3A_301 = arith.constant 4984 : i32
    %add3A_302 = arith.addi %mul3A_300, %add3A_301 : i32
    %dma_wait3A_303 = arith.constant 0 : i32
    %dma_wait3A_304 = arith.constant 0 : i32
    %dma_wait3A_305 = tpu.memref_slice %arg17[%dma_wait3A_303, %dma_wait3A_304] : memref<56x128xf32, #tpu.memory_space<vmem>> -> memref<16x128xf32, #tpu.memory_space<vmem>>
    %dma_wait3A_306 = arith.constant 0 : i32
    %dma_wait3A_307 = tpu.memref_slice %arg3[%add3A_302, %dma_wait3A_306] : memref<160000x128xf32, #tpu.memory_space<hbm>> -> memref<16x128xf32, #tpu.memory_space<hbm>>
    %dma_wait3A_308 = arith.constant 0 : i32
    %dma_wait3A_309 = arith.constant 0 : i32
    %dma_wait3A_310 = tpu.memref_slice %arg17[%dma_wait3A_308, %dma_wait3A_309] : memref<56x128xf32, #tpu.memory_space<vmem>> -> memref<16x128xf32, #tpu.memory_space<vmem>>
    %dma_wait3A_311 = arith.constant 0 : i32
    %dma_wait3A_312 = tpu.memref_slice %arg3[%add3A_302, %dma_wait3A_311] : memref<160000x128xf32, #tpu.memory_space<hbm>> -> memref<16x128xf32, #tpu.memory_space<hbm>>
    tpu.wait_dma2 semaphore(%arg25 : memref<!tpu.dma_semaphore, #tpu.memory_space<semaphore_mem>>) src(%dma_wait3A_312 : memref<16x128xf32, #tpu.memory_space<hbm>>) dst(%dma_wait3A_310 : memref<16x128xf32, #tpu.memory_space<vmem>>)
    %scan3A_313 = arith.constant 0 : i32
    %scan3A_314 = arith.constant 16 : i32
    %scan3A_315 = arith.addi %scan3A_313, %scan3A_314 : i32
    %scan3A_316 = arith.constant 1 : i32
    scf.for %scan3A_345 = %scan3A_313 to %scan3A_315 step %scan3A_316  : i32 {
      %mul3A_346 = arith.constant 1 : i32
      %mul3A_347 = arith.muli %scan3A_345, %mul3A_346 : i32
      %add3A_348 = arith.constant 0 : i32
      %add3A_349 = arith.addi %add3A_348, %mul3A_347 : i32
      %get3A = arith.index_cast %add3A_349 : i32 to index
      %get3A_350 = arith.constant 0 : index
      %get3A_351 = tpu.vector_load %arg14[%get3A, %get3A_350] {strides = array<i32>} : memref<56x128xf32, #tpu.memory_space<vmem>>, vector<1x16xf32>,
      %get3A_352 = vector.shape_cast %get3A_351 : vector<1x16xf32> to vector<1x16xf32>
      %get3A_353 = arith.index_cast %add3A_349 : i32 to index
      %get3A_354 = arith.constant 0 : index
      %get3A_355 = tpu.vector_load %arg17[%get3A_353, %get3A_354] {strides = array<i32>} : memref<56x128xf32, #tpu.memory_space<vmem>>, vector<1x16xf32>,
      %get3A_356 = vector.shape_cast %get3A_355 : vector<1x16xf32> to vector<1x16xf32>
      %mul3A_357 = arith.mulf %get3A_352, %get3A_356 : vector<1x16xf32>
      %swap3A = arith.index_cast %add3A_349 : i32 to index
      %swap3A_358 = arith.constant 0 : index
      %swap3A_359 = tpu.vector_load %arg14[%swap3A, %swap3A_358] {strides = array<i32>} : memref<56x128xf32, #tpu.memory_space<vmem>>, vector<1x16xf32>,
      %swap3A_360 = vector.shape_cast %swap3A_359 : vector<1x16xf32> to vector<1x16xf32>
      %swap3A_361 = vector.shape_cast %mul3A_357 : vector<1x16xf32> to vector<1x16xf32>
      tpu.vector_store %arg14[%swap3A, %swap3A_358], %swap3A_361 {strides = array<i32>} : memref<56x128xf32, #tpu.memory_space<vmem>>, vector<1x16xf32>,
      %get3A_362 = arith.index_cast %add3A_349 : i32 to index
      %get3A_363 = arith.constant 16 : index
      %get3A_364 = tpu.vector_load %arg14[%get3A_362, %get3A_363] {strides = array<i32>} : memref<56x128xf32, #tpu.memory_space<vmem>>, vector<1x16xf32>,
      %get3A_365 = vector.shape_cast %get3A_364 : vector<1x16xf32> to vector<1x16xf32>
      %get3A_366 = arith.index_cast %add3A_349 : i32 to index
      %get3A_367 = arith.constant 16 : index
      %get3A_368 = tpu.vector_load %arg17[%get3A_366, %get3A_367] {strides = array<i32>} : memref<56x128xf32, #tpu.memory_space<vmem>>, vector<1x16xf32>,
      %get3A_369 = vector.shape_cast %get3A_368 : vector<1x16xf32> to vector<1x16xf32>
      %mul3A_370 = arith.mulf %get3A_365, %get3A_369 : vector<1x16xf32>
      %swap3A_371 = arith.index_cast %add3A_349 : i32 to index
      %swap3A_372 = arith.constant 16 : index
      %swap3A_373 = tpu.vector_load %arg14[%swap3A_371, %swap3A_372] {strides = array<i32>} : memref<56x128xf32, #tpu.memory_space<vmem>>, vector<1x16xf32>,
      %swap3A_374 = vector.shape_cast %swap3A_373 : vector<1x16xf32> to vector<1x16xf32>
      %swap3A_375 = vector.shape_cast %mul3A_370 : vector<1x16xf32> to vector<1x16xf32>
      tpu.vector_store %arg14[%swap3A_371, %swap3A_372], %swap3A_375 {strides = array<i32>} : memref<56x128xf32, #tpu.memory_space<vmem>>, vector<1x16xf32>,
      %get3A_376 = arith.index_cast %add3A_349 : i32 to index
      %get3A_377 = arith.constant 32 : index
      %get3A_378 = tpu.vector_load %arg14[%get3A_376, %get3A_377] {strides = array<i32>} : memref<56x128xf32, #tpu.memory_space<vmem>>, vector<1x16xf32>,
      %get3A_379 = vector.shape_cast %get3A_378 : vector<1x16xf32> to vector<1x16xf32>
      %get3A_380 = arith.index_cast %add3A_349 : i32 to index
      %get3A_381 = arith.constant 32 : index
      %get3A_382 = tpu.vector_load %arg17[%get3A_380, %get3A_381] {strides = array<i32>} : memref<56x128xf32, #tpu.memory_space<vmem>>, vector<1x16xf32>,
      %get3A_383 = vector.shape_cast %get3A_382 : vector<1x16xf32> to vector<1x16xf32>
      %mul3A_384 = arith.mulf %get3A_379, %get3A_383 : vector<1x16xf32>
      %swap3A_385 = arith.index_cast %add3A_349 : i32 to index
      %swap3A_386 = arith.constant 32 : index
      %swap3A_387 = tpu.vector_load %arg14[%swap3A_385, %swap3A_386] {strides = array<i32>} : memref<56x128xf32, #tpu.memory_space<vmem>>, vector<1x16xf32>,
      %swap3A_388 = vector.shape_cast %swap3A_387 : vector<1x16xf32> to vector<1x16xf32>
      %swap3A_389 = vector.shape_cast %mul3A_384 : vector<1x16xf32> to vector<1x16xf32>
      tpu.vector_store %arg14[%swap3A_385, %swap3A_386], %swap3A_389 {strides = array<i32>} : memref<56x128xf32, #tpu.memory_space<vmem>>, vector<1x16xf32>,
      %get3A_390 = arith.index_cast %add3A_349 : i32 to index
      %get3A_391 = arith.constant 48 : index
      %get3A_392 = tpu.vector_load %arg14[%get3A_390, %get3A_391] {strides = array<i32>} : memref<56x128xf32, #tpu.memory_space<vmem>>, vector<1x16xf32>,
      %get3A_393 = vector.shape_cast %get3A_392 : vector<1x16xf32> to vector<1x16xf32>
      %get3A_394 = arith.index_cast %add3A_349 : i32 to index
      %get3A_395 = arith.constant 48 : index
      %get3A_396 = tpu.vector_load %arg17[%get3A_394, %get3A_395] {strides = array<i32>} : memref<56x128xf32, #tpu.memory_space<vmem>>, vector<1x16xf32>,
      %get3A_397 = vector.shape_cast %get3A_396 : vector<1x16xf32> to vector<1x16xf32>
      %mul3A_398 = arith.mulf %get3A_393, %get3A_397 : vector<1x16xf32>
      %swap3A_399 = arith.index_cast %add3A_349 : i32 to index
      %swap3A_400 = arith.constant 48 : index
      %swap3A_401 = tpu.vector_load %arg14[%swap3A_399, %swap3A_400] {strides = array<i32>} : memref<56x128xf32, #tpu.memory_space<vmem>>, vector<1x16xf32>,
      %swap3A_402 = vector.shape_cast %swap3A_401 : vector<1x16xf32> to vector<1x16xf32>
      %swap3A_403 = vector.shape_cast %mul3A_398 : vector<1x16xf32> to vector<1x16xf32>
      tpu.vector_store %arg14[%swap3A_399, %swap3A_400], %swap3A_403 {strides = array<i32>} : memref<56x128xf32, #tpu.memory_space<vmem>>, vector<1x16xf32>,
      %get3A_404 = arith.index_cast %add3A_349 : i32 to index
      %get3A_405 = arith.constant 64 : index
      %get3A_406 = tpu.vector_load %arg14[%get3A_404, %get3A_405] {strides = array<i32>} : memref<56x128xf32, #tpu.memory_space<vmem>>, vector<1x16xf32>,
      %get3A_407 = vector.shape_cast %get3A_406 : vector<1x16xf32> to vector<1x16xf32>
      %get3A_408 = arith.index_cast %add3A_349 : i32 to index
      %get3A_409 = arith.constant 64 : index
      %get3A_410 = tpu.vector_load %arg17[%get3A_408, %get3A_409] {strides = array<i32>} : memref<56x128xf32, #tpu.memory_space<vmem>>, vector<1x16xf32>,
      %get3A_411 = vector.shape_cast %get3A_410 : vector<1x16xf32> to vector<1x16xf32>
      %mul3A_412 = arith.mulf %get3A_407, %get3A_411 : vector<1x16xf32>
      %swap3A_413 = arith.index_cast %add3A_349 : i32 to index
      %swap3A_414 = arith.constant 64 : index
      %swap3A_415 = tpu.vector_load %arg14[%swap3A_413, %swap3A_414] {strides = array<i32>} : memref<56x128xf32, #tpu.memory_space<vmem>>, vector<1x16xf32>,
      %swap3A_416 = vector.shape_cast %swap3A_415 : vector<1x16xf32> to vector<1x16xf32>
      %swap3A_417 = vector.shape_cast %mul3A_412 : vector<1x16xf32> to vector<1x16xf32>
      tpu.vector_store %arg14[%swap3A_413, %swap3A_414], %swap3A_417 {strides = array<i32>} : memref<56x128xf32, #tpu.memory_space<vmem>>, vector<1x16xf32>,
      %get3A_418 = arith.index_cast %add3A_349 : i32 to index
      %get3A_419 = arith.constant 80 : index
      %get3A_420 = tpu.vector_load %arg14[%get3A_418, %get3A_419] {strides = array<i32>} : memref<56x128xf32, #tpu.memory_space<vmem>>, vector<1x16xf32>,
      %get3A_421 = vector.shape_cast %get3A_420 : vector<1x16xf32> to vector<1x16xf32>
      %get3A_422 = arith.index_cast %add3A_349 : i32 to index
      %get3A_423 = arith.constant 80 : index
      %get3A_424 = tpu.vector_load %arg17[%get3A_422, %get3A_423] {strides = array<i32>} : memref<56x128xf32, #tpu.memory_space<vmem>>, vector<1x16xf32>,
      %get3A_425 = vector.shape_cast %get3A_424 : vector<1x16xf32> to vector<1x16xf32>
      %mul3A_426 = arith.mulf %get3A_421, %get3A_425 : vector<1x16xf32>
      %swap3A_427 = arith.index_cast %add3A_349 : i32 to index
      %swap3A_428 = arith.constant 80 : index
      %swap3A_429 = tpu.vector_load %arg14[%swap3A_427, %swap3A_428] {strides = array<i32>} : memref<56x128xf32, #tpu.memory_space<vmem>>, vector<1x16xf32>,
      %swap3A_430 = vector.shape_cast %swap3A_429 : vector<1x16xf32> to vector<1x16xf32>
      %swap3A_431 = vector.shape_cast %mul3A_426 : vector<1x16xf32> to vector<1x16xf32>
      tpu.vector_store %arg14[%swap3A_427, %swap3A_428], %swap3A_431 {strides = array<i32>} : memref<56x128xf32, #tpu.memory_space<vmem>>, vector<1x16xf32>,
      %get3A_432 = arith.index_cast %add3A_349 : i32 to index
      %get3A_433 = arith.constant 96 : index
      %get3A_434 = tpu.vector_load %arg14[%get3A_432, %get3A_433] {strides = array<i32>} : memref<56x128xf32, #tpu.memory_space<vmem>>, vector<1x16xf32>,
      %get3A_435 = vector.shape_cast %get3A_434 : vector<1x16xf32> to vector<1x16xf32>
      %get3A_436 = arith.index_cast %add3A_349 : i32 to index
      %get3A_437 = arith.constant 96 : index
      %get3A_438 = tpu.vector_load %arg17[%get3A_436, %get3A_437] {strides = array<i32>} : memref<56x128xf32, #tpu.memory_space<vmem>>, vector<1x16xf32>,
      %get3A_439 = vector.shape_cast %get3A_438 : vector<1x16xf32> to vector<1x16xf32>
      %mul3A_440 = arith.mulf %get3A_435, %get3A_439 : vector<1x16xf32>
      %swap3A_441 = arith.index_cast %add3A_349 : i32 to index
      %swap3A_442 = arith.constant 96 : index
      %swap3A_443 = tpu.vector_load %arg14[%swap3A_441, %swap3A_442] {strides = array<i32>} : memref<56x128xf32, #tpu.memory_space<vmem>>, vector<1x16xf32>,
      %swap3A_444 = vector.shape_cast %swap3A_443 : vector<1x16xf32> to vector<1x16xf32>
      %swap3A_445 = vector.shape_cast %mul3A_440 : vector<1x16xf32> to vector<1x16xf32>
      tpu.vector_store %arg14[%swap3A_441, %swap3A_442], %swap3A_445 {strides = array<i32>} : memref<56x128xf32, #tpu.memory_space<vmem>>, vector<1x16xf32>,
      %get3A_446 = arith.index_cast %add3A_349 : i32 to index
      %get3A_447 = arith.constant 112 : index
      %get3A_448 = tpu.vector_load %arg14[%get3A_446, %get3A_447] {strides = array<i32>} : memref<56x128xf32, #tpu.memory_space<vmem>>, vector<1x16xf32>,
      %get3A_449 = vector.shape_cast %get3A_448 : vector<1x16xf32> to vector<1x16xf32>
      %get3A_450 = arith.index_cast %add3A_349 : i32 to index
      %get3A_451 = arith.constant 112 : index
      %get3A_452 = tpu.vector_load %arg17[%get3A_450, %get3A_451] {strides = array<i32>} : memref<56x128xf32, #tpu.memory_space<vmem>>, vector<1x16xf32>,
      %get3A_453 = vector.shape_cast %get3A_452 : vector<1x16xf32> to vector<1x16xf32>
      %mul3A_454 = arith.mulf %get3A_449, %get3A_453 : vector<1x16xf32>
      %swap3A_455 = arith.index_cast %add3A_349 : i32 to index
      %swap3A_456 = arith.constant 112 : index
      %swap3A_457 = tpu.vector_load %arg14[%swap3A_455, %swap3A_456] {strides = array<i32>} : memref<56x128xf32, #tpu.memory_space<vmem>>, vector<1x16xf32>,
      %swap3A_458 = vector.shape_cast %swap3A_457 : vector<1x16xf32> to vector<1x16xf32>
      %swap3A_459 = vector.shape_cast %mul3A_454 : vector<1x16xf32> to vector<1x16xf32>
      tpu.vector_store %arg14[%swap3A_455, %swap3A_456], %swap3A_459 {strides = array<i32>} : memref<56x128xf32, #tpu.memory_space<vmem>>, vector<1x16xf32>,
    }
    %scan3A_317 = arith.constant 16 : i32
    %dma_wait3A_318 = arith.constant 1 : i32
    %dma_wait3A_319 = arith.constant 0 : i32
    %dma_wait3A_320 = tpu.memref_slice %arg8[%dma_wait3A_318, %dma_wait3A_319] : memref<3x56xi32, #tpu.memory_space<vmem>> -> memref<1x56xi32, #tpu.memory_space<vmem>>
    %dma_wait3A_321 = tpu.memref_squeeze %dma_wait3A_320 : memref<1x56xi32, #tpu.memory_space<vmem>> -> memref<56xi32, #tpu.memory_space<vmem>>
    %dma_wait3A_322 = arith.constant 0 : i32
    %dma_wait3A_323 = arith.constant 0 : i32
    %dma_wait3A_324 = tpu.memref_slice %arg18[%dma_wait3A_322, %dma_wait3A_323] : memref<10240x128xf32, #tpu.memory_space<vmem_shared>> -> memref<10240x128xf32, #tpu.memory_space<vmem_shared>>
    tpu.wait_indirect_dma semaphore(%arg27 : memref<!tpu.dma_semaphore, #tpu.memory_space<semaphore_mem>>) src(%arg13 : memref<56x128xf32, #tpu.memory_space<vmem>>) dst(%dma_wait3A_324 : memref<10240x128xf32, #tpu.memory_space<vmem_shared>>)
    %dma_start3A_325 = arith.constant 0 : i32
    %dma_start3A_326 = arith.constant 0 : i32
    %dma_start3A_327 = tpu.memref_slice %arg14[%dma_start3A_325, %dma_start3A_326] : memref<56x128xf32, #tpu.memory_space<vmem>> -> memref<16x128xf32, #tpu.memory_space<vmem>>
    %dma_start3A_328 = arith.constant 0 : i32
    %dma_start3A_329 = arith.constant 0 : i32
    %dma_start3A_330 = tpu.memref_slice %arg18[%dma_start3A_328, %dma_start3A_329] : memref<10240x128xf32, #tpu.memory_space<vmem_shared>> -> memref<10240x128xf32, #tpu.memory_space<vmem_shared>>
    tpu.enqueue_indirect_dma source(%dma_start3A_327 : memref<16x128xf32, #tpu.memory_space<vmem>>) target(%dma_start3A_330 : memref<10240x128xf32, #tpu.memory_space<vmem_shared>>) offsets(%arg10 : memref<16xi32, #tpu.memory_space<vmem>>) semaphore(%arg28 : memref<!tpu.dma_semaphore, #tpu.memory_space<semaphore_mem>>) {add = true}
    %dma_wait3A_331 = arith.constant 0 : i32
    %dma_wait3A_332 = arith.constant 0 : i32
    %dma_wait3A_333 = tpu.memref_slice %arg14[%dma_wait3A_331, %dma_wait3A_332] : memref<56x128xf32, #tpu.memory_space<vmem>> -> memref<16x128xf32, #tpu.memory_space<vmem>>
    %dma_wait3A_334 = arith.constant 0 : i32
    %dma_wait3A_335 = arith.constant 0 : i32
    %dma_wait3A_336 = tpu.memref_slice %arg18[%dma_wait3A_334, %dma_wait3A_335] : memref<10240x128xf32, #tpu.memory_space<vmem_shared>> -> memref<10240x128xf32, #tpu.memory_space<vmem_shared>>
    tpu.wait_indirect_dma semaphore(%arg28 : memref<!tpu.dma_semaphore, #tpu.memory_space<semaphore_mem>>) src(%dma_wait3A_333 : memref<16x128xf32, #tpu.memory_space<vmem>>) dst(%dma_wait3A_336 : memref<10240x128xf32, #tpu.memory_space<vmem_shared>>)
    %barrier3A_337 = arith.constant 0 : index
    tpu.barrier barrier_id(%barrier3A_337)
    %mul3A_338 = arith.constant 640 : i32
    %mul3A_339 = arith.muli %arg1, %mul3A_338 : i32
    %mul3A_340 = arith.constant 10240 : i32
    %mul3A_341 = arith.muli %arg0, %mul3A_340 : i32
    %mul3A_342 = arith.constant 640 : i32
    %mul3A_343 = arith.muli %arg1, %mul3A_342 : i32
    %add3A_344 = arith.addi %mul3A_341, %mul3A_343 : i32
    "tpu.region"() ({
      %run_scoped3A = tpu.sem_alloc : memref<!tpu.dma_semaphore, #tpu.memory_space<semaphore_mem>>
      %dma_start3A_345 = arith.constant 0 : i32
      %dma_start3A_346 = tpu.memref_slice %arg7[%add3A_344, %dma_start3A_345] : memref<20480x128xf32, #tpu.memory_space<hbm>> -> memref<640x128xf32, #tpu.memory_space<hbm>>
      %dma_start3A_347 = arith.constant 0 : i32
      %dma_start3A_348 = tpu.memref_slice %arg18[%mul3A_339, %dma_start3A_347] : memref<10240x128xf32, #tpu.memory_space<vmem_shared>> -> memref<640x128xf32, #tpu.memory_space<vmem_shared>>
      tpu.enqueue_dma source(%dma_start3A_348 : memref<640x128xf32, #tpu.memory_space<vmem_shared>>) target(%dma_start3A_346 : memref<640x128xf32, #tpu.memory_space<hbm>>) target_semaphore(%run_scoped3A : memref<!tpu.dma_semaphore, #tpu.memory_space<semaphore_mem>>)
      %dma_wait3A_349 = arith.constant 0 : i32
      %dma_wait3A_350 = tpu.memref_slice %arg7[%add3A_344, %dma_wait3A_349] : memref<20480x128xf32, #tpu.memory_space<hbm>> -> memref<640x128xf32, #tpu.memory_space<hbm>>
      %dma_wait3A_351 = arith.constant 0 : i32
      %dma_wait3A_352 = tpu.memref_slice %arg18[%mul3A_339, %dma_wait3A_351] : memref<10240x128xf32, #tpu.memory_space<vmem_shared>> -> memref<640x128xf32, #tpu.memory_space<vmem_shared>>
      tpu.wait_dma2 semaphore(%run_scoped3A : memref<!tpu.dma_semaphore, #tpu.memory_space<semaphore_mem>>) src(%dma_wait3A_352 : memref<640x128xf32, #tpu.memory_space<vmem_shared>>) dst(%dma_wait3A_350 : memref<640x128xf32, #tpu.memory_space<hbm>>)
      tpu.yield
    }) : () -> ()
    return
  }
}

module attributes {stable_mosaic.version = 14 : i64} {
  func.func @_h_body(%arg0: memref<10000x128xf32, #tpu.memory_space<vmem>>, %arg1: memref<128x128xf32, #tpu.memory_space<vmem>>, %arg2: memref<10000x128xf32, #tpu.memory_space<vmem>>) attributes {dimension_semantics = [], scalar_prefetch = 0 : i64, scratch_operands = 0 : i64, tpu.core_type = #tpu.core_type<tc>} {
    %get3A = arith.constant 0 : index
    %get3A_0 = arith.constant 0 : index
    %get3A_1 = vector.load %arg0[%get3A, %get3A_0] : memref<10000x128xf32, #tpu.memory_space<vmem>>, vector<10000x128xf32>
    %get3A_2 = arith.constant 0 : index
    %get3A_3 = arith.constant 0 : index
    %get3A_4 = vector.load %arg1[%get3A_2, %get3A_3] : memref<128x128xf32, #tpu.memory_space<vmem>>, vector<128x128xf32>
    %dot_general3A = arith.constant dense<0.000000e+00> : vector<10000x128xf32>
    %dot_general3A_5 = tpu.matmul %get3A_1, %get3A_4, %dot_general3A {dimension_numbers = #tpu.dot_dimension_numbers<[1], [1], [0], [0], [0, 0, 1, 0], [], []>, transpose_lhs_hint = false} : vector<10000x128xf32>, vector<128x128xf32>, vector<10000x128xf32> -> vector<10000x128xf32>
    %swap3A = arith.constant 0 : index
    %swap3A_6 = arith.constant 0 : index
    %swap3A_7 = vector.load %arg2[%swap3A, %swap3A_6] : memref<10000x128xf32, #tpu.memory_space<vmem>>, vector<10000x128xf32>
    tpu.vector_store %arg2[%swap3A, %swap3A_6], %dot_general3A_5 {strides = array<i32>} : memref<10000x128xf32, #tpu.memory_space<vmem>>, vector<10000x128xf32>,
    return
  }
}

module attributes {stable_mosaic.version = 14 : i64} {
  func.func @_wc_body(%arg0: i32, %arg1: memref<8000x16xf32, #tpu.memory_space<vmem>>, %arg2: memref<8000x1xf32, #tpu.memory_space<vmem>>, %arg3: memref<128x16xf32, #tpu.memory_space<vmem>>, %arg4: memref<1x128xf32, #tpu.memory_space<vmem>>, %arg5: memref<128x128xf32, #tpu.memory_space<vmem>>, %arg6: memref<1x128xf32, #tpu.memory_space<vmem>>, %arg7: memref<8000x128xf32, #tpu.memory_space<vmem>>) attributes {dimension_semantics = [#tpu.dimension_semantics<arbitrary>], iteration_bounds = array<i64: 20>, scalar_prefetch = 0 : i64, scratch_operands = 0 : i64, tpu.core_type = #tpu.core_type<tc>, window_params = [{transform_indices = @transform_0, window_bounds = array<i64: 8000, 16>}, {transform_indices = @transform_1, window_bounds = array<i64: 8000, 1>}, {pipeline_mode = #tpu.pipeline_mode<synchronous>, transform_indices = @transform_2, window_bounds = array<i64: 128, 16>}, {pipeline_mode = #tpu.pipeline_mode<synchronous>, transform_indices = @transform_3, window_bounds = array<i64: 1, 128>}, {pipeline_mode = #tpu.pipeline_mode<synchronous>, transform_indices = @transform_4, window_bounds = array<i64: 128, 128>}, {pipeline_mode = #tpu.pipeline_mode<synchronous>, transform_indices = @transform_5, window_bounds = array<i64: 1, 128>}, {transform_indices = @transform_6, window_bounds = array<i64: 8000, 128>}]} {
    %get3A = arith.constant 0 : index
    %get3A_0 = arith.constant 0 : index
    %get3A_1 = vector.load %arg1[%get3A, %get3A_0] : memref<8000x16xf32, #tpu.memory_space<vmem>>, vector<8000x16xf32>
    %get3A_2 = arith.constant 0 : index
    %get3A_3 = arith.constant 0 : index
    %get3A_4 = vector.load %arg3[%get3A_2, %get3A_3] : memref<128x16xf32, #tpu.memory_space<vmem>>, vector<128x16xf32>
    %dot_general3A = arith.constant dense<0.000000e+00> : vector<8000x128xf32>
    %dot_general3A_5 = tpu.matmul %get3A_1, %get3A_4, %dot_general3A {dimension_numbers = #tpu.dot_dimension_numbers<[1], [1], [0], [0], [0, 0, 1, 0], [], []>, transpose_lhs_hint = false} : vector<8000x16xf32>, vector<128x16xf32>, vector<8000x128xf32> -> vector<8000x128xf32>
    %get3A_6 = arith.constant 0 : index
    %get3A_7 = arith.constant 0 : index
    %get3A_8 = vector.load %arg4[%get3A_6, %get3A_7] : memref<1x128xf32, #tpu.memory_space<vmem>>, vector<1x128xf32>
    %add3A = vector.broadcast %get3A_8 : vector<1x128xf32> to vector<8000x128xf32>
    %add3A_9 = arith.addf %dot_general3A_5, %add3A : vector<8000x128xf32>
    %mul3A = arith.constant 1.44269502 : f32
    %mul3A_10 = vector.broadcast %mul3A : f32 to vector<8000x128xf32>
    %mul3A_11 = arith.mulf %add3A_9, %mul3A_10 : vector<8000x128xf32>
    %exp23A = math.exp2 %mul3A_11 : vector<8000x128xf32>
    %add3A_12 = arith.constant 1.000000e+00 : f32
    %add3A_13 = vector.broadcast %add3A_12 : f32 to vector<8000x128xf32>
    %add3A_14 = arith.addf %add3A_13, %exp23A : vector<8000x128xf32>
    %log3A = math.log %add3A_14 : vector<8000x128xf32>
    %log3A_15 = arith.constant 2.000000e+00 : f32
    %log3A_16 = math.log %log3A_15 : f32
    %div3A = vector.broadcast %log3A_16 : f32 to vector<8000x128xf32>
    %div3A_17 = arith.divf %log3A, %div3A : vector<8000x128xf32>
    %mul3A_18 = arith.constant 0.693147182 : f32
    %mul3A_19 = vector.broadcast %mul3A_18 : f32 to vector<8000x128xf32>
    %mul3A_20 = arith.mulf %div3A_17, %mul3A_19 : vector<8000x128xf32>
    %sub3A = arith.constant 0.693147182 : f32
    %sub3A_21 = vector.broadcast %sub3A : f32 to vector<8000x128xf32>
    %sub3A_22 = arith.subf %mul3A_20, %sub3A_21 : vector<8000x128xf32>
    %gt3A = arith.constant 6.000000e+01 : f32
    %gt3A_23 = vector.broadcast %gt3A : f32 to vector<8000x128xf32>
    %gt3A_24 = arith.cmpf ogt, %add3A_9, %gt3A_23 : vector<8000x128xf32>
    %sub3A_25 = arith.constant 0.693147182 : f32
    %sub3A_26 = vector.broadcast %sub3A_25 : f32 to vector<8000x128xf32>
    %sub3A_27 = arith.subf %add3A_9, %sub3A_26 : vector<8000x128xf32>
    %select_n3A = arith.select %gt3A_24, %sub3A_27, %sub3A_22 : vector<8000x128xi1>, vector<8000x128xf32>
    %convert_element_type3A = arith.truncf %select_n3A : vector<8000x128xf32> to vector<8000x128xbf16>
    %get3A_28 = arith.constant 0 : index
    %get3A_29 = arith.constant 0 : index
    %get3A_30 = vector.load %arg5[%get3A_28, %get3A_29] : memref<128x128xf32, #tpu.memory_space<vmem>>, vector<128x128xf32>
    %convert_element_type3A_31 = arith.truncf %get3A_30 : vector<128x128xf32> to vector<128x128xbf16>
    %dot_general3A_32 = arith.constant dense<0.000000e+00> : vector<8000x128xf32>
    %dot_general3A_33 = tpu.matmul %convert_element_type3A, %convert_element_type3A_31, %dot_general3A_32 {dimension_numbers = #tpu.dot_dimension_numbers<[1], [1], [0], [0], [0, 0, 1, 0], [], []>, transpose_lhs_hint = false} : vector<8000x128xbf16>, vector<128x128xbf16>, vector<8000x128xf32> -> vector<8000x128xf32>
    %get3A_34 = arith.constant 0 : index
    %get3A_35 = arith.constant 0 : index
    %get3A_36 = vector.load %arg6[%get3A_34, %get3A_35] : memref<1x128xf32, #tpu.memory_space<vmem>>, vector<1x128xf32>
    %add3A_37 = vector.broadcast %get3A_36 : vector<1x128xf32> to vector<8000x128xf32>
    %add3A_38 = arith.addf %dot_general3A_33, %add3A_37 : vector<8000x128xf32>
    %get3A_39 = arith.constant 0 : index
    %get3A_40 = arith.constant 0 : index
    %get3A_41 = vector.load %arg2[%get3A_39, %get3A_40] : memref<8000x1xf32, #tpu.memory_space<vmem>>, vector<8000x1xf32>
    %mul3A_42 = vector.broadcast %get3A_41 : vector<8000x1xf32> to vector<8000x128xf32>
    %mul3A_43 = arith.mulf %add3A_38, %mul3A_42 : vector<8000x128xf32>
    %swap3A = arith.constant 0 : index
    %swap3A_44 = arith.constant 0 : index
    %swap3A_45 = vector.load %arg7[%swap3A, %swap3A_44] : memref<8000x128xf32, #tpu.memory_space<vmem>>, vector<8000x128xf32>
    tpu.vector_store %arg7[%swap3A, %swap3A_44], %mul3A_43 {strides = array<i32>} : memref<8000x128xf32, #tpu.memory_space<vmem>>, vector<8000x128xf32>,
    return
  }
  func.func @transform_0(%arg0: i32) -> (i32, i32) {
    %add3A = arith.constant 20 : i32
    %add3A_0 = arith.addi %arg0, %add3A : i32
    %c0_i32 = arith.constant 0 : i32
    %c0_i32_1 = arith.constant 0 : i32
    return %add3A_0, %c0_i32 : i32, i32
  }
  func.func @transform_1(%arg0: i32) -> (i32, i32) {
    %add3A = arith.constant 20 : i32
    %add3A_0 = arith.addi %arg0, %add3A : i32
    %c0_i32 = arith.constant 0 : i32
    %c0_i32_1 = arith.constant 0 : i32
    return %add3A_0, %c0_i32 : i32, i32
  }
  func.func @transform_2(%arg0: i32) -> (i32, i32) {
    %c0_i32 = arith.constant 0 : i32
    %c0_i32_0 = arith.constant 0 : i32
    %c0_i32_1 = arith.constant 0 : i32
    return %c0_i32, %c0_i32_0 : i32, i32
  }
  func.func @transform_3(%arg0: i32) -> (i32, i32) {
    %c0_i32 = arith.constant 0 : i32
    %c0_i32_0 = arith.constant 0 : i32
    %c0_i32_1 = arith.constant 0 : i32
    return %c0_i32, %c0_i32_0 : i32, i32
  }
  func.func @transform_4(%arg0: i32) -> (i32, i32) {
    %c0_i32 = arith.constant 0 : i32
    %c0_i32_0 = arith.constant 0 : i32
    %c0_i32_1 = arith.constant 0 : i32
    return %c0_i32, %c0_i32_0 : i32, i32
  }
  func.func @transform_5(%arg0: i32) -> (i32, i32) {
    %c0_i32 = arith.constant 0 : i32
    %c0_i32_0 = arith.constant 0 : i32
    %c0_i32_1 = arith.constant 0 : i32
    return %c0_i32, %c0_i32_0 : i32, i32
  }
  func.func @transform_6(%arg0: i32) -> (i32, i32) {
    %c0_i32 = arith.constant 0 : i32
    %c0_i32_0 = arith.constant 0 : i32
    return %arg0, %c0_i32 : i32, i32
  }
}

module attributes {stable_mosaic.version = 14 : i64} {
  func.func @_wc_body(%arg0: i32, %arg1: memref<8000x16xf32, #tpu.memory_space<vmem>>, %arg2: memref<8000x1xf32, #tpu.memory_space<vmem>>, %arg3: memref<128x16xf32, #tpu.memory_space<vmem>>, %arg4: memref<1x128xf32, #tpu.memory_space<vmem>>, %arg5: memref<128x128xf32, #tpu.memory_space<vmem>>, %arg6: memref<1x128xf32, #tpu.memory_space<vmem>>, %arg7: memref<8000x128xf32, #tpu.memory_space<vmem>>) attributes {dimension_semantics = [#tpu.dimension_semantics<arbitrary>], iteration_bounds = array<i64: 20>, scalar_prefetch = 0 : i64, scratch_operands = 0 : i64, tpu.core_type = #tpu.core_type<tc>, window_params = [{transform_indices = @transform_0, window_bounds = array<i64: 8000, 16>}, {transform_indices = @transform_1, window_bounds = array<i64: 8000, 1>}, {pipeline_mode = #tpu.pipeline_mode<synchronous>, transform_indices = @transform_2, window_bounds = array<i64: 128, 16>}, {pipeline_mode = #tpu.pipeline_mode<synchronous>, transform_indices = @transform_3, window_bounds = array<i64: 1, 128>}, {pipeline_mode = #tpu.pipeline_mode<synchronous>, transform_indices = @transform_4, window_bounds = array<i64: 128, 128>}, {pipeline_mode = #tpu.pipeline_mode<synchronous>, transform_indices = @transform_5, window_bounds = array<i64: 1, 128>}, {transform_indices = @transform_6, window_bounds = array<i64: 8000, 128>}]} {
    %get3A = arith.constant 0 : index
    %get3A_0 = arith.constant 0 : index
    %get3A_1 = vector.load %arg1[%get3A, %get3A_0] : memref<8000x16xf32, #tpu.memory_space<vmem>>, vector<8000x16xf32>
    %get3A_2 = arith.constant 0 : index
    %get3A_3 = arith.constant 0 : index
    %get3A_4 = vector.load %arg3[%get3A_2, %get3A_3] : memref<128x16xf32, #tpu.memory_space<vmem>>, vector<128x16xf32>
    %dot_general3A = arith.constant dense<0.000000e+00> : vector<8000x128xf32>
    %dot_general3A_5 = tpu.matmul %get3A_1, %get3A_4, %dot_general3A {dimension_numbers = #tpu.dot_dimension_numbers<[1], [1], [0], [0], [0, 0, 1, 0], [], []>, transpose_lhs_hint = false} : vector<8000x16xf32>, vector<128x16xf32>, vector<8000x128xf32> -> vector<8000x128xf32>
    %get3A_6 = arith.constant 0 : index
    %get3A_7 = arith.constant 0 : index
    %get3A_8 = vector.load %arg4[%get3A_6, %get3A_7] : memref<1x128xf32, #tpu.memory_space<vmem>>, vector<1x128xf32>
    %add3A = vector.broadcast %get3A_8 : vector<1x128xf32> to vector<8000x128xf32>
    %add3A_9 = arith.addf %dot_general3A_5, %add3A : vector<8000x128xf32>
    %mul3A = arith.constant 1.44269502 : f32
    %mul3A_10 = vector.broadcast %mul3A : f32 to vector<8000x128xf32>
    %mul3A_11 = arith.mulf %add3A_9, %mul3A_10 : vector<8000x128xf32>
    %exp23A = math.exp2 %mul3A_11 : vector<8000x128xf32>
    %add3A_12 = arith.constant 1.000000e+00 : f32
    %add3A_13 = vector.broadcast %add3A_12 : f32 to vector<8000x128xf32>
    %add3A_14 = arith.addf %add3A_13, %exp23A : vector<8000x128xf32>
    %log3A = math.log %add3A_14 : vector<8000x128xf32>
    %log3A_15 = arith.constant 2.000000e+00 : f32
    %log3A_16 = math.log %log3A_15 : f32
    %div3A = vector.broadcast %log3A_16 : f32 to vector<8000x128xf32>
    %div3A_17 = arith.divf %log3A, %div3A : vector<8000x128xf32>
    %mul3A_18 = arith.constant 0.693147182 : f32
    %mul3A_19 = vector.broadcast %mul3A_18 : f32 to vector<8000x128xf32>
    %mul3A_20 = arith.mulf %div3A_17, %mul3A_19 : vector<8000x128xf32>
    %sub3A = arith.constant 0.693147182 : f32
    %sub3A_21 = vector.broadcast %sub3A : f32 to vector<8000x128xf32>
    %sub3A_22 = arith.subf %mul3A_20, %sub3A_21 : vector<8000x128xf32>
    %gt3A = arith.constant 6.000000e+01 : f32
    %gt3A_23 = vector.broadcast %gt3A : f32 to vector<8000x128xf32>
    %gt3A_24 = arith.cmpf ogt, %add3A_9, %gt3A_23 : vector<8000x128xf32>
    %sub3A_25 = arith.constant 0.693147182 : f32
    %sub3A_26 = vector.broadcast %sub3A_25 : f32 to vector<8000x128xf32>
    %sub3A_27 = arith.subf %add3A_9, %sub3A_26 : vector<8000x128xf32>
    %select_n3A = arith.select %gt3A_24, %sub3A_27, %sub3A_22 : vector<8000x128xi1>, vector<8000x128xf32>
    %convert_element_type3A = arith.truncf %select_n3A : vector<8000x128xf32> to vector<8000x128xbf16>
    %get3A_28 = arith.constant 0 : index
    %get3A_29 = arith.constant 0 : index
    %get3A_30 = vector.load %arg5[%get3A_28, %get3A_29] : memref<128x128xf32, #tpu.memory_space<vmem>>, vector<128x128xf32>
    %convert_element_type3A_31 = arith.truncf %get3A_30 : vector<128x128xf32> to vector<128x128xbf16>
    %dot_general3A_32 = arith.constant dense<0.000000e+00> : vector<8000x128xf32>
    %dot_general3A_33 = tpu.matmul %convert_element_type3A, %convert_element_type3A_31, %dot_general3A_32 {dimension_numbers = #tpu.dot_dimension_numbers<[1], [1], [0], [0], [0, 0, 1, 0], [], []>, transpose_lhs_hint = false} : vector<8000x128xbf16>, vector<128x128xbf16>, vector<8000x128xf32> -> vector<8000x128xf32>
    %get3A_34 = arith.constant 0 : index
    %get3A_35 = arith.constant 0 : index
    %get3A_36 = vector.load %arg6[%get3A_34, %get3A_35] : memref<1x128xf32, #tpu.memory_space<vmem>>, vector<1x128xf32>
    %add3A_37 = vector.broadcast %get3A_36 : vector<1x128xf32> to vector<8000x128xf32>
    %add3A_38 = arith.addf %dot_general3A_33, %add3A_37 : vector<8000x128xf32>
    %get3A_39 = arith.constant 0 : index
    %get3A_40 = arith.constant 0 : index
    %get3A_41 = vector.load %arg2[%get3A_39, %get3A_40] : memref<8000x1xf32, #tpu.memory_space<vmem>>, vector<8000x1xf32>
    %mul3A_42 = vector.broadcast %get3A_41 : vector<8000x1xf32> to vector<8000x128xf32>
    %mul3A_43 = arith.mulf %add3A_38, %mul3A_42 : vector<8000x128xf32>
    %swap3A = arith.constant 0 : index
    %swap3A_44 = arith.constant 0 : index
    %swap3A_45 = vector.load %arg7[%swap3A, %swap3A_44] : memref<8000x128xf32, #tpu.memory_space<vmem>>, vector<8000x128xf32>
    tpu.vector_store %arg7[%swap3A, %swap3A_44], %mul3A_43 {strides = array<i32>} : memref<8000x128xf32, #tpu.memory_space<vmem>>, vector<8000x128xf32>,
    return
  }
  func.func @transform_0(%arg0: i32) -> (i32, i32) {
    %add3A = arith.constant 0 : i32
    %add3A_0 = arith.addi %arg0, %add3A : i32
    %c0_i32 = arith.constant 0 : i32
    %c0_i32_1 = arith.constant 0 : i32
    return %add3A_0, %c0_i32 : i32, i32
  }
  func.func @transform_1(%arg0: i32) -> (i32, i32) {
    %add3A = arith.constant 0 : i32
    %add3A_0 = arith.addi %arg0, %add3A : i32
    %c0_i32 = arith.constant 0 : i32
    %c0_i32_1 = arith.constant 0 : i32
    return %add3A_0, %c0_i32 : i32, i32
  }
  func.func @transform_2(%arg0: i32) -> (i32, i32) {
    %c0_i32 = arith.constant 0 : i32
    %c0_i32_0 = arith.constant 0 : i32
    %c0_i32_1 = arith.constant 0 : i32
    return %c0_i32, %c0_i32_0 : i32, i32
  }
  func.func @transform_3(%arg0: i32) -> (i32, i32) {
    %c0_i32 = arith.constant 0 : i32
    %c0_i32_0 = arith.constant 0 : i32
    %c0_i32_1 = arith.constant 0 : i32
    return %c0_i32, %c0_i32_0 : i32, i32
  }
  func.func @transform_4(%arg0: i32) -> (i32, i32) {
    %c0_i32 = arith.constant 0 : i32
    %c0_i32_0 = arith.constant 0 : i32
    %c0_i32_1 = arith.constant 0 : i32
    return %c0_i32, %c0_i32_0 : i32, i32
  }
  func.func @transform_5(%arg0: i32) -> (i32, i32) {
    %c0_i32 = arith.constant 0 : i32
    %c0_i32_0 = arith.constant 0 : i32
    %c0_i32_1 = arith.constant 0 : i32
    return %c0_i32, %c0_i32_0 : i32, i32
  }
  func.func @transform_6(%arg0: i32) -> (i32, i32) {
    %c0_i32 = arith.constant 0 : i32
    %c0_i32_0 = arith.constant 0 : i32
    return %arg0, %c0_i32 : i32, i32
  }
}

module attributes {stable_mosaic.version = 14 : i64} {
  func.func @_out_body(%arg0: memref<2x10240x128xf32, #tpu.memory_space<vmem>>, %arg1: memref<2x10240x128xf32, #tpu.memory_space<vmem>>, %arg2: memref<128x128xf32, #tpu.memory_space<vmem>>, %arg3: memref<1x128xf32, #tpu.memory_space<vmem>>, %arg4: memref<128x128xf32, #tpu.memory_space<vmem>>, %arg5: memref<1x128xf32, #tpu.memory_space<vmem>>, %arg6: memref<10000x128xf32, #tpu.memory_space<vmem>>) attributes {dimension_semantics = [], scalar_prefetch = 0 : i64, scratch_operands = 0 : i64, tpu.core_type = #tpu.core_type<tc>} {
    %get3A = arith.constant 0 : index
    %get3A_0 = arith.constant 0 : index
    %get3A_1 = arith.constant 0 : index
    %get3A_2 = vector.load %arg0[%get3A, %get3A_0, %get3A_1] : memref<2x10240x128xf32, #tpu.memory_space<vmem>>, vector<1x10000x128xf32>
    %get3A_3 = vector.shape_cast %get3A_2 : vector<1x10000x128xf32> to vector<10000x128xf32>
    %get3A_4 = arith.constant 1 : index
    %get3A_5 = arith.constant 0 : index
    %get3A_6 = arith.constant 0 : index
    %get3A_7 = vector.load %arg0[%get3A_4, %get3A_5, %get3A_6] : memref<2x10240x128xf32, #tpu.memory_space<vmem>>, vector<1x10000x128xf32>
    %get3A_8 = vector.shape_cast %get3A_7 : vector<1x10000x128xf32> to vector<10000x128xf32>
    %add3A = arith.addf %get3A_3, %get3A_8 : vector<10000x128xf32>
    %get3A_9 = arith.constant 0 : index
    %get3A_10 = arith.constant 0 : index
    %get3A_11 = arith.constant 0 : index
    %get3A_12 = vector.load %arg1[%get3A_9, %get3A_10, %get3A_11] : memref<2x10240x128xf32, #tpu.memory_space<vmem>>, vector<1x10000x128xf32>
    %get3A_13 = vector.shape_cast %get3A_12 : vector<1x10000x128xf32> to vector<10000x128xf32>
    %add3A_14 = arith.addf %add3A, %get3A_13 : vector<10000x128xf32>
    %get3A_15 = arith.constant 1 : index
    %get3A_16 = arith.constant 0 : index
    %get3A_17 = arith.constant 0 : index
    %get3A_18 = vector.load %arg1[%get3A_15, %get3A_16, %get3A_17] : memref<2x10240x128xf32, #tpu.memory_space<vmem>>, vector<1x10000x128xf32>
    %get3A_19 = vector.shape_cast %get3A_18 : vector<1x10000x128xf32> to vector<10000x128xf32>
    %add3A_20 = arith.addf %add3A_14, %get3A_19 : vector<10000x128xf32>
    %get3A_21 = arith.constant 0 : index
    %get3A_22 = arith.constant 0 : index
    %get3A_23 = vector.load %arg2[%get3A_21, %get3A_22] : memref<128x128xf32, #tpu.memory_space<vmem>>, vector<128x128xf32>
    %dot_general3A = arith.constant dense<0.000000e+00> : vector<10000x128xf32>
    %dot_general3A_24 = tpu.matmul %add3A_20, %get3A_23, %dot_general3A {dimension_numbers = #tpu.dot_dimension_numbers<[1], [1], [0], [0], [0, 0, 1, 0], [], []>, transpose_lhs_hint = false} : vector<10000x128xf32>, vector<128x128xf32>, vector<10000x128xf32> -> vector<10000x128xf32>
    %get3A_25 = arith.constant 0 : index
    %get3A_26 = arith.constant 0 : index
    %get3A_27 = vector.load %arg3[%get3A_25, %get3A_26] : memref<1x128xf32, #tpu.memory_space<vmem>>, vector<1x128xf32>
    %add3A_28 = vector.broadcast %get3A_27 : vector<1x128xf32> to vector<10000x128xf32>
    %add3A_29 = arith.addf %dot_general3A_24, %add3A_28 : vector<10000x128xf32>
    %custom_jvp_call3A = arith.constant 0.000000e+00 : f32
    %max3A = vector.broadcast %custom_jvp_call3A : f32 to vector<10000x128xf32>
    %max3A_30 = arith.maximumf %add3A_29, %max3A : vector<10000x128xf32>
    %sub3A = vector.broadcast %custom_jvp_call3A : f32 to vector<10000x128xf32>
    %sub3A_31 = arith.subf %add3A_29, %sub3A : vector<10000x128xf32>
    %ne3A = arith.cmpf one, %sub3A_31, %sub3A_31 : vector<10000x128xf32>
    %add3A_32 = vector.broadcast %custom_jvp_call3A : f32 to vector<10000x128xf32>
    %add3A_33 = arith.addf %add3A_29, %add3A_32 : vector<10000x128xf32>
    %abs3A = math.absf %sub3A_31 : vector<10000x128xf32>
    %neg3A = arith.constant 0.000000e+00 : f32
    %neg3A_34 = vector.broadcast %neg3A : f32 to vector<10000x128xf32>
    %neg3A_35 = arith.subf %neg3A_34, %abs3A : vector<10000x128xf32>
    %exp3A = math.exp %neg3A_35 : vector<10000x128xf32>
    %log1p3A = math.log1p %exp3A : vector<10000x128xf32>
    %add3A_36 = arith.addf %max3A_30, %log1p3A : vector<10000x128xf32>
    %select_n3A = arith.select %ne3A, %add3A_33, %add3A_36 : vector<10000x128xi1>, vector<10000x128xf32>
    %log3A = arith.constant 2.000000e+00 : f32
    %log3A_37 = math.log %log3A : f32
    %sub3A_38 = vector.broadcast %log3A_37 : f32 to vector<10000x128xf32>
    %sub3A_39 = arith.subf %select_n3A, %sub3A_38 : vector<10000x128xf32>
    %get3A_40 = arith.constant 0 : index
    %get3A_41 = arith.constant 0 : index
    %get3A_42 = vector.load %arg4[%get3A_40, %get3A_41] : memref<128x128xf32, #tpu.memory_space<vmem>>, vector<128x128xf32>
    %dot_general3A_43 = arith.constant dense<0.000000e+00> : vector<10000x128xf32>
    %dot_general3A_44 = tpu.matmul %sub3A_39, %get3A_42, %dot_general3A_43 {dimension_numbers = #tpu.dot_dimension_numbers<[1], [1], [0], [0], [0, 0, 1, 0], [], []>, transpose_lhs_hint = false} : vector<10000x128xf32>, vector<128x128xf32>, vector<10000x128xf32> -> vector<10000x128xf32>
    %get3A_45 = arith.constant 0 : index
    %get3A_46 = arith.constant 0 : index
    %get3A_47 = vector.load %arg5[%get3A_45, %get3A_46] : memref<1x128xf32, #tpu.memory_space<vmem>>, vector<1x128xf32>
    %add3A_48 = vector.broadcast %get3A_47 : vector<1x128xf32> to vector<10000x128xf32>
    %add3A_49 = arith.addf %dot_general3A_44, %add3A_48 : vector<10000x128xf32>
    %swap3A = arith.constant 0 : index
    %swap3A_50 = arith.constant 0 : index
    %swap3A_51 = vector.load %arg6[%swap3A, %swap3A_50] : memref<10000x128xf32, #tpu.memory_space<vmem>>, vector<10000x128xf32>
    tpu.vector_store %arg6[%swap3A, %swap3A_50], %add3A_49 {strides = array<i32>} : memref<10000x128xf32, #tpu.memory_space<vmem>>, vector<10000x128xf32>,
    return
  }
}

</mosaic_0001>

<sc_bundles>
// kernel: kernel.11.cloned.1.call-start
scs
__scs_entry_jumppad:
0x0: {  	(pc) =	sbr.rel $0x88, $3  }
0x1: {  	(tag) =	ssettag $0x0;
	lr =	simm.s32 $0x1  }
0x2: {  	[smem:$0x3F94] =	sst lr;
	_ =	strace $0xD0000000  }
0x3: {  	_ = 	snop  }
0x4: {  	_ = 	snop  }
0x5: {  	_ = 	snop  }
0x6: {  	_ = 	snop  }
0x7: {  	_ = 	snop  }
__scs_overlays_trampoline_lowered:
0x8: {  	[smem:$0x3FA3] =	sst s0  }
0x9: {  	[smem:$0x3FA4] =	sst s1  }
0xa: {  	[smem:$0x3FA5] =	sst s2  }
0xb: {  	[smem:$0x3FA6] =	sst s3  }
0xc: {  	[smem:$0x3FA7] =	sst s4  }
0xd: {  	[smem:$0x3FA8] =	sst s5  }
0xe: {  	[smem:$0x3FA9] =	sst s6  }
0xf: {  	[smem:$0x3FAA] =	sst s7  }
0x10: {  	[smem:$0x3FAB] =	sst s8  }
0x11: {  	[smem:$0x3FAC] =	sst s9;
	s0 =	simm.s32 @!p0 $0x0  }
0x12: {  	s1 =	sld [smem:$0x3F92];
	s0 =	simm.s32 @p0 $0x1  }
0x13: {  	[smem:$0x3FAD] =	sst s0;
	s0 =	simm.s32 @!p1 $0x0  }
0x14: {  	s2 =	sld [smem:$0x3F91];
	s0 =	simm.s32 @p1 $0x1  }
0x15: {  	[smem:$0x3FAE] =	sst s0;
	s0 =	simm.s32 @!p2 $0x0  }
0x16: {  	s3 =	sld [smem:$0x3FDB];
	s0 =	simm.s32 @p2 $0x1  }
0x17: {  	s4 =	simm.s32 $0x1BF5;
	[smem:$0x3FB0] =	sst s0  }
0x18: {  	s0 =	sld [smem:$0x3F93];
	_ =	swait.ge [sflag:s4], $0x0  }
0x19: {  	s7 =	sld [smem:$0x3F94]  }
0x1a: {  	s8 =	sadd.s32 $0xFFFFE003, lr  }
0x1b: {  	s9 =	sadd.s32 $0xFFFFFEF7, lr;
	s5 =	simm.s32 $0xFFFFFFFF;
	p2 =	slt.u32 s8, $0xFFFFF086  }
0x1c: {  	p1 =	slt.u32 s9, $0xF7A;
	s5 =	simm.s32 @!p2 $0x0  }
0x1d: {  	s5 =	simm.s32 @p1 $0x1;
	p0 =	seq.s32 s7, s2  }
0x1e: {  	s7 =	smul.u32 @!p0 $0xF7A, s2;
	p2 =	seq.s32 @!p0 s5, $0x0  }
0x1f: {  	s9 =	smul.u32 $0xF7A, s1;
	s8 =	simm.s32 @!p0 $0x1BF5;
	p2 =	por !p2, p0  }
0x20: {  	[sflag:s8] =	ssyncset.s32 @!p0 $0xFFFFF086;
	s6 =	sadd.s32 @!p0 s3, s7;
	s7 =	simm.s32 @!p0 $0x108  }
0x21: {  	s3 =	sadd.s32 s3, s9;
	s6 =	sadd.s32 @!p0 $0x88, s6;
	s7 =	simm.s32 @p2 $0x1082  }
0x22: {  	[simem:s7], [sflag:s8] =	dma.local @!p0 [hbm:s6], $0xF7A  }
0x23: {  	s9 =	sor.u32 $0xD0000000, s2;
	s6 =	simm.s32 $0x108;
	_ =	swait.ge @!p0 [sflag:s8], $0x0  }
0x24: {  	s3 =	sadd.s32 $0x88, s3;
	s6 =	simm.s32 @!p1 $0x1082;
	[sflag:s4] =	ssyncset.s32 $0xFFFFF086  }
0x25: {  	[simem:s6], [sflag:s4] =	dma.local [hbm:s3], $0xF7A  }
0x26: {  	[smem:$0x3F94] =	sst s1;
	(tag) =	ssettag s2;
	_ =	strace s9  }
0x27: {  	s1 =	sld [smem:$0x3FA4]  }
0x28: {  	s2 =	sld [smem:$0x3FA5]  }
0x29: {  	s4 =	sld [smem:$0x3FA7]  }
0x2a: {  	p0 =	seq.s32 s5, $0x0;
	s5 =	sld [smem:$0x3FA8]  }
0x2b: {  	s6 =	sld [smem:$0x3FA9]  }
0x2c: {  	s7 =	sld [smem:$0x3FAA]  }
0x2d: {  	s3 =	simm.s32 $0x108;
	s8 =	sld [smem:$0x3FAB]  }
0x2e: {  	s3 =	simm.s32 @!p0 $0x1082;
	s9 =	sld [smem:$0x3FAC]  }
0x2f: {  	lr =	sadd.s32 s0, s3;
	s0 =	sld [smem:$0x3FA3]  }
0x30: {  	s3 =	sld [smem:$0x3FA6]  }
0x31: {  	[smem:$0x3FAF] =	sst s10  }
0x32: {  	s10 =	sld [smem:$0x3FAD];
	_ =	sdelay $0x3  }
0x33: {  	p0 =	seq.s32 s10, $0x1;
	s10 =	sld [smem:$0x3FAF];
	_ =	sdelay $0x3  }
0x34: {  	[smem:$0x3FAF] =	sst s10  }
0x35: {  	s10 =	sld [smem:$0x3FAE];
	_ =	sdelay $0x3  }
0x36: {  	p1 =	seq.s32 s10, $0x1;
	s10 =	sld [smem:$0x3FAF];
	_ =	sdelay $0x3  }
0x37: {  	[smem:$0x3FAF] =	sst s10  }
0x38: {  	s10 =	sld [smem:$0x3FB0]  }
0x39: {  	_ = 	snop;
	(pc) =	sbr.ind lr, $3  }
0x3a: {  	_ = 	snop  }
0x3b: {  	_ = 	snop  }
0x3c: {  	p2 =	seq.s32 s10, $0x1;
	s10 =	sld [smem:$0x3FAF]  }
0x3d: {  	_ =	shalt  }
0x3e: {  	_ =	shalt  }
0x3f: {  	_ =	shalt  }
0x40: {  	_ =	shalt  }
0x41: {  	_ =	shalt  }
0x42: {  	_ =	shalt  }
0x43: {  	_ =	shalt  }
0x44: {  	_ =	shalt  }
0x45: {  	_ =	shalt  }
0x46: {  	_ =	shalt  }
0x47: {  	_ =	shalt  }
0x48: {  	_ =	shalt  }
0x49: {  	_ =	shalt  }
0x4a: {  	_ =	shalt  }
0x4b: {  	_ =	shalt  }
0x4c: {  	_ =	shalt  }
0x4d: {  	_ =	shalt  }
0x4e: {  	_ =	shalt  }
0x4f: {  	_ =	shalt  }
0x50: {  	_ =	shalt  }
0x51: {  	_ =	shalt  }
0x52: {  	_ =	shalt  }
0x53: {  	_ =	shalt  }
0x54: {  	_ =	shalt  }
0x55: {  	_ =	shalt  }
0x56: {  	_ =	shalt  }
0x57: {  	_ =	shalt  }
0x58: {  	_ =	shalt  }
0x59: {  	_ =	shalt  }
0x5a: {  	_ =	shalt  }
0x5b: {  	_ =	shalt  }
0x5c: {  	_ =	shalt  }
0x5d: {  	_ =	shalt  }
0x5e: {  	_ =	shalt  }
0x5f: {  	_ =	shalt  }
0x60: {  	_ =	shalt  }
0x61: {  	_ =	shalt  }
0x62: {  	_ =	shalt  }
0x63: {  	_ =	shalt  }
0x64: {  	_ =	shalt  }
0x65: {  	_ =	shalt  }
0x66: {  	_ =	shalt  }
0x67: {  	_ =	shalt  }
0x68: {  	_ =	shalt  }
0x69: {  	_ =	shalt  }
0x6a: {  	_ =	shalt  }
0x6b: {  	_ =	shalt  }
0x6c: {  	_ =	shalt  }
0x6d: {  	_ =	shalt  }
0x6e: {  	_ =	shalt  }
0x6f: {  	_ =	shalt  }
0x70: {  	_ =	shalt  }
0x71: {  	_ =	shalt  }
0x72: {  	_ =	shalt  }
0x73: {  	_ =	shalt  }
0x74: {  	_ =	shalt  }
0x75: {  	_ =	shalt  }
0x76: {  	_ =	shalt  }
0x77: {  	_ =	shalt  }
0x78: {  	_ =	shalt  }
0x79: {  	_ =	shalt  }
0x7a: {  	_ =	shalt  }
0x7b: {  	_ =	shalt  }
0x7c: {  	_ =	shalt  }
0x7d: {  	_ =	shalt  }
0x7e: {  	_ =	shalt  }
0x7f: {  	_ =	shalt  }
0x80: {  	_ =	shalt  }
0x81: {  	_ =	shalt  }
0x82: {  	_ =	shalt  }
0x83: {  	_ =	shalt  }
0x84: {  	_ =	shalt  }
0x85: {  	_ =	shalt  }
0x86: {  	_ =	shalt  }
0x87: {  	_ =	shalt  }
.Lfunc_end0:
.L_simem_size_0:
called_computation.1_lowered:
.L_overlay_start_0:
0x88: {  	s2 =	sld [smem:$0x3FD9]  }
0x89: {  	s3 =	sld [smem:$0x3FFE];
	_ =	sdelay $0x1  }
0x8a: {  	s1 =	srdreg.scid  }
0x8b: {  	s0 =	sand.u32 $0x1, s1  }
0x8c: {  	s17 =	sshll.u32 s0, $0xA;
	s2 =	sadd.s32 s3, s2  }
0x8d: {  	s2 =	sadd.s32 s2, s17  }
0x8e: {  	[smem:$0x3FBB] =	sst s2  }
0x8f: {  	_ = 	snop  }
0x90: {  	s2 =	sld [smem:$0x3FD0];
	(tm) =	ssettm $0x1  }
0x91: {  	s18 =	sld [smem:$0x3FFB];
	_ =	sdelay $0x3  }
0x92: {  	_ =	strace s18  }
0x93: {  	s3 =	sld [smem:$0x3FFC];
	_ =	sdelay $0x3  }
0x94: {  	_ =	strace s3  }
0x95: {  	s3 =	sld [smem:$0x3FFD];
	_ =	sdelay $0x3  }
0x96: {  	_ =	strace s3  }
0x97: {  	_ =	strace $0x8FFFFFFF  }
0x98: {  	s19 =	sld [smem:$0x3FDB];
	_ =	sdelay $0x1  }
0x99: {  	s4 =	simm.s32 $_scs_section_size  }
0x9a: {  	s5 =	simm.s32 $_size__tile_overlayer_lowered;
	s6 =	simm.s32 $_tile_overlayer_lowered  }
0x9b: {  	s22 =	simm.s32 $0x1BFF;
	s21 =	sshll.u32 s6, $0x1;
	s3 =	sadd.s32 s4, s19  }
0x9c: {  	s7 =	simm.s32 $0x0;
	s20 =	sshll.u32 s5, $0x1;
	s5 =	sadd.s32 s21, s3  }
0x9d: {  	[timem:s7], [sflag:s22] =	dma.local [hbm:s5], s20  }
0x9e: {  	_ =	swait.ge [sflag:s22], s20  }
0x9f: {  	s4 =	ssub.s32 $0x0, s20;
	[sflag:s22] =	ssyncset.done $0x0  }
0xa0: {  	[sflag:s22] =	ssyncadd.s32 s4;
	_ =	sdelay $0x1  }
0xa1: {  	s23 =	simm.s32 $0x1B8B  }
0xa2: {  	_ =	swait.ge [sflag:s23], $0x1  }
0xa3: {  	[sflag:s23] =	ssyncset.done $0x0  }
0xa4: {  	s25 =	simm.s32 $0x1B8E;
	s24 =	sld [smem:$0x3FFE];
	[sflag:s23] =	ssyncadd.s32 $0xFFFFFFFF  }
0xa5: {  	s26 =	simm.s32 $execute0_lowered;
	[smem:$0x3FD2] =	sst s25  }
0xa6: {  	s5 =	sshll.u32 s26, $0x1;
	_ =	strace $0x80000046;
	[dreg:$0x1] =	wrdreg $0xFFFFFFFF  }
0xa7: {  	s28 =	simm.s32 $_size_execute0_lowered;
	s3 =	sadd.s32 s3, s5;
	[dreg:$0x0] =	wrdreg $0x0  }
0xa8: {  	s5 =	sshll.u32 s28, $0x1;
	[dreg:$0x2] =	wrdreg s3  }
0xa9: {  	[dreg:$0x3] =	wrdreg s5  }
0xaa: {  	[dreg:$0x4] =	wrdreg $0xC0  }
0xab: {  	_ =	task [dreg:s7], $0x5FFFF  }
0xac: {  	[dreg:$0x1] =	wrdreg $0xFFFFFFFF  }
0xad: {  	[dreg:$0x0] =	wrdreg $0x60  }
0xae: {  	[dreg:$0x2] =	wrdreg s2  }
0xaf: {  	[dreg:$0x3] =	wrdreg s24  }
0xb0: {  	[dreg:$0x4] =	wrdreg $0xAD000  }
0xb1: {  	[dreg:$0x5] =	wrdreg $0xA  }
0xb2: {  	_ =	task.clear_ibuf [dreg:s7], $0x6FFFF;
	_ =	strace $0x90000046  }
0xb3: {  	s29 =	simm.s32 $0xA;
	_ =	strace $0x80000048  }
0xb4: {  	_ =	swait.ge [sflag:s29], $0x1  }
0xb5: {  	[sflag:s29] =	ssyncadd.s32 $0xFFFFFFFF  }
0xb6: {  	_ =	strace $0x90000048  }
0xb7: {  	_ =	sfence  }
0xb8: {  	s30 =	sld [smem:$0x0];
	_ =	sdelay $0x2  }
0xb9: {  	s31 =	sshll.u32 s1, $0xD;
	s1 =	sshrl.u32 s1, $0x2  }
0xba: {  	s3 =	sand.u32 $0x4000, s31;
	s1 =	sadd.s32 s1, s30  }
0xbb: {  	s0 =	sor.u32 s3, s0;
	s1 =	sshll.u32 s1, $0x11  }
0xbc: {  	s0 =	sor.u32 s1, s0  }
0xbd: {  	s0 =	sadd.s32 $0x8F2B, s0  }
0xbe: {  	[sflag:s0] =	ssyncadd.remote.s32 $0x1  }
0xbf: {  	_ =	sfence.sel $0xFFFF  }
0xc0: {  	[dreg:$0x0] =	wrdreg $0xFFFFFFFF;
	(pc) =	sbr.abs _section_cstart, $3  }
0xc1: {  	[dreg:$0x1] =	wrdreg $0xFFFFFFFF  }
0xc2: {  	_ =	task.clear_ibuf [dreg:s7], $0x2FFFF;
	_ =	strace $0x9FFFFFFF  }
0xc3: {  	(tm) =	ssettm $0x7FFFFFFF  }
tec
execute0_lowered:
.L_overlay_start_1:
0x0: {  	(tag) =	ssettag $0x1  }
0x1: {  	s1 =	rddreg [dreg:$0x0]  }
0x2: {  	s0 =	rddreg [dreg:$0x1]  }
0x3: {  	s2 =	rddreg [dreg:$0x2];
	s3 =	simm.s32 $0x0;
	s4 =	srdreg.scid  }
0x4: {  	s14 =	stileid.u32;
	s29 =	simm.s32 $0x6;
	s30 =	simm.s32 $0x8  }
0x5: {  	s31 =	simm.s32 $0x9;
	[smem:$0x7FF] =	sst s3;
	s5 =	sadd.s32 $0x9D9A00, s0  }
0x6: {  	s6 =	sadd.s32 $0x9CFC00, s0;
	s4 =	sand.u32 $0x1, s4;
	s8 =	smul.u32 $0x2800, s14  }
0x7: {  	s7 =	sadd.s32 $0x9C5E00, s0;
	s10 =	sshll.u32 s14, $0x1;
	s22 =	smul.u32 $0x50000, s14  }
0x8: {  	s11 =	sadd.s32 $0xC4AA00, s0;
	s9 =	smul.u32 $0x28000, s4;
	s10 =	sor.u32 s4, s10  }
0x9: {  	_ =	strace $0x80000047;
	s4 =	ssub.s32 $0x2, s4;
	s23 =	smul.u32 $0x1388, s10  }
0xa: {  	[dreg:$0x4] =	wrdreg s11;
	s24 =	sshrl.u32 s4, $0x1;
	s13 =	smul.u32 $0x13880, s10  }
0xb: {  	s11 =	sshrl.u32 s22, $0x2;
	s10 =	smul.u32 $0x9C400, s10;
	s8 =	sadd.s32 s8, s9  }
0xc: {  	s4 =	ssub.s32 s4, s24;
	s25 =	sadd.s32 s11, s2;
	s0 =	sadd.s32 s8, s0  }
0xd: {  	[dreg:$0x5] =	wrdreg s25;
	s26 =	sshrl.u32 s23, $0x3;
	s12 =	sadd.s32 $0x27138, s23  }
0xe: {  	s17 =	sadd.s32 s5, s13;
	s18 =	sadd.s32 $0x38, s23;
	s19 =	sadd.s32 $0x70, s23  }
0xf: {  	s20 =	sadd.s32 $0x271E0, s23;
	s9 =	sadd.s32 $0x28478, s23;
	[dreg:$0xa] =	wrdreg s17  }
0x10: {  	s22 =	sshrl.u32 s10, $0x3;
	s25 =	sshll.u32 s14, $0x6;
	[dreg:$0xb] =	wrdreg s18  }
0x11: {  	s10 =	simm.s32 $0x38;
	s13 =	simm.s32 $0x3;
	[dreg:$0xc] =	wrdreg s19  }
0x12: {  	s14 =	simm.s32 $0x2100;
	s28 =	sadd.s32 $0x4E20, s26;
	[dreg:$0xd] =	wrdreg s20  }
0x13: {  	s16 =	sshrl.u32 s12, $0x3;
	s0 =	sadd.s32 $0xC4D200, s0;
	[dreg:$0x14] =	wrdreg s25  }
0x14: {  	s8 =	sadd.s32 $0x5088, s26;
	s26 =	smax.u32 s4, $0x1;
	[dreg:$0x15] =	wrdreg s0  }
0x15: {  	s18 =	sadd.s32 $0xA8, s23;
	s15 =	sadd.s32 s6, s28;
	[dreg:$0x16] =	wrdreg s26  }
0x16: {  	s9 =	sshrl.u32 s9, $0x3;
	s11 =	sadd.s32 s7, s28;
	[dreg:$0x6] =	wrdreg s15  }
0x17: {  	s4 =	simm.s32 $0x80;
	s12 =	sadd.s32 s6, s16;
	[dreg:$0x7] =	wrdreg s11  }
0x18: {  	s17 =	simm.s32 $0x0;
	s21 =	sadd.s32 s6, s8;
	[dreg:$0x8] =	wrdreg s12  }
0x19: {  	s8 =	sadd.s32 s7, s8;
	s28 =	sor.u32 $0x1C01, s25;
	[dreg:$0xe] =	wrdreg s21  }
0x1a: {  	s0 =	simm.s32 $0x200;
	s25 =	simm.s32 $0x3D00;
	[dreg:$0xf] =	wrdreg s8  }
0x1b: {  	s26 =	simm.s32 $0x7;
	s11 =	sadd.s32 s7, s16;
	[dreg:$0x17] =	wrdreg s28  }
0x1c: {  	s16 =	sadd.s32 $0x27170, s23;
	s23 =	sadd.s32 s6, s9;
	[dreg:$0x9] =	wrdreg s11  }
0x1d: {  	s8 =	sadd.s32 s5, s22;
	s9 =	sadd.s32 s7, s9;
	[dreg:$0x10] =	wrdreg s23  }
0x1e: {  	s21 =	simm.s32 $0x5;
	s22 =	simm.s32 $0x100;
	[dreg:$0x11] =	wrdreg s9  }
0x1f: {  	s24 =	sadd.s32 $0x13400, s8;
	s8 =	sadd.s32 $0x13780, s8;
	s9 =	simm.s32 $0x2  }
0x20: {  	s11 =	simm.s32 $0x500;
	s23 =	simm.s32 $0x300;
	[dreg:$0x12] =	wrdreg s24  }
0x21: {  	[dreg:$0x13] =	wrdreg s8;
	s8 =	simm.s32 $0x280;
	s24 =	simm.s32 $0x4  }
.LBB2_1:
0x22: {  	[dreg:$0x18] =	wrdreg s17  }
0x23: {  	s12 =	rddreg [dreg:$0x5]  }
0x24: {  	s19 =	rddreg [dreg:$0x4]  }
0x25: {  	s15 =	rddreg [dreg:$0x17];
	s12 =	sshrl.u32 s12, $0x3  }
0x26: {  	s20 =	simm.s32 $0x1;
	[dreg:$0x19] =	wrdreg s12  }
0x27: {  	[spmem:s12], [sflag:s15] =	dma.local [hbm:s19], $0x2800  }
0x28: {  	_ =	swait.ge [sflag:s20], $0x2800  }
0x29: {  	[sflag:s20] =	ssyncset.done $0x0  }
0x2a: {  	[sflag:s20] =	ssyncadd.s32 $0xFFFFD800  }
0x2b: {  	[bflag:$0x0] =	sbarrier.arrive $0xFFFF  }
0x2c: {  	s28 =	rddreg [dreg:$0x6]  }
0x2d: {  	[tilespmem:s3], [sflag:$0x2] =	stream.linear.gather [hbm4b:s28+s3], $0x38, $0x38;
	[tilespmem:$0x1ED00] =	vst v63  }
0x2e: {  	s15 =	rddreg [dreg:$0x7]  }
0x2f: {  	[tilespmem:s0], [sflag:$0x2] =	stream.linear.gather [hbm4b:s15+s3], $0x38, $0x38;
	[tilespmem:$0x1ED00] =	vst v63  }
0x30: {  	s17 =	rddreg [dreg:$0x8]  }
0x31: {  	[tilespmem:s4], [sflag:$0x3] =	stream.linear.gather [hbm4b:s17+s3], $0x38, $0x38;
	[tilespmem:$0x1ED00] =	vst v63  }
0x32: {  	s19 =	rddreg [dreg:$0x9]  }
0x33: {  	[tilespmem:s8], [sflag:$0x3] =	stream.linear.gather [hbm4b:s19+s3], $0x38, $0x38;
	[tilespmem:$0x1ED00] =	vst v63  }
0x34: {  	_ =	swait.ge [sflag:s9], $0x38  }
0x35: {  	[sflag:s9] =	ssyncset.done $0x0  }
0x36: {  	[sflag:s9] =	ssyncadd.s32 $0xFFFFFFC8  }
0x37: {  	_ =	swait.ge [sflag:s9], $0x38  }
0x38: {  	[sflag:s9] =	ssyncset.done $0x0  }
0x39: {  	[sflag:s9] =	ssyncadd.s32 $0xFFFFFFC8  }
0x3a: {  	[tilespmem:s11], [sflag:$0x5] =	stream.indirect.gather [hbm4b:s1+s10], $0x80, s0, s10, $0xb8;
	[tilespmem:$0x1ED00] =	vst v63  }
0x3b: {  	s12 =	simm.s32 $0x0;
	s28 =	simm.s32 $0x5900;
	s20 =	rddreg [dreg:$0xa]  }
0x3c: {  	[tilespmem:s28], [sflag:$0x5] =	stream.linear.gather [hbm4b:s20+s3], $0x1C00, $0x38;
	[tilespmem:$0x1ED00] =	vst v63  }
.LBB2_2:
0x3d: {  	_ =	swait.ge [sflag:s13], $0x38  }
0x3e: {  	[sflag:s13] =	ssyncset.done $0x0  }
0x3f: {  	[sflag:s13] =	ssyncadd.s32 $0xFFFFFFC8  }
0x40: {  	s20 =	smul.u32 $0xA8, s12;
	_ =	swait.ge [sflag:s13], $0x38  }
0x41: {  	[sflag:s13] =	ssyncset.done $0x0;
	s15 =	rddreg [dreg:$0xb]  }
0x42: {  	[sflag:s13] =	ssyncadd.s32 $0xFFFFFFC8;
	s19 =	sadd.s32 s20, s15  }
0x43: {  	[tilespmem:s14], [sflag:$0x6] =	stream.indirect.gather [hbm4b:s1+s10], $0x80, s8, s10, $0xb8;
	[tilespmem:$0x1ED00] =	vst v63  }
0x44: {  	s19 =	sshll.u32 s19, $0x4  }
0x45: {  	s28 =	simm.s32 $0x0;
	s17 =	simm.s32 $0x7500;
	s19 =	sadd.s32 s5, s19  }
0x46: {  	[tilespmem:s17], [sflag:$0x6] =	stream.linear.gather [hbm4b:s19+s28], $0x1C00, $0x38;
	[tilespmem:$0x1ED00] =	vst v63  }
0x47: {  	_ =	swait.ge [sflag:s21], $0x1C00  }
0x48: {  	[sflag:s21] =	ssyncset.done $0x0  }
0x49: {  	[sflag:s21] =	ssyncadd.s32 $0xFFFFE400  }
0x4a: {  	_ =	swait.ge [sflag:s21], $0x1C00  }
0x4b: {  	[sflag:s21] =	ssyncset.done $0x0  }
0x4c: {  	s28 =	simm.s32 $0x0;
	[sflag:s21] =	ssyncadd.s32 $0xFFFFE400  }
0x4d: {  	v7 =	vld [tilespmem:s28+$0x5900]  }
0x4e: {  	v11 =	vld [tilespmem:s28+$0x5910]  }
0x4f: {  	v5 =	vld [tilespmem:s28+$0x5920]  }
0x50: {  	v4 =	vld [tilespmem:s28+$0x5930]  }
0x51: {  	v3 =	vld [tilespmem:s28+$0x5940]  }
0x52: {  	v2 =	vld [tilespmem:s28+$0x5950]  }
0x53: {  	v1 =	vld [tilespmem:s28+$0x5960]  }
0x54: {  	v0 =	vld [tilespmem:s28+$0x5970]  }
0x55: {  	v12 =	vld [tilespmem:s28+$0x500]  }
0x56: {  	v13 =	vld [tilespmem:s28+$0x510]  }
0x57: {  	v10 =	vld [tilespmem:s28+$0x520]  }
0x58: {  	v9 =	vld [tilespmem:s28+$0x530]  }
0x59: {  	v8 =	vld [tilespmem:s28+$0x540]  }
0x5a: {  	v6 =	vld [tilespmem:s28+$0x550];
	v12 =	vmul.f32 v7, v12  }
0x5b: {  	s19 =	simm.s32 $0x200;
	v11 =	vmul.f32 v11, v13;
	v7 =	vld [tilespmem:s28+$0x560]  }
.LBB2_3:
0x5c: {  	s15 =	sshra.s32 s19, $0x2;
	p0 =	sne.s32 s19, $0x6E00;
	[tilespmem:s28+$0x500] =	vst v12;
	v5 =	vmul.f32 v5, v10;
	v10 =	vld [tilespmem:s28+$0x570]  }
0x5d: {  	v12 =	vld [tilespmem:s15+$0x5900];
	[tilespmem:s28+$0x510] =	vst v11;
	v4 =	vmul.f32 v4, v9  }
0x5e: {  	v11 =	vld [tilespmem:s15+$0x5910];
	[tilespmem:s28+$0x520] =	vst v5;
	v3 =	vmul.f32 v3, v8  }
0x5f: {  	v5 =	vld [tilespmem:s15+$0x5920];
	[tilespmem:s28+$0x530] =	vst v4;
	v2 =	vmul.f32 v2, v6  }
0x60: {  	v4 =	vld [tilespmem:s15+$0x5930];
	[tilespmem:s28+$0x540] =	vst v3;
	v1 =	vmul.f32 v1, v7  }
0x61: {  	v3 =	vld [tilespmem:s15+$0x5940];
	[tilespmem:s28+$0x550] =	vst v2;
	v0 =	vmul.f32 v0, v10  }
0x62: {  	v2 =	vld [tilespmem:s15+$0x5950];
	[tilespmem:s28+$0x560] =	vst v1  }
0x63: {  	v1 =	vld [tilespmem:s15+$0x5960];
	[tilespmem:s28+$0x570] =	vst v0;
	s28 =	smov.u32 s15  }
0x64: {  	v0 =	vld [tilespmem:s28+$0x5970]  }
0x65: {  	v6 =	vld [tilespmem:s28+$0x500]  }
0x66: {  	v7 =	vld [tilespmem:s28+$0x510]  }
.Ltmp0:
0x67: {  	v10 =	vld [tilespmem:s28+$0x520];
	(pc) =	sbr.rel @p0 .LBB2_3-.Ltmp0, $4  }
0x68: {  	v9 =	vld [tilespmem:s28+$0x530]  }
0x69: {  	v8 =	vld [tilespmem:s28+$0x540]  }
0x6a: {  	v12 =	vmul.f32 v12, v6;
	v6 =	vld [tilespmem:s28+$0x550]  }
0x6b: {  	s19 =	sadd.s32 $0x200, s19;
	v11 =	vmul.f32 v11, v7;
	v7 =	vld [tilespmem:s28+$0x560]  }
0x6c: {  	[tilespmem:s28+$0x500] =	vst v12;
	v5 =	vmul.f32 v5, v10;
	v10 =	vld [tilespmem:s28+$0x570]  }
0x6d: {  	[tilespmem:s28+$0x510] =	vst v11;
	v4 =	vmul.f32 v4, v9  }
0x6e: {  	[tilespmem:s28+$0x520] =	vst v5;
	v3 =	vmul.f32 v3, v8  }
0x6f: {  	[tilespmem:s28+$0x530] =	vst v4;
	v2 =	vmul.f32 v2, v6  }
0x70: {  	[tilespmem:s28+$0x540] =	vst v3;
	v1 =	vmul.f32 v1, v7  }
0x71: {  	[tilespmem:s28+$0x550] =	vst v2;
	v0 =	vmul.f32 v0, v10  }
0x72: {  	p0 =	seq.s32 s12, $0x0;
	[tilespmem:s28+$0x560] =	vst v1  }
0x73: {  	s15 =	simm.s32 @!p0 $0xA;
	s19 =	sadd.s32 @!p0 s20, s16;
	[tilespmem:s28+$0x570] =	vst v0  }
0x74: {  	s19 =	smov.u32 @p0 s16;
	_ =	swait.ge @!p0 [sflag:s15], $0x1C00  }
0x75: {  	s19 =	sshrl.u32 s19, $0x3;
	[sflag:s15] =	ssyncset.done @!p0 $0x0  }
0x76: {  	s17 =	sadd.s32 s6, s19;
	s28 =	simm.s32 $0x0;
	[sflag:s15] =	ssyncadd.s32 @!p0 $0xFFFFE400  }
0x77: {  	[tilespmem:s22], [sflag:$0x4] =	stream.linear.gather [hbm4b:s17+s28], $0x38, $0x38;
	[tilespmem:$0x1ED00] =	vst v63  }
0x78: {  	s17 =	sadd.s32 s7, s19  }
0x79: {  	[tilespmem:s23], [sflag:$0x4] =	stream.linear.gather [hbm4b:s17+s28], $0x38, $0x38;
	[tilespmem:$0x1ED00] =	vst v63  }
0x7a: {  	_ = 	snop  }
0x7b: {  	[spmem:s2] =	stream.indirect.scatter.add.f32 [tilespmem:s11], [sflag:$0x8], $0x80, s28, s10, $0xb8;
	[tilespmem:$0x1ED00] =	vst v63  }
0x7c: {  	_ =	swait.ge [sflag:s24], $0x38  }
0x7d: {  	[sflag:s24] =	ssyncset.done $0x0  }
0x7e: {  	[sflag:s24] =	ssyncadd.s32 $0xFFFFFFC8  }
0x7f: {  	_ =	swait.ge [sflag:s24], $0x38  }
0x80: {  	[sflag:s24] =	ssyncset.done $0x0;
	s19 =	rddreg [dreg:$0xc]  }
0x81: {  	[sflag:s24] =	ssyncadd.s32 $0xFFFFFFC8;
	s15 =	sadd.s32 s20, s19  }
0x82: {  	[tilespmem:s25], [sflag:$0x7] =	stream.indirect.gather [hbm4b:s1+s10], $0x80, s23, s10, $0xb8;
	[tilespmem:$0x1ED00] =	vst v63  }
0x83: {  	s15 =	sshll.u32 s15, $0x4  }
0x84: {  	s17 =	simm.s32 $0x9100;
	s15 =	sadd.s32 s5, s15  }
0x85: {  	[tilespmem:s17], [sflag:$0x7] =	stream.linear.gather [hbm4b:s15+s28], $0x1C00, $0x38;
	[tilespmem:$0x1ED00] =	vst v63  }
0x86: {  	_ =	swait.ge [sflag:s29], $0x1C00  }
0x87: {  	[sflag:s29] =	ssyncset.done $0x0  }
0x88: {  	[sflag:s29] =	ssyncadd.s32 $0xFFFFE400  }
0x89: {  	_ =	swait.ge [sflag:s29], $0x1C00  }
0x8a: {  	[sflag:s29] =	ssyncset.done $0x0  }
0x8b: {  	s28 =	simm.s32 $0x0;
	[sflag:s29] =	ssyncadd.s32 $0xFFFFE400  }
0x8c: {  	v7 =	vld [tilespmem:s28+$0x7500]  }
0x8d: {  	v11 =	vld [tilespmem:s28+$0x7510]  }
0x8e: {  	v5 =	vld [tilespmem:s28+$0x7520]  }
0x8f: {  	v4 =	vld [tilespmem:s28+$0x7530]  }
0x90: {  	v3 =	vld [tilespmem:s28+$0x7540]  }
0x91: {  	v2 =	vld [tilespmem:s28+$0x7550]  }
0x92: {  	v1 =	vld [tilespmem:s28+$0x7560]  }
0x93: {  	v0 =	vld [tilespmem:s28+$0x7570]  }
0x94: {  	v12 =	vld [tilespmem:s28+$0x2100]  }
0x95: {  	v13 =	vld [tilespmem:s28+$0x2110]  }
0x96: {  	v10 =	vld [tilespmem:s28+$0x2120]  }
0x97: {  	v9 =	vld [tilespmem:s28+$0x2130]  }
0x98: {  	v8 =	vld [tilespmem:s28+$0x2140]  }
0x99: {  	v6 =	vld [tilespmem:s28+$0x2150];
	v12 =	vmul.f32 v7, v12  }
0x9a: {  	s19 =	simm.s32 $0x200;
	v11 =	vmul.f32 v11, v13;
	v7 =	vld [tilespmem:s28+$0x2160]  }
.LBB2_5:
0x9b: {  	s15 =	sshra.s32 s19, $0x2;
	p0 =	sne.s32 s19, $0x6E00;
	[tilespmem:s28+$0x2100] =	vst v12;
	v5 =	vmul.f32 v5, v10;
	v10 =	vld [tilespmem:s28+$0x2170]  }
0x9c: {  	v12 =	vld [tilespmem:s15+$0x7500];
	[tilespmem:s28+$0x2110] =	vst v11;
	v4 =	vmul.f32 v4, v9  }
0x9d: {  	v11 =	vld [tilespmem:s15+$0x7510];
	[tilespmem:s28+$0x2120] =	vst v5;
	v3 =	vmul.f32 v3, v8  }
0x9e: {  	v5 =	vld [tilespmem:s15+$0x7520];
	[tilespmem:s28+$0x2130] =	vst v4;
	v2 =	vmul.f32 v2, v6  }
0x9f: {  	v4 =	vld [tilespmem:s15+$0x7530];
	[tilespmem:s28+$0x2140] =	vst v3;
	v1 =	vmul.f32 v1, v7  }
0xa0: {  	v3 =	vld [tilespmem:s15+$0x7540];
	[tilespmem:s28+$0x2150] =	vst v2;
	v0 =	vmul.f32 v0, v10  }
0xa1: {  	v2 =	vld [tilespmem:s15+$0x7550];
	[tilespmem:s28+$0x2160] =	vst v1  }
0xa2: {  	v1 =	vld [tilespmem:s15+$0x7560];
	[tilespmem:s28+$0x2170] =	vst v0;
	s28 =	smov.u32 s15  }
0xa3: {  	v0 =	vld [tilespmem:s28+$0x7570]  }
0xa4: {  	v6 =	vld [tilespmem:s28+$0x2100]  }
0xa5: {  	v7 =	vld [tilespmem:s28+$0x2110]  }
.Ltmp1:
0xa6: {  	v10 =	vld [tilespmem:s28+$0x2120];
	(pc) =	sbr.rel @p0 .LBB2_5-.Ltmp1, $4  }
0xa7: {  	v9 =	vld [tilespmem:s28+$0x2130]  }
0xa8: {  	v8 =	vld [tilespmem:s28+$0x2140]  }
0xa9: {  	v12 =	vmul.f32 v12, v6;
	v6 =	vld [tilespmem:s28+$0x2150]  }
0xaa: {  	s19 =	sadd.s32 $0x200, s19;
	v11 =	vmul.f32 v11, v7;
	v7 =	vld [tilespmem:s28+$0x2160]  }
0xab: {  	[tilespmem:s28+$0x2100] =	vst v12;
	v5 =	vmul.f32 v5, v10;
	v10 =	vld [tilespmem:s28+$0x2170]  }
0xac: {  	[tilespmem:s28+$0x2110] =	vst v11;
	v4 =	vmul.f32 v4, v9  }
0xad: {  	[tilespmem:s28+$0x2120] =	vst v5;
	v3 =	vmul.f32 v3, v8  }
0xae: {  	[tilespmem:s28+$0x2130] =	vst v4;
	v2 =	vmul.f32 v2, v6  }
0xaf: {  	[tilespmem:s28+$0x2140] =	vst v3;
	v1 =	vmul.f32 v1, v7  }
0xb0: {  	[tilespmem:s28+$0x2150] =	vst v2;
	v0 =	vmul.f32 v0, v10  }
0xb1: {  	[tilespmem:s28+$0x2160] =	vst v1  }
0xb2: {  	s15 =	sadd.s32 s20, s18;
	[tilespmem:s28+$0x2170] =	vst v0  }
0xb3: {  	s19 =	sshrl.u32 s15, $0x3;
	_ =	swait.ge [sflag:s30], $0x1C00  }
0xb4: {  	s19 =	sadd.s32 $0x4E20, s19;
	[sflag:s30] =	ssyncset.done $0x0  }
0xb5: {  	s17 =	simm.s32 $0x0;
	s28 =	sadd.s32 s6, s19;
	[sflag:s30] =	ssyncadd.s32 $0xFFFFE400  }
0xb6: {  	[tilespmem:s17], [sflag:$0x2] =	stream.linear.gather [hbm4b:s28+s17], $0x38, $0x38;
	[tilespmem:$0x1ED00] =	vst v63  }
0xb7: {  	s19 =	sadd.s32 s7, s19  }
0xb8: {  	[tilespmem:s0], [sflag:$0x2] =	stream.linear.gather [hbm4b:s19+s17], $0x38, $0x38;
	[tilespmem:$0x1ED00] =	vst v63  }
0xb9: {  	_ = 	snop  }
0xba: {  	[spmem:s2] =	stream.indirect.scatter.add.f32 [tilespmem:s14], [sflag:$0x9], $0x80, s4, s10, $0xb8;
	[tilespmem:$0x1ED00] =	vst v63  }
0xbb: {  	_ =	swait.ge [sflag:s9], $0x38  }
0xbc: {  	[sflag:s9] =	ssyncset.done $0x0  }
0xbd: {  	[sflag:s9] =	ssyncadd.s32 $0xFFFFFFC8  }
0xbe: {  	_ =	swait.ge [sflag:s9], $0x38  }
0xbf: {  	[sflag:s9] =	ssyncset.done $0x0  }
0xc0: {  	s15 =	sshll.u32 s15, $0x4;
	[sflag:s9] =	ssyncadd.s32 $0xFFFFFFC8  }
0xc1: {  	[tilespmem:s11], [sflag:$0x5] =	stream.indirect.gather [hbm4b:s1+s10], $0x80, s0, s10, $0xb8;
	[tilespmem:$0x1ED00] =	vst v63  }
0xc2: {  	s15 =	sadd.s32 s5, s15;
	s19 =	simm.s32 $0x5900  }
0xc3: {  	[tilespmem:s19], [sflag:$0x5] =	stream.linear.gather [hbm4b:s15+s17], $0x1C00, $0x38;
	[tilespmem:$0x1ED00] =	vst v63  }
0xc4: {  	_ =	swait.ge [sflag:s26], $0x1C00  }
0xc5: {  	[sflag:s26] =	ssyncset.done $0x0  }
0xc6: {  	[sflag:s26] =	ssyncadd.s32 $0xFFFFE400  }
0xc7: {  	_ =	swait.ge [sflag:s26], $0x1C00  }
0xc8: {  	[sflag:s26] =	ssyncset.done $0x0  }
0xc9: {  	s28 =	simm.s32 $0x0;
	[sflag:s26] =	ssyncadd.s32 $0xFFFFE400  }
0xca: {  	v7 =	vld [tilespmem:s28+$0x9100]  }
0xcb: {  	v11 =	vld [tilespmem:s28+$0x9110]  }
0xcc: {  	v5 =	vld [tilespmem:s28+$0x9120]  }
0xcd: {  	v4 =	vld [tilespmem:s28+$0x9130]  }
0xce: {  	v3 =	vld [tilespmem:s28+$0x9140]  }
0xcf: {  	v2 =	vld [tilespmem:s28+$0x9150]  }
0xd0: {  	v1 =	vld [tilespmem:s28+$0x9160]  }
0xd1: {  	v0 =	vld [tilespmem:s28+$0x9170]  }
0xd2: {  	v12 =	vld [tilespmem:s28+$0x3D00]  }
0xd3: {  	v13 =	vld [tilespmem:s28+$0x3D10]  }
0xd4: {  	v10 =	vld [tilespmem:s28+$0x3D20]  }
0xd5: {  	v9 =	vld [tilespmem:s28+$0x3D30]  }
0xd6: {  	v8 =	vld [tilespmem:s28+$0x3D40]  }
0xd7: {  	v6 =	vld [tilespmem:s28+$0x3D50];
	v12 =	vmul.f32 v7, v12  }
0xd8: {  	s19 =	simm.s32 $0x200;
	v11 =	vmul.f32 v11, v13;
	v7 =	vld [tilespmem:s28+$0x3D60]  }
.LBB2_7:
0xd9: {  	s15 =	sshra.s32 s19, $0x2;
	p0 =	sne.s32 s19, $0x6E00;
	[tilespmem:s28+$0x3D00] =	vst v12;
	v5 =	vmul.f32 v5, v10;
	v10 =	vld [tilespmem:s28+$0x3D70]  }
0xda: {  	v12 =	vld [tilespmem:s15+$0x9100];
	[tilespmem:s28+$0x3D10] =	vst v11;
	v4 =	vmul.f32 v4, v9  }
0xdb: {  	v11 =	vld [tilespmem:s15+$0x9110];
	[tilespmem:s28+$0x3D20] =	vst v5;
	v3 =	vmul.f32 v3, v8  }
0xdc: {  	v5 =	vld [tilespmem:s15+$0x9120];
	[tilespmem:s28+$0x3D30] =	vst v4;
	v2 =	vmul.f32 v2, v6  }
0xdd: {  	v4 =	vld [tilespmem:s15+$0x9130];
	[tilespmem:s28+$0x3D40] =	vst v3;
	v1 =	vmul.f32 v1, v7  }
0xde: {  	v3 =	vld [tilespmem:s15+$0x9140];
	[tilespmem:s28+$0x3D50] =	vst v2;
	v0 =	vmul.f32 v0, v10  }
0xdf: {  	v2 =	vld [tilespmem:s15+$0x9150];
	[tilespmem:s28+$0x3D60] =	vst v1  }
0xe0: {  	v1 =	vld [tilespmem:s15+$0x9160];
	[tilespmem:s28+$0x3D70] =	vst v0;
	s28 =	smov.u32 s15  }
0xe1: {  	v0 =	vld [tilespmem:s28+$0x9170]  }
0xe2: {  	v6 =	vld [tilespmem:s28+$0x3D00]  }
0xe3: {  	v7 =	vld [tilespmem:s28+$0x3D10]  }
.Ltmp2:
0xe4: {  	v10 =	vld [tilespmem:s28+$0x3D20];
	(pc) =	sbr.rel @p0 .LBB2_7-.Ltmp2, $4  }
0xe5: {  	v9 =	vld [tilespmem:s28+$0x3D30]  }
0xe6: {  	v8 =	vld [tilespmem:s28+$0x3D40]  }
0xe7: {  	v12 =	vmul.f32 v12, v6;
	v6 =	vld [tilespmem:s28+$0x3D50]  }
0xe8: {  	s19 =	sadd.s32 $0x200, s19;
	v11 =	vmul.f32 v11, v7;
	v7 =	vld [tilespmem:s28+$0x3D60]  }
0xe9: {  	[tilespmem:s28+$0x3D00] =	vst v12;
	v5 =	vmul.f32 v5, v10;
	v63 =	vld [tilespmem:s28+$0x3D70]  }
0xea: {  	[tilespmem:s28+$0x3D10] =	vst v11;
	v4 =	vmul.f32 v4, v9  }
0xeb: {  	[tilespmem:s28+$0x3D20] =	vst v5;
	v3 =	vmul.f32 v3, v8  }
0xec: {  	[tilespmem:s28+$0x3D30] =	vst v4;
	v2 =	vmul.f32 v2, v6  }
0xed: {  	[tilespmem:s28+$0x3D40] =	vst v3;
	v1 =	vmul.f32 v1, v7  }
0xee: {  	p0 =	seq.s32 s12, $0x1C;
	[tilespmem:s28+$0x3D50] =	vst v2;
	v0 =	vmul.f32 v0, v63  }
.Ltmp3:
0xef: {  	[tilespmem:s28+$0x3D60] =	vst v1;
	(pc) =	sbr.rel @p0 .LBB2_10-.Ltmp3, $4  }
0xf0: {  	[tilespmem:s28+$0x3D70] =	vst v0  }
0xf1: {  	_ =	swait.ge [sflag:s31], $0x1C00  }
0xf2: {  	[sflag:s31] =	ssyncset.done $0x0  }
0xf3: {  	[sflag:s31] =	ssyncadd.s32 $0xFFFFE400  }
0xf4: {  	s15 =	rddreg [dreg:$0xd]  }
0xf5: {  	s15 =	sadd.s32 s20, s15  }
0xf6: {  	s15 =	sshrl.u32 s15, $0x3  }
0xf7: {  	s17 =	sadd.s32 s6, s15  }
0xf8: {  	[tilespmem:s4], [sflag:$0x3] =	stream.linear.gather [hbm4b:s17+s3], $0x38, $0x38;
	[tilespmem:$0x1ED00] =	vst v63  }
.Ltmp4:
0xf9: {  	_ = 	snop;
	(pc) =	sbr.rel .LBB2_2-.Ltmp4, $4  }
0xfa: {  	s15 =	sadd.s32 s7, s15  }
0xfb: {  	[tilespmem:s8], [sflag:$0x3] =	stream.linear.gather [hbm4b:s15+s3], $0x38, $0x38;
	[tilespmem:$0x1ED00] =	vst v63  }
0xfc: {  	s12 =	sadd.s32 $0x1, s12  }
0xfd: {  	[spmem:s2] =	stream.indirect.scatter.add.f32 [tilespmem:s25], [sflag:$0xA], $0x80, s22, s10, $0xb8;
	[tilespmem:$0x1ED00] =	vst v63  }
.LBB2_10:
0xfe: {  	[spmem:s2] =	stream.indirect.scatter.add.f32 [tilespmem:s25], [sflag:$0xA], $0x80, s22, s10, $0xb8;
	[tilespmem:$0x1ED00] =	vst v63  }
0xff: {  	s12 =	simm.s32 $0x0;
	s15 =	rddreg [dreg:$0xe]  }
0x100: {  	[tilespmem:s4], [sflag:$0x3] =	stream.linear.gather [hbm4b:s15+s12], $0x38, $0x38;
	[tilespmem:$0x1ED00] =	vst v63  }
0x101: {  	s20 =	rddreg [dreg:$0xf]  }
0x102: {  	[tilespmem:s8], [sflag:$0x3] =	stream.linear.gather [hbm4b:s20+s12], $0x38, $0x38;
	[tilespmem:$0x1ED00] =	vst v63  }
0x103: {  	_ =	swait.ge [sflag:s13], $0x38  }
0x104: {  	[sflag:s13] =	ssyncset.done $0x0  }
0x105: {  	[sflag:s13] =	ssyncadd.s32 $0xFFFFFFC8  }
0x106: {  	_ =	swait.ge [sflag:s13], $0x38  }
0x107: {  	[sflag:s13] =	ssyncset.done $0x0  }
0x108: {  	[sflag:s13] =	ssyncadd.s32 $0xFFFFFFC8  }
0x109: {  	[tilespmem:s14], [sflag:$0x6] =	stream.indirect.gather [hbm4b:s1+s10], $0x80, s8, s10, $0xb8;
	[tilespmem:$0x1ED00] =	vst v63  }
0x10a: {  	s17 =	simm.s32 $0x7500;
	s28 =	rddreg [dreg:$0x12]  }
0x10b: {  	[tilespmem:s17], [sflag:$0x6] =	stream.linear.gather [hbm4b:s28+s12], $0x1C00, $0x38;
	[tilespmem:$0x1ED00] =	vst v63  }
0x10c: {  	_ =	swait.ge [sflag:s21], $0x1C00  }
0x10d: {  	[sflag:s21] =	ssyncset.done $0x0  }
0x10e: {  	[sflag:s21] =	ssyncadd.s32 $0xFFFFE400  }
0x10f: {  	_ =	swait.ge [sflag:s21], $0x1C00  }
0x110: {  	[sflag:s21] =	ssyncset.done $0x0  }
0x111: {  	s12 =	simm.s32 $0x0;
	[sflag:s21] =	ssyncadd.s32 $0xFFFFE400  }
0x112: {  	v7 =	vld [tilespmem:s12+$0x5900]  }
0x113: {  	v11 =	vld [tilespmem:s12+$0x5910]  }
0x114: {  	v5 =	vld [tilespmem:s12+$0x5920]  }
0x115: {  	v4 =	vld [tilespmem:s12+$0x5930]  }
0x116: {  	v3 =	vld [tilespmem:s12+$0x5940]  }
0x117: {  	v2 =	vld [tilespmem:s12+$0x5950]  }
0x118: {  	v1 =	vld [tilespmem:s12+$0x5960]  }
0x119: {  	v0 =	vld [tilespmem:s12+$0x5970]  }
0x11a: {  	v12 =	vld [tilespmem:s12+$0x500]  }
0x11b: {  	v13 =	vld [tilespmem:s12+$0x510]  }
0x11c: {  	v10 =	vld [tilespmem:s12+$0x520]  }
0x11d: {  	v9 =	vld [tilespmem:s12+$0x530]  }
0x11e: {  	v8 =	vld [tilespmem:s12+$0x540]  }
0x11f: {  	v6 =	vld [tilespmem:s12+$0x550];
	v12 =	vmul.f32 v7, v12  }
0x120: {  	s19 =	simm.s32 $0x200;
	v11 =	vmul.f32 v11, v13;
	v7 =	vld [tilespmem:s12+$0x560]  }
.LBB2_11:
0x121: {  	s15 =	sshra.s32 s19, $0x2;
	p0 =	sne.s32 s19, $0x6E00;
	[tilespmem:s12+$0x500] =	vst v12;
	v5 =	vmul.f32 v5, v10;
	v10 =	vld [tilespmem:s12+$0x570]  }
0x122: {  	v12 =	vld [tilespmem:s15+$0x5900];
	[tilespmem:s12+$0x510] =	vst v11;
	v4 =	vmul.f32 v4, v9  }
0x123: {  	v11 =	vld [tilespmem:s15+$0x5910];
	[tilespmem:s12+$0x520] =	vst v5;
	v3 =	vmul.f32 v3, v8  }
0x124: {  	v5 =	vld [tilespmem:s15+$0x5920];
	[tilespmem:s12+$0x530] =	vst v4;
	v2 =	vmul.f32 v2, v6  }
0x125: {  	v4 =	vld [tilespmem:s15+$0x5930];
	[tilespmem:s12+$0x540] =	vst v3;
	v1 =	vmul.f32 v1, v7  }
0x126: {  	v3 =	vld [tilespmem:s15+$0x5940];
	[tilespmem:s12+$0x550] =	vst v2;
	v0 =	vmul.f32 v0, v10  }
0x127: {  	v2 =	vld [tilespmem:s15+$0x5950];
	[tilespmem:s12+$0x560] =	vst v1  }
0x128: {  	v1 =	vld [tilespmem:s15+$0x5960];
	[tilespmem:s12+$0x570] =	vst v0;
	s12 =	smov.u32 s15  }
0x129: {  	v0 =	vld [tilespmem:s12+$0x5970]  }
0x12a: {  	v6 =	vld [tilespmem:s12+$0x500]  }
0x12b: {  	v7 =	vld [tilespmem:s12+$0x510]  }
.Ltmp5:
0x12c: {  	v10 =	vld [tilespmem:s12+$0x520];
	(pc) =	sbr.rel @p0 .LBB2_11-.Ltmp5, $4  }
0x12d: {  	v9 =	vld [tilespmem:s12+$0x530]  }
0x12e: {  	v8 =	vld [tilespmem:s12+$0x540]  }
0x12f: {  	v12 =	vmul.f32 v12, v6;
	v6 =	vld [tilespmem:s12+$0x550]  }
0x130: {  	s19 =	sadd.s32 $0x200, s19;
	v11 =	vmul.f32 v11, v7;
	v7 =	vld [tilespmem:s12+$0x560]  }
0x131: {  	[tilespmem:s12+$0x500] =	vst v12;
	v5 =	vmul.f32 v5, v10;
	v10 =	vld [tilespmem:s12+$0x570]  }
0x132: {  	[tilespmem:s12+$0x510] =	vst v11;
	v4 =	vmul.f32 v4, v9  }
0x133: {  	[tilespmem:s12+$0x520] =	vst v5;
	v3 =	vmul.f32 v3, v8  }
0x134: {  	[tilespmem:s12+$0x530] =	vst v4;
	v2 =	vmul.f32 v2, v6  }
0x135: {  	[tilespmem:s12+$0x540] =	vst v3;
	v1 =	vmul.f32 v1, v7  }
0x136: {  	[tilespmem:s12+$0x550] =	vst v2;
	v0 =	vmul.f32 v0, v10  }
0x137: {  	[tilespmem:s12+$0x560] =	vst v1  }
0x138: {  	s20 =	simm.s32 $0xA;
	[tilespmem:s12+$0x570] =	vst v0  }
0x139: {  	_ =	swait.ge [sflag:s20], $0x1C00  }
0x13a: {  	[sflag:s20] =	ssyncset.done $0x0  }
0x13b: {  	s12 =	simm.s32 $0x0;
	[sflag:s20] =	ssyncadd.s32 $0xFFFFE400  }
0x13c: {  	[spmem:s2] =	stream.indirect.scatter.add.f32 [tilespmem:s11], [sflag:$0x8], $0x80, s12, s10, $0xb8;
	[tilespmem:$0x1ED00] =	vst v63  }
0x13d: {  	s28 =	simm.s32 $0x400;
	s15 =	rddreg [dreg:$0x10]  }
0x13e: {  	[tilespmem:s28], [sflag:$0x4] =	stream.linear.gather [hbm4b:s15+s12], $0x10, $0x38;
	[tilespmem:$0x1ED00] =	vst v63  }
0x13f: {  	s17 =	simm.s32 $0x480;
	s19 =	rddreg [dreg:$0x11]  }
0x140: {  	[tilespmem:s17], [sflag:$0x4] =	stream.linear.gather [hbm4b:s19+s12], $0x10, $0x38;
	[tilespmem:$0x1ED00] =	vst v63  }
0x141: {  	_ =	swait.ge [sflag:s29], $0x1C00  }
0x142: {  	[sflag:s29] =	ssyncset.done $0x0  }
0x143: {  	[sflag:s29] =	ssyncadd.s32 $0xFFFFE400  }
0x144: {  	_ =	swait.ge [sflag:s29], $0x1C00  }
0x145: {  	[sflag:s29] =	ssyncset.done $0x0  }
0x146: {  	s12 =	simm.s32 $0x0;
	[sflag:s29] =	ssyncadd.s32 $0xFFFFE400  }
0x147: {  	v7 =	vld [tilespmem:s12+$0x7500]  }
0x148: {  	v11 =	vld [tilespmem:s12+$0x7510]  }
0x149: {  	v5 =	vld [tilespmem:s12+$0x7520]  }
0x14a: {  	v4 =	vld [tilespmem:s12+$0x7530]  }
0x14b: {  	v3 =	vld [tilespmem:s12+$0x7540]  }
0x14c: {  	v2 =	vld [tilespmem:s12+$0x7550]  }
0x14d: {  	v1 =	vld [tilespmem:s12+$0x7560]  }
0x14e: {  	v0 =	vld [tilespmem:s12+$0x7570]  }
0x14f: {  	v12 =	vld [tilespmem:s12+$0x2100]  }
0x150: {  	v13 =	vld [tilespmem:s12+$0x2110]  }
0x151: {  	v10 =	vld [tilespmem:s12+$0x2120]  }
0x152: {  	v9 =	vld [tilespmem:s12+$0x2130]  }
0x153: {  	v8 =	vld [tilespmem:s12+$0x2140]  }
0x154: {  	v6 =	vld [tilespmem:s12+$0x2150];
	v12 =	vmul.f32 v7, v12  }
0x155: {  	s19 =	simm.s32 $0x200;
	v11 =	vmul.f32 v11, v13;
	v7 =	vld [tilespmem:s12+$0x2160]  }
.LBB2_13:
0x156: {  	s15 =	sshra.s32 s19, $0x2;
	p0 =	sne.s32 s19, $0x6E00;
	[tilespmem:s12+$0x2100] =	vst v12;
	v5 =	vmul.f32 v5, v10;
	v10 =	vld [tilespmem:s12+$0x2170]  }
0x157: {  	v12 =	vld [tilespmem:s15+$0x7500];
	[tilespmem:s12+$0x2110] =	vst v11;
	v4 =	vmul.f32 v4, v9  }
0x158: {  	v11 =	vld [tilespmem:s15+$0x7510];
	[tilespmem:s12+$0x2120] =	vst v5;
	v3 =	vmul.f32 v3, v8  }
0x159: {  	v5 =	vld [tilespmem:s15+$0x7520];
	[tilespmem:s12+$0x2130] =	vst v4;
	v2 =	vmul.f32 v2, v6  }
0x15a: {  	v4 =	vld [tilespmem:s15+$0x7530];
	[tilespmem:s12+$0x2140] =	vst v3;
	v1 =	vmul.f32 v1, v7  }
0x15b: {  	v3 =	vld [tilespmem:s15+$0x7540];
	[tilespmem:s12+$0x2150] =	vst v2;
	v0 =	vmul.f32 v0, v10  }
0x15c: {  	v2 =	vld [tilespmem:s15+$0x7550];
	[tilespmem:s12+$0x2160] =	vst v1  }
0x15d: {  	v1 =	vld [tilespmem:s15+$0x7560];
	[tilespmem:s12+$0x2170] =	vst v0;
	s12 =	smov.u32 s15  }
0x15e: {  	v0 =	vld [tilespmem:s12+$0x7570]  }
0x15f: {  	v6 =	vld [tilespmem:s12+$0x2100]  }
0x160: {  	v7 =	vld [tilespmem:s12+$0x2110]  }
.Ltmp6:
0x161: {  	v10 =	vld [tilespmem:s12+$0x2120];
	(pc) =	sbr.rel @p0 .LBB2_13-.Ltmp6, $4  }
0x162: {  	v9 =	vld [tilespmem:s12+$0x2130]  }
0x163: {  	v8 =	vld [tilespmem:s12+$0x2140]  }
0x164: {  	v12 =	vmul.f32 v12, v6;
	v6 =	vld [tilespmem:s12+$0x2150]  }
0x165: {  	s19 =	sadd.s32 $0x200, s19;
	v11 =	vmul.f32 v11, v7;
	v7 =	vld [tilespmem:s12+$0x2160]  }
0x166: {  	[tilespmem:s12+$0x2100] =	vst v12;
	v5 =	vmul.f32 v5, v10;
	v10 =	vld [tilespmem:s12+$0x2170]  }
0x167: {  	[tilespmem:s12+$0x2110] =	vst v11;
	v4 =	vmul.f32 v4, v9  }
0x168: {  	[tilespmem:s12+$0x2120] =	vst v5;
	v3 =	vmul.f32 v3, v8  }
0x169: {  	[tilespmem:s12+$0x2130] =	vst v4;
	v2 =	vmul.f32 v2, v6  }
0x16a: {  	[tilespmem:s12+$0x2140] =	vst v3;
	v1 =	vmul.f32 v1, v7  }
0x16b: {  	[tilespmem:s12+$0x2150] =	vst v2;
	v0 =	vmul.f32 v0, v10  }
0x16c: {  	[tilespmem:s12+$0x2160] =	vst v1  }
0x16d: {  	[tilespmem:s12+$0x2170] =	vst v0  }
0x16e: {  	_ =	swait.ge [sflag:s30], $0x1C00  }
0x16f: {  	[sflag:s30] =	ssyncset.done $0x0  }
0x170: {  	[sflag:s30] =	ssyncadd.s32 $0xFFFFE400  }
0x171: {  	[spmem:s2] =	stream.indirect.scatter.add.f32 [tilespmem:s14], [sflag:$0x9], $0x80, s4, s10, $0xb8;
	[tilespmem:$0x1ED00] =	vst v63  }
0x172: {  	_ =	swait.ge [sflag:s24], $0x10  }
0x173: {  	[sflag:s24] =	ssyncset.done $0x0  }
0x174: {  	[sflag:s24] =	ssyncadd.s32 $0xFFFFFFF0  }
0x175: {  	_ =	swait.ge [sflag:s24], $0x10  }
0x176: {  	[sflag:s24] =	ssyncset.done $0x0  }
0x177: {  	s19 =	simm.s32 $0x480;
	s15 =	simm.s32 $0x10;
	[sflag:s24] =	ssyncadd.s32 $0xFFFFFFF0  }
0x178: {  	[tilespmem:s25], [sflag:$0x7] =	stream.indirect.gather [hbm4b:s1+s15], $0x80, s19, s15, $0xb8;
	[tilespmem:$0x1ED00] =	vst v63  }
0x179: {  	s17 =	simm.s32 $0x9100;
	s15 =	simm.s32 $0x0;
	s19 =	rddreg [dreg:$0x13]  }
0x17a: {  	[tilespmem:s17], [sflag:$0x7] =	stream.linear.gather [hbm4b:s19+s15], $0x800, $0x38;
	[tilespmem:$0x1ED00] =	vst v63  }
0x17b: {  	_ =	swait.ge [sflag:s26], $0x800  }
0x17c: {  	[sflag:s26] =	ssyncset.done $0x0  }
0x17d: {  	[sflag:s26] =	ssyncadd.s32 $0xFFFFF800  }
0x17e: {  	_ =	swait.ge [sflag:s26], $0x800  }
0x17f: {  	[sflag:s26] =	ssyncset.done $0x0  }
0x180: {  	s12 =	simm.s32 $0x0;
	[sflag:s26] =	ssyncadd.s32 $0xFFFFF800  }
0x181: {  	v7 =	vld [tilespmem:s12+$0x9100]  }
0x182: {  	v11 =	vld [tilespmem:s12+$0x9110]  }
0x183: {  	v5 =	vld [tilespmem:s12+$0x9120]  }
0x184: {  	v4 =	vld [tilespmem:s12+$0x9130]  }
0x185: {  	v3 =	vld [tilespmem:s12+$0x9140]  }
0x186: {  	v2 =	vld [tilespmem:s12+$0x9150]  }
0x187: {  	v1 =	vld [tilespmem:s12+$0x9160]  }
0x188: {  	v0 =	vld [tilespmem:s12+$0x9170]  }
0x189: {  	v12 =	vld [tilespmem:s12+$0x3D00]  }
0x18a: {  	v13 =	vld [tilespmem:s12+$0x3D10]  }
0x18b: {  	v10 =	vld [tilespmem:s12+$0x3D20]  }
0x18c: {  	v9 =	vld [tilespmem:s12+$0x3D30]  }
0x18d: {  	v8 =	vld [tilespmem:s12+$0x3D40]  }
0x18e: {  	v6 =	vld [tilespmem:s12+$0x3D50];
	v12 =	vmul.f32 v7, v12  }
0x18f: {  	s19 =	simm.s32 $0x200;
	v11 =	vmul.f32 v11, v13;
	v7 =	vld [tilespmem:s12+$0x3D60]  }
.LBB2_15:
0x190: {  	s15 =	sshra.s32 s19, $0x2;
	p0 =	sne.s32 s19, $0x1E00;
	[tilespmem:s12+$0x3D00] =	vst v12;
	v5 =	vmul.f32 v5, v10;
	v10 =	vld [tilespmem:s12+$0x3D70]  }
0x191: {  	v12 =	vld [tilespmem:s15+$0x9100];
	[tilespmem:s12+$0x3D10] =	vst v11;
	v4 =	vmul.f32 v4, v9  }
0x192: {  	v11 =	vld [tilespmem:s15+$0x9110];
	[tilespmem:s12+$0x3D20] =	vst v5;
	v3 =	vmul.f32 v3, v8  }
0x193: {  	v5 =	vld [tilespmem:s15+$0x9120];
	[tilespmem:s12+$0x3D30] =	vst v4;
	v2 =	vmul.f32 v2, v6  }
0x194: {  	v4 =	vld [tilespmem:s15+$0x9130];
	[tilespmem:s12+$0x3D40] =	vst v3;
	v1 =	vmul.f32 v1, v7  }
0x195: {  	v3 =	vld [tilespmem:s15+$0x9140];
	[tilespmem:s12+$0x3D50] =	vst v2;
	v0 =	vmul.f32 v0, v10  }
0x196: {  	v2 =	vld [tilespmem:s15+$0x9150];
	[tilespmem:s12+$0x3D60] =	vst v1  }
0x197: {  	v1 =	vld [tilespmem:s15+$0x9160];
	[tilespmem:s12+$0x3D70] =	vst v0;
	s12 =	smov.u32 s15  }
0x198: {  	v0 =	vld [tilespmem:s12+$0x9170]  }
0x199: {  	v6 =	vld [tilespmem:s12+$0x3D00]  }
0x19a: {  	v7 =	vld [tilespmem:s12+$0x3D10]  }
.Ltmp7:
0x19b: {  	v10 =	vld [tilespmem:s12+$0x3D20];
	(pc) =	sbr.rel @p0 .LBB2_15-.Ltmp7, $4  }
0x19c: {  	v9 =	vld [tilespmem:s12+$0x3D30]  }
0x19d: {  	v8 =	vld [tilespmem:s12+$0x3D40]  }
0x19e: {  	v12 =	vmul.f32 v12, v6;
	v6 =	vld [tilespmem:s12+$0x3D50]  }
0x19f: {  	s19 =	sadd.s32 $0x200, s19;
	v11 =	vmul.f32 v11, v7;
	v7 =	vld [tilespmem:s12+$0x3D60]  }
0x1a0: {  	[tilespmem:s12+$0x3D00] =	vst v12;
	v5 =	vmul.f32 v5, v10;
	v63 =	vld [tilespmem:s12+$0x3D70]  }
0x1a1: {  	[tilespmem:s12+$0x3D10] =	vst v11;
	v4 =	vmul.f32 v4, v9  }
0x1a2: {  	[tilespmem:s12+$0x3D20] =	vst v5;
	v3 =	vmul.f32 v3, v8  }
0x1a3: {  	[tilespmem:s12+$0x3D30] =	vst v4;
	v2 =	vmul.f32 v2, v6  }
0x1a4: {  	[tilespmem:s12+$0x3D40] =	vst v3;
	v1 =	vmul.f32 v1, v7  }
0x1a5: {  	[tilespmem:s12+$0x3D50] =	vst v2;
	v0 =	vmul.f32 v0, v63  }
0x1a6: {  	[tilespmem:s12+$0x3D60] =	vst v1  }
0x1a7: {  	[tilespmem:s12+$0x3D70] =	vst v0  }
0x1a8: {  	_ =	swait.ge [sflag:s31], $0x1C00  }
0x1a9: {  	[sflag:s31] =	ssyncset.done $0x0  }
0x1aa: {  	s15 =	simm.s32 $0x10;
	[sflag:s31] =	ssyncadd.s32 $0xFFFFE400  }
0x1ab: {  	[spmem:s2] =	stream.indirect.scatter.add.f32 [tilespmem:s25], [sflag:$0xA], $0x80, s28, s15, $0xb8;
	[tilespmem:$0x1ED00] =	vst v63  }
0x1ac: {  	_ =	swait.ge [sflag:s20], $0x800  }
0x1ad: {  	[sflag:s20] =	ssyncset.done $0x0  }
0x1ae: {  	[sflag:s20] =	ssyncadd.s32 $0xFFFFF800  }
0x1af: {  	[bflag:$0x0] =	sbarrier.arrive $0xFFFF  }
0x1b0: {  	s17 =	rddreg [dreg:$0x14]  }
0x1b1: {  	s15 =	rddreg [dreg:$0x15]  }
0x1b2: {  	s19 =	simm.s32 $0xB;
	s12 =	sor.u32 $0x1C0B, s17;
	s17 =	rddreg [dreg:$0x19]  }
0x1b3: {  	[hbm:s15], [sflag:s12] =	dma.local [spmem:s17], $0x2800  }
0x1b4: {  	_ =	swait.ge [sflag:s19], $0x2800  }
0x1b5: {  	s20 =	rddreg [dreg:$0x18]  }
0x1b6: {  	s28 =	rddreg [dreg:$0x16];
	s17 =	sadd.s32 $0x1, s20  }
0x1b7: {  	p0 =	sne.s32 s17, s28  }
.Ltmp8:
0x1b8: {  	_ = 	snop;
	(pc) =	sbr.rel @p0 .LBB2_1-.Ltmp8, $3  }
0x1b9: {  	_ =	sdelay $0x1  }
0x1ba: {  	[sflag:s19] =	ssyncset.done $0x0  }
0x1bb: {  	[sflag:s19] =	ssyncadd.s32 $0xFFFFD800  }
0x1bc: {  	_ =	sfence.sel $0x180000  }
0x1bd: {  	[bflag:$0x0] =	sbarrier.arrive $0xFFFF  }
0x1be: {  	_ =	strace $0x90000047  }
0x1bf: {  	s0 =	stileid.u32;
	[bflag:$0x2] =	sbarrier.arrive $0xFFFF  }
0x1c0: {  	p0 =	sne.s32 s0, $0x0;
	s0 =	rddreg [dreg:$0x3]  }
0x1c1: {  	s0 =	sadd.s32 @!p0 $0x100000, s0  }
0x1c2: {  	[sflag:s0] =	ssyncadd.tile.s32 @!p0 $0x1;
	_ =	shalt  }
.Lfunc_end2:
_tile_overlayer_lowered:
.L_overlay_start_2:
0x1c3: {  	(tag) =	ssettag $0x2  }
0x1c4: {  	s0 =	rddreg [dreg:$0x0];
	s2 =	stileid.u32  }
0x1c5: {  	s1 =	rddreg [dreg:$0x1];
	p0 =	sne.s32 s2, $0x0  }
0x1c6: {  	s3 =	rddreg [dreg:$0x2];
	[bflag:$0x3] =	sbarrier.arrive $0xFFFF;
	s2 =	simm.s32 @!p0 $0x1C0B  }
0x1c7: {  	[timem:s3], [sflag:s2] =	dma.local @!p0 [hbm:s0], s1  }
0x1c8: {  	s0 =	simm.s32 @!p0 $0xB  }
0x1c9: {  	_ =	swait.ge @!p0 [sflag:s0], s1  }
0x1ca: {  	s1 =	ssub.s32 @!p0 $0x0, s1;
	[sflag:s0] =	ssyncset.done @!p0 $0x0  }
0x1cb: {  	[sflag:s0] =	ssyncadd.s32 @!p0 s1  }
0x1cc: {  	[bflag:$0x3] =	sbarrier.arrive $0xFFFF  }
0x1cd: {  	_ =	shalt  }

// kernel: kernel.8.cloned.1.call-start
scs
__scs_entry_jumppad:
0x0: {  	(pc) =	sbr.rel $0x88, $3  }
0x1: {  	(tag) =	ssettag $0x0;
	lr =	simm.s32 $0x1  }
0x2: {  	[smem:$0x3F94] =	sst lr;
	_ =	strace $0xD0000000  }
0x3: {  	_ = 	snop  }
0x4: {  	_ = 	snop  }
0x5: {  	_ = 	snop  }
0x6: {  	_ = 	snop  }
0x7: {  	_ = 	snop  }
__scs_overlays_trampoline_lowered:
0x8: {  	[smem:$0x3FA3] =	sst s0  }
0x9: {  	[smem:$0x3FA4] =	sst s1  }
0xa: {  	[smem:$0x3FA5] =	sst s2  }
0xb: {  	[smem:$0x3FA6] =	sst s3  }
0xc: {  	[smem:$0x3FA7] =	sst s4  }
0xd: {  	[smem:$0x3FA8] =	sst s5  }
0xe: {  	[smem:$0x3FA9] =	sst s6  }
0xf: {  	[smem:$0x3FAA] =	sst s7  }
0x10: {  	[smem:$0x3FAB] =	sst s8  }
0x11: {  	[smem:$0x3FAC] =	sst s9;
	s0 =	simm.s32 @!p0 $0x0  }
0x12: {  	s1 =	sld [smem:$0x3F92];
	s0 =	simm.s32 @p0 $0x1  }
0x13: {  	[smem:$0x3FAD] =	sst s0;
	s0 =	simm.s32 @!p1 $0x0  }
0x14: {  	s2 =	sld [smem:$0x3F91];
	s0 =	simm.s32 @p1 $0x1  }
0x15: {  	[smem:$0x3FAE] =	sst s0;
	s0 =	simm.s32 @!p2 $0x0  }
0x16: {  	s3 =	sld [smem:$0x3FDB];
	s0 =	simm.s32 @p2 $0x1  }
0x17: {  	s4 =	simm.s32 $0x1BF5;
	[smem:$0x3FB0] =	sst s0  }
0x18: {  	s0 =	sld [smem:$0x3F93];
	_ =	swait.ge [sflag:s4], $0x0  }
0x19: {  	s7 =	sld [smem:$0x3F94]  }
0x1a: {  	s8 =	sadd.s32 $0xFFFFE003, lr  }
0x1b: {  	s9 =	sadd.s32 $0xFFFFFEF7, lr;
	s5 =	simm.s32 $0xFFFFFFFF;
	p2 =	slt.u32 s8, $0xFFFFF086  }
0x1c: {  	p1 =	slt.u32 s9, $0xF7A;
	s5 =	simm.s32 @!p2 $0x0  }
0x1d: {  	s5 =	simm.s32 @p1 $0x1;
	p0 =	seq.s32 s7, s2  }
0x1e: {  	s7 =	smul.u32 @!p0 $0xF7A, s2;
	p2 =	seq.s32 @!p0 s5, $0x0  }
0x1f: {  	s9 =	smul.u32 $0xF7A, s1;
	s8 =	simm.s32 @!p0 $0x1BF5;
	p2 =	por !p2, p0  }
0x20: {  	[sflag:s8] =	ssyncset.s32 @!p0 $0xFFFFF086;
	s6 =	sadd.s32 @!p0 s3, s7;
	s7 =	simm.s32 @!p0 $0x108  }
0x21: {  	s3 =	sadd.s32 s3, s9;
	s6 =	sadd.s32 @!p0 $0x88, s6;
	s7 =	simm.s32 @p2 $0x1082  }
0x22: {  	[simem:s7], [sflag:s8] =	dma.local @!p0 [hbm:s6], $0xF7A  }
0x23: {  	s9 =	sor.u32 $0xD0000000, s2;
	s6 =	simm.s32 $0x108;
	_ =	swait.ge @!p0 [sflag:s8], $0x0  }
0x24: {  	s3 =	sadd.s32 $0x88, s3;
	s6 =	simm.s32 @!p1 $0x1082;
	[sflag:s4] =	ssyncset.s32 $0xFFFFF086  }
0x25: {  	[simem:s6], [sflag:s4] =	dma.local [hbm:s3], $0xF7A  }
0x26: {  	[smem:$0x3F94] =	sst s1;
	(tag) =	ssettag s2;
	_ =	strace s9  }
0x27: {  	s1 =	sld [smem:$0x3FA4]  }
0x28: {  	s2 =	sld [smem:$0x3FA5]  }
0x29: {  	s4 =	sld [smem:$0x3FA7]  }
0x2a: {  	p0 =	seq.s32 s5, $0x0;
	s5 =	sld [smem:$0x3FA8]  }
0x2b: {  	s6 =	sld [smem:$0x3FA9]  }
0x2c: {  	s7 =	sld [smem:$0x3FAA]  }
0x2d: {  	s3 =	simm.s32 $0x108;
	s8 =	sld [smem:$0x3FAB]  }
0x2e: {  	s3 =	simm.s32 @!p0 $0x1082;
	s9 =	sld [smem:$0x3FAC]  }
0x2f: {  	lr =	sadd.s32 s0, s3;
	s0 =	sld [smem:$0x3FA3]  }
0x30: {  	s3 =	sld [smem:$0x3FA6]  }
0x31: {  	[smem:$0x3FAF] =	sst s10  }
0x32: {  	s10 =	sld [smem:$0x3FAD];
	_ =	sdelay $0x3  }
0x33: {  	p0 =	seq.s32 s10, $0x1;
	s10 =	sld [smem:$0x3FAF];
	_ =	sdelay $0x3  }
0x34: {  	[smem:$0x3FAF] =	sst s10  }
0x35: {  	s10 =	sld [smem:$0x3FAE];
	_ =	sdelay $0x3  }
0x36: {  	p1 =	seq.s32 s10, $0x1;
	s10 =	sld [smem:$0x3FAF];
	_ =	sdelay $0x3  }
0x37: {  	[smem:$0x3FAF] =	sst s10  }
0x38: {  	s10 =	sld [smem:$0x3FB0]  }
0x39: {  	_ = 	snop;
	(pc) =	sbr.ind lr, $3  }
0x3a: {  	_ = 	snop  }
0x3b: {  	_ = 	snop  }
0x3c: {  	p2 =	seq.s32 s10, $0x1;
	s10 =	sld [smem:$0x3FAF]  }
0x3d: {  	_ =	shalt  }
0x3e: {  	_ =	shalt  }
0x3f: {  	_ =	shalt  }
0x40: {  	_ =	shalt  }
0x41: {  	_ =	shalt  }
0x42: {  	_ =	shalt  }
0x43: {  	_ =	shalt  }
0x44: {  	_ =	shalt  }
0x45: {  	_ =	shalt  }
0x46: {  	_ =	shalt  }
0x47: {  	_ =	shalt  }
0x48: {  	_ =	shalt  }
0x49: {  	_ =	shalt  }
0x4a: {  	_ =	shalt  }
0x4b: {  	_ =	shalt  }
0x4c: {  	_ =	shalt  }
0x4d: {  	_ =	shalt  }
0x4e: {  	_ =	shalt  }
0x4f: {  	_ =	shalt  }
0x50: {  	_ =	shalt  }
0x51: {  	_ =	shalt  }
0x52: {  	_ =	shalt  }
0x53: {  	_ =	shalt  }
0x54: {  	_ =	shalt  }
0x55: {  	_ =	shalt  }
0x56: {  	_ =	shalt  }
0x57: {  	_ =	shalt  }
0x58: {  	_ =	shalt  }
0x59: {  	_ =	shalt  }
0x5a: {  	_ =	shalt  }
0x5b: {  	_ =	shalt  }
0x5c: {  	_ =	shalt  }
0x5d: {  	_ =	shalt  }
0x5e: {  	_ =	shalt  }
0x5f: {  	_ =	shalt  }
0x60: {  	_ =	shalt  }
0x61: {  	_ =	shalt  }
0x62: {  	_ =	shalt  }
0x63: {  	_ =	shalt  }
0x64: {  	_ =	shalt  }
0x65: {  	_ =	shalt  }
0x66: {  	_ =	shalt  }
0x67: {  	_ =	shalt  }
0x68: {  	_ =	shalt  }
0x69: {  	_ =	shalt  }
0x6a: {  	_ =	shalt  }
0x6b: {  	_ =	shalt  }
0x6c: {  	_ =	shalt  }
0x6d: {  	_ =	shalt  }
0x6e: {  	_ =	shalt  }
0x6f: {  	_ =	shalt  }
0x70: {  	_ =	shalt  }
0x71: {  	_ =	shalt  }
0x72: {  	_ =	shalt  }
0x73: {  	_ =	shalt  }
0x74: {  	_ =	shalt  }
0x75: {  	_ =	shalt  }
0x76: {  	_ =	shalt  }
0x77: {  	_ =	shalt  }
0x78: {  	_ =	shalt  }
0x79: {  	_ =	shalt  }
0x7a: {  	_ =	shalt  }
0x7b: {  	_ =	shalt  }
0x7c: {  	_ =	shalt  }
0x7d: {  	_ =	shalt  }
0x7e: {  	_ =	shalt  }
0x7f: {  	_ =	shalt  }
0x80: {  	_ =	shalt  }
0x81: {  	_ =	shalt  }
0x82: {  	_ =	shalt  }
0x83: {  	_ =	shalt  }
0x84: {  	_ =	shalt  }
0x85: {  	_ =	shalt  }
0x86: {  	_ =	shalt  }
0x87: {  	_ =	shalt  }
.Lfunc_end0:
.L_simem_size_0:
called_computation_lowered:
.L_overlay_start_0:
0x88: {  	s2 =	sld [smem:$0x3FD9]  }
0x89: {  	s3 =	sld [smem:$0x3FFE];
	_ =	sdelay $0x1  }
0x8a: {  	s1 =	srdreg.scid  }
0x8b: {  	s0 =	sand.u32 $0x1, s1  }
0x8c: {  	s17 =	sshll.u32 s0, $0xA;
	s2 =	sadd.s32 s3, s2  }
0x8d: {  	s2 =	sadd.s32 s2, s17  }
0x8e: {  	[smem:$0x3FBB] =	sst s2  }
0x8f: {  	_ = 	snop  }
0x90: {  	s18 =	sld [smem:$0x3FD0];
	(tm) =	ssettm $0x1  }
0x91: {  	s19 =	sld [smem:$0x3FFB];
	_ =	sdelay $0x3  }
0x92: {  	_ =	strace s19  }
0x93: {  	s2 =	sld [smem:$0x3FFC];
	_ =	sdelay $0x3  }
0x94: {  	_ =	strace s2  }
0x95: {  	s2 =	sld [smem:$0x3FFD];
	_ =	sdelay $0x3  }
0x96: {  	_ =	strace s2  }
0x97: {  	_ =	strace $0x8FFFFFFF  }
0x98: {  	s20 =	sld [smem:$0x3FDB];
	_ =	sdelay $0x1  }
0x99: {  	s4 =	simm.s32 $_scs_section_size  }
0x9a: {  	s5 =	simm.s32 $_size__tile_overlayer_lowered;
	s6 =	simm.s32 $_tile_overlayer_lowered  }
0x9b: {  	s7 =	simm.s32 $0x1BFF;
	s21 =	sshll.u32 s6, $0x1;
	s4 =	sadd.s32 s4, s20  }
0x9c: {  	s22 =	simm.s32 $0x0;
	s5 =	sshll.u32 s5, $0x1;
	s6 =	sadd.s32 s21, s4  }
0x9d: {  	[timem:s22], [sflag:s7] =	dma.local [hbm:s6], s5  }
0x9e: {  	_ =	swait.ge [sflag:s7], s5  }
0x9f: {  	s5 =	ssub.s32 $0x0, s5;
	[sflag:s7] =	ssyncset.done $0x0  }
0xa0: {  	[sflag:s7] =	ssyncadd.s32 s5;
	_ =	sdelay $0x1  }
0xa1: {  	s23 =	simm.s32 $0x1B8B  }
0xa2: {  	_ =	swait.ge [sflag:s23], $0x1  }
0xa3: {  	[sflag:s23] =	ssyncset.done $0x0  }
0xa4: {  	[sflag:s23] =	ssyncadd.s32 $0xFFFFFFFF  }
0xa5: {  	s5 =	sld [smem:$0x0]  }
0xa6: {  	s6 =	sand.u32 $0xFFFFFFFE, s1  }
0xa7: {  	p0 =	sne.s32 s1, s6  }
0xa8: {  	s6 =	sshll.u32 @p0 s6, $0xE  }
0xa9: {  	s6 =	sadd.s32 @p0 $0x11B8D, s6;
	s7 =	sshll.u32 @p0 s5, $0x11  }
0xaa: {  	s6 =	sor.u32 @p0 s7, s6  }
0xab: {  	[sflag:s6] =	ssyncadd.remote.s32 @p0 $0x1;
	_ =	sdelay $0x1  }
0xac: {  	s6 =	simm.s32 @p0 $0x1B8D  }
0xad: {  	_ =	swait.eq @p0 [sflag:s6], $0x1  }
0xae: {  	[sflag:s6] =	ssyncadd.s32 @p0 $0xFFFFFFFF  }
0xaf: {  	s7 =	sshll.u32 @!p0 s1, $0xE  }
0xb0: {  	s7 =	sor.u32 @!p0 $0x4000, s7;
	s6 =	simm.s32 @!p0 $0x1B8D  }
0xb1: {  	s5 =	sshll.u32 @!p0 s5, $0x11;
	s7 =	sadd.s32 @!p0 $0x11B8D, s7;
	_ =	swait.eq @!p0 [sflag:s6], $0x1  }
0xb2: {  	s5 =	sor.u32 @!p0 s5, s7;
	[sflag:s6] =	ssyncadd.s32 @!p0 $0xFFFFFFFF  }
0xb3: {  	s25 =	simm.s32 $0x1B8E;
	s24 =	sld [smem:$0x3FFE];
	[sflag:s5] =	ssyncadd.remote.s32 @!p0 $0x1  }
0xb4: {  	s26 =	simm.s32 $execute0_lowered;
	[smem:$0x3FD2] =	sst s25  }
0xb5: {  	s6 =	sshll.u32 s26, $0x1;
	_ =	strace $0x80000049;
	[dreg:$0x1] =	wrdreg $0xFFFFFFFF  }
0xb6: {  	s28 =	simm.s32 $_size_execute0_lowered;
	s4 =	sadd.s32 s4, s6;
	[dreg:$0x0] =	wrdreg $0x0  }
0xb7: {  	s6 =	sshll.u32 s28, $0x1;
	[dreg:$0x2] =	wrdreg s4  }
0xb8: {  	[dreg:$0x3] =	wrdreg s6  }
0xb9: {  	[dreg:$0x4] =	wrdreg $0xC0  }
0xba: {  	_ =	task [dreg:s22], $0x5FFFF  }
0xbb: {  	[dreg:$0x1] =	wrdreg $0xFFFFFFFF  }
0xbc: {  	[dreg:$0x0] =	wrdreg $0x60  }
0xbd: {  	[dreg:$0x2] =	wrdreg s18  }
0xbe: {  	[dreg:$0x3] =	wrdreg s24  }
0xbf: {  	[dreg:$0x4] =	wrdreg $0xAD000  }
0xc0: {  	[dreg:$0x5] =	wrdreg $0x9  }
0xc1: {  	_ =	task.clear_ibuf [dreg:s22], $0x6FFFF;
	_ =	strace $0x90000049  }
0xc2: {  	s29 =	simm.s32 $0x9;
	_ =	strace $0x8000004B  }
0xc3: {  	_ =	swait.ge [sflag:s29], $0x1  }
0xc4: {  	[sflag:s29] =	ssyncadd.s32 $0xFFFFFFFF  }
0xc5: {  	_ =	strace $0x9000004B  }
0xc6: {  	_ =	sfence  }
0xc7: {  	s30 =	sld [smem:$0x0];
	_ =	sdelay $0x2  }
0xc8: {  	s31 =	sshll.u32 s1, $0xD;
	s1 =	sshrl.u32 s1, $0x2  }
0xc9: {  	s4 =	sand.u32 $0x4000, s31;
	s1 =	sadd.s32 s1, s30  }
0xca: {  	s0 =	sor.u32 s4, s0;
	s1 =	sshll.u32 s1, $0x11  }
0xcb: {  	s0 =	sor.u32 s1, s0  }
0xcc: {  	s0 =	sadd.s32 $0x8F2B, s0  }
0xcd: {  	[sflag:s0] =	ssyncadd.remote.s32 $0x1  }
0xce: {  	_ =	sfence.sel $0xFFFF  }
0xcf: {  	[dreg:$0x0] =	wrdreg $0xFFFFFFFF;
	(pc) =	sbr.abs _section_cstart, $3  }
0xd0: {  	[dreg:$0x1] =	wrdreg $0xFFFFFFFF  }
0xd1: {  	_ =	task.clear_ibuf [dreg:s22], $0x2FFFF;
	_ =	strace $0x9FFFFFFF  }
0xd2: {  	(tm) =	ssettm $0x7FFFFFFF  }
0xd3: {  	_ =	shalt  }
tec
execute0_lowered:
.L_overlay_start_1:
0x0: {  	(tag) =	ssettag $0x1  }
0x1: {  	s1 =	rddreg [dreg:$0x0]  }
0x2: {  	s0 =	rddreg [dreg:$0x1]  }
0x3: {  	s2 =	rddreg [dreg:$0x2];
	s3 =	simm.s32 $0x0  }
0x4: {  	s4 =	srdreg.scid;
	s13 =	stileid.u32;
	s31 =	simm.s32 $0x200  }
0x5: {  	s28 =	simm.s32 $0x8;
	s29 =	simm.s32 $0x7;
	s5 =	sadd.s32 $0xC9D200, s0  }
0x6: {  	[smem:$0x7FF] =	sst s3;
	s6 =	sadd.s32 $0x9CFC00, s0;
	s8 =	smul.u32 $0x2800, s13  }
0x7: {  	s4 =	sand.u32 $0x1, s4;
	s7 =	sadd.s32 $0x9C5E00, s0;
	s11 =	sadd.s32 $0xC4AA00, s0  }
0x8: {  	s10 =	sshll.u32 s13, $0x1;
	s20 =	smul.u32 $0x50000, s13;
	_ =	strace $0x8000004A  }
0x9: {  	s9 =	smul.u32 $0x28000, s4;
	s19 =	sor.u32 s4, s10;
	s4 =	ssub.s32 $0x2, s4  }
0xa: {  	[dreg:$0x4] =	wrdreg s11;
	s21 =	smul.u32 $0x1388, s19;
	s22 =	sshrl.u32 s4, $0x1  }
0xb: {  	s10 =	sshrl.u32 s20, $0x2;
	s11 =	smul.u32 $0x13880, s19;
	s8 =	sadd.s32 s8, s9  }
0xc: {  	s4 =	ssub.s32 s4, s22;
	s23 =	sadd.s32 s10, s2;
	s0 =	sadd.s32 s8, s0  }
0xd: {  	[dreg:$0x5] =	wrdreg s23;
	s24 =	sadd.s32 $0x38, s21;
	s25 =	sshrl.u32 s21, $0x3  }
0xe: {  	s14 =	sadd.s32 $0x1340, s21;
	s16 =	sadd.s32 $0x70, s21;
	s17 =	sadd.s32 $0xA8, s21  }
0xf: {  	s18 =	sadd.s32 $0xE0, s21;
	s9 =	sadd.s32 $0x1378, s21;
	[dreg:$0x6] =	wrdreg s24  }
0x10: {  	s12 =	sshrl.u32 s24, $0x3;
	s26 =	sadd.s32 s6, s25;
	[dreg:$0xc] =	wrdreg s18  }
0x11: {  	s8 =	sadd.s32 s7, s25;
	s15 =	sshrl.u32 s14, $0x3;
	[dreg:$0x7] =	wrdreg s26  }
0x12: {  	s21 =	sshrl.u32 s9, $0x3;
	s0 =	sadd.s32 $0x1E00, s0;
	[dreg:$0x8] =	wrdreg s8  }
0x13: {  	s22 =	sshll.u32 s9, $0x4;
	s25 =	sshll.u32 s13, $0x6;
	[dreg:$0x14] =	wrdreg s0  }
0x14: {  	s9 =	simm.s32 $0x38;
	s30 =	sadd.s32 s6, s12;
	[dreg:$0x13] =	wrdreg s25  }
0x15: {  	s13 =	simm.s32 $0x3;
	s10 =	sadd.s32 s7, s12;
	[dreg:$0x9] =	wrdreg s30  }
0x16: {  	s12 =	sadd.s32 s5, s11;
	s19 =	sadd.s32 s6, s15;
	[dreg:$0xa] =	wrdreg s10  }
0x17: {  	s20 =	sadd.s32 s7, s15;
	s8 =	sshll.u32 s14, $0x4;
	[dreg:$0xb] =	wrdreg s12  }
0x18: {  	s23 =	sadd.s32 s6, s21;
	s24 =	sadd.s32 s7, s21;
	[dreg:$0xd] =	wrdreg s19  }
0x19: {  	s26 =	smax.u32 s4, $0x1;
	s0 =	simm.s32 $0x80;
	[dreg:$0xe] =	wrdreg s20  }
0x1a: {  	s4 =	simm.s32 $0x280;
	s11 =	simm.s32 $0x500;
	[dreg:$0x10] =	wrdreg s23  }
0x1b: {  	s14 =	simm.s32 $0x2100;
	s21 =	simm.s32 $0x300;
	[dreg:$0x11] =	wrdreg s24  }
0x1c: {  	s15 =	simm.s32 $0x0;
	s8 =	sadd.s32 s5, s8;
	[dreg:$0x15] =	wrdreg s26  }
0x1d: {  	s30 =	sor.u32 $0x1C01, s25;
	s19 =	simm.s32 $0x5;
	s20 =	simm.s32 $0x100  }
0x1e: {  	s23 =	simm.s32 $0x3D00;
	s26 =	simm.s32 $0x6;
	[dreg:$0xf] =	wrdreg s8  }
0x1f: {  	s25 =	simm.s32 $0x9;
	s8 =	sadd.s32 s5, s22;
	[dreg:$0x16] =	wrdreg s30  }
0x20: {  	s22 =	simm.s32 $0x4;
	[dreg:$0x12] =	wrdreg s8;
	s8 =	simm.s32 $0x2  }
.LBB2_1:
0x21: {  	[dreg:$0x17] =	wrdreg s15  }
0x22: {  	s10 =	rddreg [dreg:$0x5]  }
0x23: {  	s24 =	rddreg [dreg:$0x4]  }
0x24: {  	s12 =	rddreg [dreg:$0x16];
	s18 =	sshrl.u32 s10, $0x3  }
0x25: {  	s15 =	simm.s32 $0x1;
	[dreg:$0x18] =	wrdreg s18  }
0x26: {  	[spmem:s18], [sflag:s12] =	dma.local [hbm:s24], $0x2800  }
0x27: {  	_ =	swait.ge [sflag:s15], $0x2800  }
0x28: {  	[sflag:s15] =	ssyncset.done $0x0  }
0x29: {  	[sflag:s15] =	ssyncadd.s32 $0xFFFFD800  }
0x2a: {  	[bflag:$0x0] =	sbarrier.arrive $0xFFFF  }
0x2b: {  	s18 =	rddreg [dreg:$0x7]  }
0x2c: {  	[tilespmem:s3], [sflag:$0x2] =	stream.linear.gather [hbm4b:s18+s3], $0x38, $0x38;
	[tilespmem:$0x1ED00] =	vst v63  }
0x2d: {  	s24 =	rddreg [dreg:$0x8]  }
0x2e: {  	[tilespmem:s31], [sflag:$0x2] =	stream.linear.gather [hbm4b:s24+s3], $0x38, $0x38;
	[tilespmem:$0x1ED00] =	vst v63  }
0x2f: {  	s12 =	rddreg [dreg:$0x9]  }
0x30: {  	[tilespmem:s0], [sflag:$0x3] =	stream.linear.gather [hbm4b:s12+s3], $0x38, $0x38;
	[tilespmem:$0x1ED00] =	vst v63  }
0x31: {  	s15 =	rddreg [dreg:$0xa]  }
0x32: {  	[tilespmem:s4], [sflag:$0x3] =	stream.linear.gather [hbm4b:s15+s3], $0x38, $0x38;
	[tilespmem:$0x1ED00] =	vst v63  }
0x33: {  	_ =	swait.ge [sflag:s8], $0x38  }
0x34: {  	[sflag:s8] =	ssyncset.done $0x0  }
0x35: {  	[sflag:s8] =	ssyncadd.s32 $0xFFFFFFC8  }
0x36: {  	_ =	swait.ge [sflag:s8], $0x38  }
0x37: {  	[sflag:s8] =	ssyncset.done $0x0  }
0x38: {  	[sflag:s8] =	ssyncadd.s32 $0xFFFFFFC8  }
0x39: {  	[tilespmem:s11], [sflag:$0x5] =	stream.indirect.gather [hbm4b:s1+s9], $0x80, s31, s9, $0xb8;
	[tilespmem:$0x1ED00] =	vst v63  }
0x3a: {  	s30 =	simm.s32 $0x0;
	s24 =	simm.s32 $0x5900;
	s18 =	rddreg [dreg:$0xb]  }
0x3b: {  	[tilespmem:s24], [sflag:$0x5] =	stream.linear.gather [hbm4b:s18+s3], $0x1C00, $0x38;
	[tilespmem:$0x1ED00] =	vst v63  }
.LBB2_2:
0x3c: {  	_ =	swait.ge [sflag:s13], $0x38  }
0x3d: {  	[sflag:s13] =	ssyncset.done $0x0  }
0x3e: {  	[sflag:s13] =	ssyncadd.s32 $0xFFFFFFC8  }
0x3f: {  	s12 =	smul.u32 $0xA8, s30;
	_ =	swait.ge [sflag:s13], $0x38  }
0x40: {  	[sflag:s13] =	ssyncset.done $0x0;
	s10 =	rddreg [dreg:$0x6]  }
0x41: {  	[sflag:s13] =	ssyncadd.s32 $0xFFFFFFC8;
	s15 =	sadd.s32 s12, s10  }
0x42: {  	[tilespmem:s14], [sflag:$0x6] =	stream.indirect.gather [hbm4b:s1+s9], $0x80, s4, s9, $0xb8;
	[tilespmem:$0x1ED00] =	vst v63  }
0x43: {  	s15 =	sshll.u32 s15, $0x4  }
0x44: {  	s24 =	simm.s32 $0x0;
	s18 =	simm.s32 $0x7500;
	s15 =	sadd.s32 s5, s15  }
0x45: {  	[tilespmem:s18], [sflag:$0x6] =	stream.linear.gather [hbm4b:s15+s24], $0x1C00, $0x38;
	[tilespmem:$0x1ED00] =	vst v63  }
0x46: {  	_ =	swait.ge [sflag:s19], $0x1C00  }
0x47: {  	[sflag:s19] =	ssyncset.done $0x0  }
0x48: {  	[sflag:s19] =	ssyncadd.s32 $0xFFFFE400  }
0x49: {  	_ =	swait.ge [sflag:s19], $0x1C00  }
0x4a: {  	[sflag:s19] =	ssyncset.done $0x0  }
0x4b: {  	s15 =	simm.s32 $0x0;
	[sflag:s19] =	ssyncadd.s32 $0xFFFFE400  }
0x4c: {  	v7 =	vld [tilespmem:s15+$0x5900]  }
0x4d: {  	v11 =	vld [tilespmem:s15+$0x5910]  }
0x4e: {  	v5 =	vld [tilespmem:s15+$0x5920]  }
0x4f: {  	v4 =	vld [tilespmem:s15+$0x5930]  }
0x50: {  	v3 =	vld [tilespmem:s15+$0x5940]  }
0x51: {  	v2 =	vld [tilespmem:s15+$0x5950]  }
0x52: {  	v1 =	vld [tilespmem:s15+$0x5960]  }
0x53: {  	v0 =	vld [tilespmem:s15+$0x5970]  }
0x54: {  	v12 =	vld [tilespmem:s15+$0x500]  }
0x55: {  	v13 =	vld [tilespmem:s15+$0x510]  }
0x56: {  	v10 =	vld [tilespmem:s15+$0x520]  }
0x57: {  	v9 =	vld [tilespmem:s15+$0x530]  }
0x58: {  	v8 =	vld [tilespmem:s15+$0x540]  }
0x59: {  	v6 =	vld [tilespmem:s15+$0x550];
	v12 =	vmul.f32 v7, v12  }
0x5a: {  	s24 =	simm.s32 $0x200;
	v11 =	vmul.f32 v11, v13;
	v7 =	vld [tilespmem:s15+$0x560]  }
.LBB2_3:
0x5b: {  	s18 =	sshra.s32 s24, $0x2;
	p0 =	sne.s32 s24, $0x6E00;
	[tilespmem:s15+$0x500] =	vst v12;
	v5 =	vmul.f32 v5, v10;
	v10 =	vld [tilespmem:s15+$0x570]  }
0x5c: {  	v12 =	vld [tilespmem:s18+$0x5900];
	[tilespmem:s15+$0x510] =	vst v11;
	v4 =	vmul.f32 v4, v9  }
0x5d: {  	v11 =	vld [tilespmem:s18+$0x5910];
	[tilespmem:s15+$0x520] =	vst v5;
	v3 =	vmul.f32 v3, v8  }
0x5e: {  	v5 =	vld [tilespmem:s18+$0x5920];
	[tilespmem:s15+$0x530] =	vst v4;
	v2 =	vmul.f32 v2, v6  }
0x5f: {  	v4 =	vld [tilespmem:s18+$0x5930];
	[tilespmem:s15+$0x540] =	vst v3;
	v1 =	vmul.f32 v1, v7  }
0x60: {  	v3 =	vld [tilespmem:s18+$0x5940];
	[tilespmem:s15+$0x550] =	vst v2;
	v0 =	vmul.f32 v0, v10  }
0x61: {  	v2 =	vld [tilespmem:s18+$0x5950];
	[tilespmem:s15+$0x560] =	vst v1  }
0x62: {  	v1 =	vld [tilespmem:s18+$0x5960];
	[tilespmem:s15+$0x570] =	vst v0;
	s15 =	smov.u32 s18  }
0x63: {  	v0 =	vld [tilespmem:s15+$0x5970]  }
0x64: {  	v6 =	vld [tilespmem:s15+$0x500]  }
0x65: {  	v7 =	vld [tilespmem:s15+$0x510]  }
.Ltmp0:
0x66: {  	v10 =	vld [tilespmem:s15+$0x520];
	(pc) =	sbr.rel @p0 .LBB2_3-.Ltmp0, $4  }
0x67: {  	v9 =	vld [tilespmem:s15+$0x530]  }
0x68: {  	v8 =	vld [tilespmem:s15+$0x540]  }
0x69: {  	v12 =	vmul.f32 v12, v6;
	v6 =	vld [tilespmem:s15+$0x550]  }
0x6a: {  	s24 =	sadd.s32 $0x200, s24;
	v11 =	vmul.f32 v11, v7;
	v7 =	vld [tilespmem:s15+$0x560]  }
0x6b: {  	[tilespmem:s15+$0x500] =	vst v12;
	v5 =	vmul.f32 v5, v10;
	v10 =	vld [tilespmem:s15+$0x570]  }
0x6c: {  	[tilespmem:s15+$0x510] =	vst v11;
	v4 =	vmul.f32 v4, v9  }
0x6d: {  	[tilespmem:s15+$0x520] =	vst v5;
	v3 =	vmul.f32 v3, v8  }
0x6e: {  	[tilespmem:s15+$0x530] =	vst v4;
	v2 =	vmul.f32 v2, v6  }
0x6f: {  	[tilespmem:s15+$0x540] =	vst v3;
	v1 =	vmul.f32 v1, v7  }
0x70: {  	[tilespmem:s15+$0x550] =	vst v2;
	v0 =	vmul.f32 v0, v10  }
0x71: {  	p0 =	seq.s32 s30, $0x0;
	[tilespmem:s15+$0x560] =	vst v1  }
0x72: {  	s18 =	sadd.s32 @!p0 s12, s16;
	[tilespmem:s15+$0x570] =	vst v0;
	s15 =	simm.s32 @!p0 $0xA  }
0x73: {  	s18 =	smov.u32 @p0 s16;
	_ =	swait.ge @!p0 [sflag:s15], $0x1C00  }
0x74: {  	s24 =	sshrl.u32 s18, $0x3;
	[sflag:s15] =	ssyncset.done @!p0 $0x0  }
0x75: {  	s10 =	simm.s32 $0x0;
	[sflag:s15] =	ssyncadd.s32 @!p0 $0xFFFFE400;
	s15 =	sadd.s32 s6, s24  }
0x76: {  	[tilespmem:s20], [sflag:$0x4] =	stream.linear.gather [hbm4b:s15+s10], $0x38, $0x38;
	[tilespmem:$0x1ED00] =	vst v63  }
0x77: {  	s24 =	sadd.s32 s7, s24  }
0x78: {  	[tilespmem:s21], [sflag:$0x4] =	stream.linear.gather [hbm4b:s24+s10], $0x38, $0x38;
	[tilespmem:$0x1ED00] =	vst v63  }
0x79: {  	_ = 	snop  }
0x7a: {  	[spmem:s2] =	stream.indirect.scatter.add.f32 [tilespmem:s11], [sflag:$0x8], $0x80, s10, s9, $0xb8;
	[tilespmem:$0x1ED00] =	vst v63  }
0x7b: {  	_ =	swait.ge [sflag:s22], $0x38  }
0x7c: {  	[sflag:s22] =	ssyncset.done $0x0  }
0x7d: {  	[sflag:s22] =	ssyncadd.s32 $0xFFFFFFC8  }
0x7e: {  	_ =	swait.ge [sflag:s22], $0x38  }
0x7f: {  	[sflag:s22] =	ssyncset.done $0x0  }
0x80: {  	s18 =	sshll.u32 s18, $0x4;
	[sflag:s22] =	ssyncadd.s32 $0xFFFFFFC8  }
0x81: {  	[tilespmem:s23], [sflag:$0x7] =	stream.indirect.gather [hbm4b:s1+s9], $0x80, s21, s9, $0xb8;
	[tilespmem:$0x1ED00] =	vst v63  }
0x82: {  	s15 =	sadd.s32 s5, s18;
	s24 =	simm.s32 $0x9100  }
0x83: {  	[tilespmem:s24], [sflag:$0x7] =	stream.linear.gather [hbm4b:s15+s10], $0x1C00, $0x38;
	[tilespmem:$0x1ED00] =	vst v63  }
0x84: {  	_ =	swait.ge [sflag:s26], $0x1C00  }
0x85: {  	[sflag:s26] =	ssyncset.done $0x0  }
0x86: {  	[sflag:s26] =	ssyncadd.s32 $0xFFFFE400  }
0x87: {  	_ =	swait.ge [sflag:s26], $0x1C00  }
0x88: {  	[sflag:s26] =	ssyncset.done $0x0  }
0x89: {  	s15 =	simm.s32 $0x0;
	[sflag:s26] =	ssyncadd.s32 $0xFFFFE400  }
0x8a: {  	v7 =	vld [tilespmem:s15+$0x7500]  }
0x8b: {  	v11 =	vld [tilespmem:s15+$0x7510]  }
0x8c: {  	v5 =	vld [tilespmem:s15+$0x7520]  }
0x8d: {  	v4 =	vld [tilespmem:s15+$0x7530]  }
0x8e: {  	v3 =	vld [tilespmem:s15+$0x7540]  }
0x8f: {  	v2 =	vld [tilespmem:s15+$0x7550]  }
0x90: {  	v1 =	vld [tilespmem:s15+$0x7560]  }
0x91: {  	v0 =	vld [tilespmem:s15+$0x7570]  }
0x92: {  	v12 =	vld [tilespmem:s15+$0x2100]  }
0x93: {  	v13 =	vld [tilespmem:s15+$0x2110]  }
0x94: {  	v10 =	vld [tilespmem:s15+$0x2120]  }
0x95: {  	v9 =	vld [tilespmem:s15+$0x2130]  }
0x96: {  	v8 =	vld [tilespmem:s15+$0x2140]  }
0x97: {  	v6 =	vld [tilespmem:s15+$0x2150];
	v12 =	vmul.f32 v7, v12  }
0x98: {  	s24 =	simm.s32 $0x200;
	v11 =	vmul.f32 v11, v13;
	v7 =	vld [tilespmem:s15+$0x2160]  }
.LBB2_5:
0x99: {  	s10 =	sshra.s32 s24, $0x2;
	p0 =	sne.s32 s24, $0x6E00;
	[tilespmem:s15+$0x2100] =	vst v12;
	v5 =	vmul.f32 v5, v10;
	v10 =	vld [tilespmem:s15+$0x2170]  }
0x9a: {  	v12 =	vld [tilespmem:s10+$0x7500];
	[tilespmem:s15+$0x2110] =	vst v11;
	v4 =	vmul.f32 v4, v9  }
0x9b: {  	v11 =	vld [tilespmem:s10+$0x7510];
	[tilespmem:s15+$0x2120] =	vst v5;
	v3 =	vmul.f32 v3, v8  }
0x9c: {  	v5 =	vld [tilespmem:s10+$0x7520];
	[tilespmem:s15+$0x2130] =	vst v4;
	v2 =	vmul.f32 v2, v6  }
0x9d: {  	v4 =	vld [tilespmem:s10+$0x7530];
	[tilespmem:s15+$0x2140] =	vst v3;
	v1 =	vmul.f32 v1, v7  }
0x9e: {  	v3 =	vld [tilespmem:s10+$0x7540];
	[tilespmem:s15+$0x2150] =	vst v2;
	v0 =	vmul.f32 v0, v10  }
0x9f: {  	v2 =	vld [tilespmem:s10+$0x7550];
	[tilespmem:s15+$0x2160] =	vst v1  }
0xa0: {  	v1 =	vld [tilespmem:s10+$0x7560];
	[tilespmem:s15+$0x2170] =	vst v0;
	s15 =	smov.u32 s10  }
0xa1: {  	v0 =	vld [tilespmem:s15+$0x7570]  }
0xa2: {  	v6 =	vld [tilespmem:s15+$0x2100]  }
0xa3: {  	v7 =	vld [tilespmem:s15+$0x2110]  }
.Ltmp1:
0xa4: {  	v10 =	vld [tilespmem:s15+$0x2120];
	(pc) =	sbr.rel @p0 .LBB2_5-.Ltmp1, $4  }
0xa5: {  	v9 =	vld [tilespmem:s15+$0x2130]  }
0xa6: {  	v8 =	vld [tilespmem:s15+$0x2140]  }
0xa7: {  	v12 =	vmul.f32 v12, v6;
	v6 =	vld [tilespmem:s15+$0x2150]  }
0xa8: {  	s24 =	sadd.s32 $0x200, s24;
	v11 =	vmul.f32 v11, v7;
	v7 =	vld [tilespmem:s15+$0x2160]  }
0xa9: {  	[tilespmem:s15+$0x2100] =	vst v12;
	v5 =	vmul.f32 v5, v10;
	v10 =	vld [tilespmem:s15+$0x2170]  }
0xaa: {  	[tilespmem:s15+$0x2110] =	vst v11;
	v4 =	vmul.f32 v4, v9  }
0xab: {  	[tilespmem:s15+$0x2120] =	vst v5;
	v3 =	vmul.f32 v3, v8  }
0xac: {  	[tilespmem:s15+$0x2130] =	vst v4;
	v2 =	vmul.f32 v2, v6  }
0xad: {  	[tilespmem:s15+$0x2140] =	vst v3;
	v1 =	vmul.f32 v1, v7  }
0xae: {  	[tilespmem:s15+$0x2150] =	vst v2;
	v0 =	vmul.f32 v0, v10  }
0xaf: {  	[tilespmem:s15+$0x2160] =	vst v1  }
0xb0: {  	[tilespmem:s15+$0x2170] =	vst v0  }
0xb1: {  	s10 =	sadd.s32 s12, s17;
	_ =	swait.ge [sflag:s28], $0x1C00  }
0xb2: {  	s15 =	sshrl.u32 s10, $0x3;
	[sflag:s28] =	ssyncset.done $0x0  }
0xb3: {  	s24 =	simm.s32 $0x0;
	s18 =	sadd.s32 s6, s15;
	[sflag:s28] =	ssyncadd.s32 $0xFFFFE400  }
0xb4: {  	[tilespmem:s24], [sflag:$0x2] =	stream.linear.gather [hbm4b:s18+s24], $0x38, $0x38;
	[tilespmem:$0x1ED00] =	vst v63  }
0xb5: {  	s15 =	sadd.s32 s7, s15  }
0xb6: {  	[tilespmem:s31], [sflag:$0x2] =	stream.linear.gather [hbm4b:s15+s24], $0x38, $0x38;
	[tilespmem:$0x1ED00] =	vst v63  }
0xb7: {  	_ = 	snop  }
0xb8: {  	[spmem:s2] =	stream.indirect.scatter.add.f32 [tilespmem:s14], [sflag:$0x9], $0x80, s0, s9, $0xb8;
	[tilespmem:$0x1ED00] =	vst v63  }
0xb9: {  	_ =	swait.ge [sflag:s8], $0x38  }
0xba: {  	[sflag:s8] =	ssyncset.done $0x0  }
0xbb: {  	[sflag:s8] =	ssyncadd.s32 $0xFFFFFFC8  }
0xbc: {  	_ =	swait.ge [sflag:s8], $0x38  }
0xbd: {  	[sflag:s8] =	ssyncset.done $0x0  }
0xbe: {  	s10 =	sshll.u32 s10, $0x4;
	[sflag:s8] =	ssyncadd.s32 $0xFFFFFFC8  }
0xbf: {  	[tilespmem:s11], [sflag:$0x5] =	stream.indirect.gather [hbm4b:s1+s9], $0x80, s31, s9, $0xb8;
	[tilespmem:$0x1ED00] =	vst v63  }
0xc0: {  	s10 =	sadd.s32 s5, s10;
	s18 =	simm.s32 $0x5900  }
0xc1: {  	[tilespmem:s18], [sflag:$0x5] =	stream.linear.gather [hbm4b:s10+s24], $0x1C00, $0x38;
	[tilespmem:$0x1ED00] =	vst v63  }
0xc2: {  	_ =	swait.ge [sflag:s29], $0x1C00  }
0xc3: {  	[sflag:s29] =	ssyncset.done $0x0  }
0xc4: {  	[sflag:s29] =	ssyncadd.s32 $0xFFFFE400  }
0xc5: {  	_ =	swait.ge [sflag:s29], $0x1C00  }
0xc6: {  	[sflag:s29] =	ssyncset.done $0x0  }
0xc7: {  	s15 =	simm.s32 $0x0;
	[sflag:s29] =	ssyncadd.s32 $0xFFFFE400  }
0xc8: {  	v7 =	vld [tilespmem:s15+$0x9100]  }
0xc9: {  	v11 =	vld [tilespmem:s15+$0x9110]  }
0xca: {  	v5 =	vld [tilespmem:s15+$0x9120]  }
0xcb: {  	v4 =	vld [tilespmem:s15+$0x9130]  }
0xcc: {  	v3 =	vld [tilespmem:s15+$0x9140]  }
0xcd: {  	v2 =	vld [tilespmem:s15+$0x9150]  }
0xce: {  	v1 =	vld [tilespmem:s15+$0x9160]  }
0xcf: {  	v0 =	vld [tilespmem:s15+$0x9170]  }
0xd0: {  	v12 =	vld [tilespmem:s15+$0x3D00]  }
0xd1: {  	v13 =	vld [tilespmem:s15+$0x3D10]  }
0xd2: {  	v10 =	vld [tilespmem:s15+$0x3D20]  }
0xd3: {  	v9 =	vld [tilespmem:s15+$0x3D30]  }
0xd4: {  	v8 =	vld [tilespmem:s15+$0x3D40]  }
0xd5: {  	v6 =	vld [tilespmem:s15+$0x3D50];
	v12 =	vmul.f32 v7, v12  }
0xd6: {  	s24 =	simm.s32 $0x200;
	v11 =	vmul.f32 v11, v13;
	v7 =	vld [tilespmem:s15+$0x3D60]  }
.LBB2_7:
0xd7: {  	s10 =	sshra.s32 s24, $0x2;
	p0 =	sne.s32 s24, $0x6E00;
	[tilespmem:s15+$0x3D00] =	vst v12;
	v5 =	vmul.f32 v5, v10;
	v10 =	vld [tilespmem:s15+$0x3D70]  }
0xd8: {  	v12 =	vld [tilespmem:s10+$0x9100];
	[tilespmem:s15+$0x3D10] =	vst v11;
	v4 =	vmul.f32 v4, v9  }
0xd9: {  	v11 =	vld [tilespmem:s10+$0x9110];
	[tilespmem:s15+$0x3D20] =	vst v5;
	v3 =	vmul.f32 v3, v8  }
0xda: {  	v5 =	vld [tilespmem:s10+$0x9120];
	[tilespmem:s15+$0x3D30] =	vst v4;
	v2 =	vmul.f32 v2, v6  }
0xdb: {  	v4 =	vld [tilespmem:s10+$0x9130];
	[tilespmem:s15+$0x3D40] =	vst v3;
	v1 =	vmul.f32 v1, v7  }
0xdc: {  	v3 =	vld [tilespmem:s10+$0x9140];
	[tilespmem:s15+$0x3D50] =	vst v2;
	v0 =	vmul.f32 v0, v10  }
0xdd: {  	v2 =	vld [tilespmem:s10+$0x9150];
	[tilespmem:s15+$0x3D60] =	vst v1  }
0xde: {  	v1 =	vld [tilespmem:s10+$0x9160];
	[tilespmem:s15+$0x3D70] =	vst v0;
	s15 =	smov.u32 s10  }
0xdf: {  	v0 =	vld [tilespmem:s15+$0x9170]  }
0xe0: {  	v6 =	vld [tilespmem:s15+$0x3D00]  }
0xe1: {  	v7 =	vld [tilespmem:s15+$0x3D10]  }
.Ltmp2:
0xe2: {  	v10 =	vld [tilespmem:s15+$0x3D20];
	(pc) =	sbr.rel @p0 .LBB2_7-.Ltmp2, $4  }
0xe3: {  	v9 =	vld [tilespmem:s15+$0x3D30]  }
0xe4: {  	v8 =	vld [tilespmem:s15+$0x3D40]  }
0xe5: {  	v12 =	vmul.f32 v12, v6;
	v6 =	vld [tilespmem:s15+$0x3D50]  }
0xe6: {  	s24 =	sadd.s32 $0x200, s24;
	v11 =	vmul.f32 v11, v7;
	v7 =	vld [tilespmem:s15+$0x3D60]  }
0xe7: {  	[tilespmem:s15+$0x3D00] =	vst v12;
	v5 =	vmul.f32 v5, v10;
	v63 =	vld [tilespmem:s15+$0x3D70]  }
0xe8: {  	[tilespmem:s15+$0x3D10] =	vst v11;
	v4 =	vmul.f32 v4, v9  }
0xe9: {  	[tilespmem:s15+$0x3D20] =	vst v5;
	v3 =	vmul.f32 v3, v8  }
0xea: {  	[tilespmem:s15+$0x3D30] =	vst v4;
	v2 =	vmul.f32 v2, v6  }
0xeb: {  	[tilespmem:s15+$0x3D40] =	vst v3;
	v1 =	vmul.f32 v1, v7  }
0xec: {  	p0 =	seq.s32 s30, $0x1C;
	[tilespmem:s15+$0x3D50] =	vst v2;
	v0 =	vmul.f32 v0, v63  }
.Ltmp3:
0xed: {  	[tilespmem:s15+$0x3D60] =	vst v1;
	(pc) =	sbr.rel @p0 .LBB2_10-.Ltmp3, $4  }
0xee: {  	[tilespmem:s15+$0x3D70] =	vst v0  }
0xef: {  	_ =	swait.ge [sflag:s25], $0x1C00  }
0xf0: {  	[sflag:s25] =	ssyncset.done $0x0  }
0xf1: {  	[sflag:s25] =	ssyncadd.s32 $0xFFFFE400  }
0xf2: {  	s10 =	rddreg [dreg:$0xc]  }
0xf3: {  	s10 =	sadd.s32 s12, s10  }
0xf4: {  	s10 =	sshrl.u32 s10, $0x3  }
0xf5: {  	s24 =	sadd.s32 s6, s10  }
0xf6: {  	[tilespmem:s0], [sflag:$0x3] =	stream.linear.gather [hbm4b:s24+s3], $0x38, $0x38;
	[tilespmem:$0x1ED00] =	vst v63  }
.Ltmp4:
0xf7: {  	_ = 	snop;
	(pc) =	sbr.rel .LBB2_2-.Ltmp4, $4  }
0xf8: {  	s10 =	sadd.s32 s7, s10  }
0xf9: {  	[tilespmem:s4], [sflag:$0x3] =	stream.linear.gather [hbm4b:s10+s3], $0x38, $0x38;
	[tilespmem:$0x1ED00] =	vst v63  }
0xfa: {  	s30 =	sadd.s32 $0x1, s30  }
0xfb: {  	[spmem:s2] =	stream.indirect.scatter.add.f32 [tilespmem:s23], [sflag:$0xA], $0x80, s20, s9, $0xb8;
	[tilespmem:$0x1ED00] =	vst v63  }
.LBB2_10:
0xfc: {  	[spmem:s2] =	stream.indirect.scatter.add.f32 [tilespmem:s23], [sflag:$0xA], $0x80, s20, s9, $0xb8;
	[tilespmem:$0x1ED00] =	vst v63  }
0xfd: {  	s10 =	simm.s32 $0x0;
	s12 =	rddreg [dreg:$0xd]  }
0xfe: {  	[tilespmem:s0], [sflag:$0x3] =	stream.linear.gather [hbm4b:s12+s10], $0x38, $0x38;
	[tilespmem:$0x1ED00] =	vst v63  }
0xff: {  	s24 =	rddreg [dreg:$0xe]  }
0x100: {  	[tilespmem:s4], [sflag:$0x3] =	stream.linear.gather [hbm4b:s24+s10], $0x38, $0x38;
	[tilespmem:$0x1ED00] =	vst v63  }
0x101: {  	_ =	swait.ge [sflag:s13], $0x38  }
0x102: {  	[sflag:s13] =	ssyncset.done $0x0  }
0x103: {  	[sflag:s13] =	ssyncadd.s32 $0xFFFFFFC8  }
0x104: {  	_ =	swait.ge [sflag:s13], $0x38  }
0x105: {  	[sflag:s13] =	ssyncset.done $0x0  }
0x106: {  	[sflag:s13] =	ssyncadd.s32 $0xFFFFFFC8  }
0x107: {  	[tilespmem:s14], [sflag:$0x6] =	stream.indirect.gather [hbm4b:s1+s9], $0x80, s4, s9, $0xb8;
	[tilespmem:$0x1ED00] =	vst v63  }
0x108: {  	s15 =	simm.s32 $0x7500;
	s30 =	rddreg [dreg:$0xf]  }
0x109: {  	[tilespmem:s15], [sflag:$0x6] =	stream.linear.gather [hbm4b:s30+s10], $0x1C00, $0x38;
	[tilespmem:$0x1ED00] =	vst v63  }
0x10a: {  	_ =	swait.ge [sflag:s19], $0x1C00  }
0x10b: {  	[sflag:s19] =	ssyncset.done $0x0  }
0x10c: {  	[sflag:s19] =	ssyncadd.s32 $0xFFFFE400  }
0x10d: {  	_ =	swait.ge [sflag:s19], $0x1C00  }
0x10e: {  	[sflag:s19] =	ssyncset.done $0x0  }
0x10f: {  	s12 =	simm.s32 $0x0;
	[sflag:s19] =	ssyncadd.s32 $0xFFFFE400  }
0x110: {  	v7 =	vld [tilespmem:s12+$0x5900]  }
0x111: {  	v11 =	vld [tilespmem:s12+$0x5910]  }
0x112: {  	v5 =	vld [tilespmem:s12+$0x5920]  }
0x113: {  	v4 =	vld [tilespmem:s12+$0x5930]  }
0x114: {  	v3 =	vld [tilespmem:s12+$0x5940]  }
0x115: {  	v2 =	vld [tilespmem:s12+$0x5950]  }
0x116: {  	v1 =	vld [tilespmem:s12+$0x5960]  }
0x117: {  	v0 =	vld [tilespmem:s12+$0x5970]  }
0x118: {  	v12 =	vld [tilespmem:s12+$0x500]  }
0x119: {  	v13 =	vld [tilespmem:s12+$0x510]  }
0x11a: {  	v10 =	vld [tilespmem:s12+$0x520]  }
0x11b: {  	v9 =	vld [tilespmem:s12+$0x530]  }
0x11c: {  	v8 =	vld [tilespmem:s12+$0x540]  }
0x11d: {  	v6 =	vld [tilespmem:s12+$0x550];
	v12 =	vmul.f32 v7, v12  }
0x11e: {  	s15 =	simm.s32 $0x200;
	v11 =	vmul.f32 v11, v13;
	v7 =	vld [tilespmem:s12+$0x560]  }
.LBB2_11:
0x11f: {  	s10 =	sshra.s32 s15, $0x2;
	p0 =	sne.s32 s15, $0x6E00;
	[tilespmem:s12+$0x500] =	vst v12;
	v5 =	vmul.f32 v5, v10;
	v10 =	vld [tilespmem:s12+$0x570]  }
0x120: {  	v12 =	vld [tilespmem:s10+$0x5900];
	[tilespmem:s12+$0x510] =	vst v11;
	v4 =	vmul.f32 v4, v9  }
0x121: {  	v11 =	vld [tilespmem:s10+$0x5910];
	[tilespmem:s12+$0x520] =	vst v5;
	v3 =	vmul.f32 v3, v8  }
0x122: {  	v5 =	vld [tilespmem:s10+$0x5920];
	[tilespmem:s12+$0x530] =	vst v4;
	v2 =	vmul.f32 v2, v6  }
0x123: {  	v4 =	vld [tilespmem:s10+$0x5930];
	[tilespmem:s12+$0x540] =	vst v3;
	v1 =	vmul.f32 v1, v7  }
0x124: {  	v3 =	vld [tilespmem:s10+$0x5940];
	[tilespmem:s12+$0x550] =	vst v2;
	v0 =	vmul.f32 v0, v10  }
0x125: {  	v2 =	vld [tilespmem:s10+$0x5950];
	[tilespmem:s12+$0x560] =	vst v1  }
0x126: {  	v1 =	vld [tilespmem:s10+$0x5960];
	[tilespmem:s12+$0x570] =	vst v0;
	s12 =	smov.u32 s10  }
0x127: {  	v0 =	vld [tilespmem:s12+$0x5970]  }
0x128: {  	v6 =	vld [tilespmem:s12+$0x500]  }
0x129: {  	v7 =	vld [tilespmem:s12+$0x510]  }
.Ltmp5:
0x12a: {  	v10 =	vld [tilespmem:s12+$0x520];
	(pc) =	sbr.rel @p0 .LBB2_11-.Ltmp5, $4  }
0x12b: {  	v9 =	vld [tilespmem:s12+$0x530]  }
0x12c: {  	v8 =	vld [tilespmem:s12+$0x540]  }
0x12d: {  	v12 =	vmul.f32 v12, v6;
	v6 =	vld [tilespmem:s12+$0x550]  }
0x12e: {  	s15 =	sadd.s32 $0x200, s15;
	v11 =	vmul.f32 v11, v7;
	v7 =	vld [tilespmem:s12+$0x560]  }
0x12f: {  	[tilespmem:s12+$0x500] =	vst v12;
	v5 =	vmul.f32 v5, v10;
	v10 =	vld [tilespmem:s12+$0x570]  }
0x130: {  	[tilespmem:s12+$0x510] =	vst v11;
	v4 =	vmul.f32 v4, v9  }
0x131: {  	[tilespmem:s12+$0x520] =	vst v5;
	v3 =	vmul.f32 v3, v8  }
0x132: {  	[tilespmem:s12+$0x530] =	vst v4;
	v2 =	vmul.f32 v2, v6  }
0x133: {  	[tilespmem:s12+$0x540] =	vst v3;
	v1 =	vmul.f32 v1, v7  }
0x134: {  	[tilespmem:s12+$0x550] =	vst v2;
	v0 =	vmul.f32 v0, v10  }
0x135: {  	[tilespmem:s12+$0x560] =	vst v1  }
0x136: {  	s18 =	simm.s32 $0xA;
	[tilespmem:s12+$0x570] =	vst v0  }
0x137: {  	_ =	swait.ge [sflag:s18], $0x1C00  }
0x138: {  	[sflag:s18] =	ssyncset.done $0x0  }
0x139: {  	s10 =	simm.s32 $0x0;
	[sflag:s18] =	ssyncadd.s32 $0xFFFFE400  }
0x13a: {  	[spmem:s2] =	stream.indirect.scatter.add.f32 [tilespmem:s11], [sflag:$0x8], $0x80, s10, s9, $0xb8;
	[tilespmem:$0x1ED00] =	vst v63  }
0x13b: {  	s24 =	simm.s32 $0x400;
	s15 =	rddreg [dreg:$0x10]  }
0x13c: {  	[tilespmem:s24], [sflag:$0x4] =	stream.linear.gather [hbm4b:s15+s10], $0x10, $0x38;
	[tilespmem:$0x1ED00] =	vst v63  }
0x13d: {  	s30 =	simm.s32 $0x480;
	s15 =	rddreg [dreg:$0x11]  }
0x13e: {  	[tilespmem:s30], [sflag:$0x4] =	stream.linear.gather [hbm4b:s15+s10], $0x10, $0x38;
	[tilespmem:$0x1ED00] =	vst v63  }
0x13f: {  	_ =	swait.ge [sflag:s26], $0x1C00  }
0x140: {  	[sflag:s26] =	ssyncset.done $0x0  }
0x141: {  	[sflag:s26] =	ssyncadd.s32 $0xFFFFE400  }
0x142: {  	_ =	swait.ge [sflag:s26], $0x1C00  }
0x143: {  	[sflag:s26] =	ssyncset.done $0x0  }
0x144: {  	s12 =	simm.s32 $0x0;
	[sflag:s26] =	ssyncadd.s32 $0xFFFFE400  }
0x145: {  	v7 =	vld [tilespmem:s12+$0x7500]  }
0x146: {  	v11 =	vld [tilespmem:s12+$0x7510]  }
0x147: {  	v5 =	vld [tilespmem:s12+$0x7520]  }
0x148: {  	v4 =	vld [tilespmem:s12+$0x7530]  }
0x149: {  	v3 =	vld [tilespmem:s12+$0x7540]  }
0x14a: {  	v2 =	vld [tilespmem:s12+$0x7550]  }
0x14b: {  	v1 =	vld [tilespmem:s12+$0x7560]  }
0x14c: {  	v0 =	vld [tilespmem:s12+$0x7570]  }
0x14d: {  	v12 =	vld [tilespmem:s12+$0x2100]  }
0x14e: {  	v13 =	vld [tilespmem:s12+$0x2110]  }
0x14f: {  	v10 =	vld [tilespmem:s12+$0x2120]  }
0x150: {  	v9 =	vld [tilespmem:s12+$0x2130]  }
0x151: {  	v8 =	vld [tilespmem:s12+$0x2140]  }
0x152: {  	v6 =	vld [tilespmem:s12+$0x2150];
	v12 =	vmul.f32 v7, v12  }
0x153: {  	s15 =	simm.s32 $0x200;
	v11 =	vmul.f32 v11, v13;
	v7 =	vld [tilespmem:s12+$0x2160]  }
.LBB2_13:
0x154: {  	s10 =	sshra.s32 s15, $0x2;
	p0 =	sne.s32 s15, $0x6E00;
	[tilespmem:s12+$0x2100] =	vst v12;
	v5 =	vmul.f32 v5, v10;
	v10 =	vld [tilespmem:s12+$0x2170]  }
0x155: {  	v12 =	vld [tilespmem:s10+$0x7500];
	[tilespmem:s12+$0x2110] =	vst v11;
	v4 =	vmul.f32 v4, v9  }
0x156: {  	v11 =	vld [tilespmem:s10+$0x7510];
	[tilespmem:s12+$0x2120] =	vst v5;
	v3 =	vmul.f32 v3, v8  }
0x157: {  	v5 =	vld [tilespmem:s10+$0x7520];
	[tilespmem:s12+$0x2130] =	vst v4;
	v2 =	vmul.f32 v2, v6  }
0x158: {  	v4 =	vld [tilespmem:s10+$0x7530];
	[tilespmem:s12+$0x2140] =	vst v3;
	v1 =	vmul.f32 v1, v7  }
0x159: {  	v3 =	vld [tilespmem:s10+$0x7540];
	[tilespmem:s12+$0x2150] =	vst v2;
	v0 =	vmul.f32 v0, v10  }
0x15a: {  	v2 =	vld [tilespmem:s10+$0x7550];
	[tilespmem:s12+$0x2160] =	vst v1  }
0x15b: {  	v1 =	vld [tilespmem:s10+$0x7560];
	[tilespmem:s12+$0x2170] =	vst v0;
	s12 =	smov.u32 s10  }
0x15c: {  	v0 =	vld [tilespmem:s12+$0x7570]  }
0x15d: {  	v6 =	vld [tilespmem:s12+$0x2100]  }
0x15e: {  	v7 =	vld [tilespmem:s12+$0x2110]  }
.Ltmp6:
0x15f: {  	v10 =	vld [tilespmem:s12+$0x2120];
	(pc) =	sbr.rel @p0 .LBB2_13-.Ltmp6, $4  }
0x160: {  	v9 =	vld [tilespmem:s12+$0x2130]  }
0x161: {  	v8 =	vld [tilespmem:s12+$0x2140]  }
0x162: {  	v12 =	vmul.f32 v12, v6;
	v6 =	vld [tilespmem:s12+$0x2150]  }
0x163: {  	s15 =	sadd.s32 $0x200, s15;
	v11 =	vmul.f32 v11, v7;
	v7 =	vld [tilespmem:s12+$0x2160]  }
0x164: {  	[tilespmem:s12+$0x2100] =	vst v12;
	v5 =	vmul.f32 v5, v10;
	v10 =	vld [tilespmem:s12+$0x2170]  }
0x165: {  	[tilespmem:s12+$0x2110] =	vst v11;
	v4 =	vmul.f32 v4, v9  }
0x166: {  	[tilespmem:s12+$0x2120] =	vst v5;
	v3 =	vmul.f32 v3, v8  }
0x167: {  	[tilespmem:s12+$0x2130] =	vst v4;
	v2 =	vmul.f32 v2, v6  }
0x168: {  	[tilespmem:s12+$0x2140] =	vst v3;
	v1 =	vmul.f32 v1, v7  }
0x169: {  	[tilespmem:s12+$0x2150] =	vst v2;
	v0 =	vmul.f32 v0, v10  }
0x16a: {  	[tilespmem:s12+$0x2160] =	vst v1  }
0x16b: {  	[tilespmem:s12+$0x2170] =	vst v0  }
0x16c: {  	_ =	swait.ge [sflag:s28], $0x1C00  }
0x16d: {  	[sflag:s28] =	ssyncset.done $0x0  }
0x16e: {  	[sflag:s28] =	ssyncadd.s32 $0xFFFFE400  }
0x16f: {  	[spmem:s2] =	stream.indirect.scatter.add.f32 [tilespmem:s14], [sflag:$0x9], $0x80, s0, s9, $0xb8;
	[tilespmem:$0x1ED00] =	vst v63  }
0x170: {  	_ =	swait.ge [sflag:s22], $0x10  }
0x171: {  	[sflag:s22] =	ssyncset.done $0x0  }
0x172: {  	[sflag:s22] =	ssyncadd.s32 $0xFFFFFFF0  }
0x173: {  	_ =	swait.ge [sflag:s22], $0x10  }
0x174: {  	[sflag:s22] =	ssyncset.done $0x0  }
0x175: {  	s10 =	simm.s32 $0x10;
	[sflag:s22] =	ssyncadd.s32 $0xFFFFFFF0  }
0x176: {  	[tilespmem:s23], [sflag:$0x7] =	stream.indirect.gather [hbm4b:s1+s10], $0x80, s30, s10, $0xb8;
	[tilespmem:$0x1ED00] =	vst v63  }
0x177: {  	s15 =	simm.s32 $0x9100;
	s12 =	rddreg [dreg:$0x12];
	s10 =	simm.s32 $0x0  }
0x178: {  	[tilespmem:s15], [sflag:$0x7] =	stream.linear.gather [hbm4b:s12+s10], $0x800, $0x38;
	[tilespmem:$0x1ED00] =	vst v63  }
0x179: {  	_ =	swait.ge [sflag:s29], $0x800  }
0x17a: {  	[sflag:s29] =	ssyncset.done $0x0  }
0x17b: {  	[sflag:s29] =	ssyncadd.s32 $0xFFFFF800  }
0x17c: {  	_ =	swait.ge [sflag:s29], $0x800  }
0x17d: {  	[sflag:s29] =	ssyncset.done $0x0  }
0x17e: {  	s12 =	simm.s32 $0x0;
	[sflag:s29] =	ssyncadd.s32 $0xFFFFF800  }
0x17f: {  	v7 =	vld [tilespmem:s12+$0x9100]  }
0x180: {  	v11 =	vld [tilespmem:s12+$0x9110]  }
0x181: {  	v5 =	vld [tilespmem:s12+$0x9120]  }
0x182: {  	v4 =	vld [tilespmem:s12+$0x9130]  }
0x183: {  	v3 =	vld [tilespmem:s12+$0x9140]  }
0x184: {  	v2 =	vld [tilespmem:s12+$0x9150]  }
0x185: {  	v1 =	vld [tilespmem:s12+$0x9160]  }
0x186: {  	v0 =	vld [tilespmem:s12+$0x9170]  }
0x187: {  	v12 =	vld [tilespmem:s12+$0x3D00]  }
0x188: {  	v13 =	vld [tilespmem:s12+$0x3D10]  }
0x189: {  	v10 =	vld [tilespmem:s12+$0x3D20]  }
0x18a: {  	v9 =	vld [tilespmem:s12+$0x3D30]  }
0x18b: {  	v8 =	vld [tilespmem:s12+$0x3D40]  }
0x18c: {  	v6 =	vld [tilespmem:s12+$0x3D50];
	v12 =	vmul.f32 v7, v12  }
0x18d: {  	s30 =	simm.s32 $0x10;
	s15 =	simm.s32 $0x200;
	v11 =	vmul.f32 v11, v13;
	v7 =	vld [tilespmem:s12+$0x3D60]  }
.LBB2_15:
0x18e: {  	s10 =	sshra.s32 s15, $0x2;
	p0 =	sne.s32 s15, $0x1E00;
	[tilespmem:s12+$0x3D00] =	vst v12;
	v5 =	vmul.f32 v5, v10;
	v10 =	vld [tilespmem:s12+$0x3D70]  }
0x18f: {  	v12 =	vld [tilespmem:s10+$0x9100];
	[tilespmem:s12+$0x3D10] =	vst v11;
	v4 =	vmul.f32 v4, v9  }
0x190: {  	v11 =	vld [tilespmem:s10+$0x9110];
	[tilespmem:s12+$0x3D20] =	vst v5;
	v3 =	vmul.f32 v3, v8  }
0x191: {  	v5 =	vld [tilespmem:s10+$0x9120];
	[tilespmem:s12+$0x3D30] =	vst v4;
	v2 =	vmul.f32 v2, v6  }
0x192: {  	v4 =	vld [tilespmem:s10+$0x9130];
	[tilespmem:s12+$0x3D40] =	vst v3;
	v1 =	vmul.f32 v1, v7  }
0x193: {  	v3 =	vld [tilespmem:s10+$0x9140];
	[tilespmem:s12+$0x3D50] =	vst v2;
	v0 =	vmul.f32 v0, v10  }
0x194: {  	v2 =	vld [tilespmem:s10+$0x9150];
	[tilespmem:s12+$0x3D60] =	vst v1  }
0x195: {  	v1 =	vld [tilespmem:s10+$0x9160];
	[tilespmem:s12+$0x3D70] =	vst v0;
	s12 =	smov.u32 s10  }
0x196: {  	v0 =	vld [tilespmem:s12+$0x9170]  }
0x197: {  	v6 =	vld [tilespmem:s12+$0x3D00]  }
0x198: {  	v7 =	vld [tilespmem:s12+$0x3D10]  }
.Ltmp7:
0x199: {  	v10 =	vld [tilespmem:s12+$0x3D20];
	(pc) =	sbr.rel @p0 .LBB2_15-.Ltmp7, $4  }
0x19a: {  	v9 =	vld [tilespmem:s12+$0x3D30]  }
0x19b: {  	v8 =	vld [tilespmem:s12+$0x3D40]  }
0x19c: {  	v12 =	vmul.f32 v12, v6;
	v6 =	vld [tilespmem:s12+$0x3D50]  }
0x19d: {  	s15 =	sadd.s32 $0x200, s15;
	v11 =	vmul.f32 v11, v7;
	v7 =	vld [tilespmem:s12+$0x3D60]  }
0x19e: {  	[tilespmem:s12+$0x3D00] =	vst v12;
	v5 =	vmul.f32 v5, v10;
	v63 =	vld [tilespmem:s12+$0x3D70]  }
0x19f: {  	[tilespmem:s12+$0x3D10] =	vst v11;
	v4 =	vmul.f32 v4, v9  }
0x1a0: {  	[tilespmem:s12+$0x3D20] =	vst v5;
	v3 =	vmul.f32 v3, v8  }
0x1a1: {  	[tilespmem:s12+$0x3D30] =	vst v4;
	v2 =	vmul.f32 v2, v6  }
0x1a2: {  	[tilespmem:s12+$0x3D40] =	vst v3;
	v1 =	vmul.f32 v1, v7  }
0x1a3: {  	[tilespmem:s12+$0x3D50] =	vst v2;
	v0 =	vmul.f32 v0, v63  }
0x1a4: {  	[tilespmem:s12+$0x3D60] =	vst v1  }
0x1a5: {  	[tilespmem:s12+$0x3D70] =	vst v0  }
0x1a6: {  	_ =	swait.ge [sflag:s25], $0x1C00  }
0x1a7: {  	[sflag:s25] =	ssyncset.done $0x0  }
0x1a8: {  	[sflag:s25] =	ssyncadd.s32 $0xFFFFE400  }
0x1a9: {  	[spmem:s2] =	stream.indirect.scatter.add.f32 [tilespmem:s23], [sflag:$0xA], $0x80, s24, s30, $0xb8;
	[tilespmem:$0x1ED00] =	vst v63  }
0x1aa: {  	_ =	swait.ge [sflag:s18], $0x800  }
0x1ab: {  	[sflag:s18] =	ssyncset.done $0x0  }
0x1ac: {  	[sflag:s18] =	ssyncadd.s32 $0xFFFFF800  }
0x1ad: {  	[bflag:$0x0] =	sbarrier.arrive $0xFFFF  }
0x1ae: {  	s10 =	rddreg [dreg:$0x13]  }
0x1af: {  	s30 =	rddreg [dreg:$0x14]  }
0x1b0: {  	s18 =	simm.s32 $0xB;
	s15 =	rddreg [dreg:$0x18];
	s10 =	sor.u32 $0x1C0B, s10  }
0x1b1: {  	[hbm:s30], [sflag:s10] =	dma.local [spmem:s15], $0x2800  }
0x1b2: {  	_ =	swait.ge [sflag:s18], $0x2800  }
0x1b3: {  	s24 =	rddreg [dreg:$0x17]  }
0x1b4: {  	s30 =	rddreg [dreg:$0x15];
	s15 =	sadd.s32 $0x1, s24  }
0x1b5: {  	p0 =	sne.s32 s15, s30  }
.Ltmp8:
0x1b6: {  	_ = 	snop;
	(pc) =	sbr.rel @p0 .LBB2_1-.Ltmp8, $3  }
0x1b7: {  	_ =	sdelay $0x1  }
0x1b8: {  	[sflag:s18] =	ssyncset.done $0x0  }
0x1b9: {  	[sflag:s18] =	ssyncadd.s32 $0xFFFFD800  }
0x1ba: {  	_ =	sfence.sel $0x180000  }
0x1bb: {  	[bflag:$0x0] =	sbarrier.arrive $0xFFFF  }
0x1bc: {  	_ =	strace $0x9000004A  }
0x1bd: {  	s0 =	stileid.u32;
	[bflag:$0x2] =	sbarrier.arrive $0xFFFF  }
0x1be: {  	p0 =	sne.s32 s0, $0x0;
	s0 =	rddreg [dreg:$0x3]  }
0x1bf: {  	s0 =	sadd.s32 @!p0 $0x100000, s0  }
0x1c0: {  	[sflag:s0] =	ssyncadd.tile.s32 @!p0 $0x1;
	_ =	shalt  }
.Lfunc_end2:
_tile_overlayer_lowered:
.L_overlay_start_2:
0x1c1: {  	(tag) =	ssettag $0x2  }
0x1c2: {  	s0 =	rddreg [dreg:$0x0];
	s2 =	stileid.u32  }
0x1c3: {  	s1 =	rddreg [dreg:$0x1];
	p0 =	sne.s32 s2, $0x0  }
0x1c4: {  	s3 =	rddreg [dreg:$0x2];
	[bflag:$0x3] =	sbarrier.arrive $0xFFFF;
	s2 =	simm.s32 @!p0 $0x1C0B  }
0x1c5: {  	[timem:s3], [sflag:s2] =	dma.local @!p0 [hbm:s0], s1  }
0x1c6: {  	s0 =	simm.s32 @!p0 $0xB  }
0x1c7: {  	_ =	swait.ge @!p0 [sflag:s0], s1  }
0x1c8: {  	s1 =	ssub.s32 @!p0 $0x0, s1;
	[sflag:s0] =	ssyncset.done @!p0 $0x0  }
0x1c9: {  	[sflag:s0] =	ssyncadd.s32 @!p0 s1  }
0x1ca: {  	[bflag:$0x3] =	sbarrier.arrive $0xFFFF  }
0x1cb: {  	_ =	shalt  }

</sc_bundles>
